<compile_context>
chip_gen: v7x
topology: tpu7x:2x2x1
jax: 0.10.2.dev20260603
libtpu: 0.0.44.dev20260713+nightly
codegen_flags: <defaults>
</compile_context>

<pallas_src>
import functools

import jax
import jax.numpy as jnp
from jax import lax
from jax.experimental import pallas as pl
from jax.experimental.pallas import tpu as pltpu
from jax.experimental.pallas import tpu_sc as plsc

N = 524288
M = 32
L = 64
NC = 2
NS = 16
NW = NC * NS
TPW = N // NW
C = 512
NCHUNK = TPW // C
RPT = C // L
SPC = C // 128
TPC = SPC * 1024


def _sc_body(tok_hbm, emb_hbm, b2_hbm, ap_hbm, out_hbm,
             idx_v, rows_v, outf_v, b2_v, ap_v, gsem, osem):
    wid = lax.axis_index("s") * NC + lax.axis_index("c")
    pltpu.sync_copy(b2_hbm, b2_v)
    pltpu.sync_copy(ap_hbm, ap_v)
    pltpu.sync_copy(
        tok_hbm.at[pl.ds(pl.multiple_of(wid * (TPW // 128), 8), TPW // 128)],
        idx_v)

    def gathers(c, b):
        for s in range(SPC):
            pltpu.async_copy(emb_hbm.at[idx_v.at[c * SPC + s]],
                             rows_v.at[b, pl.ds(s * 128, 128)], gsem.at[b])

    def wait_gathers(c, b):
        for s in range(SPC):
            pltpu.make_async_copy(emb_hbm.at[idx_v.at[c * SPC + s]],
                                  rows_v.at[b, pl.ds(s * 128, 128)],
                                  gsem.at[b]).wait()

    def out_copy(c, b):
        b0 = wid * (TPW // 128) + c * SPC
        copies = []
        for a in range(4):
            dst = pl.multiple_of((a * (N // 128) + b0) * 1024, 8)
            copies.append(pltpu.make_async_copy(
                outf_v.at[b, pl.ds(a * TPC, TPC)],
                out_hbm.at[pl.ds(dst, TPC)],
                osem.at[b]))
        return copies

    lane_c = lax.iota(jnp.int32, 16)

    def compute(b):
        def gbody(g, carry2):
            t0 = g * 16
            jb = (g % 4) * 16
            s_vec = jnp.zeros((16,), jnp.float32)
            for r in range(16):
                t = t0 + r
                j = jb + r
                xlo = rows_v[b, t, 0:16]
                xhi = rows_v[b, t, 16:32]
                s = jnp.sum(b2_v[j, 0:16] * xlo + b2_v[j, 16:32] * xhi)
                s_vec = jnp.where(lane_c == r, s, s_vec)
            p = g % 4
            soff = (t0 // 128) * 1024 + (t0 % 128)
            for m in range(M):
                off = soff + (m // 8) * TPC + (m % 8) * 128
                outf_v[b, pl.ds(pl.multiple_of(off, 8), 16)] = \
                    ap_v[p, m, :] * s_vec
            return carry2

        lax.fori_loop(0, C // 16, gbody, 0)

    def step(c, b, pre_c, pre_cond, wait_cond):
        if pre_cond is None:
            gathers(pre_c, 1 - b)
        else:
            @pl.when(pre_cond)
            def _():
                gathers(pre_c, 1 - b)
        wait_gathers(c, b)

        @pl.when(wait_cond)
        def _():
            for cp in out_copy(c - 2, b):
                cp.wait()

        compute(b)
        for cp in out_copy(c, b):
            cp.start()

    gathers(0, 0)

    def pair(co, carry):
        c = co * 2
        step(c, 0, pre_c=c + 1, pre_cond=None, wait_cond=co >= 1)
        step(c + 1, 1, pre_c=c + 2, pre_cond=co < NCHUNK // 2 - 1,
             wait_cond=co >= 1)
        return carry

    lax.fori_loop(0, NCHUNK // 2, pair, 0)

    for cp in out_copy(NCHUNK - 2, 0):
        cp.wait()
    for cp in out_copy(NCHUNK - 1, 1):
        cp.wait()


@functools.partial(jax.jit, static_argnames=())
def kernel(token_indices, embedding, Acoeff, Bbasis):
    tok = token_indices.astype(jnp.int32).reshape(N // 128, 128)
    ap = Acoeff.reshape(M, 4, 16).transpose(1, 0, 2)
    mesh = plsc.VectorSubcoreMesh(core_axis_name="c", subcore_axis_name="s",
                                  num_cores=NC, num_subcores=NS)
    f = pl.kernel(
        _sc_body,
        out_type=jax.ShapeDtypeStruct((N * M,), jnp.float32),
        mesh=mesh,
        compiler_params=pltpu.CompilerParams(needs_layout_passes=False,
                                             use_tc_tiling_on_sc=False),
        scratch_types=[
            pltpu.VMEM((TPW // 128, 128), jnp.int32),
            pltpu.VMEM((2, C, M), jnp.float32),
            pltpu.VMEM((2, C * M), jnp.float32),
            pltpu.VMEM((L, M), jnp.float32),
            pltpu.VMEM((4, M, 16), jnp.float32),
            pltpu.SemaphoreType.DMA((2,)),
            pltpu.SemaphoreType.DMA((2,)),
        ],
    )
    flat = f(tok, embedding, Bbasis, ap)
    return flat.reshape(4, N // 128, 8, 128).transpose(1, 3, 0, 2).reshape(N, M)

# --- scband reference (transcript-rebuilt; emitter-appended) ---
"""Pipeline reference for scband-dual-descriptor-ab-9990093930562 (READ-ONLY COPY).

The authoritative reference and input builder live on the scoring server;
editing this copy changes nothing except your own understanding.
"""

import jax, jax.numpy as jnp
import numpy as np

VOCAB = 65536  # 4**8 tokens from charset 'ACGT', rank=8
M = 32         # vec_dim
L = 64         # bas_dim
N = 524288     # total tokens across sequences


def _make_bbasis():
    k = np.arange(L, dtype=np.float64).reshape(L, 1) + 1.0
    i = np.arange(M, dtype=np.float64).reshape(1, M) + 2.0
    return jnp.asarray(np.cos(2.0 * np.pi * k / i), dtype=jnp.float32)


def setup_inputs(seed: int = 0) -> dict:
    key = jax.random.key(seed)
    k1, k2, k3 = jax.random.split(key, 3)
    token_indices = jax.random.randint(k1, (N,), 0, VOCAB, dtype=jnp.int64 if jax.config.jax_enable_x64 else jnp.int32)
    embedding = jax.random.uniform(k2, (VOCAB, M), minval=-0.5, maxval=0.5, dtype=jnp.float32)
    Acoeff = jax.random.uniform(k3, (M, L), minval=-0.1, maxval=0.1, dtype=jnp.float32)
    Bbasis = _make_bbasis()
    return {"token_indices": token_indices, "embedding": embedding, "Acoeff": Acoeff, "Bbasis": Bbasis}


def reference(token_indices, embedding, Acoeff, Bbasis):
    # Faithful translation of DualDescriptorAB.describe():
    #   x = embedding(token_indices)              (gather / embedding lookup)
    #   j = k_positions % L
    #   B_rows = Bbasis[j]
    #   scalar = sum(B_rows * x, dim=1)
    #   A_cols = Acoeff[:, j].T
    #   Nk = A_cols * scalar[:, None]
    x = jnp.take(embedding, token_indices, axis=0)
    j = jnp.mod(jnp.arange(token_indices.shape[0]), L)
    B_rows = jnp.take(Bbasis, j, axis=0)
    scalar = jnp.sum(B_rows * x, axis=1)
    A_cols = jnp.take(Acoeff, j, axis=1).T
    Nk = A_cols * scalar[:, None]
    return Nk

if __name__ == "__main__":
    import jax
    _d = setup_inputs()
    print(jax.jit(kernel)(*tuple(_d.values())))

</pallas_src>

<mosaic_0001>
#map = affine_map<(d0, d1) -> (0, 0)>
#map1 = affine_map<(d0, d1) -> (0, 0, 0)>
#map2 = affine_map<(d0, d1) -> (0)>
module attributes {stable_mosaic.version = 14 : i64} {
  func.func @_sc_body(%arg0: i32, %arg1: i32, %arg2: memref<4096x128xi32, #tpu.memory_space<hbm>>, %arg3: memref<65536x32xf32, #tpu.memory_space<hbm>>, %arg4: memref<64x32xf32, #tpu.memory_space<hbm>>, %arg5: memref<4x32x16xf32, #tpu.memory_space<hbm>>, %arg6: memref<16777216xf32, #tpu.memory_space<hbm>>, %arg7: memref<128x128xi32, #tpu.memory_space<vmem>>, %arg8: memref<2x512x32xf32, #tpu.memory_space<vmem>>, %arg9: memref<2x16384xf32, #tpu.memory_space<vmem>>, %arg10: memref<64x32xf32, #tpu.memory_space<vmem>>, %arg11: memref<4x32x16xf32, #tpu.memory_space<vmem>>, %arg12: memref<2x!tpu.dma_semaphore, #tpu.memory_space<semaphore_mem>>, %arg13: memref<2x!tpu.dma_semaphore, #tpu.memory_space<semaphore_mem>>) attributes {dimension_semantics = [#tpu.dimension_semantics<core_parallel>, #tpu.dimension_semantics<subcore_parallel>], iteration_bounds = array<i64: 2, 16>, scalar_prefetch = 0 : i64, scratch_operands = 7 : i64, tpu.core_type = #tpu.core_type<sc_vector_subcore>, window_params = [{transform_indices = #map}, {transform_indices = #map}, {transform_indices = #map}, {transform_indices = #map1}, {transform_indices = #map2}]} {
    %mul3A = arith.constant 2 : i32
    %mul3A_0 = arith.muli %arg1, %mul3A : i32
    %add3A = arith.addi %mul3A_0, %arg0 : i32
    "tpu.region"() ({
      %run_scoped3A = tpu.sem_alloc : memref<!tpu.dma_semaphore, #tpu.memory_space<semaphore_mem>>
      tpu.enqueue_dma source(%arg4 : memref<64x32xf32, #tpu.memory_space<hbm>>) target(%arg10 : memref<64x32xf32, #tpu.memory_space<vmem>>) target_semaphore(%run_scoped3A : memref<!tpu.dma_semaphore, #tpu.memory_space<semaphore_mem>>)
      tpu.wait_dma2 semaphore(%run_scoped3A : memref<!tpu.dma_semaphore, #tpu.memory_space<semaphore_mem>>) src(%arg4 : memref<64x32xf32, #tpu.memory_space<hbm>>) dst(%arg10 : memref<64x32xf32, #tpu.memory_space<vmem>>)
      tpu.yield
    }) : () -> ()
    "tpu.region"() ({
      %run_scoped3A = tpu.sem_alloc : memref<!tpu.dma_semaphore, #tpu.memory_space<semaphore_mem>>
      tpu.enqueue_dma source(%arg5 : memref<4x32x16xf32, #tpu.memory_space<hbm>>) target(%arg11 : memref<4x32x16xf32, #tpu.memory_space<vmem>>) target_semaphore(%run_scoped3A : memref<!tpu.dma_semaphore, #tpu.memory_space<semaphore_mem>>)
      tpu.wait_dma2 semaphore(%run_scoped3A : memref<!tpu.dma_semaphore, #tpu.memory_space<semaphore_mem>>) src(%arg5 : memref<4x32x16xf32, #tpu.memory_space<hbm>>) dst(%arg11 : memref<4x32x16xf32, #tpu.memory_space<vmem>>)
      tpu.yield
    }) : () -> ()
    %mul3A_1 = arith.constant 128 : i32
    %mul3A_2 = arith.muli %add3A, %mul3A_1 : i32
    %multiple_of3A = tpu.assume_multiple %mul3A_2, 8 : i32
    "tpu.region"() ({
      %run_scoped3A = tpu.sem_alloc : memref<!tpu.dma_semaphore, #tpu.memory_space<semaphore_mem>>
      %dma_start3A_210 = arith.constant 0 : i32
      %dma_start3A_211 = tpu.memref_slice %arg2[%multiple_of3A, %dma_start3A_210] : memref<4096x128xi32, #tpu.memory_space<hbm>> -> memref<128x128xi32, #tpu.memory_space<hbm>>
      %dma_start3A_212 = arith.constant 0 : i32
      %dma_start3A_213 = tpu.memref_slice %arg2[%multiple_of3A, %dma_start3A_212] : memref<4096x128xi32, #tpu.memory_space<hbm>> -> memref<128x128xi32, #tpu.memory_space<hbm>>
      tpu.enqueue_dma source(%dma_start3A_213 : memref<128x128xi32, #tpu.memory_space<hbm>>) target(%arg7 : memref<128x128xi32, #tpu.memory_space<vmem>>) target_semaphore(%run_scoped3A : memref<!tpu.dma_semaphore, #tpu.memory_space<semaphore_mem>>)
      %dma_wait3A_214 = arith.constant 0 : i32
      %dma_wait3A_215 = tpu.memref_slice %arg2[%multiple_of3A, %dma_wait3A_214] : memref<4096x128xi32, #tpu.memory_space<hbm>> -> memref<128x128xi32, #tpu.memory_space<hbm>>
      %dma_wait3A_216 = arith.constant 0 : i32
      %dma_wait3A_217 = tpu.memref_slice %arg2[%multiple_of3A, %dma_wait3A_216] : memref<4096x128xi32, #tpu.memory_space<hbm>> -> memref<128x128xi32, #tpu.memory_space<hbm>>
      tpu.wait_dma2 semaphore(%run_scoped3A : memref<!tpu.dma_semaphore, #tpu.memory_space<semaphore_mem>>) src(%dma_wait3A_217 : memref<128x128xi32, #tpu.memory_space<hbm>>) dst(%arg7 : memref<128x128xi32, #tpu.memory_space<vmem>>)
      tpu.yield
    }) : () -> ()
    %iota3A = tpu.iota {dimensions = array<i32: 0>} : vector<16xi32>
    %dma_start3A = arith.constant 0 : i32
    %dma_start3A_3 = arith.constant 0 : i32
    %dma_start3A_4 = arith.constant 0 : i32
    %dma_start3A_5 = arith.constant 0 : i32
    %dma_start3A_6 = arith.constant 0 : i32
    %dma_start3A_7 = tpu.memref_slice %arg8[%dma_start3A_3, %dma_start3A_5, %dma_start3A_6] : memref<2x512x32xf32, #tpu.memory_space<vmem>> -> memref<1x128x32xf32, #tpu.memory_space<vmem>>
    %dma_start3A_8 = tpu.memref_squeeze %dma_start3A_7 : memref<1x128x32xf32, #tpu.memory_space<vmem>> -> memref<128x32xf32, #tpu.memory_space<vmem>>
    %dma_start3A_9 = arith.constant 0 : i32
    %dma_start3A_10 = tpu.memref_slice %arg7[%dma_start3A, %dma_start3A_9] : memref<128x128xi32, #tpu.memory_space<vmem>> -> memref<1x128xi32, #tpu.memory_space<vmem>>
    %dma_start3A_11 = tpu.memref_squeeze %dma_start3A_10 : memref<1x128xi32, #tpu.memory_space<vmem>> -> memref<128xi32, #tpu.memory_space<vmem>>
    %dma_start3A_12 = arith.constant 0 : i32
    %dma_start3A_13 = arith.constant 0 : i32
    %dma_start3A_14 = tpu.memref_slice %arg3[%dma_start3A_12, %dma_start3A_13] : memref<65536x32xf32, #tpu.memory_space<hbm>> -> memref<65536x32xf32, #tpu.memory_space<hbm>>
    %dma_start3A_15 = tpu.memref_slice %arg12[%dma_start3A_4] : memref<2x!tpu.dma_semaphore, #tpu.memory_space<semaphore_mem>> -> memref<1x!tpu.dma_semaphore, #tpu.memory_space<semaphore_mem>>
    %dma_start3A_16 = tpu.memref_squeeze %dma_start3A_15 : memref<1x!tpu.dma_semaphore, #tpu.memory_space<semaphore_mem>> -> memref<!tpu.dma_semaphore, #tpu.memory_space<semaphore_mem>>
    tpu.enqueue_indirect_dma source(%dma_start3A_14 : memref<65536x32xf32, #tpu.memory_space<hbm>>) target(%dma_start3A_8 : memref<128x32xf32, #tpu.memory_space<vmem>>) offsets(%dma_start3A_11 : memref<128xi32, #tpu.memory_space<vmem>>) semaphore(%dma_start3A_16 : memref<!tpu.dma_semaphore, #tpu.memory_space<semaphore_mem>>)
    %dma_start3A_17 = arith.constant 1 : i32
    %dma_start3A_18 = arith.constant 0 : i32
    %dma_start3A_19 = arith.constant 0 : i32
    %dma_start3A_20 = arith.constant 128 : i32
    %dma_start3A_21 = arith.constant 0 : i32
    %dma_start3A_22 = tpu.memref_slice %arg8[%dma_start3A_18, %dma_start3A_20, %dma_start3A_21] : memref<2x512x32xf32, #tpu.memory_space<vmem>> -> memref<1x128x32xf32, #tpu.memory_space<vmem>>
    %dma_start3A_23 = tpu.memref_squeeze %dma_start3A_22 : memref<1x128x32xf32, #tpu.memory_space<vmem>> -> memref<128x32xf32, #tpu.memory_space<vmem>>
    %dma_start3A_24 = arith.constant 0 : i32
    %dma_start3A_25 = tpu.memref_slice %arg7[%dma_start3A_17, %dma_start3A_24] : memref<128x128xi32, #tpu.memory_space<vmem>> -> memref<1x128xi32, #tpu.memory_space<vmem>>
    %dma_start3A_26 = tpu.memref_squeeze %dma_start3A_25 : memref<1x128xi32, #tpu.memory_space<vmem>> -> memref<128xi32, #tpu.memory_space<vmem>>
    %dma_start3A_27 = arith.constant 0 : i32
    %dma_start3A_28 = arith.constant 0 : i32
    %dma_start3A_29 = tpu.memref_slice %arg3[%dma_start3A_27, %dma_start3A_28] : memref<65536x32xf32, #tpu.memory_space<hbm>> -> memref<65536x32xf32, #tpu.memory_space<hbm>>
    %dma_start3A_30 = tpu.memref_slice %arg12[%dma_start3A_19] : memref<2x!tpu.dma_semaphore, #tpu.memory_space<semaphore_mem>> -> memref<1x!tpu.dma_semaphore, #tpu.memory_space<semaphore_mem>>
    %dma_start3A_31 = tpu.memref_squeeze %dma_start3A_30 : memref<1x!tpu.dma_semaphore, #tpu.memory_space<semaphore_mem>> -> memref<!tpu.dma_semaphore, #tpu.memory_space<semaphore_mem>>
    tpu.enqueue_indirect_dma source(%dma_start3A_29 : memref<65536x32xf32, #tpu.memory_space<hbm>>) target(%dma_start3A_23 : memref<128x32xf32, #tpu.memory_space<vmem>>) offsets(%dma_start3A_26 : memref<128xi32, #tpu.memory_space<vmem>>) semaphore(%dma_start3A_31 : memref<!tpu.dma_semaphore, #tpu.memory_space<semaphore_mem>>)
    %dma_start3A_32 = arith.constant 2 : i32
    %dma_start3A_33 = arith.constant 0 : i32
    %dma_start3A_34 = arith.constant 0 : i32
    %dma_start3A_35 = arith.constant 256 : i32
    %dma_start3A_36 = arith.constant 0 : i32
    %dma_start3A_37 = tpu.memref_slice %arg8[%dma_start3A_33, %dma_start3A_35, %dma_start3A_36] : memref<2x512x32xf32, #tpu.memory_space<vmem>> -> memref<1x128x32xf32, #tpu.memory_space<vmem>>
    %dma_start3A_38 = tpu.memref_squeeze %dma_start3A_37 : memref<1x128x32xf32, #tpu.memory_space<vmem>> -> memref<128x32xf32, #tpu.memory_space<vmem>>
    %dma_start3A_39 = arith.constant 0 : i32
    %dma_start3A_40 = tpu.memref_slice %arg7[%dma_start3A_32, %dma_start3A_39] : memref<128x128xi32, #tpu.memory_space<vmem>> -> memref<1x128xi32, #tpu.memory_space<vmem>>
    %dma_start3A_41 = tpu.memref_squeeze %dma_start3A_40 : memref<1x128xi32, #tpu.memory_space<vmem>> -> memref<128xi32, #tpu.memory_space<vmem>>
    %dma_start3A_42 = arith.constant 0 : i32
    %dma_start3A_43 = arith.constant 0 : i32
    %dma_start3A_44 = tpu.memref_slice %arg3[%dma_start3A_42, %dma_start3A_43] : memref<65536x32xf32, #tpu.memory_space<hbm>> -> memref<65536x32xf32, #tpu.memory_space<hbm>>
    %dma_start3A_45 = tpu.memref_slice %arg12[%dma_start3A_34] : memref<2x!tpu.dma_semaphore, #tpu.memory_space<semaphore_mem>> -> memref<1x!tpu.dma_semaphore, #tpu.memory_space<semaphore_mem>>
    %dma_start3A_46 = tpu.memref_squeeze %dma_start3A_45 : memref<1x!tpu.dma_semaphore, #tpu.memory_space<semaphore_mem>> -> memref<!tpu.dma_semaphore, #tpu.memory_space<semaphore_mem>>
    tpu.enqueue_indirect_dma source(%dma_start3A_44 : memref<65536x32xf32, #tpu.memory_space<hbm>>) target(%dma_start3A_38 : memref<128x32xf32, #tpu.memory_space<vmem>>) offsets(%dma_start3A_41 : memref<128xi32, #tpu.memory_space<vmem>>) semaphore(%dma_start3A_46 : memref<!tpu.dma_semaphore, #tpu.memory_space<semaphore_mem>>)
    %dma_start3A_47 = arith.constant 3 : i32
    %dma_start3A_48 = arith.constant 0 : i32
    %dma_start3A_49 = arith.constant 0 : i32
    %dma_start3A_50 = arith.constant 384 : i32
    %dma_start3A_51 = arith.constant 0 : i32
    %dma_start3A_52 = tpu.memref_slice %arg8[%dma_start3A_48, %dma_start3A_50, %dma_start3A_51] : memref<2x512x32xf32, #tpu.memory_space<vmem>> -> memref<1x128x32xf32, #tpu.memory_space<vmem>>
    %dma_start3A_53 = tpu.memref_squeeze %dma_start3A_52 : memref<1x128x32xf32, #tpu.memory_space<vmem>> -> memref<128x32xf32, #tpu.memory_space<vmem>>
    %dma_start3A_54 = arith.constant 0 : i32
    %dma_start3A_55 = tpu.memref_slice %arg7[%dma_start3A_47, %dma_start3A_54] : memref<128x128xi32, #tpu.memory_space<vmem>> -> memref<1x128xi32, #tpu.memory_space<vmem>>
    %dma_start3A_56 = tpu.memref_squeeze %dma_start3A_55 : memref<1x128xi32, #tpu.memory_space<vmem>> -> memref<128xi32, #tpu.memory_space<vmem>>
    %dma_start3A_57 = arith.constant 0 : i32
    %dma_start3A_58 = arith.constant 0 : i32
    %dma_start3A_59 = tpu.memref_slice %arg3[%dma_start3A_57, %dma_start3A_58] : memref<65536x32xf32, #tpu.memory_space<hbm>> -> memref<65536x32xf32, #tpu.memory_space<hbm>>
    %dma_start3A_60 = tpu.memref_slice %arg12[%dma_start3A_49] : memref<2x!tpu.dma_semaphore, #tpu.memory_space<semaphore_mem>> -> memref<1x!tpu.dma_semaphore, #tpu.memory_space<semaphore_mem>>
    %dma_start3A_61 = tpu.memref_squeeze %dma_start3A_60 : memref<1x!tpu.dma_semaphore, #tpu.memory_space<semaphore_mem>> -> memref<!tpu.dma_semaphore, #tpu.memory_space<semaphore_mem>>
    tpu.enqueue_indirect_dma source(%dma_start3A_59 : memref<65536x32xf32, #tpu.memory_space<hbm>>) target(%dma_start3A_53 : memref<128x32xf32, #tpu.memory_space<vmem>>) offsets(%dma_start3A_56 : memref<128xi32, #tpu.memory_space<vmem>>) semaphore(%dma_start3A_61 : memref<!tpu.dma_semaphore, #tpu.memory_space<semaphore_mem>>)
    %scan3A = arith.constant 0 : i32
    %scan3A_62 = arith.constant 0 : i32
    %scan3A_63 = arith.constant 16 : i32
    %scan3A_64 = arith.addi %scan3A_62, %scan3A_63 : i32
    %scan3A_65 = arith.constant 1 : i32
    scf.for %scan3A_210 = %scan3A_62 to %scan3A_64 step %scan3A_65  : i32 {
      %mul3A_211 = arith.constant 2 : i32
      %mul3A_212 = arith.muli %scan3A_210, %mul3A_211 : i32
      %add3A_213 = arith.constant 1 : i32
      %add3A_214 = arith.addi %mul3A_212, %add3A_213 : i32
      %ge3A = arith.constant 1 : i32
      %ge3A_215 = arith.cmpi sge, %scan3A_210, %ge3A : i32
      %mul3A_216 = arith.constant 4 : i32
      %mul3A_217 = arith.muli %add3A_214, %mul3A_216 : i32
      %add3A_218 = arith.constant 0 : i32
      %add3A_219 = arith.addi %mul3A_217, %add3A_218 : i32
      %dma_start3A_220 = arith.constant 1 : i32
      %dma_start3A_221 = arith.constant 1 : i32
      %dma_start3A_222 = arith.constant 0 : i32
      %dma_start3A_223 = arith.constant 0 : i32
      %dma_start3A_224 = tpu.memref_slice %arg8[%dma_start3A_220, %dma_start3A_222, %dma_start3A_223] : memref<2x512x32xf32, #tpu.memory_space<vmem>> -> memref<1x128x32xf32, #tpu.memory_space<vmem>>
      %dma_start3A_225 = tpu.memref_squeeze %dma_start3A_224 : memref<1x128x32xf32, #tpu.memory_space<vmem>> -> memref<128x32xf32, #tpu.memory_space<vmem>>
      %dma_start3A_226 = arith.constant 0 : i32
      %dma_start3A_227 = tpu.memref_slice %arg7[%add3A_219, %dma_start3A_226] : memref<128x128xi32, #tpu.memory_space<vmem>> -> memref<1x128xi32, #tpu.memory_space<vmem>>
      %dma_start3A_228 = tpu.memref_squeeze %dma_start3A_227 : memref<1x128xi32, #tpu.memory_space<vmem>> -> memref<128xi32, #tpu.memory_space<vmem>>
      %dma_start3A_229 = arith.constant 0 : i32
      %dma_start3A_230 = arith.constant 0 : i32
      %dma_start3A_231 = tpu.memref_slice %arg3[%dma_start3A_229, %dma_start3A_230] : memref<65536x32xf32, #tpu.memory_space<hbm>> -> memref<65536x32xf32, #tpu.memory_space<hbm>>
      %dma_start3A_232 = tpu.memref_slice %arg12[%dma_start3A_221] : memref<2x!tpu.dma_semaphore, #tpu.memory_space<semaphore_mem>> -> memref<1x!tpu.dma_semaphore, #tpu.memory_space<semaphore_mem>>
      %dma_start3A_233 = tpu.memref_squeeze %dma_start3A_232 : memref<1x!tpu.dma_semaphore, #tpu.memory_space<semaphore_mem>> -> memref<!tpu.dma_semaphore, #tpu.memory_space<semaphore_mem>>
      tpu.enqueue_indirect_dma source(%dma_start3A_231 : memref<65536x32xf32, #tpu.memory_space<hbm>>) target(%dma_start3A_225 : memref<128x32xf32, #tpu.memory_space<vmem>>) offsets(%dma_start3A_228 : memref<128xi32, #tpu.memory_space<vmem>>) semaphore(%dma_start3A_233 : memref<!tpu.dma_semaphore, #tpu.memory_space<semaphore_mem>>)
      %mul3A_234 = arith.constant 4 : i32
      %mul3A_235 = arith.muli %add3A_214, %mul3A_234 : i32
      %add3A_236 = arith.constant 1 : i32
      %add3A_237 = arith.addi %mul3A_235, %add3A_236 : i32
      %dma_start3A_238 = arith.constant 1 : i32
      %dma_start3A_239 = arith.constant 1 : i32
      %dma_start3A_240 = arith.constant 128 : i32
      %dma_start3A_241 = arith.constant 0 : i32
      %dma_start3A_242 = tpu.memref_slice %arg8[%dma_start3A_238, %dma_start3A_240, %dma_start3A_241] : memref<2x512x32xf32, #tpu.memory_space<vmem>> -> memref<1x128x32xf32, #tpu.memory_space<vmem>>
      %dma_start3A_243 = tpu.memref_squeeze %dma_start3A_242 : memref<1x128x32xf32, #tpu.memory_space<vmem>> -> memref<128x32xf32, #tpu.memory_space<vmem>>
      %dma_start3A_244 = arith.constant 0 : i32
      %dma_start3A_245 = tpu.memref_slice %arg7[%add3A_237, %dma_start3A_244] : memref<128x128xi32, #tpu.memory_space<vmem>> -> memref<1x128xi32, #tpu.memory_space<vmem>>
      %dma_start3A_246 = tpu.memref_squeeze %dma_start3A_245 : memref<1x128xi32, #tpu.memory_space<vmem>> -> memref<128xi32, #tpu.memory_space<vmem>>
      %dma_start3A_247 = arith.constant 0 : i32
      %dma_start3A_248 = arith.constant 0 : i32
      %dma_start3A_249 = tpu.memref_slice %arg3[%dma_start3A_247, %dma_start3A_248] : memref<65536x32xf32, #tpu.memory_space<hbm>> -> memref<65536x32xf32, #tpu.memory_space<hbm>>
      %dma_start3A_250 = tpu.memref_slice %arg12[%dma_start3A_239] : memref<2x!tpu.dma_semaphore, #tpu.memory_space<semaphore_mem>> -> memref<1x!tpu.dma_semaphore, #tpu.memory_space<semaphore_mem>>
      %dma_start3A_251 = tpu.memref_squeeze %dma_start3A_250 : memref<1x!tpu.dma_semaphore, #tpu.memory_space<semaphore_mem>> -> memref<!tpu.dma_semaphore, #tpu.memory_space<semaphore_mem>>
      tpu.enqueue_indirect_dma source(%dma_start3A_249 : memref<65536x32xf32, #tpu.memory_space<hbm>>) target(%dma_start3A_243 : memref<128x32xf32, #tpu.memory_space<vmem>>) offsets(%dma_start3A_246 : memref<128xi32, #tpu.memory_space<vmem>>) semaphore(%dma_start3A_251 : memref<!tpu.dma_semaphore, #tpu.memory_space<semaphore_mem>>)
      %mul3A_252 = arith.constant 4 : i32
      %mul3A_253 = arith.muli %add3A_214, %mul3A_252 : i32
      %add3A_254 = arith.constant 2 : i32
      %add3A_255 = arith.addi %mul3A_253, %add3A_254 : i32
      %dma_start3A_256 = arith.constant 1 : i32
      %dma_start3A_257 = arith.constant 1 : i32
      %dma_start3A_258 = arith.constant 256 : i32
      %dma_start3A_259 = arith.constant 0 : i32
      %dma_start3A_260 = tpu.memref_slice %arg8[%dma_start3A_256, %dma_start3A_258, %dma_start3A_259] : memref<2x512x32xf32, #tpu.memory_space<vmem>> -> memref<1x128x32xf32, #tpu.memory_space<vmem>>
      %dma_start3A_261 = tpu.memref_squeeze %dma_start3A_260 : memref<1x128x32xf32, #tpu.memory_space<vmem>> -> memref<128x32xf32, #tpu.memory_space<vmem>>
      %dma_start3A_262 = arith.constant 0 : i32
      %dma_start3A_263 = tpu.memref_slice %arg7[%add3A_255, %dma_start3A_262] : memref<128x128xi32, #tpu.memory_space<vmem>> -> memref<1x128xi32, #tpu.memory_space<vmem>>
      %dma_start3A_264 = tpu.memref_squeeze %dma_start3A_263 : memref<1x128xi32, #tpu.memory_space<vmem>> -> memref<128xi32, #tpu.memory_space<vmem>>
      %dma_start3A_265 = arith.constant 0 : i32
      %dma_start3A_266 = arith.constant 0 : i32
      %dma_start3A_267 = tpu.memref_slice %arg3[%dma_start3A_265, %dma_start3A_266] : memref<65536x32xf32, #tpu.memory_space<hbm>> -> memref<65536x32xf32, #tpu.memory_space<hbm>>
      %dma_start3A_268 = tpu.memref_slice %arg12[%dma_start3A_257] : memref<2x!tpu.dma_semaphore, #tpu.memory_space<semaphore_mem>> -> memref<1x!tpu.dma_semaphore, #tpu.memory_space<semaphore_mem>>
      %dma_start3A_269 = tpu.memref_squeeze %dma_start3A_268 : memref<1x!tpu.dma_semaphore, #tpu.memory_space<semaphore_mem>> -> memref<!tpu.dma_semaphore, #tpu.memory_space<semaphore_mem>>
      tpu.enqueue_indirect_dma source(%dma_start3A_267 : memref<65536x32xf32, #tpu.memory_space<hbm>>) target(%dma_start3A_261 : memref<128x32xf32, #tpu.memory_space<vmem>>) offsets(%dma_start3A_264 : memref<128xi32, #tpu.memory_space<vmem>>) semaphore(%dma_start3A_269 : memref<!tpu.dma_semaphore, #tpu.memory_space<semaphore_mem>>)
      %mul3A_270 = arith.constant 4 : i32
      %mul3A_271 = arith.muli %add3A_214, %mul3A_270 : i32
      %add3A_272 = arith.constant 3 : i32
      %add3A_273 = arith.addi %mul3A_271, %add3A_272 : i32
      %dma_start3A_274 = arith.constant 1 : i32
      %dma_start3A_275 = arith.constant 1 : i32
      %dma_start3A_276 = arith.constant 384 : i32
      %dma_start3A_277 = arith.constant 0 : i32
      %dma_start3A_278 = tpu.memref_slice %arg8[%dma_start3A_274, %dma_start3A_276, %dma_start3A_277] : memref<2x512x32xf32, #tpu.memory_space<vmem>> -> memref<1x128x32xf32, #tpu.memory_space<vmem>>
      %dma_start3A_279 = tpu.memref_squeeze %dma_start3A_278 : memref<1x128x32xf32, #tpu.memory_space<vmem>> -> memref<128x32xf32, #tpu.memory_space<vmem>>
      %dma_start3A_280 = arith.constant 0 : i32
      %dma_start3A_281 = tpu.memref_slice %arg7[%add3A_273, %dma_start3A_280] : memref<128x128xi32, #tpu.memory_space<vmem>> -> memref<1x128xi32, #tpu.memory_space<vmem>>
      %dma_start3A_282 = tpu.memref_squeeze %dma_start3A_281 : memref<1x128xi32, #tpu.memory_space<vmem>> -> memref<128xi32, #tpu.memory_space<vmem>>
      %dma_start3A_283 = arith.constant 0 : i32
      %dma_start3A_284 = arith.constant 0 : i32
      %dma_start3A_285 = tpu.memref_slice %arg3[%dma_start3A_283, %dma_start3A_284] : memref<65536x32xf32, #tpu.memory_space<hbm>> -> memref<65536x32xf32, #tpu.memory_space<hbm>>
      %dma_start3A_286 = tpu.memref_slice %arg12[%dma_start3A_275] : memref<2x!tpu.dma_semaphore, #tpu.memory_space<semaphore_mem>> -> memref<1x!tpu.dma_semaphore, #tpu.memory_space<semaphore_mem>>
      %dma_start3A_287 = tpu.memref_squeeze %dma_start3A_286 : memref<1x!tpu.dma_semaphore, #tpu.memory_space<semaphore_mem>> -> memref<!tpu.dma_semaphore, #tpu.memory_space<semaphore_mem>>
      tpu.enqueue_indirect_dma source(%dma_start3A_285 : memref<65536x32xf32, #tpu.memory_space<hbm>>) target(%dma_start3A_279 : memref<128x32xf32, #tpu.memory_space<vmem>>) offsets(%dma_start3A_282 : memref<128xi32, #tpu.memory_space<vmem>>) semaphore(%dma_start3A_287 : memref<!tpu.dma_semaphore, #tpu.memory_space<semaphore_mem>>)
      %mul3A_288 = arith.constant 4 : i32
      %mul3A_289 = arith.muli %mul3A_212, %mul3A_288 : i32
      %add3A_290 = arith.constant 0 : i32
      %add3A_291 = arith.addi %mul3A_289, %add3A_290 : i32
      %dma_wait3A_292 = arith.constant 0 : i32
      %dma_wait3A_293 = arith.constant 0 : i32
      %dma_wait3A_294 = arith.constant 0 : i32
      %dma_wait3A_295 = arith.constant 0 : i32
      %dma_wait3A_296 = tpu.memref_slice %arg8[%dma_wait3A_292, %dma_wait3A_294, %dma_wait3A_295] : memref<2x512x32xf32, #tpu.memory_space<vmem>> -> memref<1x128x32xf32, #tpu.memory_space<vmem>>
      %dma_wait3A_297 = tpu.memref_squeeze %dma_wait3A_296 : memref<1x128x32xf32, #tpu.memory_space<vmem>> -> memref<128x32xf32, #tpu.memory_space<vmem>>
      %dma_wait3A_298 = arith.constant 0 : i32
      %dma_wait3A_299 = tpu.memref_slice %arg7[%add3A_291, %dma_wait3A_298] : memref<128x128xi32, #tpu.memory_space<vmem>> -> memref<1x128xi32, #tpu.memory_space<vmem>>
      %dma_wait3A_300 = tpu.memref_squeeze %dma_wait3A_299 : memref<1x128xi32, #tpu.memory_space<vmem>> -> memref<128xi32, #tpu.memory_space<vmem>>
      %dma_wait3A_301 = arith.constant 0 : i32
      %dma_wait3A_302 = arith.constant 0 : i32
      %dma_wait3A_303 = tpu.memref_slice %arg3[%dma_wait3A_301, %dma_wait3A_302] : memref<65536x32xf32, #tpu.memory_space<hbm>> -> memref<65536x32xf32, #tpu.memory_space<hbm>>
      %dma_wait3A_304 = tpu.memref_slice %arg12[%dma_wait3A_293] : memref<2x!tpu.dma_semaphore, #tpu.memory_space<semaphore_mem>> -> memref<1x!tpu.dma_semaphore, #tpu.memory_space<semaphore_mem>>
      %dma_wait3A_305 = tpu.memref_squeeze %dma_wait3A_304 : memref<1x!tpu.dma_semaphore, #tpu.memory_space<semaphore_mem>> -> memref<!tpu.dma_semaphore, #tpu.memory_space<semaphore_mem>>
      tpu.wait_indirect_dma semaphore(%dma_wait3A_305 : memref<!tpu.dma_semaphore, #tpu.memory_space<semaphore_mem>>) src(%dma_wait3A_303 : memref<65536x32xf32, #tpu.memory_space<hbm>>) dst(%dma_wait3A_297 : memref<128x32xf32, #tpu.memory_space<vmem>>)
      %mul3A_306 = arith.constant 4 : i32
      %mul3A_307 = arith.muli %mul3A_212, %mul3A_306 : i32
      %add3A_308 = arith.constant 1 : i32
      %add3A_309 = arith.addi %mul3A_307, %add3A_308 : i32
      %dma_wait3A_310 = arith.constant 0 : i32
      %dma_wait3A_311 = arith.constant 0 : i32
      %dma_wait3A_312 = arith.constant 128 : i32
      %dma_wait3A_313 = arith.constant 0 : i32
      %dma_wait3A_314 = tpu.memref_slice %arg8[%dma_wait3A_310, %dma_wait3A_312, %dma_wait3A_313] : memref<2x512x32xf32, #tpu.memory_space<vmem>> -> memref<1x128x32xf32, #tpu.memory_space<vmem>>
      %dma_wait3A_315 = tpu.memref_squeeze %dma_wait3A_314 : memref<1x128x32xf32, #tpu.memory_space<vmem>> -> memref<128x32xf32, #tpu.memory_space<vmem>>
      %dma_wait3A_316 = arith.constant 0 : i32
      %dma_wait3A_317 = tpu.memref_slice %arg7[%add3A_309, %dma_wait3A_316] : memref<128x128xi32, #tpu.memory_space<vmem>> -> memref<1x128xi32, #tpu.memory_space<vmem>>
      %dma_wait3A_318 = tpu.memref_squeeze %dma_wait3A_317 : memref<1x128xi32, #tpu.memory_space<vmem>> -> memref<128xi32, #tpu.memory_space<vmem>>
      %dma_wait3A_319 = arith.constant 0 : i32
      %dma_wait3A_320 = arith.constant 0 : i32
      %dma_wait3A_321 = tpu.memref_slice %arg3[%dma_wait3A_319, %dma_wait3A_320] : memref<65536x32xf32, #tpu.memory_space<hbm>> -> memref<65536x32xf32, #tpu.memory_space<hbm>>
      %dma_wait3A_322 = tpu.memref_slice %arg12[%dma_wait3A_311] : memref<2x!tpu.dma_semaphore, #tpu.memory_space<semaphore_mem>> -> memref<1x!tpu.dma_semaphore, #tpu.memory_space<semaphore_mem>>
      %dma_wait3A_323 = tpu.memref_squeeze %dma_wait3A_322 : memref<1x!tpu.dma_semaphore, #tpu.memory_space<semaphore_mem>> -> memref<!tpu.dma_semaphore, #tpu.memory_space<semaphore_mem>>
      tpu.wait_indirect_dma semaphore(%dma_wait3A_323 : memref<!tpu.dma_semaphore, #tpu.memory_space<semaphore_mem>>) src(%dma_wait3A_321 : memref<65536x32xf32, #tpu.memory_space<hbm>>) dst(%dma_wait3A_315 : memref<128x32xf32, #tpu.memory_space<vmem>>)
      %mul3A_324 = arith.constant 4 : i32
      %mul3A_325 = arith.muli %mul3A_212, %mul3A_324 : i32
      %add3A_326 = arith.constant 2 : i32
      %add3A_327 = arith.addi %mul3A_325, %add3A_326 : i32
      %dma_wait3A_328 = arith.constant 0 : i32
      %dma_wait3A_329 = arith.constant 0 : i32
      %dma_wait3A_330 = arith.constant 256 : i32
      %dma_wait3A_331 = arith.constant 0 : i32
      %dma_wait3A_332 = tpu.memref_slice %arg8[%dma_wait3A_328, %dma_wait3A_330, %dma_wait3A_331] : memref<2x512x32xf32, #tpu.memory_space<vmem>> -> memref<1x128x32xf32, #tpu.memory_space<vmem>>
      %dma_wait3A_333 = tpu.memref_squeeze %dma_wait3A_332 : memref<1x128x32xf32, #tpu.memory_space<vmem>> -> memref<128x32xf32, #tpu.memory_space<vmem>>
      %dma_wait3A_334 = arith.constant 0 : i32
      %dma_wait3A_335 = tpu.memref_slice %arg7[%add3A_327, %dma_wait3A_334] : memref<128x128xi32, #tpu.memory_space<vmem>> -> memref<1x128xi32, #tpu.memory_space<vmem>>
      %dma_wait3A_336 = tpu.memref_squeeze %dma_wait3A_335 : memref<1x128xi32, #tpu.memory_space<vmem>> -> memref<128xi32, #tpu.memory_space<vmem>>
      %dma_wait3A_337 = arith.constant 0 : i32
      %dma_wait3A_338 = arith.constant 0 : i32
      %dma_wait3A_339 = tpu.memref_slice %arg3[%dma_wait3A_337, %dma_wait3A_338] : memref<65536x32xf32, #tpu.memory_space<hbm>> -> memref<65536x32xf32, #tpu.memory_space<hbm>>
      %dma_wait3A_340 = tpu.memref_slice %arg12[%dma_wait3A_329] : memref<2x!tpu.dma_semaphore, #tpu.memory_space<semaphore_mem>> -> memref<1x!tpu.dma_semaphore, #tpu.memory_space<semaphore_mem>>
      %dma_wait3A_341 = tpu.memref_squeeze %dma_wait3A_340 : memref<1x!tpu.dma_semaphore, #tpu.memory_space<semaphore_mem>> -> memref<!tpu.dma_semaphore, #tpu.memory_space<semaphore_mem>>
      tpu.wait_indirect_dma semaphore(%dma_wait3A_341 : memref<!tpu.dma_semaphore, #tpu.memory_space<semaphore_mem>>) src(%dma_wait3A_339 : memref<65536x32xf32, #tpu.memory_space<hbm>>) dst(%dma_wait3A_333 : memref<128x32xf32, #tpu.memory_space<vmem>>)
      %mul3A_342 = arith.constant 4 : i32
      %mul3A_343 = arith.muli %mul3A_212, %mul3A_342 : i32
      %add3A_344 = arith.constant 3 : i32
      %add3A_345 = arith.addi %mul3A_343, %add3A_344 : i32
      %dma_wait3A_346 = arith.constant 0 : i32
      %dma_wait3A_347 = arith.constant 0 : i32
      %dma_wait3A_348 = arith.constant 384 : i32
      %dma_wait3A_349 = arith.constant 0 : i32
      %dma_wait3A_350 = tpu.memref_slice %arg8[%dma_wait3A_346, %dma_wait3A_348, %dma_wait3A_349] : memref<2x512x32xf32, #tpu.memory_space<vmem>> -> memref<1x128x32xf32, #tpu.memory_space<vmem>>
      %dma_wait3A_351 = tpu.memref_squeeze %dma_wait3A_350 : memref<1x128x32xf32, #tpu.memory_space<vmem>> -> memref<128x32xf32, #tpu.memory_space<vmem>>
      %dma_wait3A_352 = arith.constant 0 : i32
      %dma_wait3A_353 = tpu.memref_slice %arg7[%add3A_345, %dma_wait3A_352] : memref<128x128xi32, #tpu.memory_space<vmem>> -> memref<1x128xi32, #tpu.memory_space<vmem>>
      %dma_wait3A_354 = tpu.memref_squeeze %dma_wait3A_353 : memref<1x128xi32, #tpu.memory_space<vmem>> -> memref<128xi32, #tpu.memory_space<vmem>>
      %dma_wait3A_355 = arith.constant 0 : i32
      %dma_wait3A_356 = arith.constant 0 : i32
      %dma_wait3A_357 = tpu.memref_slice %arg3[%dma_wait3A_355, %dma_wait3A_356] : memref<65536x32xf32, #tpu.memory_space<hbm>> -> memref<65536x32xf32, #tpu.memory_space<hbm>>
      %dma_wait3A_358 = tpu.memref_slice %arg12[%dma_wait3A_347] : memref<2x!tpu.dma_semaphore, #tpu.memory_space<semaphore_mem>> -> memref<1x!tpu.dma_semaphore, #tpu.memory_space<semaphore_mem>>
      %dma_wait3A_359 = tpu.memref_squeeze %dma_wait3A_358 : memref<1x!tpu.dma_semaphore, #tpu.memory_space<semaphore_mem>> -> memref<!tpu.dma_semaphore, #tpu.memory_space<semaphore_mem>>
      tpu.wait_indirect_dma semaphore(%dma_wait3A_359 : memref<!tpu.dma_semaphore, #tpu.memory_space<semaphore_mem>>) src(%dma_wait3A_357 : memref<65536x32xf32, #tpu.memory_space<hbm>>) dst(%dma_wait3A_351 : memref<128x32xf32, #tpu.memory_space<vmem>>)
      %convert_element_type3A = arith.extui %ge3A_215 : i1 to i32
      %cond3A = arith.constant 0 : i32
      %cond3A_360 = arith.cmpi ne, %convert_element_type3A, %cond3A : i32
      scf.if %cond3A_360 {
        %sub3A = arith.constant 2 : i32
        %sub3A_604 = arith.subi %mul3A_212, %sub3A : i32
        %mul3A_605 = arith.constant 128 : i32
        %mul3A_606 = arith.muli %add3A, %mul3A_605 : i32
        %mul3A_607 = arith.constant 4 : i32
        %mul3A_608 = arith.muli %sub3A_604, %mul3A_607 : i32
        %add3A_609 = arith.addi %mul3A_606, %mul3A_608 : i32
        %add3A_610 = arith.constant 0 : i32
        %add3A_611 = arith.addi %add3A_610, %add3A_609 : i32
        %mul3A_612 = arith.constant 1024 : i32
        %mul3A_613 = arith.muli %add3A_611, %mul3A_612 : i32
        %multiple_of3A_614 = tpu.assume_multiple %mul3A_613, 8 : i32
        %add3A_615 = arith.constant 4096 : i32
        %add3A_616 = arith.addi %add3A_615, %add3A_609 : i32
        %mul3A_617 = arith.constant 1024 : i32
        %mul3A_618 = arith.muli %add3A_616, %mul3A_617 : i32
        %multiple_of3A_619 = tpu.assume_multiple %mul3A_618, 8 : i32
        %add3A_620 = arith.constant 8192 : i32
        %add3A_621 = arith.addi %add3A_620, %add3A_609 : i32
        %mul3A_622 = arith.constant 1024 : i32
        %mul3A_623 = arith.muli %add3A_621, %mul3A_622 : i32
        %multiple_of3A_624 = tpu.assume_multiple %mul3A_623, 8 : i32
        %add3A_625 = arith.constant 12288 : i32
        %add3A_626 = arith.addi %add3A_625, %add3A_609 : i32
        %mul3A_627 = arith.constant 1024 : i32
        %mul3A_628 = arith.muli %add3A_626, %mul3A_627 : i32
        %multiple_of3A_629 = tpu.assume_multiple %mul3A_628, 8 : i32
        %dma_wait3A_630 = arith.constant 0 : i32
        %dma_wait3A_631 = arith.constant 0 : i32
        %dma_wait3A_632 = arith.constant 0 : i32
        %dma_wait3A_633 = tpu.memref_slice %arg9[%dma_wait3A_630, %dma_wait3A_632] : memref<2x16384xf32, #tpu.memory_space<vmem>> -> memref<1x4096xf32, #tpu.memory_space<vmem>>
        %dma_wait3A_634 = tpu.memref_squeeze %dma_wait3A_633 : memref<1x4096xf32, #tpu.memory_space<vmem>> -> memref<4096xf32, #tpu.memory_space<vmem>>
        %dma_wait3A_635 = tpu.memref_slice %arg6[%multiple_of3A_614] : memref<16777216xf32, #tpu.memory_space<hbm>> -> memref<4096xf32, #tpu.memory_space<hbm>>
        %dma_wait3A_636 = tpu.memref_slice %arg13[%dma_wait3A_631] : memref<2x!tpu.dma_semaphore, #tpu.memory_space<semaphore_mem>> -> memref<1x!tpu.dma_semaphore, #tpu.memory_space<semaphore_mem>>
        %dma_wait3A_637 = tpu.memref_squeeze %dma_wait3A_636 : memref<1x!tpu.dma_semaphore, #tpu.memory_space<semaphore_mem>> -> memref<!tpu.dma_semaphore, #tpu.memory_space<semaphore_mem>>
        %dma_wait3A_638 = tpu.memref_slice %arg6[%multiple_of3A_614] : memref<16777216xf32, #tpu.memory_space<hbm>> -> memref<4096xf32, #tpu.memory_space<hbm>>
        %dma_wait3A_639 = arith.constant 0 : i32
        %dma_wait3A_640 = tpu.memref_slice %arg9[%dma_wait3A_630, %dma_wait3A_639] : memref<2x16384xf32, #tpu.memory_space<vmem>> -> memref<1x4096xf32, #tpu.memory_space<vmem>>
        %dma_wait3A_641 = tpu.memref_squeeze %dma_wait3A_640 : memref<1x4096xf32, #tpu.memory_space<vmem>> -> memref<4096xf32, #tpu.memory_space<vmem>>
        tpu.wait_dma2 semaphore(%dma_wait3A_637 : memref<!tpu.dma_semaphore, #tpu.memory_space<semaphore_mem>>) src(%dma_wait3A_641 : memref<4096xf32, #tpu.memory_space<vmem>>) dst(%dma_wait3A_638 : memref<4096xf32, #tpu.memory_space<hbm>>)
        %dma_wait3A_642 = arith.constant 0 : i32
        %dma_wait3A_643 = arith.constant 0 : i32
        %dma_wait3A_644 = arith.constant 4096 : i32
        %dma_wait3A_645 = tpu.memref_slice %arg9[%dma_wait3A_642, %dma_wait3A_644] : memref<2x16384xf32, #tpu.memory_space<vmem>> -> memref<1x4096xf32, #tpu.memory_space<vmem>>
        %dma_wait3A_646 = tpu.memref_squeeze %dma_wait3A_645 : memref<1x4096xf32, #tpu.memory_space<vmem>> -> memref<4096xf32, #tpu.memory_space<vmem>>
        %dma_wait3A_647 = tpu.memref_slice %arg6[%multiple_of3A_619] : memref<16777216xf32, #tpu.memory_space<hbm>> -> memref<4096xf32, #tpu.memory_space<hbm>>
        %dma_wait3A_648 = tpu.memref_slice %arg13[%dma_wait3A_643] : memref<2x!tpu.dma_semaphore, #tpu.memory_space<semaphore_mem>> -> memref<1x!tpu.dma_semaphore, #tpu.memory_space<semaphore_mem>>
        %dma_wait3A_649 = tpu.memref_squeeze %dma_wait3A_648 : memref<1x!tpu.dma_semaphore, #tpu.memory_space<semaphore_mem>> -> memref<!tpu.dma_semaphore, #tpu.memory_space<semaphore_mem>>
        %dma_wait3A_650 = tpu.memref_slice %arg6[%multiple_of3A_619] : memref<16777216xf32, #tpu.memory_space<hbm>> -> memref<4096xf32, #tpu.memory_space<hbm>>
        %dma_wait3A_651 = arith.constant 4096 : i32
        %dma_wait3A_652 = tpu.memref_slice %arg9[%dma_wait3A_642, %dma_wait3A_651] : memref<2x16384xf32, #tpu.memory_space<vmem>> -> memref<1x4096xf32, #tpu.memory_space<vmem>>
        %dma_wait3A_653 = tpu.memref_squeeze %dma_wait3A_652 : memref<1x4096xf32, #tpu.memory_space<vmem>> -> memref<4096xf32, #tpu.memory_space<vmem>>
        tpu.wait_dma2 semaphore(%dma_wait3A_649 : memref<!tpu.dma_semaphore, #tpu.memory_space<semaphore_mem>>) src(%dma_wait3A_653 : memref<4096xf32, #tpu.memory_space<vmem>>) dst(%dma_wait3A_650 : memref<4096xf32, #tpu.memory_space<hbm>>)
        %dma_wait3A_654 = arith.constant 0 : i32
        %dma_wait3A_655 = arith.constant 0 : i32
        %dma_wait3A_656 = arith.constant 8192 : i32
        %dma_wait3A_657 = tpu.memref_slice %arg9[%dma_wait3A_654, %dma_wait3A_656] : memref<2x16384xf32, #tpu.memory_space<vmem>> -> memref<1x4096xf32, #tpu.memory_space<vmem>>
        %dma_wait3A_658 = tpu.memref_squeeze %dma_wait3A_657 : memref<1x4096xf32, #tpu.memory_space<vmem>> -> memref<4096xf32, #tpu.memory_space<vmem>>
        %dma_wait3A_659 = tpu.memref_slice %arg6[%multiple_of3A_624] : memref<16777216xf32, #tpu.memory_space<hbm>> -> memref<4096xf32, #tpu.memory_space<hbm>>
        %dma_wait3A_660 = tpu.memref_slice %arg13[%dma_wait3A_655] : memref<2x!tpu.dma_semaphore, #tpu.memory_space<semaphore_mem>> -> memref<1x!tpu.dma_semaphore, #tpu.memory_space<semaphore_mem>>
        %dma_wait3A_661 = tpu.memref_squeeze %dma_wait3A_660 : memref<1x!tpu.dma_semaphore, #tpu.memory_space<semaphore_mem>> -> memref<!tpu.dma_semaphore, #tpu.memory_space<semaphore_mem>>
        %dma_wait3A_662 = tpu.memref_slice %arg6[%multiple_of3A_624] : memref<16777216xf32, #tpu.memory_space<hbm>> -> memref<4096xf32, #tpu.memory_space<hbm>>
        %dma_wait3A_663 = arith.constant 8192 : i32
        %dma_wait3A_664 = tpu.memref_slice %arg9[%dma_wait3A_654, %dma_wait3A_663] : memref<2x16384xf32, #tpu.memory_space<vmem>> -> memref<1x4096xf32, #tpu.memory_space<vmem>>
        %dma_wait3A_665 = tpu.memref_squeeze %dma_wait3A_664 : memref<1x4096xf32, #tpu.memory_space<vmem>> -> memref<4096xf32, #tpu.memory_space<vmem>>
        tpu.wait_dma2 semaphore(%dma_wait3A_661 : memref<!tpu.dma_semaphore, #tpu.memory_space<semaphore_mem>>) src(%dma_wait3A_665 : memref<4096xf32, #tpu.memory_space<vmem>>) dst(%dma_wait3A_662 : memref<4096xf32, #tpu.memory_space<hbm>>)
        %dma_wait3A_666 = arith.constant 0 : i32
        %dma_wait3A_667 = arith.constant 0 : i32
        %dma_wait3A_668 = arith.constant 12288 : i32
        %dma_wait3A_669 = tpu.memref_slice %arg9[%dma_wait3A_666, %dma_wait3A_668] : memref<2x16384xf32, #tpu.memory_space<vmem>> -> memref<1x4096xf32, #tpu.memory_space<vmem>>
        %dma_wait3A_670 = tpu.memref_squeeze %dma_wait3A_669 : memref<1x4096xf32, #tpu.memory_space<vmem>> -> memref<4096xf32, #tpu.memory_space<vmem>>
        %dma_wait3A_671 = tpu.memref_slice %arg6[%multiple_of3A_629] : memref<16777216xf32, #tpu.memory_space<hbm>> -> memref<4096xf32, #tpu.memory_space<hbm>>
        %dma_wait3A_672 = tpu.memref_slice %arg13[%dma_wait3A_667] : memref<2x!tpu.dma_semaphore, #tpu.memory_space<semaphore_mem>> -> memref<1x!tpu.dma_semaphore, #tpu.memory_space<semaphore_mem>>
        %dma_wait3A_673 = tpu.memref_squeeze %dma_wait3A_672 : memref<1x!tpu.dma_semaphore, #tpu.memory_space<semaphore_mem>> -> memref<!tpu.dma_semaphore, #tpu.memory_space<semaphore_mem>>
        %dma_wait3A_674 = tpu.memref_slice %arg6[%multiple_of3A_629] : memref<16777216xf32, #tpu.memory_space<hbm>> -> memref<4096xf32, #tpu.memory_space<hbm>>
        %dma_wait3A_675 = arith.constant 12288 : i32
        %dma_wait3A_676 = tpu.memref_slice %arg9[%dma_wait3A_666, %dma_wait3A_675] : memref<2x16384xf32, #tpu.memory_space<vmem>> -> memref<1x4096xf32, #tpu.memory_space<vmem>>
        %dma_wait3A_677 = tpu.memref_squeeze %dma_wait3A_676 : memref<1x4096xf32, #tpu.memory_space<vmem>> -> memref<4096xf32, #tpu.memory_space<vmem>>
        tpu.wait_dma2 semaphore(%dma_wait3A_673 : memref<!tpu.dma_semaphore, #tpu.memory_space<semaphore_mem>>) src(%dma_wait3A_677 : memref<4096xf32, #tpu.memory_space<vmem>>) dst(%dma_wait3A_674 : memref<4096xf32, #tpu.memory_space<hbm>>)
      } else {
      }
      %scan3A_361 = arith.constant 0 : i32
      %scan3A_362 = arith.constant 0 : i32
      %scan3A_363 = arith.constant 32 : i32
      %scan3A_364 = arith.addi %scan3A_362, %scan3A_363 : i32
      %scan3A_365 = arith.constant 1 : i32
      scf.for %scan3A_604 = %scan3A_362 to %scan3A_364 step %scan3A_365  : i32 {
        %mul3A_605 = arith.constant 16 : i32
        %mul3A_606 = arith.muli %scan3A_604, %mul3A_605 : i32
        %jit3A = arith.constant 4 : i32
        %eq3A = arith.constant 0 : i32
        %eq3A_607 = arith.cmpi eq, %jit3A, %eq3A : i32
        %jit3A_608 = arith.constant 1 : i32
        %select_n3A = arith.select %eq3A_607, %jit3A_608, %jit3A : i32
        %rem3A = arith.remsi %scan3A_604, %select_n3A : i32
        %ne3A = arith.constant 0 : i32
        %ne3A_609 = arith.cmpi ne, %rem3A, %ne3A : i32
        %lt3A_610 = arith.constant 0 : i32
        %lt3A_611 = arith.cmpi slt, %rem3A, %lt3A_610 : i32
        %lt3A_612 = arith.constant 0 : i32
        %lt3A_613 = arith.cmpi slt, %select_n3A, %lt3A_612 : i32
        %ne3A_614 = arith.xori %lt3A_611, %lt3A_613 : i1
        %and3A = arith.andi %ne3A_614, %ne3A_609 : i1
        %add3A_615 = arith.addi %rem3A, %select_n3A : i32
        %select_n3A_616 = arith.select %and3A, %add3A_615, %rem3A : i32
        %mul3A_617 = arith.constant 16 : i32
        %mul3A_618 = arith.muli %select_n3A_616, %mul3A_617 : i32
        %broadcast_in_dim3A = arith.constant 0.000000e+00 : f32
        %broadcast_in_dim3A_619 = vector.broadcast %broadcast_in_dim3A : f32 to vector<16xf32>
        %add3A_620 = arith.constant 0 : i32
        %add3A_621 = arith.addi %mul3A_606, %add3A_620 : i32
        %add3A_622 = arith.constant 0 : i32
        %add3A_623 = arith.addi %mul3A_618, %add3A_622 : i32
        %get3A = arith.constant 0 : i32
        %get3A_624 = arith.index_cast %get3A : i32 to index
        %get3A_625 = arith.index_cast %add3A_621 : i32 to index
        %get3A_626 = arith.constant 0 : index
        %get3A_627 = tpu.vector_load %arg8[%get3A_624, %get3A_625, %get3A_626] {strides = array<i32>} : memref<2x512x32xf32, #tpu.memory_space<vmem>>, vector<16xf32>,
        %get3A_628 = arith.constant 0 : i32
        %get3A_629 = arith.index_cast %get3A_628 : i32 to index
        %get3A_630 = arith.index_cast %add3A_621 : i32 to index
        %get3A_631 = arith.constant 16 : index
        %get3A_632 = tpu.vector_load %arg8[%get3A_629, %get3A_630, %get3A_631] {strides = array<i32>} : memref<2x512x32xf32, #tpu.memory_space<vmem>>, vector<16xf32>,
        %get3A_633 = arith.index_cast %add3A_623 : i32 to index
        %get3A_634 = arith.constant 0 : index
        %get3A_635 = tpu.vector_load %arg10[%get3A_633, %get3A_634] {strides = array<i32>} : memref<64x32xf32, #tpu.memory_space<vmem>>, vector<16xf32>,
        %mul3A_636 = arith.mulf %get3A_635, %get3A_627 : vector<16xf32>
        %get3A_637 = arith.index_cast %add3A_623 : i32 to index
        %get3A_638 = arith.constant 16 : index
        %get3A_639 = tpu.vector_load %arg10[%get3A_637, %get3A_638] {strides = array<i32>} : memref<64x32xf32, #tpu.memory_space<vmem>>, vector<16xf32>,
        %mul3A_640 = arith.mulf %get3A_639, %get3A_632 : vector<16xf32>
        %add3A_641 = arith.addf %mul3A_636, %mul3A_640 : vector<16xf32>
        %reduce_sum3A = arith.constant true
        %reduce_sum3A_642 = vector.broadcast %reduce_sum3A : i1 to vector<16xi1>
        %reduce_sum3A_643 = tpu.scan <sum>, %add3A_641 masked %reduce_sum3A_642 : vector<16xf32>, vector<16xi1> -> vector<16xf32>
        %reduce_sum3A_644 = vector.extract %reduce_sum3A_643[15] : f32 from vector<16xf32>
        %eq3A_645 = arith.constant 0 : i32
        %eq3A_646 = vector.broadcast %eq3A_645 : i32 to vector<16xi32>
        %eq3A_647 = arith.cmpi eq, %iota3A, %eq3A_646 : vector<16xi32>
        %broadcast_in_dim3A_648 = vector.broadcast %reduce_sum3A_644 : f32 to vector<16xf32>
        %select_n3A_649 = arith.select %eq3A_647, %broadcast_in_dim3A_648, %broadcast_in_dim3A_619 : vector<16xi1>, vector<16xf32>
        %add3A_650 = arith.constant 1 : i32
        %add3A_651 = arith.addi %mul3A_606, %add3A_650 : i32
        %add3A_652 = arith.constant 1 : i32
        %add3A_653 = arith.addi %mul3A_618, %add3A_652 : i32
        %get3A_654 = arith.constant 0 : i32
        %get3A_655 = arith.index_cast %get3A_654 : i32 to index
        %get3A_656 = arith.index_cast %add3A_651 : i32 to index
        %get3A_657 = arith.constant 0 : index
        %get3A_658 = tpu.vector_load %arg8[%get3A_655, %get3A_656, %get3A_657] {strides = array<i32>} : memref<2x512x32xf32, #tpu.memory_space<vmem>>, vector<16xf32>,
        %get3A_659 = arith.constant 0 : i32
        %get3A_660 = arith.index_cast %get3A_659 : i32 to index
        %get3A_661 = arith.index_cast %add3A_651 : i32 to index
        %get3A_662 = arith.constant 16 : index
        %get3A_663 = tpu.vector_load %arg8[%get3A_660, %get3A_661, %get3A_662] {strides = array<i32>} : memref<2x512x32xf32, #tpu.memory_space<vmem>>, vector<16xf32>,
        %get3A_664 = arith.index_cast %add3A_653 : i32 to index
        %get3A_665 = arith.constant 0 : index
        %get3A_666 = tpu.vector_load %arg10[%get3A_664, %get3A_665] {strides = array<i32>} : memref<64x32xf32, #tpu.memory_space<vmem>>, vector<16xf32>,
        %mul3A_667 = arith.mulf %get3A_666, %get3A_658 : vector<16xf32>
        %get3A_668 = arith.index_cast %add3A_653 : i32 to index
        %get3A_669 = arith.constant 16 : index
        %get3A_670 = tpu.vector_load %arg10[%get3A_668, %get3A_669] {strides = array<i32>} : memref<64x32xf32, #tpu.memory_space<vmem>>, vector<16xf32>,
        %mul3A_671 = arith.mulf %get3A_670, %get3A_663 : vector<16xf32>
        %add3A_672 = arith.addf %mul3A_667, %mul3A_671 : vector<16xf32>
        %reduce_sum3A_673 = arith.constant true
        %reduce_sum3A_674 = vector.broadcast %reduce_sum3A_673 : i1 to vector<16xi1>
        %reduce_sum3A_675 = tpu.scan <sum>, %add3A_672 masked %reduce_sum3A_674 : vector<16xf32>, vector<16xi1> -> vector<16xf32>
        %reduce_sum3A_676 = vector.extract %reduce_sum3A_675[15] : f32 from vector<16xf32>
        %eq3A_677 = arith.constant 1 : i32
        %eq3A_678 = vector.broadcast %eq3A_677 : i32 to vector<16xi32>
        %eq3A_679 = arith.cmpi eq, %iota3A, %eq3A_678 : vector<16xi32>
        %broadcast_in_dim3A_680 = vector.broadcast %reduce_sum3A_676 : f32 to vector<16xf32>
        %select_n3A_681 = arith.select %eq3A_679, %broadcast_in_dim3A_680, %select_n3A_649 : vector<16xi1>, vector<16xf32>
        %add3A_682 = arith.constant 2 : i32
        %add3A_683 = arith.addi %mul3A_606, %add3A_682 : i32
        %add3A_684 = arith.constant 2 : i32
        %add3A_685 = arith.addi %mul3A_618, %add3A_684 : i32
        %get3A_686 = arith.constant 0 : i32
        %get3A_687 = arith.index_cast %get3A_686 : i32 to index
        %get3A_688 = arith.index_cast %add3A_683 : i32 to index
        %get3A_689 = arith.constant 0 : index
        %get3A_690 = tpu.vector_load %arg8[%get3A_687, %get3A_688, %get3A_689] {strides = array<i32>} : memref<2x512x32xf32, #tpu.memory_space<vmem>>, vector<16xf32>,
        %get3A_691 = arith.constant 0 : i32
        %get3A_692 = arith.index_cast %get3A_691 : i32 to index
        %get3A_693 = arith.index_cast %add3A_683 : i32 to index
        %get3A_694 = arith.constant 16 : index
        %get3A_695 = tpu.vector_load %arg8[%get3A_692, %get3A_693, %get3A_694] {strides = array<i32>} : memref<2x512x32xf32, #tpu.memory_space<vmem>>, vector<16xf32>,
        %get3A_696 = arith.index_cast %add3A_685 : i32 to index
        %get3A_697 = arith.constant 0 : index
        %get3A_698 = tpu.vector_load %arg10[%get3A_696, %get3A_697] {strides = array<i32>} : memref<64x32xf32, #tpu.memory_space<vmem>>, vector<16xf32>,
        %mul3A_699 = arith.mulf %get3A_698, %get3A_690 : vector<16xf32>
        %get3A_700 = arith.index_cast %add3A_685 : i32 to index
        %get3A_701 = arith.constant 16 : index
        %get3A_702 = tpu.vector_load %arg10[%get3A_700, %get3A_701] {strides = array<i32>} : memref<64x32xf32, #tpu.memory_space<vmem>>, vector<16xf32>,
        %mul3A_703 = arith.mulf %get3A_702, %get3A_695 : vector<16xf32>
        %add3A_704 = arith.addf %mul3A_699, %mul3A_703 : vector<16xf32>
        %reduce_sum3A_705 = arith.constant true
        %reduce_sum3A_706 = vector.broadcast %reduce_sum3A_705 : i1 to vector<16xi1>
        %reduce_sum3A_707 = tpu.scan <sum>, %add3A_704 masked %reduce_sum3A_706 : vector<16xf32>, vector<16xi1> -> vector<16xf32>
        %reduce_sum3A_708 = vector.extract %reduce_sum3A_707[15] : f32 from vector<16xf32>
        %eq3A_709 = arith.constant 2 : i32
        %eq3A_710 = vector.broadcast %eq3A_709 : i32 to vector<16xi32>
        %eq3A_711 = arith.cmpi eq, %iota3A, %eq3A_710 : vector<16xi32>
        %broadcast_in_dim3A_712 = vector.broadcast %reduce_sum3A_708 : f32 to vector<16xf32>
        %select_n3A_713 = arith.select %eq3A_711, %broadcast_in_dim3A_712, %select_n3A_681 : vector<16xi1>, vector<16xf32>
        %add3A_714 = arith.constant 3 : i32
        %add3A_715 = arith.addi %mul3A_606, %add3A_714 : i32
        %add3A_716 = arith.constant 3 : i32
        %add3A_717 = arith.addi %mul3A_618, %add3A_716 : i32
        %get3A_718 = arith.constant 0 : i32
        %get3A_719 = arith.index_cast %get3A_718 : i32 to index
        %get3A_720 = arith.index_cast %add3A_715 : i32 to index
        %get3A_721 = arith.constant 0 : index
        %get3A_722 = tpu.vector_load %arg8[%get3A_719, %get3A_720, %get3A_721] {strides = array<i32>} : memref<2x512x32xf32, #tpu.memory_space<vmem>>, vector<16xf32>,
        %get3A_723 = arith.constant 0 : i32
        %get3A_724 = arith.index_cast %get3A_723 : i32 to index
        %get3A_725 = arith.index_cast %add3A_715 : i32 to index
        %get3A_726 = arith.constant 16 : index
        %get3A_727 = tpu.vector_load %arg8[%get3A_724, %get3A_725, %get3A_726] {strides = array<i32>} : memref<2x512x32xf32, #tpu.memory_space<vmem>>, vector<16xf32>,
        %get3A_728 = arith.index_cast %add3A_717 : i32 to index
        %get3A_729 = arith.constant 0 : index
        %get3A_730 = tpu.vector_load %arg10[%get3A_728, %get3A_729] {strides = array<i32>} : memref<64x32xf32, #tpu.memory_space<vmem>>, vector<16xf32>,
        %mul3A_731 = arith.mulf %get3A_730, %get3A_722 : vector<16xf32>
        %get3A_732 = arith.index_cast %add3A_717 : i32 to index
        %get3A_733 = arith.constant 16 : index
        %get3A_734 = tpu.vector_load %arg10[%get3A_732, %get3A_733] {strides = array<i32>} : memref<64x32xf32, #tpu.memory_space<vmem>>, vector<16xf32>,
        %mul3A_735 = arith.mulf %get3A_734, %get3A_727 : vector<16xf32>
        %add3A_736 = arith.addf %mul3A_731, %mul3A_735 : vector<16xf32>
        %reduce_sum3A_737 = arith.constant true
        %reduce_sum3A_738 = vector.broadcast %reduce_sum3A_737 : i1 to vector<16xi1>
        %reduce_sum3A_739 = tpu.scan <sum>, %add3A_736 masked %reduce_sum3A_738 : vector<16xf32>, vector<16xi1> -> vector<16xf32>
        %reduce_sum3A_740 = vector.extract %reduce_sum3A_739[15] : f32 from vector<16xf32>
        %eq3A_741 = arith.constant 3 : i32
        %eq3A_742 = vector.broadcast %eq3A_741 : i32 to vector<16xi32>
        %eq3A_743 = arith.cmpi eq, %iota3A, %eq3A_742 : vector<16xi32>
        %broadcast_in_dim3A_744 = vector.broadcast %reduce_sum3A_740 : f32 to vector<16xf32>
        %select_n3A_745 = arith.select %eq3A_743, %broadcast_in_dim3A_744, %select_n3A_713 : vector<16xi1>, vector<16xf32>
        %add3A_746 = arith.constant 4 : i32
        %add3A_747 = arith.addi %mul3A_606, %add3A_746 : i32
        %add3A_748 = arith.constant 4 : i32
        %add3A_749 = arith.addi %mul3A_618, %add3A_748 : i32
        %get3A_750 = arith.constant 0 : i32
        %get3A_751 = arith.index_cast %get3A_750 : i32 to index
        %get3A_752 = arith.index_cast %add3A_747 : i32 to index
        %get3A_753 = arith.constant 0 : index
        %get3A_754 = tpu.vector_load %arg8[%get3A_751, %get3A_752, %get3A_753] {strides = array<i32>} : memref<2x512x32xf32, #tpu.memory_space<vmem>>, vector<16xf32>,
        %get3A_755 = arith.constant 0 : i32
        %get3A_756 = arith.index_cast %get3A_755 : i32 to index
        %get3A_757 = arith.index_cast %add3A_747 : i32 to index
        %get3A_758 = arith.constant 16 : index
        %get3A_759 = tpu.vector_load %arg8[%get3A_756, %get3A_757, %get3A_758] {strides = array<i32>} : memref<2x512x32xf32, #tpu.memory_space<vmem>>, vector<16xf32>,
        %get3A_760 = arith.index_cast %add3A_749 : i32 to index
        %get3A_761 = arith.constant 0 : index
        %get3A_762 = tpu.vector_load %arg10[%get3A_760, %get3A_761] {strides = array<i32>} : memref<64x32xf32, #tpu.memory_space<vmem>>, vector<16xf32>,
        %mul3A_763 = arith.mulf %get3A_762, %get3A_754 : vector<16xf32>
        %get3A_764 = arith.index_cast %add3A_749 : i32 to index
        %get3A_765 = arith.constant 16 : index
        %get3A_766 = tpu.vector_load %arg10[%get3A_764, %get3A_765] {strides = array<i32>} : memref<64x32xf32, #tpu.memory_space<vmem>>, vector<16xf32>,
        %mul3A_767 = arith.mulf %get3A_766, %get3A_759 : vector<16xf32>
        %add3A_768 = arith.addf %mul3A_763, %mul3A_767 : vector<16xf32>
        %reduce_sum3A_769 = arith.constant true
        %reduce_sum3A_770 = vector.broadcast %reduce_sum3A_769 : i1 to vector<16xi1>
        %reduce_sum3A_771 = tpu.scan <sum>, %add3A_768 masked %reduce_sum3A_770 : vector<16xf32>, vector<16xi1> -> vector<16xf32>
        %reduce_sum3A_772 = vector.extract %reduce_sum3A_771[15] : f32 from vector<16xf32>
        %eq3A_773 = arith.constant 4 : i32
        %eq3A_774 = vector.broadcast %eq3A_773 : i32 to vector<16xi32>
        %eq3A_775 = arith.cmpi eq, %iota3A, %eq3A_774 : vector<16xi32>
        %broadcast_in_dim3A_776 = vector.broadcast %reduce_sum3A_772 : f32 to vector<16xf32>
        %select_n3A_777 = arith.select %eq3A_775, %broadcast_in_dim3A_776, %select_n3A_745 : vector<16xi1>, vector<16xf32>
        %add3A_778 = arith.constant 5 : i32
        %add3A_779 = arith.addi %mul3A_606, %add3A_778 : i32
        %add3A_780 = arith.constant 5 : i32
        %add3A_781 = arith.addi %mul3A_618, %add3A_780 : i32
        %get3A_782 = arith.constant 0 : i32
        %get3A_783 = arith.index_cast %get3A_782 : i32 to index
        %get3A_784 = arith.index_cast %add3A_779 : i32 to index
        %get3A_785 = arith.constant 0 : index
        %get3A_786 = tpu.vector_load %arg8[%get3A_783, %get3A_784, %get3A_785] {strides = array<i32>} : memref<2x512x32xf32, #tpu.memory_space<vmem>>, vector<16xf32>,
        %get3A_787 = arith.constant 0 : i32
        %get3A_788 = arith.index_cast %get3A_787 : i32 to index
        %get3A_789 = arith.index_cast %add3A_779 : i32 to index
        %get3A_790 = arith.constant 16 : index
        %get3A_791 = tpu.vector_load %arg8[%get3A_788, %get3A_789, %get3A_790] {strides = array<i32>} : memref<2x512x32xf32, #tpu.memory_space<vmem>>, vector<16xf32>,
        %get3A_792 = arith.index_cast %add3A_781 : i32 to index
        %get3A_793 = arith.constant 0 : index
        %get3A_794 = tpu.vector_load %arg10[%get3A_792, %get3A_793] {strides = array<i32>} : memref<64x32xf32, #tpu.memory_space<vmem>>, vector<16xf32>,
        %mul3A_795 = arith.mulf %get3A_794, %get3A_786 : vector<16xf32>
        %get3A_796 = arith.index_cast %add3A_781 : i32 to index
        %get3A_797 = arith.constant 16 : index
        %get3A_798 = tpu.vector_load %arg10[%get3A_796, %get3A_797] {strides = array<i32>} : memref<64x32xf32, #tpu.memory_space<vmem>>, vector<16xf32>,
        %mul3A_799 = arith.mulf %get3A_798, %get3A_791 : vector<16xf32>
        %add3A_800 = arith.addf %mul3A_795, %mul3A_799 : vector<16xf32>
        %reduce_sum3A_801 = arith.constant true
        %reduce_sum3A_802 = vector.broadcast %reduce_sum3A_801 : i1 to vector<16xi1>
        %reduce_sum3A_803 = tpu.scan <sum>, %add3A_800 masked %reduce_sum3A_802 : vector<16xf32>, vector<16xi1> -> vector<16xf32>
        %reduce_sum3A_804 = vector.extract %reduce_sum3A_803[15] : f32 from vector<16xf32>
        %eq3A_805 = arith.constant 5 : i32
        %eq3A_806 = vector.broadcast %eq3A_805 : i32 to vector<16xi32>
        %eq3A_807 = arith.cmpi eq, %iota3A, %eq3A_806 : vector<16xi32>
        %broadcast_in_dim3A_808 = vector.broadcast %reduce_sum3A_804 : f32 to vector<16xf32>
        %select_n3A_809 = arith.select %eq3A_807, %broadcast_in_dim3A_808, %select_n3A_777 : vector<16xi1>, vector<16xf32>
        %add3A_810 = arith.constant 6 : i32
        %add3A_811 = arith.addi %mul3A_606, %add3A_810 : i32
        %add3A_812 = arith.constant 6 : i32
        %add3A_813 = arith.addi %mul3A_618, %add3A_812 : i32
        %get3A_814 = arith.constant 0 : i32
        %get3A_815 = arith.index_cast %get3A_814 : i32 to index
        %get3A_816 = arith.index_cast %add3A_811 : i32 to index
        %get3A_817 = arith.constant 0 : index
        %get3A_818 = tpu.vector_load %arg8[%get3A_815, %get3A_816, %get3A_817] {strides = array<i32>} : memref<2x512x32xf32, #tpu.memory_space<vmem>>, vector<16xf32>,
        %get3A_819 = arith.constant 0 : i32
        %get3A_820 = arith.index_cast %get3A_819 : i32 to index
        %get3A_821 = arith.index_cast %add3A_811 : i32 to index
        %get3A_822 = arith.constant 16 : index
        %get3A_823 = tpu.vector_load %arg8[%get3A_820, %get3A_821, %get3A_822] {strides = array<i32>} : memref<2x512x32xf32, #tpu.memory_space<vmem>>, vector<16xf32>,
        %get3A_824 = arith.index_cast %add3A_813 : i32 to index
        %get3A_825 = arith.constant 0 : index
        %get3A_826 = tpu.vector_load %arg10[%get3A_824, %get3A_825] {strides = array<i32>} : memref<64x32xf32, #tpu.memory_space<vmem>>, vector<16xf32>,
        %mul3A_827 = arith.mulf %get3A_826, %get3A_818 : vector<16xf32>
        %get3A_828 = arith.index_cast %add3A_813 : i32 to index
        %get3A_829 = arith.constant 16 : index
        %get3A_830 = tpu.vector_load %arg10[%get3A_828, %get3A_829] {strides = array<i32>} : memref<64x32xf32, #tpu.memory_space<vmem>>, vector<16xf32>,
        %mul3A_831 = arith.mulf %get3A_830, %get3A_823 : vector<16xf32>
        %add3A_832 = arith.addf %mul3A_827, %mul3A_831 : vector<16xf32>
        %reduce_sum3A_833 = arith.constant true
        %reduce_sum3A_834 = vector.broadcast %reduce_sum3A_833 : i1 to vector<16xi1>
        %reduce_sum3A_835 = tpu.scan <sum>, %add3A_832 masked %reduce_sum3A_834 : vector<16xf32>, vector<16xi1> -> vector<16xf32>
        %reduce_sum3A_836 = vector.extract %reduce_sum3A_835[15] : f32 from vector<16xf32>
        %eq3A_837 = arith.constant 6 : i32
        %eq3A_838 = vector.broadcast %eq3A_837 : i32 to vector<16xi32>
        %eq3A_839 = arith.cmpi eq, %iota3A, %eq3A_838 : vector<16xi32>
        %broadcast_in_dim3A_840 = vector.broadcast %reduce_sum3A_836 : f32 to vector<16xf32>
        %select_n3A_841 = arith.select %eq3A_839, %broadcast_in_dim3A_840, %select_n3A_809 : vector<16xi1>, vector<16xf32>
        %add3A_842 = arith.constant 7 : i32
        %add3A_843 = arith.addi %mul3A_606, %add3A_842 : i32
        %add3A_844 = arith.constant 7 : i32
        %add3A_845 = arith.addi %mul3A_618, %add3A_844 : i32
        %get3A_846 = arith.constant 0 : i32
        %get3A_847 = arith.index_cast %get3A_846 : i32 to index
        %get3A_848 = arith.index_cast %add3A_843 : i32 to index
        %get3A_849 = arith.constant 0 : index
        %get3A_850 = tpu.vector_load %arg8[%get3A_847, %get3A_848, %get3A_849] {strides = array<i32>} : memref<2x512x32xf32, #tpu.memory_space<vmem>>, vector<16xf32>,
        %get3A_851 = arith.constant 0 : i32
        %get3A_852 = arith.index_cast %get3A_851 : i32 to index
        %get3A_853 = arith.index_cast %add3A_843 : i32 to index
        %get3A_854 = arith.constant 16 : index
        %get3A_855 = tpu.vector_load %arg8[%get3A_852, %get3A_853, %get3A_854] {strides = array<i32>} : memref<2x512x32xf32, #tpu.memory_space<vmem>>, vector<16xf32>,
        %get3A_856 = arith.index_cast %add3A_845 : i32 to index
        %get3A_857 = arith.constant 0 : index
        %get3A_858 = tpu.vector_load %arg10[%get3A_856, %get3A_857] {strides = array<i32>} : memref<64x32xf32, #tpu.memory_space<vmem>>, vector<16xf32>,
        %mul3A_859 = arith.mulf %get3A_858, %get3A_850 : vector<16xf32>
        %get3A_860 = arith.index_cast %add3A_845 : i32 to index
        %get3A_861 = arith.constant 16 : index
        %get3A_862 = tpu.vector_load %arg10[%get3A_860, %get3A_861] {strides = array<i32>} : memref<64x32xf32, #tpu.memory_space<vmem>>, vector<16xf32>,
        %mul3A_863 = arith.mulf %get3A_862, %get3A_855 : vector<16xf32>
        %add3A_864 = arith.addf %mul3A_859, %mul3A_863 : vector<16xf32>
        %reduce_sum3A_865 = arith.constant true
        %reduce_sum3A_866 = vector.broadcast %reduce_sum3A_865 : i1 to vector<16xi1>
        %reduce_sum3A_867 = tpu.scan <sum>, %add3A_864 masked %reduce_sum3A_866 : vector<16xf32>, vector<16xi1> -> vector<16xf32>
        %reduce_sum3A_868 = vector.extract %reduce_sum3A_867[15] : f32 from vector<16xf32>
        %eq3A_869 = arith.constant 7 : i32
        %eq3A_870 = vector.broadcast %eq3A_869 : i32 to vector<16xi32>
        %eq3A_871 = arith.cmpi eq, %iota3A, %eq3A_870 : vector<16xi32>
        %broadcast_in_dim3A_872 = vector.broadcast %reduce_sum3A_868 : f32 to vector<16xf32>
        %select_n3A_873 = arith.select %eq3A_871, %broadcast_in_dim3A_872, %select_n3A_841 : vector<16xi1>, vector<16xf32>
        %add3A_874 = arith.constant 8 : i32
        %add3A_875 = arith.addi %mul3A_606, %add3A_874 : i32
        %add3A_876 = arith.constant 8 : i32
        %add3A_877 = arith.addi %mul3A_618, %add3A_876 : i32
        %get3A_878 = arith.constant 0 : i32
        %get3A_879 = arith.index_cast %get3A_878 : i32 to index
        %get3A_880 = arith.index_cast %add3A_875 : i32 to index
        %get3A_881 = arith.constant 0 : index
        %get3A_882 = tpu.vector_load %arg8[%get3A_879, %get3A_880, %get3A_881] {strides = array<i32>} : memref<2x512x32xf32, #tpu.memory_space<vmem>>, vector<16xf32>,
        %get3A_883 = arith.constant 0 : i32
        %get3A_884 = arith.index_cast %get3A_883 : i32 to index
        %get3A_885 = arith.index_cast %add3A_875 : i32 to index
        %get3A_886 = arith.constant 16 : index
        %get3A_887 = tpu.vector_load %arg8[%get3A_884, %get3A_885, %get3A_886] {strides = array<i32>} : memref<2x512x32xf32, #tpu.memory_space<vmem>>, vector<16xf32>,
        %get3A_888 = arith.index_cast %add3A_877 : i32 to index
        %get3A_889 = arith.constant 0 : index
        %get3A_890 = tpu.vector_load %arg10[%get3A_888, %get3A_889] {strides = array<i32>} : memref<64x32xf32, #tpu.memory_space<vmem>>, vector<16xf32>,
        %mul3A_891 = arith.mulf %get3A_890, %get3A_882 : vector<16xf32>
        %get3A_892 = arith.index_cast %add3A_877 : i32 to index
        %get3A_893 = arith.constant 16 : index
        %get3A_894 = tpu.vector_load %arg10[%get3A_892, %get3A_893] {strides = array<i32>} : memref<64x32xf32, #tpu.memory_space<vmem>>, vector<16xf32>,
        %mul3A_895 = arith.mulf %get3A_894, %get3A_887 : vector<16xf32>
        %add3A_896 = arith.addf %mul3A_891, %mul3A_895 : vector<16xf32>
        %reduce_sum3A_897 = arith.constant true
        %reduce_sum3A_898 = vector.broadcast %reduce_sum3A_897 : i1 to vector<16xi1>
        %reduce_sum3A_899 = tpu.scan <sum>, %add3A_896 masked %reduce_sum3A_898 : vector<16xf32>, vector<16xi1> -> vector<16xf32>
        %reduce_sum3A_900 = vector.extract %reduce_sum3A_899[15] : f32 from vector<16xf32>
        %eq3A_901 = arith.constant 8 : i32
        %eq3A_902 = vector.broadcast %eq3A_901 : i32 to vector<16xi32>
        %eq3A_903 = arith.cmpi eq, %iota3A, %eq3A_902 : vector<16xi32>
        %broadcast_in_dim3A_904 = vector.broadcast %reduce_sum3A_900 : f32 to vector<16xf32>
        %select_n3A_905 = arith.select %eq3A_903, %broadcast_in_dim3A_904, %select_n3A_873 : vector<16xi1>, vector<16xf32>
        %add3A_906 = arith.constant 9 : i32
        %add3A_907 = arith.addi %mul3A_606, %add3A_906 : i32
        %add3A_908 = arith.constant 9 : i32
        %add3A_909 = arith.addi %mul3A_618, %add3A_908 : i32
        %get3A_910 = arith.constant 0 : i32
        %get3A_911 = arith.index_cast %get3A_910 : i32 to index
        %get3A_912 = arith.index_cast %add3A_907 : i32 to index
        %get3A_913 = arith.constant 0 : index
        %get3A_914 = tpu.vector_load %arg8[%get3A_911, %get3A_912, %get3A_913] {strides = array<i32>} : memref<2x512x32xf32, #tpu.memory_space<vmem>>, vector<16xf32>,
        %get3A_915 = arith.constant 0 : i32
        %get3A_916 = arith.index_cast %get3A_915 : i32 to index
        %get3A_917 = arith.index_cast %add3A_907 : i32 to index
        %get3A_918 = arith.constant 16 : index
        %get3A_919 = tpu.vector_load %arg8[%get3A_916, %get3A_917, %get3A_918] {strides = array<i32>} : memref<2x512x32xf32, #tpu.memory_space<vmem>>, vector<16xf32>,
        %get3A_920 = arith.index_cast %add3A_909 : i32 to index
        %get3A_921 = arith.constant 0 : index
        %get3A_922 = tpu.vector_load %arg10[%get3A_920, %get3A_921] {strides = array<i32>} : memref<64x32xf32, #tpu.memory_space<vmem>>, vector<16xf32>,
        %mul3A_923 = arith.mulf %get3A_922, %get3A_914 : vector<16xf32>
        %get3A_924 = arith.index_cast %add3A_909 : i32 to index
        %get3A_925 = arith.constant 16 : index
        %get3A_926 = tpu.vector_load %arg10[%get3A_924, %get3A_925] {strides = array<i32>} : memref<64x32xf32, #tpu.memory_space<vmem>>, vector<16xf32>,
        %mul3A_927 = arith.mulf %get3A_926, %get3A_919 : vector<16xf32>
        %add3A_928 = arith.addf %mul3A_923, %mul3A_927 : vector<16xf32>
        %reduce_sum3A_929 = arith.constant true
        %reduce_sum3A_930 = vector.broadcast %reduce_sum3A_929 : i1 to vector<16xi1>
        %reduce_sum3A_931 = tpu.scan <sum>, %add3A_928 masked %reduce_sum3A_930 : vector<16xf32>, vector<16xi1> -> vector<16xf32>
        %reduce_sum3A_932 = vector.extract %reduce_sum3A_931[15] : f32 from vector<16xf32>
        %eq3A_933 = arith.constant 9 : i32
        %eq3A_934 = vector.broadcast %eq3A_933 : i32 to vector<16xi32>
        %eq3A_935 = arith.cmpi eq, %iota3A, %eq3A_934 : vector<16xi32>
        %broadcast_in_dim3A_936 = vector.broadcast %reduce_sum3A_932 : f32 to vector<16xf32>
        %select_n3A_937 = arith.select %eq3A_935, %broadcast_in_dim3A_936, %select_n3A_905 : vector<16xi1>, vector<16xf32>
        %add3A_938 = arith.constant 10 : i32
        %add3A_939 = arith.addi %mul3A_606, %add3A_938 : i32
        %add3A_940 = arith.constant 10 : i32
        %add3A_941 = arith.addi %mul3A_618, %add3A_940 : i32
        %get3A_942 = arith.constant 0 : i32
        %get3A_943 = arith.index_cast %get3A_942 : i32 to index
        %get3A_944 = arith.index_cast %add3A_939 : i32 to index
        %get3A_945 = arith.constant 0 : index
        %get3A_946 = tpu.vector_load %arg8[%get3A_943, %get3A_944, %get3A_945] {strides = array<i32>} : memref<2x512x32xf32, #tpu.memory_space<vmem>>, vector<16xf32>,
        %get3A_947 = arith.constant 0 : i32
        %get3A_948 = arith.index_cast %get3A_947 : i32 to index
        %get3A_949 = arith.index_cast %add3A_939 : i32 to index
        %get3A_950 = arith.constant 16 : index
        %get3A_951 = tpu.vector_load %arg8[%get3A_948, %get3A_949, %get3A_950] {strides = array<i32>} : memref<2x512x32xf32, #tpu.memory_space<vmem>>, vector<16xf32>,
        %get3A_952 = arith.index_cast %add3A_941 : i32 to index
        %get3A_953 = arith.constant 0 : index
        %get3A_954 = tpu.vector_load %arg10[%get3A_952, %get3A_953] {strides = array<i32>} : memref<64x32xf32, #tpu.memory_space<vmem>>, vector<16xf32>,
        %mul3A_955 = arith.mulf %get3A_954, %get3A_946 : vector<16xf32>
        %get3A_956 = arith.index_cast %add3A_941 : i32 to index
        %get3A_957 = arith.constant 16 : index
        %get3A_958 = tpu.vector_load %arg10[%get3A_956, %get3A_957] {strides = array<i32>} : memref<64x32xf32, #tpu.memory_space<vmem>>, vector<16xf32>,
        %mul3A_959 = arith.mulf %get3A_958, %get3A_951 : vector<16xf32>
        %add3A_960 = arith.addf %mul3A_955, %mul3A_959 : vector<16xf32>
        %reduce_sum3A_961 = arith.constant true
        %reduce_sum3A_962 = vector.broadcast %reduce_sum3A_961 : i1 to vector<16xi1>
        %reduce_sum3A_963 = tpu.scan <sum>, %add3A_960 masked %reduce_sum3A_962 : vector<16xf32>, vector<16xi1> -> vector<16xf32>
        %reduce_sum3A_964 = vector.extract %reduce_sum3A_963[15] : f32 from vector<16xf32>
        %eq3A_965 = arith.constant 10 : i32
        %eq3A_966 = vector.broadcast %eq3A_965 : i32 to vector<16xi32>
        %eq3A_967 = arith.cmpi eq, %iota3A, %eq3A_966 : vector<16xi32>
        %broadcast_in_dim3A_968 = vector.broadcast %reduce_sum3A_964 : f32 to vector<16xf32>
        %select_n3A_969 = arith.select %eq3A_967, %broadcast_in_dim3A_968, %select_n3A_937 : vector<16xi1>, vector<16xf32>
        %add3A_970 = arith.constant 11 : i32
        %add3A_971 = arith.addi %mul3A_606, %add3A_970 : i32
        %add3A_972 = arith.constant 11 : i32
        %add3A_973 = arith.addi %mul3A_618, %add3A_972 : i32
        %get3A_974 = arith.constant 0 : i32
        %get3A_975 = arith.index_cast %get3A_974 : i32 to index
        %get3A_976 = arith.index_cast %add3A_971 : i32 to index
        %get3A_977 = arith.constant 0 : index
        %get3A_978 = tpu.vector_load %arg8[%get3A_975, %get3A_976, %get3A_977] {strides = array<i32>} : memref<2x512x32xf32, #tpu.memory_space<vmem>>, vector<16xf32>,
        %get3A_979 = arith.constant 0 : i32
        %get3A_980 = arith.index_cast %get3A_979 : i32 to index
        %get3A_981 = arith.index_cast %add3A_971 : i32 to index
        %get3A_982 = arith.constant 16 : index
        %get3A_983 = tpu.vector_load %arg8[%get3A_980, %get3A_981, %get3A_982] {strides = array<i32>} : memref<2x512x32xf32, #tpu.memory_space<vmem>>, vector<16xf32>,
        %get3A_984 = arith.index_cast %add3A_973 : i32 to index
        %get3A_985 = arith.constant 0 : index
        %get3A_986 = tpu.vector_load %arg10[%get3A_984, %get3A_985] {strides = array<i32>} : memref<64x32xf32, #tpu.memory_space<vmem>>, vector<16xf32>,
        %mul3A_987 = arith.mulf %get3A_986, %get3A_978 : vector<16xf32>
        %get3A_988 = arith.index_cast %add3A_973 : i32 to index
        %get3A_989 = arith.constant 16 : index
        %get3A_990 = tpu.vector_load %arg10[%get3A_988, %get3A_989] {strides = array<i32>} : memref<64x32xf32, #tpu.memory_space<vmem>>, vector<16xf32>,
        %mul3A_991 = arith.mulf %get3A_990, %get3A_983 : vector<16xf32>
        %add3A_992 = arith.addf %mul3A_987, %mul3A_991 : vector<16xf32>
        %reduce_sum3A_993 = arith.constant true
        %reduce_sum3A_994 = vector.broadcast %reduce_sum3A_993 : i1 to vector<16xi1>
        %reduce_sum3A_995 = tpu.scan <sum>, %add3A_992 masked %reduce_sum3A_994 : vector<16xf32>, vector<16xi1> -> vector<16xf32>
        %reduce_sum3A_996 = vector.extract %reduce_sum3A_995[15] : f32 from vector<16xf32>
        %eq3A_997 = arith.constant 11 : i32
        %eq3A_998 = vector.broadcast %eq3A_997 : i32 to vector<16xi32>
        %eq3A_999 = arith.cmpi eq, %iota3A, %eq3A_998 : vector<16xi32>
        %broadcast_in_dim3A_1000 = vector.broadcast %reduce_sum3A_996 : f32 to vector<16xf32>
        %select_n3A_1001 = arith.select %eq3A_999, %broadcast_in_dim3A_1000, %select_n3A_969 : vector<16xi1>, vector<16xf32>
        %add3A_1002 = arith.constant 12 : i32
        %add3A_1003 = arith.addi %mul3A_606, %add3A_1002 : i32
        %add3A_1004 = arith.constant 12 : i32
        %add3A_1005 = arith.addi %mul3A_618, %add3A_1004 : i32
        %get3A_1006 = arith.constant 0 : i32
        %get3A_1007 = arith.index_cast %get3A_1006 : i32 to index
        %get3A_1008 = arith.index_cast %add3A_1003 : i32 to index
        %get3A_1009 = arith.constant 0 : index
        %get3A_1010 = tpu.vector_load %arg8[%get3A_1007, %get3A_1008, %get3A_1009] {strides = array<i32>} : memref<2x512x32xf32, #tpu.memory_space<vmem>>, vector<16xf32>,
        %get3A_1011 = arith.constant 0 : i32
        %get3A_1012 = arith.index_cast %get3A_1011 : i32 to index
        %get3A_1013 = arith.index_cast %add3A_1003 : i32 to index
        %get3A_1014 = arith.constant 16 : index
        %get3A_1015 = tpu.vector_load %arg8[%get3A_1012, %get3A_1013, %get3A_1014] {strides = array<i32>} : memref<2x512x32xf32, #tpu.memory_space<vmem>>, vector<16xf32>,
        %get3A_1016 = arith.index_cast %add3A_1005 : i32 to index
        %get3A_1017 = arith.constant 0 : index
        %get3A_1018 = tpu.vector_load %arg10[%get3A_1016, %get3A_1017] {strides = array<i32>} : memref<64x32xf32, #tpu.memory_space<vmem>>, vector<16xf32>,
        %mul3A_1019 = arith.mulf %get3A_1018, %get3A_1010 : vector<16xf32>
        %get3A_1020 = arith.index_cast %add3A_1005 : i32 to index
        %get3A_1021 = arith.constant 16 : index
        %get3A_1022 = tpu.vector_load %arg10[%get3A_1020, %get3A_1021] {strides = array<i32>} : memref<64x32xf32, #tpu.memory_space<vmem>>, vector<16xf32>,
        %mul3A_1023 = arith.mulf %get3A_1022, %get3A_1015 : vector<16xf32>
        %add3A_1024 = arith.addf %mul3A_1019, %mul3A_1023 : vector<16xf32>
        %reduce_sum3A_1025 = arith.constant true
        %reduce_sum3A_1026 = vector.broadcast %reduce_sum3A_1025 : i1 to vector<16xi1>
        %reduce_sum3A_1027 = tpu.scan <sum>, %add3A_1024 masked %reduce_sum3A_1026 : vector<16xf32>, vector<16xi1> -> vector<16xf32>
        %reduce_sum3A_1028 = vector.extract %reduce_sum3A_1027[15] : f32 from vector<16xf32>
        %eq3A_1029 = arith.constant 12 : i32
        %eq3A_1030 = vector.broadcast %eq3A_1029 : i32 to vector<16xi32>
        %eq3A_1031 = arith.cmpi eq, %iota3A, %eq3A_1030 : vector<16xi32>
        %broadcast_in_dim3A_1032 = vector.broadcast %reduce_sum3A_1028 : f32 to vector<16xf32>
        %select_n3A_1033 = arith.select %eq3A_1031, %broadcast_in_dim3A_1032, %select_n3A_1001 : vector<16xi1>, vector<16xf32>
        %add3A_1034 = arith.constant 13 : i32
        %add3A_1035 = arith.addi %mul3A_606, %add3A_1034 : i32
        %add3A_1036 = arith.constant 13 : i32
        %add3A_1037 = arith.addi %mul3A_618, %add3A_1036 : i32
        %get3A_1038 = arith.constant 0 : i32
        %get3A_1039 = arith.index_cast %get3A_1038 : i32 to index
        %get3A_1040 = arith.index_cast %add3A_1035 : i32 to index
        %get3A_1041 = arith.constant 0 : index
        %get3A_1042 = tpu.vector_load %arg8[%get3A_1039, %get3A_1040, %get3A_1041] {strides = array<i32>} : memref<2x512x32xf32, #tpu.memory_space<vmem>>, vector<16xf32>,
        %get3A_1043 = arith.constant 0 : i32
        %get3A_1044 = arith.index_cast %get3A_1043 : i32 to index
        %get3A_1045 = arith.index_cast %add3A_1035 : i32 to index
        %get3A_1046 = arith.constant 16 : index
        %get3A_1047 = tpu.vector_load %arg8[%get3A_1044, %get3A_1045, %get3A_1046] {strides = array<i32>} : memref<2x512x32xf32, #tpu.memory_space<vmem>>, vector<16xf32>,
        %get3A_1048 = arith.index_cast %add3A_1037 : i32 to index
        %get3A_1049 = arith.constant 0 : index
        %get3A_1050 = tpu.vector_load %arg10[%get3A_1048, %get3A_1049] {strides = array<i32>} : memref<64x32xf32, #tpu.memory_space<vmem>>, vector<16xf32>,
        %mul3A_1051 = arith.mulf %get3A_1050, %get3A_1042 : vector<16xf32>
        %get3A_1052 = arith.index_cast %add3A_1037 : i32 to index
        %get3A_1053 = arith.constant 16 : index
        %get3A_1054 = tpu.vector_load %arg10[%get3A_1052, %get3A_1053] {strides = array<i32>} : memref<64x32xf32, #tpu.memory_space<vmem>>, vector<16xf32>,
        %mul3A_1055 = arith.mulf %get3A_1054, %get3A_1047 : vector<16xf32>
        %add3A_1056 = arith.addf %mul3A_1051, %mul3A_1055 : vector<16xf32>
        %reduce_sum3A_1057 = arith.constant true
        %reduce_sum3A_1058 = vector.broadcast %reduce_sum3A_1057 : i1 to vector<16xi1>
        %reduce_sum3A_1059 = tpu.scan <sum>, %add3A_1056 masked %reduce_sum3A_1058 : vector<16xf32>, vector<16xi1> -> vector<16xf32>
        %reduce_sum3A_1060 = vector.extract %reduce_sum3A_1059[15] : f32 from vector<16xf32>
        %eq3A_1061 = arith.constant 13 : i32
        %eq3A_1062 = vector.broadcast %eq3A_1061 : i32 to vector<16xi32>
        %eq3A_1063 = arith.cmpi eq, %iota3A, %eq3A_1062 : vector<16xi32>
        %broadcast_in_dim3A_1064 = vector.broadcast %reduce_sum3A_1060 : f32 to vector<16xf32>
        %select_n3A_1065 = arith.select %eq3A_1063, %broadcast_in_dim3A_1064, %select_n3A_1033 : vector<16xi1>, vector<16xf32>
        %add3A_1066 = arith.constant 14 : i32
        %add3A_1067 = arith.addi %mul3A_606, %add3A_1066 : i32
        %add3A_1068 = arith.constant 14 : i32
        %add3A_1069 = arith.addi %mul3A_618, %add3A_1068 : i32
        %get3A_1070 = arith.constant 0 : i32
        %get3A_1071 = arith.index_cast %get3A_1070 : i32 to index
        %get3A_1072 = arith.index_cast %add3A_1067 : i32 to index
        %get3A_1073 = arith.constant 0 : index
        %get3A_1074 = tpu.vector_load %arg8[%get3A_1071, %get3A_1072, %get3A_1073] {strides = array<i32>} : memref<2x512x32xf32, #tpu.memory_space<vmem>>, vector<16xf32>,
        %get3A_1075 = arith.constant 0 : i32
        %get3A_1076 = arith.index_cast %get3A_1075 : i32 to index
        %get3A_1077 = arith.index_cast %add3A_1067 : i32 to index
        %get3A_1078 = arith.constant 16 : index
        %get3A_1079 = tpu.vector_load %arg8[%get3A_1076, %get3A_1077, %get3A_1078] {strides = array<i32>} : memref<2x512x32xf32, #tpu.memory_space<vmem>>, vector<16xf32>,
        %get3A_1080 = arith.index_cast %add3A_1069 : i32 to index
        %get3A_1081 = arith.constant 0 : index
        %get3A_1082 = tpu.vector_load %arg10[%get3A_1080, %get3A_1081] {strides = array<i32>} : memref<64x32xf32, #tpu.memory_space<vmem>>, vector<16xf32>,
        %mul3A_1083 = arith.mulf %get3A_1082, %get3A_1074 : vector<16xf32>
        %get3A_1084 = arith.index_cast %add3A_1069 : i32 to index
        %get3A_1085 = arith.constant 16 : index
        %get3A_1086 = tpu.vector_load %arg10[%get3A_1084, %get3A_1085] {strides = array<i32>} : memref<64x32xf32, #tpu.memory_space<vmem>>, vector<16xf32>,
        %mul3A_1087 = arith.mulf %get3A_1086, %get3A_1079 : vector<16xf32>
        %add3A_1088 = arith.addf %mul3A_1083, %mul3A_1087 : vector<16xf32>
        %reduce_sum3A_1089 = arith.constant true
        %reduce_sum3A_1090 = vector.broadcast %reduce_sum3A_1089 : i1 to vector<16xi1>
        %reduce_sum3A_1091 = tpu.scan <sum>, %add3A_1088 masked %reduce_sum3A_1090 : vector<16xf32>, vector<16xi1> -> vector<16xf32>
        %reduce_sum3A_1092 = vector.extract %reduce_sum3A_1091[15] : f32 from vector<16xf32>
        %eq3A_1093 = arith.constant 14 : i32
        %eq3A_1094 = vector.broadcast %eq3A_1093 : i32 to vector<16xi32>
        %eq3A_1095 = arith.cmpi eq, %iota3A, %eq3A_1094 : vector<16xi32>
        %broadcast_in_dim3A_1096 = vector.broadcast %reduce_sum3A_1092 : f32 to vector<16xf32>
        %select_n3A_1097 = arith.select %eq3A_1095, %broadcast_in_dim3A_1096, %select_n3A_1065 : vector<16xi1>, vector<16xf32>
        %add3A_1098 = arith.constant 15 : i32
        %add3A_1099 = arith.addi %mul3A_606, %add3A_1098 : i32
        %add3A_1100 = arith.constant 15 : i32
        %add3A_1101 = arith.addi %mul3A_618, %add3A_1100 : i32
        %get3A_1102 = arith.constant 0 : i32
        %get3A_1103 = arith.index_cast %get3A_1102 : i32 to index
        %get3A_1104 = arith.index_cast %add3A_1099 : i32 to index
        %get3A_1105 = arith.constant 0 : index
        %get3A_1106 = tpu.vector_load %arg8[%get3A_1103, %get3A_1104, %get3A_1105] {strides = array<i32>} : memref<2x512x32xf32, #tpu.memory_space<vmem>>, vector<16xf32>,
        %get3A_1107 = arith.constant 0 : i32
        %get3A_1108 = arith.index_cast %get3A_1107 : i32 to index
        %get3A_1109 = arith.index_cast %add3A_1099 : i32 to index
        %get3A_1110 = arith.constant 16 : index
        %get3A_1111 = tpu.vector_load %arg8[%get3A_1108, %get3A_1109, %get3A_1110] {strides = array<i32>} : memref<2x512x32xf32, #tpu.memory_space<vmem>>, vector<16xf32>,
        %get3A_1112 = arith.index_cast %add3A_1101 : i32 to index
        %get3A_1113 = arith.constant 0 : index
        %get3A_1114 = tpu.vector_load %arg10[%get3A_1112, %get3A_1113] {strides = array<i32>} : memref<64x32xf32, #tpu.memory_space<vmem>>, vector<16xf32>,
        %mul3A_1115 = arith.mulf %get3A_1114, %get3A_1106 : vector<16xf32>
        %get3A_1116 = arith.index_cast %add3A_1101 : i32 to index
        %get3A_1117 = arith.constant 16 : index
        %get3A_1118 = tpu.vector_load %arg10[%get3A_1116, %get3A_1117] {strides = array<i32>} : memref<64x32xf32, #tpu.memory_space<vmem>>, vector<16xf32>,
        %mul3A_1119 = arith.mulf %get3A_1118, %get3A_1111 : vector<16xf32>
        %add3A_1120 = arith.addf %mul3A_1115, %mul3A_1119 : vector<16xf32>
        %reduce_sum3A_1121 = arith.constant true
        %reduce_sum3A_1122 = vector.broadcast %reduce_sum3A_1121 : i1 to vector<16xi1>
        %reduce_sum3A_1123 = tpu.scan <sum>, %add3A_1120 masked %reduce_sum3A_1122 : vector<16xf32>, vector<16xi1> -> vector<16xf32>
        %reduce_sum3A_1124 = vector.extract %reduce_sum3A_1123[15] : f32 from vector<16xf32>
        %eq3A_1125 = arith.constant 15 : i32
        %eq3A_1126 = vector.broadcast %eq3A_1125 : i32 to vector<16xi32>
        %eq3A_1127 = arith.cmpi eq, %iota3A, %eq3A_1126 : vector<16xi32>
        %broadcast_in_dim3A_1128 = vector.broadcast %reduce_sum3A_1124 : f32 to vector<16xf32>
        %select_n3A_1129 = arith.select %eq3A_1127, %broadcast_in_dim3A_1128, %select_n3A_1097 : vector<16xi1>, vector<16xf32>
        %jit3A_1130 = arith.constant 4 : i32
        %eq3A_1131 = arith.constant 0 : i32
        %eq3A_1132 = arith.cmpi eq, %jit3A_1130, %eq3A_1131 : i32
        %jit3A_1133 = arith.constant 1 : i32
        %select_n3A_1134 = arith.select %eq3A_1132, %jit3A_1133, %jit3A_1130 : i32
        %rem3A_1135 = arith.remsi %scan3A_604, %select_n3A_1134 : i32
        %ne3A_1136 = arith.constant 0 : i32
        %ne3A_1137 = arith.cmpi ne, %rem3A_1135, %ne3A_1136 : i32
        %lt3A_1138 = arith.constant 0 : i32
        %lt3A_1139 = arith.cmpi slt, %rem3A_1135, %lt3A_1138 : i32
        %lt3A_1140 = arith.constant 0 : i32
        %lt3A_1141 = arith.cmpi slt, %select_n3A_1134, %lt3A_1140 : i32
        %ne3A_1142 = arith.xori %lt3A_1139, %lt3A_1141 : i1
        %and3A_1143 = arith.andi %ne3A_1142, %ne3A_1137 : i1
        %add3A_1144 = arith.addi %rem3A_1135, %select_n3A_1134 : i32
        %select_n3A_1145 = arith.select %and3A_1143, %add3A_1144, %rem3A_1135 : i32
        %jit3A_1146 = arith.constant 128 : i32
        %div3A = arith.divsi %mul3A_606, %jit3A_1146 : i32
        %sign3A = arith.constant 0 : i32
        %sign3A_1147 = arith.cmpi sgt, %mul3A_606, %sign3A : i32
        %sign3A_1148 = arith.extui %sign3A_1147 : i1 to i32
        %sign3A_1149 = arith.constant 0 : i32
        %sign3A_1150 = arith.cmpi slt, %mul3A_606, %sign3A_1149 : i32
        %sign3A_1151 = arith.extui %sign3A_1150 : i1 to i32
        %sign3A_1152 = arith.subi %sign3A_1148, %sign3A_1151 : i32
        %sign3A_1153 = arith.constant 0 : i32
        %sign3A_1154 = arith.cmpi sgt, %jit3A_1146, %sign3A_1153 : i32
        %sign3A_1155 = arith.extui %sign3A_1154 : i1 to i32
        %sign3A_1156 = arith.constant 0 : i32
        %sign3A_1157 = arith.cmpi slt, %jit3A_1146, %sign3A_1156 : i32
        %sign3A_1158 = arith.extui %sign3A_1157 : i1 to i32
        %sign3A_1159 = arith.subi %sign3A_1155, %sign3A_1158 : i32
        %ne3A_1160 = arith.cmpi ne, %sign3A_1152, %sign3A_1159 : i32
        %rem3A_1161 = arith.remsi %mul3A_606, %jit3A_1146 : i32
        %ne3A_1162 = arith.constant 0 : i32
        %ne3A_1163 = arith.cmpi ne, %rem3A_1161, %ne3A_1162 : i32
        %and3A_1164 = arith.andi %ne3A_1160, %ne3A_1163 : i1
        %sub3A = arith.constant 1 : i32
        %sub3A_1165 = arith.subi %div3A, %sub3A : i32
        %select_n3A_1166 = arith.select %and3A_1164, %sub3A_1165, %div3A : i32
        %mul3A_1167 = arith.constant 1024 : i32
        %mul3A_1168 = arith.muli %select_n3A_1166, %mul3A_1167 : i32
        %jit3A_1169 = arith.constant 128 : i32
        %eq3A_1170 = arith.constant 0 : i32
        %eq3A_1171 = arith.cmpi eq, %jit3A_1169, %eq3A_1170 : i32
        %jit3A_1172 = arith.constant 1 : i32
        %select_n3A_1173 = arith.select %eq3A_1171, %jit3A_1172, %jit3A_1169 : i32
        %rem3A_1174 = arith.remsi %mul3A_606, %select_n3A_1173 : i32
        %ne3A_1175 = arith.constant 0 : i32
        %ne3A_1176 = arith.cmpi ne, %rem3A_1174, %ne3A_1175 : i32
        %lt3A_1177 = arith.constant 0 : i32
        %lt3A_1178 = arith.cmpi slt, %rem3A_1174, %lt3A_1177 : i32
        %lt3A_1179 = arith.constant 0 : i32
        %lt3A_1180 = arith.cmpi slt, %select_n3A_1173, %lt3A_1179 : i32
        %ne3A_1181 = arith.xori %lt3A_1178, %lt3A_1180 : i1
        %and3A_1182 = arith.andi %ne3A_1181, %ne3A_1176 : i1
        %add3A_1183 = arith.addi %rem3A_1174, %select_n3A_1173 : i32
        %select_n3A_1184 = arith.select %and3A_1182, %add3A_1183, %rem3A_1174 : i32
        %add3A_1185 = arith.addi %mul3A_1168, %select_n3A_1184 : i32
        %add3A_1186 = arith.constant 0 : i32
        %add3A_1187 = arith.addi %add3A_1185, %add3A_1186 : i32
        %add3A_1188 = arith.constant 0 : i32
        %add3A_1189 = arith.addi %add3A_1187, %add3A_1188 : i32
        %get3A_1190 = arith.constant 0 : i32
        %get3A_1191 = arith.index_cast %select_n3A_1145 : i32 to index
        %get3A_1192 = arith.index_cast %get3A_1190 : i32 to index
        %get3A_1193 = arith.constant 0 : index
        %get3A_1194 = tpu.vector_load %arg11[%get3A_1191, %get3A_1192, %get3A_1193] {strides = array<i32>} : memref<4x32x16xf32, #tpu.memory_space<vmem>>, vector<16xf32>,
        %mul3A_1195 = arith.mulf %get3A_1194, %select_n3A_1129 : vector<16xf32>
        %multiple_of3A_1196 = tpu.assume_multiple %add3A_1189, 8 : i32
        %swap3A = arith.constant 0 : i32
        %swap3A_1197 = arith.index_cast %swap3A : i32 to index
        %swap3A_1198 = arith.index_cast %multiple_of3A_1196 : i32 to index
        %swap3A_1199 = tpu.vector_load %arg9[%swap3A_1197, %swap3A_1198] {strides = array<i32>} : memref<2x16384xf32, #tpu.memory_space<vmem>>, vector<16xf32>,
        tpu.vector_store %arg9[%swap3A_1197, %swap3A_1198], %mul3A_1195 {strides = array<i32>} : memref<2x16384xf32, #tpu.memory_space<vmem>>, vector<16xf32>,
        %add3A_1200 = arith.constant 0 : i32
        %add3A_1201 = arith.addi %add3A_1185, %add3A_1200 : i32
        %add3A_1202 = arith.constant 128 : i32
        %add3A_1203 = arith.addi %add3A_1201, %add3A_1202 : i32
        %get3A_1204 = arith.constant 1 : i32
        %get3A_1205 = arith.index_cast %select_n3A_1145 : i32 to index
        %get3A_1206 = arith.index_cast %get3A_1204 : i32 to index
        %get3A_1207 = arith.constant 0 : index
        %get3A_1208 = tpu.vector_load %arg11[%get3A_1205, %get3A_1206, %get3A_1207] {strides = array<i32>} : memref<4x32x16xf32, #tpu.memory_space<vmem>>, vector<16xf32>,
        %mul3A_1209 = arith.mulf %get3A_1208, %select_n3A_1129 : vector<16xf32>
        %multiple_of3A_1210 = tpu.assume_multiple %add3A_1203, 8 : i32
        %swap3A_1211 = arith.constant 0 : i32
        %swap3A_1212 = arith.index_cast %swap3A_1211 : i32 to index
        %swap3A_1213 = arith.index_cast %multiple_of3A_1210 : i32 to index
        %swap3A_1214 = tpu.vector_load %arg9[%swap3A_1212, %swap3A_1213] {strides = array<i32>} : memref<2x16384xf32, #tpu.memory_space<vmem>>, vector<16xf32>,
        tpu.vector_store %arg9[%swap3A_1212, %swap3A_1213], %mul3A_1209 {strides = array<i32>} : memref<2x16384xf32, #tpu.memory_space<vmem>>, vector<16xf32>,
        %add3A_1215 = arith.constant 0 : i32
        %add3A_1216 = arith.addi %add3A_1185, %add3A_1215 : i32
        %add3A_1217 = arith.constant 256 : i32
        %add3A_1218 = arith.addi %add3A_1216, %add3A_1217 : i32
        %get3A_1219 = arith.constant 2 : i32
        %get3A_1220 = arith.index_cast %select_n3A_1145 : i32 to index
        %get3A_1221 = arith.index_cast %get3A_1219 : i32 to index
        %get3A_1222 = arith.constant 0 : index
        %get3A_1223 = tpu.vector_load %arg11[%get3A_1220, %get3A_1221, %get3A_1222] {strides = array<i32>} : memref<4x32x16xf32, #tpu.memory_space<vmem>>, vector<16xf32>,
        %mul3A_1224 = arith.mulf %get3A_1223, %select_n3A_1129 : vector<16xf32>
        %multiple_of3A_1225 = tpu.assume_multiple %add3A_1218, 8 : i32
        %swap3A_1226 = arith.constant 0 : i32
        %swap3A_1227 = arith.index_cast %swap3A_1226 : i32 to index
        %swap3A_1228 = arith.index_cast %multiple_of3A_1225 : i32 to index
        %swap3A_1229 = tpu.vector_load %arg9[%swap3A_1227, %swap3A_1228] {strides = array<i32>} : memref<2x16384xf32, #tpu.memory_space<vmem>>, vector<16xf32>,
        tpu.vector_store %arg9[%swap3A_1227, %swap3A_1228], %mul3A_1224 {strides = array<i32>} : memref<2x16384xf32, #tpu.memory_space<vmem>>, vector<16xf32>,
        %add3A_1230 = arith.constant 0 : i32
        %add3A_1231 = arith.addi %add3A_1185, %add3A_1230 : i32
        %add3A_1232 = arith.constant 384 : i32
        %add3A_1233 = arith.addi %add3A_1231, %add3A_1232 : i32
        %get3A_1234 = arith.constant 3 : i32
        %get3A_1235 = arith.index_cast %select_n3A_1145 : i32 to index
        %get3A_1236 = arith.index_cast %get3A_1234 : i32 to index
        %get3A_1237 = arith.constant 0 : index
        %get3A_1238 = tpu.vector_load %arg11[%get3A_1235, %get3A_1236, %get3A_1237] {strides = array<i32>} : memref<4x32x16xf32, #tpu.memory_space<vmem>>, vector<16xf32>,
        %mul3A_1239 = arith.mulf %get3A_1238, %select_n3A_1129 : vector<16xf32>
        %multiple_of3A_1240 = tpu.assume_multiple %add3A_1233, 8 : i32
        %swap3A_1241 = arith.constant 0 : i32
        %swap3A_1242 = arith.index_cast %swap3A_1241 : i32 to index
        %swap3A_1243 = arith.index_cast %multiple_of3A_1240 : i32 to index
        %swap3A_1244 = tpu.vector_load %arg9[%swap3A_1242, %swap3A_1243] {strides = array<i32>} : memref<2x16384xf32, #tpu.memory_space<vmem>>, vector<16xf32>,
        tpu.vector_store %arg9[%swap3A_1242, %swap3A_1243], %mul3A_1239 {strides = array<i32>} : memref<2x16384xf32, #tpu.memory_space<vmem>>, vector<16xf32>,
        %add3A_1245 = arith.constant 0 : i32
        %add3A_1246 = arith.addi %add3A_1185, %add3A_1245 : i32
        %add3A_1247 = arith.constant 512 : i32
        %add3A_1248 = arith.addi %add3A_1246, %add3A_1247 : i32
        %get3A_1249 = arith.constant 4 : i32
        %get3A_1250 = arith.index_cast %select_n3A_1145 : i32 to index
        %get3A_1251 = arith.index_cast %get3A_1249 : i32 to index
        %get3A_1252 = arith.constant 0 : index
        %get3A_1253 = tpu.vector_load %arg11[%get3A_1250, %get3A_1251, %get3A_1252] {strides = array<i32>} : memref<4x32x16xf32, #tpu.memory_space<vmem>>, vector<16xf32>,
        %mul3A_1254 = arith.mulf %get3A_1253, %select_n3A_1129 : vector<16xf32>
        %multiple_of3A_1255 = tpu.assume_multiple %add3A_1248, 8 : i32
        %swap3A_1256 = arith.constant 0 : i32
        %swap3A_1257 = arith.index_cast %swap3A_1256 : i32 to index
        %swap3A_1258 = arith.index_cast %multiple_of3A_1255 : i32 to index
        %swap3A_1259 = tpu.vector_load %arg9[%swap3A_1257, %swap3A_1258] {strides = array<i32>} : memref<2x16384xf32, #tpu.memory_space<vmem>>, vector<16xf32>,
        tpu.vector_store %arg9[%swap3A_1257, %swap3A_1258], %mul3A_1254 {strides = array<i32>} : memref<2x16384xf32, #tpu.memory_space<vmem>>, vector<16xf32>,
        %add3A_1260 = arith.constant 0 : i32
        %add3A_1261 = arith.addi %add3A_1185, %add3A_1260 : i32
        %add3A_1262 = arith.constant 640 : i32
        %add3A_1263 = arith.addi %add3A_1261, %add3A_1262 : i32
        %get3A_1264 = arith.constant 5 : i32
        %get3A_1265 = arith.index_cast %select_n3A_1145 : i32 to index
        %get3A_1266 = arith.index_cast %get3A_1264 : i32 to index
        %get3A_1267 = arith.constant 0 : index
        %get3A_1268 = tpu.vector_load %arg11[%get3A_1265, %get3A_1266, %get3A_1267] {strides = array<i32>} : memref<4x32x16xf32, #tpu.memory_space<vmem>>, vector<16xf32>,
        %mul3A_1269 = arith.mulf %get3A_1268, %select_n3A_1129 : vector<16xf32>
        %multiple_of3A_1270 = tpu.assume_multiple %add3A_1263, 8 : i32
        %swap3A_1271 = arith.constant 0 : i32
        %swap3A_1272 = arith.index_cast %swap3A_1271 : i32 to index
        %swap3A_1273 = arith.index_cast %multiple_of3A_1270 : i32 to index
        %swap3A_1274 = tpu.vector_load %arg9[%swap3A_1272, %swap3A_1273] {strides = array<i32>} : memref<2x16384xf32, #tpu.memory_space<vmem>>, vector<16xf32>,
        tpu.vector_store %arg9[%swap3A_1272, %swap3A_1273], %mul3A_1269 {strides = array<i32>} : memref<2x16384xf32, #tpu.memory_space<vmem>>, vector<16xf32>,
        %add3A_1275 = arith.constant 0 : i32
        %add3A_1276 = arith.addi %add3A_1185, %add3A_1275 : i32
        %add3A_1277 = arith.constant 768 : i32
        %add3A_1278 = arith.addi %add3A_1276, %add3A_1277 : i32
        %get3A_1279 = arith.constant 6 : i32
        %get3A_1280 = arith.index_cast %select_n3A_1145 : i32 to index
        %get3A_1281 = arith.index_cast %get3A_1279 : i32 to index
        %get3A_1282 = arith.constant 0 : index
        %get3A_1283 = tpu.vector_load %arg11[%get3A_1280, %get3A_1281, %get3A_1282] {strides = array<i32>} : memref<4x32x16xf32, #tpu.memory_space<vmem>>, vector<16xf32>,
        %mul3A_1284 = arith.mulf %get3A_1283, %select_n3A_1129 : vector<16xf32>
        %multiple_of3A_1285 = tpu.assume_multiple %add3A_1278, 8 : i32
        %swap3A_1286 = arith.constant 0 : i32
        %swap3A_1287 = arith.index_cast %swap3A_1286 : i32 to index
        %swap3A_1288 = arith.index_cast %multiple_of3A_1285 : i32 to index
        %swap3A_1289 = tpu.vector_load %arg9[%swap3A_1287, %swap3A_1288] {strides = array<i32>} : memref<2x16384xf32, #tpu.memory_space<vmem>>, vector<16xf32>,
        tpu.vector_store %arg9[%swap3A_1287, %swap3A_1288], %mul3A_1284 {strides = array<i32>} : memref<2x16384xf32, #tpu.memory_space<vmem>>, vector<16xf32>,
        %add3A_1290 = arith.constant 0 : i32
        %add3A_1291 = arith.addi %add3A_1185, %add3A_1290 : i32
        %add3A_1292 = arith.constant 896 : i32
        %add3A_1293 = arith.addi %add3A_1291, %add3A_1292 : i32
        %get3A_1294 = arith.constant 7 : i32
        %get3A_1295 = arith.index_cast %select_n3A_1145 : i32 to index
        %get3A_1296 = arith.index_cast %get3A_1294 : i32 to index
        %get3A_1297 = arith.constant 0 : index
        %get3A_1298 = tpu.vector_load %arg11[%get3A_1295, %get3A_1296, %get3A_1297] {strides = array<i32>} : memref<4x32x16xf32, #tpu.memory_space<vmem>>, vector<16xf32>,
        %mul3A_1299 = arith.mulf %get3A_1298, %select_n3A_1129 : vector<16xf32>
        %multiple_of3A_1300 = tpu.assume_multiple %add3A_1293, 8 : i32
        %swap3A_1301 = arith.constant 0 : i32
        %swap3A_1302 = arith.index_cast %swap3A_1301 : i32 to index
        %swap3A_1303 = arith.index_cast %multiple_of3A_1300 : i32 to index
        %swap3A_1304 = tpu.vector_load %arg9[%swap3A_1302, %swap3A_1303] {strides = array<i32>} : memref<2x16384xf32, #tpu.memory_space<vmem>>, vector<16xf32>,
        tpu.vector_store %arg9[%swap3A_1302, %swap3A_1303], %mul3A_1299 {strides = array<i32>} : memref<2x16384xf32, #tpu.memory_space<vmem>>, vector<16xf32>,
        %add3A_1305 = arith.constant 4096 : i32
        %add3A_1306 = arith.addi %add3A_1185, %add3A_1305 : i32
        %add3A_1307 = arith.constant 0 : i32
        %add3A_1308 = arith.addi %add3A_1306, %add3A_1307 : i32
        %get3A_1309 = arith.constant 8 : i32
        %get3A_1310 = arith.index_cast %select_n3A_1145 : i32 to index
        %get3A_1311 = arith.index_cast %get3A_1309 : i32 to index
        %get3A_1312 = arith.constant 0 : index
        %get3A_1313 = tpu.vector_load %arg11[%get3A_1310, %get3A_1311, %get3A_1312] {strides = array<i32>} : memref<4x32x16xf32, #tpu.memory_space<vmem>>, vector<16xf32>,
        %mul3A_1314 = arith.mulf %get3A_1313, %select_n3A_1129 : vector<16xf32>
        %multiple_of3A_1315 = tpu.assume_multiple %add3A_1308, 8 : i32
        %swap3A_1316 = arith.constant 0 : i32
        %swap3A_1317 = arith.index_cast %swap3A_1316 : i32 to index
        %swap3A_1318 = arith.index_cast %multiple_of3A_1315 : i32 to index
        %swap3A_1319 = tpu.vector_load %arg9[%swap3A_1317, %swap3A_1318] {strides = array<i32>} : memref<2x16384xf32, #tpu.memory_space<vmem>>, vector<16xf32>,
        tpu.vector_store %arg9[%swap3A_1317, %swap3A_1318], %mul3A_1314 {strides = array<i32>} : memref<2x16384xf32, #tpu.memory_space<vmem>>, vector<16xf32>,
        %add3A_1320 = arith.constant 4096 : i32
        %add3A_1321 = arith.addi %add3A_1185, %add3A_1320 : i32
        %add3A_1322 = arith.constant 128 : i32
        %add3A_1323 = arith.addi %add3A_1321, %add3A_1322 : i32
        %get3A_1324 = arith.constant 9 : i32
        %get3A_1325 = arith.index_cast %select_n3A_1145 : i32 to index
        %get3A_1326 = arith.index_cast %get3A_1324 : i32 to index
        %get3A_1327 = arith.constant 0 : index
        %get3A_1328 = tpu.vector_load %arg11[%get3A_1325, %get3A_1326, %get3A_1327] {strides = array<i32>} : memref<4x32x16xf32, #tpu.memory_space<vmem>>, vector<16xf32>,
        %mul3A_1329 = arith.mulf %get3A_1328, %select_n3A_1129 : vector<16xf32>
        %multiple_of3A_1330 = tpu.assume_multiple %add3A_1323, 8 : i32
        %swap3A_1331 = arith.constant 0 : i32
        %swap3A_1332 = arith.index_cast %swap3A_1331 : i32 to index
        %swap3A_1333 = arith.index_cast %multiple_of3A_1330 : i32 to index
        %swap3A_1334 = tpu.vector_load %arg9[%swap3A_1332, %swap3A_1333] {strides = array<i32>} : memref<2x16384xf32, #tpu.memory_space<vmem>>, vector<16xf32>,
        tpu.vector_store %arg9[%swap3A_1332, %swap3A_1333], %mul3A_1329 {strides = array<i32>} : memref<2x16384xf32, #tpu.memory_space<vmem>>, vector<16xf32>,
        %add3A_1335 = arith.constant 4096 : i32
        %add3A_1336 = arith.addi %add3A_1185, %add3A_1335 : i32
        %add3A_1337 = arith.constant 256 : i32
        %add3A_1338 = arith.addi %add3A_1336, %add3A_1337 : i32
        %get3A_1339 = arith.constant 10 : i32
        %get3A_1340 = arith.index_cast %select_n3A_1145 : i32 to index
        %get3A_1341 = arith.index_cast %get3A_1339 : i32 to index
        %get3A_1342 = arith.constant 0 : index
        %get3A_1343 = tpu.vector_load %arg11[%get3A_1340, %get3A_1341, %get3A_1342] {strides = array<i32>} : memref<4x32x16xf32, #tpu.memory_space<vmem>>, vector<16xf32>,
        %mul3A_1344 = arith.mulf %get3A_1343, %select_n3A_1129 : vector<16xf32>
        %multiple_of3A_1345 = tpu.assume_multiple %add3A_1338, 8 : i32
        %swap3A_1346 = arith.constant 0 : i32
        %swap3A_1347 = arith.index_cast %swap3A_1346 : i32 to index
        %swap3A_1348 = arith.index_cast %multiple_of3A_1345 : i32 to index
        %swap3A_1349 = tpu.vector_load %arg9[%swap3A_1347, %swap3A_1348] {strides = array<i32>} : memref<2x16384xf32, #tpu.memory_space<vmem>>, vector<16xf32>,
        tpu.vector_store %arg9[%swap3A_1347, %swap3A_1348], %mul3A_1344 {strides = array<i32>} : memref<2x16384xf32, #tpu.memory_space<vmem>>, vector<16xf32>,
        %add3A_1350 = arith.constant 4096 : i32
        %add3A_1351 = arith.addi %add3A_1185, %add3A_1350 : i32
        %add3A_1352 = arith.constant 384 : i32
        %add3A_1353 = arith.addi %add3A_1351, %add3A_1352 : i32
        %get3A_1354 = arith.constant 11 : i32
        %get3A_1355 = arith.index_cast %select_n3A_1145 : i32 to index
        %get3A_1356 = arith.index_cast %get3A_1354 : i32 to index
        %get3A_1357 = arith.constant 0 : index
        %get3A_1358 = tpu.vector_load %arg11[%get3A_1355, %get3A_1356, %get3A_1357] {strides = array<i32>} : memref<4x32x16xf32, #tpu.memory_space<vmem>>, vector<16xf32>,
        %mul3A_1359 = arith.mulf %get3A_1358, %select_n3A_1129 : vector<16xf32>
        %multiple_of3A_1360 = tpu.assume_multiple %add3A_1353, 8 : i32
        %swap3A_1361 = arith.constant 0 : i32
        %swap3A_1362 = arith.index_cast %swap3A_1361 : i32 to index
        %swap3A_1363 = arith.index_cast %multiple_of3A_1360 : i32 to index
        %swap3A_1364 = tpu.vector_load %arg9[%swap3A_1362, %swap3A_1363] {strides = array<i32>} : memref<2x16384xf32, #tpu.memory_space<vmem>>, vector<16xf32>,
        tpu.vector_store %arg9[%swap3A_1362, %swap3A_1363], %mul3A_1359 {strides = array<i32>} : memref<2x16384xf32, #tpu.memory_space<vmem>>, vector<16xf32>,
        %add3A_1365 = arith.constant 4096 : i32
        %add3A_1366 = arith.addi %add3A_1185, %add3A_1365 : i32
        %add3A_1367 = arith.constant 512 : i32
        %add3A_1368 = arith.addi %add3A_1366, %add3A_1367 : i32
        %get3A_1369 = arith.constant 12 : i32
        %get3A_1370 = arith.index_cast %select_n3A_1145 : i32 to index
        %get3A_1371 = arith.index_cast %get3A_1369 : i32 to index
        %get3A_1372 = arith.constant 0 : index
        %get3A_1373 = tpu.vector_load %arg11[%get3A_1370, %get3A_1371, %get3A_1372] {strides = array<i32>} : memref<4x32x16xf32, #tpu.memory_space<vmem>>, vector<16xf32>,
        %mul3A_1374 = arith.mulf %get3A_1373, %select_n3A_1129 : vector<16xf32>
        %multiple_of3A_1375 = tpu.assume_multiple %add3A_1368, 8 : i32
        %swap3A_1376 = arith.constant 0 : i32
        %swap3A_1377 = arith.index_cast %swap3A_1376 : i32 to index
        %swap3A_1378 = arith.index_cast %multiple_of3A_1375 : i32 to index
        %swap3A_1379 = tpu.vector_load %arg9[%swap3A_1377, %swap3A_1378] {strides = array<i32>} : memref<2x16384xf32, #tpu.memory_space<vmem>>, vector<16xf32>,
        tpu.vector_store %arg9[%swap3A_1377, %swap3A_1378], %mul3A_1374 {strides = array<i32>} : memref<2x16384xf32, #tpu.memory_space<vmem>>, vector<16xf32>,
        %add3A_1380 = arith.constant 4096 : i32
        %add3A_1381 = arith.addi %add3A_1185, %add3A_1380 : i32
        %add3A_1382 = arith.constant 640 : i32
        %add3A_1383 = arith.addi %add3A_1381, %add3A_1382 : i32
        %get3A_1384 = arith.constant 13 : i32
        %get3A_1385 = arith.index_cast %select_n3A_1145 : i32 to index
        %get3A_1386 = arith.index_cast %get3A_1384 : i32 to index
        %get3A_1387 = arith.constant 0 : index
        %get3A_1388 = tpu.vector_load %arg11[%get3A_1385, %get3A_1386, %get3A_1387] {strides = array<i32>} : memref<4x32x16xf32, #tpu.memory_space<vmem>>, vector<16xf32>,
        %mul3A_1389 = arith.mulf %get3A_1388, %select_n3A_1129 : vector<16xf32>
        %multiple_of3A_1390 = tpu.assume_multiple %add3A_1383, 8 : i32
        %swap3A_1391 = arith.constant 0 : i32
        %swap3A_1392 = arith.index_cast %swap3A_1391 : i32 to index
        %swap3A_1393 = arith.index_cast %multiple_of3A_1390 : i32 to index
        %swap3A_1394 = tpu.vector_load %arg9[%swap3A_1392, %swap3A_1393] {strides = array<i32>} : memref<2x16384xf32, #tpu.memory_space<vmem>>, vector<16xf32>,
        tpu.vector_store %arg9[%swap3A_1392, %swap3A_1393], %mul3A_1389 {strides = array<i32>} : memref<2x16384xf32, #tpu.memory_space<vmem>>, vector<16xf32>,
        %add3A_1395 = arith.constant 4096 : i32
        %add3A_1396 = arith.addi %add3A_1185, %add3A_1395 : i32
        %add3A_1397 = arith.constant 768 : i32
        %add3A_1398 = arith.addi %add3A_1396, %add3A_1397 : i32
        %get3A_1399 = arith.constant 14 : i32
        %get3A_1400 = arith.index_cast %select_n3A_1145 : i32 to index
        %get3A_1401 = arith.index_cast %get3A_1399 : i32 to index
        %get3A_1402 = arith.constant 0 : index
        %get3A_1403 = tpu.vector_load %arg11[%get3A_1400, %get3A_1401, %get3A_1402] {strides = array<i32>} : memref<4x32x16xf32, #tpu.memory_space<vmem>>, vector<16xf32>,
        %mul3A_1404 = arith.mulf %get3A_1403, %select_n3A_1129 : vector<16xf32>
        %multiple_of3A_1405 = tpu.assume_multiple %add3A_1398, 8 : i32
        %swap3A_1406 = arith.constant 0 : i32
        %swap3A_1407 = arith.index_cast %swap3A_1406 : i32 to index
        %swap3A_1408 = arith.index_cast %multiple_of3A_1405 : i32 to index
        %swap3A_1409 = tpu.vector_load %arg9[%swap3A_1407, %swap3A_1408] {strides = array<i32>} : memref<2x16384xf32, #tpu.memory_space<vmem>>, vector<16xf32>,
        tpu.vector_store %arg9[%swap3A_1407, %swap3A_1408], %mul3A_1404 {strides = array<i32>} : memref<2x16384xf32, #tpu.memory_space<vmem>>, vector<16xf32>,
        %add3A_1410 = arith.constant 4096 : i32
        %add3A_1411 = arith.addi %add3A_1185, %add3A_1410 : i32
        %add3A_1412 = arith.constant 896 : i32
        %add3A_1413 = arith.addi %add3A_1411, %add3A_1412 : i32
        %get3A_1414 = arith.constant 15 : i32
        %get3A_1415 = arith.index_cast %select_n3A_1145 : i32 to index
        %get3A_1416 = arith.index_cast %get3A_1414 : i32 to index
        %get3A_1417 = arith.constant 0 : index
        %get3A_1418 = tpu.vector_load %arg11[%get3A_1415, %get3A_1416, %get3A_1417] {strides = array<i32>} : memref<4x32x16xf32, #tpu.memory_space<vmem>>, vector<16xf32>,
        %mul3A_1419 = arith.mulf %get3A_1418, %select_n3A_1129 : vector<16xf32>
        %multiple_of3A_1420 = tpu.assume_multiple %add3A_1413, 8 : i32
        %swap3A_1421 = arith.constant 0 : i32
        %swap3A_1422 = arith.index_cast %swap3A_1421 : i32 to index
        %swap3A_1423 = arith.index_cast %multiple_of3A_1420 : i32 to index
        %swap3A_1424 = tpu.vector_load %arg9[%swap3A_1422, %swap3A_1423] {strides = array<i32>} : memref<2x16384xf32, #tpu.memory_space<vmem>>, vector<16xf32>,
        tpu.vector_store %arg9[%swap3A_1422, %swap3A_1423], %mul3A_1419 {strides = array<i32>} : memref<2x16384xf32, #tpu.memory_space<vmem>>, vector<16xf32>,
        %add3A_1425 = arith.constant 8192 : i32
        %add3A_1426 = arith.addi %add3A_1185, %add3A_1425 : i32
        %add3A_1427 = arith.constant 0 : i32
        %add3A_1428 = arith.addi %add3A_1426, %add3A_1427 : i32
        %get3A_1429 = arith.constant 16 : i32
        %get3A_1430 = arith.index_cast %select_n3A_1145 : i32 to index
        %get3A_1431 = arith.index_cast %get3A_1429 : i32 to index
        %get3A_1432 = arith.constant 0 : index
        %get3A_1433 = tpu.vector_load %arg11[%get3A_1430, %get3A_1431, %get3A_1432] {strides = array<i32>} : memref<4x32x16xf32, #tpu.memory_space<vmem>>, vector<16xf32>,
        %mul3A_1434 = arith.mulf %get3A_1433, %select_n3A_1129 : vector<16xf32>
        %multiple_of3A_1435 = tpu.assume_multiple %add3A_1428, 8 : i32
        %swap3A_1436 = arith.constant 0 : i32
        %swap3A_1437 = arith.index_cast %swap3A_1436 : i32 to index
        %swap3A_1438 = arith.index_cast %multiple_of3A_1435 : i32 to index
        %swap3A_1439 = tpu.vector_load %arg9[%swap3A_1437, %swap3A_1438] {strides = array<i32>} : memref<2x16384xf32, #tpu.memory_space<vmem>>, vector<16xf32>,
        tpu.vector_store %arg9[%swap3A_1437, %swap3A_1438], %mul3A_1434 {strides = array<i32>} : memref<2x16384xf32, #tpu.memory_space<vmem>>, vector<16xf32>,
        %add3A_1440 = arith.constant 8192 : i32
        %add3A_1441 = arith.addi %add3A_1185, %add3A_1440 : i32
        %add3A_1442 = arith.constant 128 : i32
        %add3A_1443 = arith.addi %add3A_1441, %add3A_1442 : i32
        %get3A_1444 = arith.constant 17 : i32
        %get3A_1445 = arith.index_cast %select_n3A_1145 : i32 to index
        %get3A_1446 = arith.index_cast %get3A_1444 : i32 to index
        %get3A_1447 = arith.constant 0 : index
        %get3A_1448 = tpu.vector_load %arg11[%get3A_1445, %get3A_1446, %get3A_1447] {strides = array<i32>} : memref<4x32x16xf32, #tpu.memory_space<vmem>>, vector<16xf32>,
        %mul3A_1449 = arith.mulf %get3A_1448, %select_n3A_1129 : vector<16xf32>
        %multiple_of3A_1450 = tpu.assume_multiple %add3A_1443, 8 : i32
        %swap3A_1451 = arith.constant 0 : i32
        %swap3A_1452 = arith.index_cast %swap3A_1451 : i32 to index
        %swap3A_1453 = arith.index_cast %multiple_of3A_1450 : i32 to index
        %swap3A_1454 = tpu.vector_load %arg9[%swap3A_1452, %swap3A_1453] {strides = array<i32>} : memref<2x16384xf32, #tpu.memory_space<vmem>>, vector<16xf32>,
        tpu.vector_store %arg9[%swap3A_1452, %swap3A_1453], %mul3A_1449 {strides = array<i32>} : memref<2x16384xf32, #tpu.memory_space<vmem>>, vector<16xf32>,
        %add3A_1455 = arith.constant 8192 : i32
        %add3A_1456 = arith.addi %add3A_1185, %add3A_1455 : i32
        %add3A_1457 = arith.constant 256 : i32
        %add3A_1458 = arith.addi %add3A_1456, %add3A_1457 : i32
        %get3A_1459 = arith.constant 18 : i32
        %get3A_1460 = arith.index_cast %select_n3A_1145 : i32 to index
        %get3A_1461 = arith.index_cast %get3A_1459 : i32 to index
        %get3A_1462 = arith.constant 0 : index
        %get3A_1463 = tpu.vector_load %arg11[%get3A_1460, %get3A_1461, %get3A_1462] {strides = array<i32>} : memref<4x32x16xf32, #tpu.memory_space<vmem>>, vector<16xf32>,
        %mul3A_1464 = arith.mulf %get3A_1463, %select_n3A_1129 : vector<16xf32>
        %multiple_of3A_1465 = tpu.assume_multiple %add3A_1458, 8 : i32
        %swap3A_1466 = arith.constant 0 : i32
        %swap3A_1467 = arith.index_cast %swap3A_1466 : i32 to index
        %swap3A_1468 = arith.index_cast %multiple_of3A_1465 : i32 to index
        %swap3A_1469 = tpu.vector_load %arg9[%swap3A_1467, %swap3A_1468] {strides = array<i32>} : memref<2x16384xf32, #tpu.memory_space<vmem>>, vector<16xf32>,
        tpu.vector_store %arg9[%swap3A_1467, %swap3A_1468], %mul3A_1464 {strides = array<i32>} : memref<2x16384xf32, #tpu.memory_space<vmem>>, vector<16xf32>,
        %add3A_1470 = arith.constant 8192 : i32
        %add3A_1471 = arith.addi %add3A_1185, %add3A_1470 : i32
        %add3A_1472 = arith.constant 384 : i32
        %add3A_1473 = arith.addi %add3A_1471, %add3A_1472 : i32
        %get3A_1474 = arith.constant 19 : i32
        %get3A_1475 = arith.index_cast %select_n3A_1145 : i32 to index
        %get3A_1476 = arith.index_cast %get3A_1474 : i32 to index
        %get3A_1477 = arith.constant 0 : index
        %get3A_1478 = tpu.vector_load %arg11[%get3A_1475, %get3A_1476, %get3A_1477] {strides = array<i32>} : memref<4x32x16xf32, #tpu.memory_space<vmem>>, vector<16xf32>,
        %mul3A_1479 = arith.mulf %get3A_1478, %select_n3A_1129 : vector<16xf32>
        %multiple_of3A_1480 = tpu.assume_multiple %add3A_1473, 8 : i32
        %swap3A_1481 = arith.constant 0 : i32
        %swap3A_1482 = arith.index_cast %swap3A_1481 : i32 to index
        %swap3A_1483 = arith.index_cast %multiple_of3A_1480 : i32 to index
        %swap3A_1484 = tpu.vector_load %arg9[%swap3A_1482, %swap3A_1483] {strides = array<i32>} : memref<2x16384xf32, #tpu.memory_space<vmem>>, vector<16xf32>,
        tpu.vector_store %arg9[%swap3A_1482, %swap3A_1483], %mul3A_1479 {strides = array<i32>} : memref<2x16384xf32, #tpu.memory_space<vmem>>, vector<16xf32>,
        %add3A_1485 = arith.constant 8192 : i32
        %add3A_1486 = arith.addi %add3A_1185, %add3A_1485 : i32
        %add3A_1487 = arith.constant 512 : i32
        %add3A_1488 = arith.addi %add3A_1486, %add3A_1487 : i32
        %get3A_1489 = arith.constant 20 : i32
        %get3A_1490 = arith.index_cast %select_n3A_1145 : i32 to index
        %get3A_1491 = arith.index_cast %get3A_1489 : i32 to index
        %get3A_1492 = arith.constant 0 : index
        %get3A_1493 = tpu.vector_load %arg11[%get3A_1490, %get3A_1491, %get3A_1492] {strides = array<i32>} : memref<4x32x16xf32, #tpu.memory_space<vmem>>, vector<16xf32>,
        %mul3A_1494 = arith.mulf %get3A_1493, %select_n3A_1129 : vector<16xf32>
        %multiple_of3A_1495 = tpu.assume_multiple %add3A_1488, 8 : i32
        %swap3A_1496 = arith.constant 0 : i32
        %swap3A_1497 = arith.index_cast %swap3A_1496 : i32 to index
        %swap3A_1498 = arith.index_cast %multiple_of3A_1495 : i32 to index
        %swap3A_1499 = tpu.vector_load %arg9[%swap3A_1497, %swap3A_1498] {strides = array<i32>} : memref<2x16384xf32, #tpu.memory_space<vmem>>, vector<16xf32>,
        tpu.vector_store %arg9[%swap3A_1497, %swap3A_1498], %mul3A_1494 {strides = array<i32>} : memref<2x16384xf32, #tpu.memory_space<vmem>>, vector<16xf32>,
        %add3A_1500 = arith.constant 8192 : i32
        %add3A_1501 = arith.addi %add3A_1185, %add3A_1500 : i32
        %add3A_1502 = arith.constant 640 : i32
        %add3A_1503 = arith.addi %add3A_1501, %add3A_1502 : i32
        %get3A_1504 = arith.constant 21 : i32
        %get3A_1505 = arith.index_cast %select_n3A_1145 : i32 to index
        %get3A_1506 = arith.index_cast %get3A_1504 : i32 to index
        %get3A_1507 = arith.constant 0 : index
        %get3A_1508 = tpu.vector_load %arg11[%get3A_1505, %get3A_1506, %get3A_1507] {strides = array<i32>} : memref<4x32x16xf32, #tpu.memory_space<vmem>>, vector<16xf32>,
        %mul3A_1509 = arith.mulf %get3A_1508, %select_n3A_1129 : vector<16xf32>
        %multiple_of3A_1510 = tpu.assume_multiple %add3A_1503, 8 : i32
        %swap3A_1511 = arith.constant 0 : i32
        %swap3A_1512 = arith.index_cast %swap3A_1511 : i32 to index
        %swap3A_1513 = arith.index_cast %multiple_of3A_1510 : i32 to index
        %swap3A_1514 = tpu.vector_load %arg9[%swap3A_1512, %swap3A_1513] {strides = array<i32>} : memref<2x16384xf32, #tpu.memory_space<vmem>>, vector<16xf32>,
        tpu.vector_store %arg9[%swap3A_1512, %swap3A_1513], %mul3A_1509 {strides = array<i32>} : memref<2x16384xf32, #tpu.memory_space<vmem>>, vector<16xf32>,
        %add3A_1515 = arith.constant 8192 : i32
        %add3A_1516 = arith.addi %add3A_1185, %add3A_1515 : i32
        %add3A_1517 = arith.constant 768 : i32
        %add3A_1518 = arith.addi %add3A_1516, %add3A_1517 : i32
        %get3A_1519 = arith.constant 22 : i32
        %get3A_1520 = arith.index_cast %select_n3A_1145 : i32 to index
        %get3A_1521 = arith.index_cast %get3A_1519 : i32 to index
        %get3A_1522 = arith.constant 0 : index
        %get3A_1523 = tpu.vector_load %arg11[%get3A_1520, %get3A_1521, %get3A_1522] {strides = array<i32>} : memref<4x32x16xf32, #tpu.memory_space<vmem>>, vector<16xf32>,
        %mul3A_1524 = arith.mulf %get3A_1523, %select_n3A_1129 : vector<16xf32>
        %multiple_of3A_1525 = tpu.assume_multiple %add3A_1518, 8 : i32
        %swap3A_1526 = arith.constant 0 : i32
        %swap3A_1527 = arith.index_cast %swap3A_1526 : i32 to index
        %swap3A_1528 = arith.index_cast %multiple_of3A_1525 : i32 to index
        %swap3A_1529 = tpu.vector_load %arg9[%swap3A_1527, %swap3A_1528] {strides = array<i32>} : memref<2x16384xf32, #tpu.memory_space<vmem>>, vector<16xf32>,
        tpu.vector_store %arg9[%swap3A_1527, %swap3A_1528], %mul3A_1524 {strides = array<i32>} : memref<2x16384xf32, #tpu.memory_space<vmem>>, vector<16xf32>,
        %add3A_1530 = arith.constant 8192 : i32
        %add3A_1531 = arith.addi %add3A_1185, %add3A_1530 : i32
        %add3A_1532 = arith.constant 896 : i32
        %add3A_1533 = arith.addi %add3A_1531, %add3A_1532 : i32
        %get3A_1534 = arith.constant 23 : i32
        %get3A_1535 = arith.index_cast %select_n3A_1145 : i32 to index
        %get3A_1536 = arith.index_cast %get3A_1534 : i32 to index
        %get3A_1537 = arith.constant 0 : index
        %get3A_1538 = tpu.vector_load %arg11[%get3A_1535, %get3A_1536, %get3A_1537] {strides = array<i32>} : memref<4x32x16xf32, #tpu.memory_space<vmem>>, vector<16xf32>,
        %mul3A_1539 = arith.mulf %get3A_1538, %select_n3A_1129 : vector<16xf32>
        %multiple_of3A_1540 = tpu.assume_multiple %add3A_1533, 8 : i32
        %swap3A_1541 = arith.constant 0 : i32
        %swap3A_1542 = arith.index_cast %swap3A_1541 : i32 to index
        %swap3A_1543 = arith.index_cast %multiple_of3A_1540 : i32 to index
        %swap3A_1544 = tpu.vector_load %arg9[%swap3A_1542, %swap3A_1543] {strides = array<i32>} : memref<2x16384xf32, #tpu.memory_space<vmem>>, vector<16xf32>,
        tpu.vector_store %arg9[%swap3A_1542, %swap3A_1543], %mul3A_1539 {strides = array<i32>} : memref<2x16384xf32, #tpu.memory_space<vmem>>, vector<16xf32>,
        %add3A_1545 = arith.constant 12288 : i32
        %add3A_1546 = arith.addi %add3A_1185, %add3A_1545 : i32
        %add3A_1547 = arith.constant 0 : i32
        %add3A_1548 = arith.addi %add3A_1546, %add3A_1547 : i32
        %get3A_1549 = arith.constant 24 : i32
        %get3A_1550 = arith.index_cast %select_n3A_1145 : i32 to index
        %get3A_1551 = arith.index_cast %get3A_1549 : i32 to index
        %get3A_1552 = arith.constant 0 : index
        %get3A_1553 = tpu.vector_load %arg11[%get3A_1550, %get3A_1551, %get3A_1552] {strides = array<i32>} : memref<4x32x16xf32, #tpu.memory_space<vmem>>, vector<16xf32>,
        %mul3A_1554 = arith.mulf %get3A_1553, %select_n3A_1129 : vector<16xf32>
        %multiple_of3A_1555 = tpu.assume_multiple %add3A_1548, 8 : i32
        %swap3A_1556 = arith.constant 0 : i32
        %swap3A_1557 = arith.index_cast %swap3A_1556 : i32 to index
        %swap3A_1558 = arith.index_cast %multiple_of3A_1555 : i32 to index
        %swap3A_1559 = tpu.vector_load %arg9[%swap3A_1557, %swap3A_1558] {strides = array<i32>} : memref<2x16384xf32, #tpu.memory_space<vmem>>, vector<16xf32>,
        tpu.vector_store %arg9[%swap3A_1557, %swap3A_1558], %mul3A_1554 {strides = array<i32>} : memref<2x16384xf32, #tpu.memory_space<vmem>>, vector<16xf32>,
        %add3A_1560 = arith.constant 12288 : i32
        %add3A_1561 = arith.addi %add3A_1185, %add3A_1560 : i32
        %add3A_1562 = arith.constant 128 : i32
        %add3A_1563 = arith.addi %add3A_1561, %add3A_1562 : i32
        %get3A_1564 = arith.constant 25 : i32
        %get3A_1565 = arith.index_cast %select_n3A_1145 : i32 to index
        %get3A_1566 = arith.index_cast %get3A_1564 : i32 to index
        %get3A_1567 = arith.constant 0 : index
        %get3A_1568 = tpu.vector_load %arg11[%get3A_1565, %get3A_1566, %get3A_1567] {strides = array<i32>} : memref<4x32x16xf32, #tpu.memory_space<vmem>>, vector<16xf32>,
        %mul3A_1569 = arith.mulf %get3A_1568, %select_n3A_1129 : vector<16xf32>
        %multiple_of3A_1570 = tpu.assume_multiple %add3A_1563, 8 : i32
        %swap3A_1571 = arith.constant 0 : i32
        %swap3A_1572 = arith.index_cast %swap3A_1571 : i32 to index
        %swap3A_1573 = arith.index_cast %multiple_of3A_1570 : i32 to index
        %swap3A_1574 = tpu.vector_load %arg9[%swap3A_1572, %swap3A_1573] {strides = array<i32>} : memref<2x16384xf32, #tpu.memory_space<vmem>>, vector<16xf32>,
        tpu.vector_store %arg9[%swap3A_1572, %swap3A_1573], %mul3A_1569 {strides = array<i32>} : memref<2x16384xf32, #tpu.memory_space<vmem>>, vector<16xf32>,
        %add3A_1575 = arith.constant 12288 : i32
        %add3A_1576 = arith.addi %add3A_1185, %add3A_1575 : i32
        %add3A_1577 = arith.constant 256 : i32
        %add3A_1578 = arith.addi %add3A_1576, %add3A_1577 : i32
        %get3A_1579 = arith.constant 26 : i32
        %get3A_1580 = arith.index_cast %select_n3A_1145 : i32 to index
        %get3A_1581 = arith.index_cast %get3A_1579 : i32 to index
        %get3A_1582 = arith.constant 0 : index
        %get3A_1583 = tpu.vector_load %arg11[%get3A_1580, %get3A_1581, %get3A_1582] {strides = array<i32>} : memref<4x32x16xf32, #tpu.memory_space<vmem>>, vector<16xf32>,
        %mul3A_1584 = arith.mulf %get3A_1583, %select_n3A_1129 : vector<16xf32>
        %multiple_of3A_1585 = tpu.assume_multiple %add3A_1578, 8 : i32
        %swap3A_1586 = arith.constant 0 : i32
        %swap3A_1587 = arith.index_cast %swap3A_1586 : i32 to index
        %swap3A_1588 = arith.index_cast %multiple_of3A_1585 : i32 to index
        %swap3A_1589 = tpu.vector_load %arg9[%swap3A_1587, %swap3A_1588] {strides = array<i32>} : memref<2x16384xf32, #tpu.memory_space<vmem>>, vector<16xf32>,
        tpu.vector_store %arg9[%swap3A_1587, %swap3A_1588], %mul3A_1584 {strides = array<i32>} : memref<2x16384xf32, #tpu.memory_space<vmem>>, vector<16xf32>,
        %add3A_1590 = arith.constant 12288 : i32
        %add3A_1591 = arith.addi %add3A_1185, %add3A_1590 : i32
        %add3A_1592 = arith.constant 384 : i32
        %add3A_1593 = arith.addi %add3A_1591, %add3A_1592 : i32
        %get3A_1594 = arith.constant 27 : i32
        %get3A_1595 = arith.index_cast %select_n3A_1145 : i32 to index
        %get3A_1596 = arith.index_cast %get3A_1594 : i32 to index
        %get3A_1597 = arith.constant 0 : index
        %get3A_1598 = tpu.vector_load %arg11[%get3A_1595, %get3A_1596, %get3A_1597] {strides = array<i32>} : memref<4x32x16xf32, #tpu.memory_space<vmem>>, vector<16xf32>,
        %mul3A_1599 = arith.mulf %get3A_1598, %select_n3A_1129 : vector<16xf32>
        %multiple_of3A_1600 = tpu.assume_multiple %add3A_1593, 8 : i32
        %swap3A_1601 = arith.constant 0 : i32
        %swap3A_1602 = arith.index_cast %swap3A_1601 : i32 to index
        %swap3A_1603 = arith.index_cast %multiple_of3A_1600 : i32 to index
        %swap3A_1604 = tpu.vector_load %arg9[%swap3A_1602, %swap3A_1603] {strides = array<i32>} : memref<2x16384xf32, #tpu.memory_space<vmem>>, vector<16xf32>,
        tpu.vector_store %arg9[%swap3A_1602, %swap3A_1603], %mul3A_1599 {strides = array<i32>} : memref<2x16384xf32, #tpu.memory_space<vmem>>, vector<16xf32>,
        %add3A_1605 = arith.constant 12288 : i32
        %add3A_1606 = arith.addi %add3A_1185, %add3A_1605 : i32
        %add3A_1607 = arith.constant 512 : i32
        %add3A_1608 = arith.addi %add3A_1606, %add3A_1607 : i32
        %get3A_1609 = arith.constant 28 : i32
        %get3A_1610 = arith.index_cast %select_n3A_1145 : i32 to index
        %get3A_1611 = arith.index_cast %get3A_1609 : i32 to index
        %get3A_1612 = arith.constant 0 : index
        %get3A_1613 = tpu.vector_load %arg11[%get3A_1610, %get3A_1611, %get3A_1612] {strides = array<i32>} : memref<4x32x16xf32, #tpu.memory_space<vmem>>, vector<16xf32>,
        %mul3A_1614 = arith.mulf %get3A_1613, %select_n3A_1129 : vector<16xf32>
        %multiple_of3A_1615 = tpu.assume_multiple %add3A_1608, 8 : i32
        %swap3A_1616 = arith.constant 0 : i32
        %swap3A_1617 = arith.index_cast %swap3A_1616 : i32 to index
        %swap3A_1618 = arith.index_cast %multiple_of3A_1615 : i32 to index
        %swap3A_1619 = tpu.vector_load %arg9[%swap3A_1617, %swap3A_1618] {strides = array<i32>} : memref<2x16384xf32, #tpu.memory_space<vmem>>, vector<16xf32>,
        tpu.vector_store %arg9[%swap3A_1617, %swap3A_1618], %mul3A_1614 {strides = array<i32>} : memref<2x16384xf32, #tpu.memory_space<vmem>>, vector<16xf32>,
        %add3A_1620 = arith.constant 12288 : i32
        %add3A_1621 = arith.addi %add3A_1185, %add3A_1620 : i32
        %add3A_1622 = arith.constant 640 : i32
        %add3A_1623 = arith.addi %add3A_1621, %add3A_1622 : i32
        %get3A_1624 = arith.constant 29 : i32
        %get3A_1625 = arith.index_cast %select_n3A_1145 : i32 to index
        %get3A_1626 = arith.index_cast %get3A_1624 : i32 to index
        %get3A_1627 = arith.constant 0 : index
        %get3A_1628 = tpu.vector_load %arg11[%get3A_1625, %get3A_1626, %get3A_1627] {strides = array<i32>} : memref<4x32x16xf32, #tpu.memory_space<vmem>>, vector<16xf32>,
        %mul3A_1629 = arith.mulf %get3A_1628, %select_n3A_1129 : vector<16xf32>
        %multiple_of3A_1630 = tpu.assume_multiple %add3A_1623, 8 : i32
        %swap3A_1631 = arith.constant 0 : i32
        %swap3A_1632 = arith.index_cast %swap3A_1631 : i32 to index
        %swap3A_1633 = arith.index_cast %multiple_of3A_1630 : i32 to index
        %swap3A_1634 = tpu.vector_load %arg9[%swap3A_1632, %swap3A_1633] {strides = array<i32>} : memref<2x16384xf32, #tpu.memory_space<vmem>>, vector<16xf32>,
        tpu.vector_store %arg9[%swap3A_1632, %swap3A_1633], %mul3A_1629 {strides = array<i32>} : memref<2x16384xf32, #tpu.memory_space<vmem>>, vector<16xf32>,
        %add3A_1635 = arith.constant 12288 : i32
        %add3A_1636 = arith.addi %add3A_1185, %add3A_1635 : i32
        %add3A_1637 = arith.constant 768 : i32
        %add3A_1638 = arith.addi %add3A_1636, %add3A_1637 : i32
        %get3A_1639 = arith.constant 30 : i32
        %get3A_1640 = arith.index_cast %select_n3A_1145 : i32 to index
        %get3A_1641 = arith.index_cast %get3A_1639 : i32 to index
        %get3A_1642 = arith.constant 0 : index
        %get3A_1643 = tpu.vector_load %arg11[%get3A_1640, %get3A_1641, %get3A_1642] {strides = array<i32>} : memref<4x32x16xf32, #tpu.memory_space<vmem>>, vector<16xf32>,
        %mul3A_1644 = arith.mulf %get3A_1643, %select_n3A_1129 : vector<16xf32>
        %multiple_of3A_1645 = tpu.assume_multiple %add3A_1638, 8 : i32
        %swap3A_1646 = arith.constant 0 : i32
        %swap3A_1647 = arith.index_cast %swap3A_1646 : i32 to index
        %swap3A_1648 = arith.index_cast %multiple_of3A_1645 : i32 to index
        %swap3A_1649 = tpu.vector_load %arg9[%swap3A_1647, %swap3A_1648] {strides = array<i32>} : memref<2x16384xf32, #tpu.memory_space<vmem>>, vector<16xf32>,
        tpu.vector_store %arg9[%swap3A_1647, %swap3A_1648], %mul3A_1644 {strides = array<i32>} : memref<2x16384xf32, #tpu.memory_space<vmem>>, vector<16xf32>,
        %add3A_1650 = arith.constant 12288 : i32
        %add3A_1651 = arith.addi %add3A_1185, %add3A_1650 : i32
        %add3A_1652 = arith.constant 896 : i32
        %add3A_1653 = arith.addi %add3A_1651, %add3A_1652 : i32
        %get3A_1654 = arith.constant 31 : i32
        %get3A_1655 = arith.index_cast %select_n3A_1145 : i32 to index
        %get3A_1656 = arith.index_cast %get3A_1654 : i32 to index
        %get3A_1657 = arith.constant 0 : index
        %get3A_1658 = tpu.vector_load %arg11[%get3A_1655, %get3A_1656, %get3A_1657] {strides = array<i32>} : memref<4x32x16xf32, #tpu.memory_space<vmem>>, vector<16xf32>,
        %mul3A_1659 = arith.mulf %get3A_1658, %select_n3A_1129 : vector<16xf32>
        %multiple_of3A_1660 = tpu.assume_multiple %add3A_1653, 8 : i32
        %swap3A_1661 = arith.constant 0 : i32
        %swap3A_1662 = arith.index_cast %swap3A_1661 : i32 to index
        %swap3A_1663 = arith.index_cast %multiple_of3A_1660 : i32 to index
        %swap3A_1664 = tpu.vector_load %arg9[%swap3A_1662, %swap3A_1663] {strides = array<i32>} : memref<2x16384xf32, #tpu.memory_space<vmem>>, vector<16xf32>,
        tpu.vector_store %arg9[%swap3A_1662, %swap3A_1663], %mul3A_1659 {strides = array<i32>} : memref<2x16384xf32, #tpu.memory_space<vmem>>, vector<16xf32>,
      }
      %scan3A_366 = arith.constant 32 : i32
      %mul3A_367 = arith.constant 128 : i32
      %mul3A_368 = arith.muli %add3A, %mul3A_367 : i32
      %mul3A_369 = arith.constant 4 : i32
      %mul3A_370 = arith.muli %mul3A_212, %mul3A_369 : i32
      %add3A_371 = arith.addi %mul3A_368, %mul3A_370 : i32
      %add3A_372 = arith.constant 0 : i32
      %add3A_373 = arith.addi %add3A_372, %add3A_371 : i32
      %mul3A_374 = arith.constant 1024 : i32
      %mul3A_375 = arith.muli %add3A_373, %mul3A_374 : i32
      %multiple_of3A_376 = tpu.assume_multiple %mul3A_375, 8 : i32
      %add3A_377 = arith.constant 4096 : i32
      %add3A_378 = arith.addi %add3A_377, %add3A_371 : i32
      %mul3A_379 = arith.constant 1024 : i32
      %mul3A_380 = arith.muli %add3A_378, %mul3A_379 : i32
      %multiple_of3A_381 = tpu.assume_multiple %mul3A_380, 8 : i32
      %add3A_382 = arith.constant 8192 : i32
      %add3A_383 = arith.addi %add3A_382, %add3A_371 : i32
      %mul3A_384 = arith.constant 1024 : i32
      %mul3A_385 = arith.muli %add3A_383, %mul3A_384 : i32
      %multiple_of3A_386 = tpu.assume_multiple %mul3A_385, 8 : i32
      %add3A_387 = arith.constant 12288 : i32
      %add3A_388 = arith.addi %add3A_387, %add3A_371 : i32
      %mul3A_389 = arith.constant 1024 : i32
      %mul3A_390 = arith.muli %add3A_388, %mul3A_389 : i32
      %multiple_of3A_391 = tpu.assume_multiple %mul3A_390, 8 : i32
      %dma_start3A_392 = arith.constant 0 : i32
      %dma_start3A_393 = arith.constant 0 : i32
      %dma_start3A_394 = arith.constant 0 : i32
      %dma_start3A_395 = tpu.memref_slice %arg9[%dma_start3A_392, %dma_start3A_394] : memref<2x16384xf32, #tpu.memory_space<vmem>> -> memref<1x4096xf32, #tpu.memory_space<vmem>>
      %dma_start3A_396 = tpu.memref_squeeze %dma_start3A_395 : memref<1x4096xf32, #tpu.memory_space<vmem>> -> memref<4096xf32, #tpu.memory_space<vmem>>
      %dma_start3A_397 = tpu.memref_slice %arg6[%multiple_of3A_376] : memref<16777216xf32, #tpu.memory_space<hbm>> -> memref<4096xf32, #tpu.memory_space<hbm>>
      %dma_start3A_398 = tpu.memref_slice %arg13[%dma_start3A_393] : memref<2x!tpu.dma_semaphore, #tpu.memory_space<semaphore_mem>> -> memref<1x!tpu.dma_semaphore, #tpu.memory_space<semaphore_mem>>
      %dma_start3A_399 = tpu.memref_squeeze %dma_start3A_398 : memref<1x!tpu.dma_semaphore, #tpu.memory_space<semaphore_mem>> -> memref<!tpu.dma_semaphore, #tpu.memory_space<semaphore_mem>>
      %dma_start3A_400 = tpu.memref_slice %arg6[%multiple_of3A_376] : memref<16777216xf32, #tpu.memory_space<hbm>> -> memref<4096xf32, #tpu.memory_space<hbm>>
      %dma_start3A_401 = arith.constant 0 : i32
      %dma_start3A_402 = tpu.memref_slice %arg9[%dma_start3A_392, %dma_start3A_401] : memref<2x16384xf32, #tpu.memory_space<vmem>> -> memref<1x4096xf32, #tpu.memory_space<vmem>>
      %dma_start3A_403 = tpu.memref_squeeze %dma_start3A_402 : memref<1x4096xf32, #tpu.memory_space<vmem>> -> memref<4096xf32, #tpu.memory_space<vmem>>
      tpu.enqueue_dma source(%dma_start3A_403 : memref<4096xf32, #tpu.memory_space<vmem>>) target(%dma_start3A_400 : memref<4096xf32, #tpu.memory_space<hbm>>) target_semaphore(%dma_start3A_399 : memref<!tpu.dma_semaphore, #tpu.memory_space<semaphore_mem>>)
      %dma_start3A_404 = arith.constant 0 : i32
      %dma_start3A_405 = arith.constant 0 : i32
      %dma_start3A_406 = arith.constant 4096 : i32
      %dma_start3A_407 = tpu.memref_slice %arg9[%dma_start3A_404, %dma_start3A_406] : memref<2x16384xf32, #tpu.memory_space<vmem>> -> memref<1x4096xf32, #tpu.memory_space<vmem>>
      %dma_start3A_408 = tpu.memref_squeeze %dma_start3A_407 : memref<1x4096xf32, #tpu.memory_space<vmem>> -> memref<4096xf32, #tpu.memory_space<vmem>>
      %dma_start3A_409 = tpu.memref_slice %arg6[%multiple_of3A_381] : memref<16777216xf32, #tpu.memory_space<hbm>> -> memref<4096xf32, #tpu.memory_space<hbm>>
      %dma_start3A_410 = tpu.memref_slice %arg13[%dma_start3A_405] : memref<2x!tpu.dma_semaphore, #tpu.memory_space<semaphore_mem>> -> memref<1x!tpu.dma_semaphore, #tpu.memory_space<semaphore_mem>>
      %dma_start3A_411 = tpu.memref_squeeze %dma_start3A_410 : memref<1x!tpu.dma_semaphore, #tpu.memory_space<semaphore_mem>> -> memref<!tpu.dma_semaphore, #tpu.memory_space<semaphore_mem>>
      %dma_start3A_412 = tpu.memref_slice %arg6[%multiple_of3A_381] : memref<16777216xf32, #tpu.memory_space<hbm>> -> memref<4096xf32, #tpu.memory_space<hbm>>
      %dma_start3A_413 = arith.constant 4096 : i32
      %dma_start3A_414 = tpu.memref_slice %arg9[%dma_start3A_404, %dma_start3A_413] : memref<2x16384xf32, #tpu.memory_space<vmem>> -> memref<1x4096xf32, #tpu.memory_space<vmem>>
      %dma_start3A_415 = tpu.memref_squeeze %dma_start3A_414 : memref<1x4096xf32, #tpu.memory_space<vmem>> -> memref<4096xf32, #tpu.memory_space<vmem>>
      tpu.enqueue_dma source(%dma_start3A_415 : memref<4096xf32, #tpu.memory_space<vmem>>) target(%dma_start3A_412 : memref<4096xf32, #tpu.memory_space<hbm>>) target_semaphore(%dma_start3A_411 : memref<!tpu.dma_semaphore, #tpu.memory_space<semaphore_mem>>)
      %dma_start3A_416 = arith.constant 0 : i32
      %dma_start3A_417 = arith.constant 0 : i32
      %dma_start3A_418 = arith.constant 8192 : i32
      %dma_start3A_419 = tpu.memref_slice %arg9[%dma_start3A_416, %dma_start3A_418] : memref<2x16384xf32, #tpu.memory_space<vmem>> -> memref<1x4096xf32, #tpu.memory_space<vmem>>
      %dma_start3A_420 = tpu.memref_squeeze %dma_start3A_419 : memref<1x4096xf32, #tpu.memory_space<vmem>> -> memref<4096xf32, #tpu.memory_space<vmem>>
      %dma_start3A_421 = tpu.memref_slice %arg6[%multiple_of3A_386] : memref<16777216xf32, #tpu.memory_space<hbm>> -> memref<4096xf32, #tpu.memory_space<hbm>>
      %dma_start3A_422 = tpu.memref_slice %arg13[%dma_start3A_417] : memref<2x!tpu.dma_semaphore, #tpu.memory_space<semaphore_mem>> -> memref<1x!tpu.dma_semaphore, #tpu.memory_space<semaphore_mem>>
      %dma_start3A_423 = tpu.memref_squeeze %dma_start3A_422 : memref<1x!tpu.dma_semaphore, #tpu.memory_space<semaphore_mem>> -> memref<!tpu.dma_semaphore, #tpu.memory_space<semaphore_mem>>
      %dma_start3A_424 = tpu.memref_slice %arg6[%multiple_of3A_386] : memref<16777216xf32, #tpu.memory_space<hbm>> -> memref<4096xf32, #tpu.memory_space<hbm>>
      %dma_start3A_425 = arith.constant 8192 : i32
      %dma_start3A_426 = tpu.memref_slice %arg9[%dma_start3A_416, %dma_start3A_425] : memref<2x16384xf32, #tpu.memory_space<vmem>> -> memref<1x4096xf32, #tpu.memory_space<vmem>>
      %dma_start3A_427 = tpu.memref_squeeze %dma_start3A_426 : memref<1x4096xf32, #tpu.memory_space<vmem>> -> memref<4096xf32, #tpu.memory_space<vmem>>
      tpu.enqueue_dma source(%dma_start3A_427 : memref<4096xf32, #tpu.memory_space<vmem>>) target(%dma_start3A_424 : memref<4096xf32, #tpu.memory_space<hbm>>) target_semaphore(%dma_start3A_423 : memref<!tpu.dma_semaphore, #tpu.memory_space<semaphore_mem>>)
      %dma_start3A_428 = arith.constant 0 : i32
      %dma_start3A_429 = arith.constant 0 : i32
      %dma_start3A_430 = arith.constant 12288 : i32
      %dma_start3A_431 = tpu.memref_slice %arg9[%dma_start3A_428, %dma_start3A_430] : memref<2x16384xf32, #tpu.memory_space<vmem>> -> memref<1x4096xf32, #tpu.memory_space<vmem>>
      %dma_start3A_432 = tpu.memref_squeeze %dma_start3A_431 : memref<1x4096xf32, #tpu.memory_space<vmem>> -> memref<4096xf32, #tpu.memory_space<vmem>>
      %dma_start3A_433 = tpu.memref_slice %arg6[%multiple_of3A_391] : memref<16777216xf32, #tpu.memory_space<hbm>> -> memref<4096xf32, #tpu.memory_space<hbm>>
      %dma_start3A_434 = tpu.memref_slice %arg13[%dma_start3A_429] : memref<2x!tpu.dma_semaphore, #tpu.memory_space<semaphore_mem>> -> memref<1x!tpu.dma_semaphore, #tpu.memory_space<semaphore_mem>>
      %dma_start3A_435 = tpu.memref_squeeze %dma_start3A_434 : memref<1x!tpu.dma_semaphore, #tpu.memory_space<semaphore_mem>> -> memref<!tpu.dma_semaphore, #tpu.memory_space<semaphore_mem>>
      %dma_start3A_436 = tpu.memref_slice %arg6[%multiple_of3A_391] : memref<16777216xf32, #tpu.memory_space<hbm>> -> memref<4096xf32, #tpu.memory_space<hbm>>
      %dma_start3A_437 = arith.constant 12288 : i32
      %dma_start3A_438 = tpu.memref_slice %arg9[%dma_start3A_428, %dma_start3A_437] : memref<2x16384xf32, #tpu.memory_space<vmem>> -> memref<1x4096xf32, #tpu.memory_space<vmem>>
      %dma_start3A_439 = tpu.memref_squeeze %dma_start3A_438 : memref<1x4096xf32, #tpu.memory_space<vmem>> -> memref<4096xf32, #tpu.memory_space<vmem>>
      tpu.enqueue_dma source(%dma_start3A_439 : memref<4096xf32, #tpu.memory_space<vmem>>) target(%dma_start3A_436 : memref<4096xf32, #tpu.memory_space<hbm>>) target_semaphore(%dma_start3A_435 : memref<!tpu.dma_semaphore, #tpu.memory_space<semaphore_mem>>)
      %add3A_440 = arith.constant 1 : i32
      %add3A_441 = arith.addi %mul3A_212, %add3A_440 : i32
      %add3A_442 = arith.constant 2 : i32
      %add3A_443 = arith.addi %mul3A_212, %add3A_442 : i32
      %lt3A = arith.constant 15 : i32
      %lt3A_444 = arith.cmpi slt, %scan3A_210, %lt3A : i32
      %ge3A_445 = arith.constant 1 : i32
      %ge3A_446 = arith.cmpi sge, %scan3A_210, %ge3A_445 : i32
      %convert_element_type3A_447 = arith.extui %lt3A_444 : i1 to i32
      %cond3A_448 = arith.constant 0 : i32
      %cond3A_449 = arith.cmpi ne, %convert_element_type3A_447, %cond3A_448 : i32
      scf.if %cond3A_449 {
        %mul3A_604 = arith.constant 4 : i32
        %mul3A_605 = arith.muli %add3A_443, %mul3A_604 : i32
        %add3A_606 = arith.constant 0 : i32
        %add3A_607 = arith.addi %mul3A_605, %add3A_606 : i32
        %dma_start3A_608 = arith.constant 0 : i32
        %dma_start3A_609 = arith.constant 0 : i32
        %dma_start3A_610 = arith.constant 0 : i32
        %dma_start3A_611 = arith.constant 0 : i32
        %dma_start3A_612 = tpu.memref_slice %arg8[%dma_start3A_608, %dma_start3A_610, %dma_start3A_611] : memref<2x512x32xf32, #tpu.memory_space<vmem>> -> memref<1x128x32xf32, #tpu.memory_space<vmem>>
        %dma_start3A_613 = tpu.memref_squeeze %dma_start3A_612 : memref<1x128x32xf32, #tpu.memory_space<vmem>> -> memref<128x32xf32, #tpu.memory_space<vmem>>
        %dma_start3A_614 = arith.constant 0 : i32
        %dma_start3A_615 = tpu.memref_slice %arg7[%add3A_607, %dma_start3A_614] : memref<128x128xi32, #tpu.memory_space<vmem>> -> memref<1x128xi32, #tpu.memory_space<vmem>>
        %dma_start3A_616 = tpu.memref_squeeze %dma_start3A_615 : memref<1x128xi32, #tpu.memory_space<vmem>> -> memref<128xi32, #tpu.memory_space<vmem>>
        %dma_start3A_617 = arith.constant 0 : i32
        %dma_start3A_618 = arith.constant 0 : i32
        %dma_start3A_619 = tpu.memref_slice %arg3[%dma_start3A_617, %dma_start3A_618] : memref<65536x32xf32, #tpu.memory_space<hbm>> -> memref<65536x32xf32, #tpu.memory_space<hbm>>
        %dma_start3A_620 = tpu.memref_slice %arg12[%dma_start3A_609] : memref<2x!tpu.dma_semaphore, #tpu.memory_space<semaphore_mem>> -> memref<1x!tpu.dma_semaphore, #tpu.memory_space<semaphore_mem>>
        %dma_start3A_621 = tpu.memref_squeeze %dma_start3A_620 : memref<1x!tpu.dma_semaphore, #tpu.memory_space<semaphore_mem>> -> memref<!tpu.dma_semaphore, #tpu.memory_space<semaphore_mem>>
        tpu.enqueue_indirect_dma source(%dma_start3A_619 : memref<65536x32xf32, #tpu.memory_space<hbm>>) target(%dma_start3A_613 : memref<128x32xf32, #tpu.memory_space<vmem>>) offsets(%dma_start3A_616 : memref<128xi32, #tpu.memory_space<vmem>>) semaphore(%dma_start3A_621 : memref<!tpu.dma_semaphore, #tpu.memory_space<semaphore_mem>>)
        %mul3A_622 = arith.constant 4 : i32
        %mul3A_623 = arith.muli %add3A_443, %mul3A_622 : i32
        %add3A_624 = arith.constant 1 : i32
        %add3A_625 = arith.addi %mul3A_623, %add3A_624 : i32
        %dma_start3A_626 = arith.constant 0 : i32
        %dma_start3A_627 = arith.constant 0 : i32
        %dma_start3A_628 = arith.constant 128 : i32
        %dma_start3A_629 = arith.constant 0 : i32
        %dma_start3A_630 = tpu.memref_slice %arg8[%dma_start3A_626, %dma_start3A_628, %dma_start3A_629] : memref<2x512x32xf32, #tpu.memory_space<vmem>> -> memref<1x128x32xf32, #tpu.memory_space<vmem>>
        %dma_start3A_631 = tpu.memref_squeeze %dma_start3A_630 : memref<1x128x32xf32, #tpu.memory_space<vmem>> -> memref<128x32xf32, #tpu.memory_space<vmem>>
        %dma_start3A_632 = arith.constant 0 : i32
        %dma_start3A_633 = tpu.memref_slice %arg7[%add3A_625, %dma_start3A_632] : memref<128x128xi32, #tpu.memory_space<vmem>> -> memref<1x128xi32, #tpu.memory_space<vmem>>
        %dma_start3A_634 = tpu.memref_squeeze %dma_start3A_633 : memref<1x128xi32, #tpu.memory_space<vmem>> -> memref<128xi32, #tpu.memory_space<vmem>>
        %dma_start3A_635 = arith.constant 0 : i32
        %dma_start3A_636 = arith.constant 0 : i32
        %dma_start3A_637 = tpu.memref_slice %arg3[%dma_start3A_635, %dma_start3A_636] : memref<65536x32xf32, #tpu.memory_space<hbm>> -> memref<65536x32xf32, #tpu.memory_space<hbm>>
        %dma_start3A_638 = tpu.memref_slice %arg12[%dma_start3A_627] : memref<2x!tpu.dma_semaphore, #tpu.memory_space<semaphore_mem>> -> memref<1x!tpu.dma_semaphore, #tpu.memory_space<semaphore_mem>>
        %dma_start3A_639 = tpu.memref_squeeze %dma_start3A_638 : memref<1x!tpu.dma_semaphore, #tpu.memory_space<semaphore_mem>> -> memref<!tpu.dma_semaphore, #tpu.memory_space<semaphore_mem>>
        tpu.enqueue_indirect_dma source(%dma_start3A_637 : memref<65536x32xf32, #tpu.memory_space<hbm>>) target(%dma_start3A_631 : memref<128x32xf32, #tpu.memory_space<vmem>>) offsets(%dma_start3A_634 : memref<128xi32, #tpu.memory_space<vmem>>) semaphore(%dma_start3A_639 : memref<!tpu.dma_semaphore, #tpu.memory_space<semaphore_mem>>)
        %mul3A_640 = arith.constant 4 : i32
        %mul3A_641 = arith.muli %add3A_443, %mul3A_640 : i32
        %add3A_642 = arith.constant 2 : i32
        %add3A_643 = arith.addi %mul3A_641, %add3A_642 : i32
        %dma_start3A_644 = arith.constant 0 : i32
        %dma_start3A_645 = arith.constant 0 : i32
        %dma_start3A_646 = arith.constant 256 : i32
        %dma_start3A_647 = arith.constant 0 : i32
        %dma_start3A_648 = tpu.memref_slice %arg8[%dma_start3A_644, %dma_start3A_646, %dma_start3A_647] : memref<2x512x32xf32, #tpu.memory_space<vmem>> -> memref<1x128x32xf32, #tpu.memory_space<vmem>>
        %dma_start3A_649 = tpu.memref_squeeze %dma_start3A_648 : memref<1x128x32xf32, #tpu.memory_space<vmem>> -> memref<128x32xf32, #tpu.memory_space<vmem>>
        %dma_start3A_650 = arith.constant 0 : i32
        %dma_start3A_651 = tpu.memref_slice %arg7[%add3A_643, %dma_start3A_650] : memref<128x128xi32, #tpu.memory_space<vmem>> -> memref<1x128xi32, #tpu.memory_space<vmem>>
        %dma_start3A_652 = tpu.memref_squeeze %dma_start3A_651 : memref<1x128xi32, #tpu.memory_space<vmem>> -> memref<128xi32, #tpu.memory_space<vmem>>
        %dma_start3A_653 = arith.constant 0 : i32
        %dma_start3A_654 = arith.constant 0 : i32
        %dma_start3A_655 = tpu.memref_slice %arg3[%dma_start3A_653, %dma_start3A_654] : memref<65536x32xf32, #tpu.memory_space<hbm>> -> memref<65536x32xf32, #tpu.memory_space<hbm>>
        %dma_start3A_656 = tpu.memref_slice %arg12[%dma_start3A_645] : memref<2x!tpu.dma_semaphore, #tpu.memory_space<semaphore_mem>> -> memref<1x!tpu.dma_semaphore, #tpu.memory_space<semaphore_mem>>
        %dma_start3A_657 = tpu.memref_squeeze %dma_start3A_656 : memref<1x!tpu.dma_semaphore, #tpu.memory_space<semaphore_mem>> -> memref<!tpu.dma_semaphore, #tpu.memory_space<semaphore_mem>>
        tpu.enqueue_indirect_dma source(%dma_start3A_655 : memref<65536x32xf32, #tpu.memory_space<hbm>>) target(%dma_start3A_649 : memref<128x32xf32, #tpu.memory_space<vmem>>) offsets(%dma_start3A_652 : memref<128xi32, #tpu.memory_space<vmem>>) semaphore(%dma_start3A_657 : memref<!tpu.dma_semaphore, #tpu.memory_space<semaphore_mem>>)
        %mul3A_658 = arith.constant 4 : i32
        %mul3A_659 = arith.muli %add3A_443, %mul3A_658 : i32
        %add3A_660 = arith.constant 3 : i32
        %add3A_661 = arith.addi %mul3A_659, %add3A_660 : i32
        %dma_start3A_662 = arith.constant 0 : i32
        %dma_start3A_663 = arith.constant 0 : i32
        %dma_start3A_664 = arith.constant 384 : i32
        %dma_start3A_665 = arith.constant 0 : i32
        %dma_start3A_666 = tpu.memref_slice %arg8[%dma_start3A_662, %dma_start3A_664, %dma_start3A_665] : memref<2x512x32xf32, #tpu.memory_space<vmem>> -> memref<1x128x32xf32, #tpu.memory_space<vmem>>
        %dma_start3A_667 = tpu.memref_squeeze %dma_start3A_666 : memref<1x128x32xf32, #tpu.memory_space<vmem>> -> memref<128x32xf32, #tpu.memory_space<vmem>>
        %dma_start3A_668 = arith.constant 0 : i32
        %dma_start3A_669 = tpu.memref_slice %arg7[%add3A_661, %dma_start3A_668] : memref<128x128xi32, #tpu.memory_space<vmem>> -> memref<1x128xi32, #tpu.memory_space<vmem>>
        %dma_start3A_670 = tpu.memref_squeeze %dma_start3A_669 : memref<1x128xi32, #tpu.memory_space<vmem>> -> memref<128xi32, #tpu.memory_space<vmem>>
        %dma_start3A_671 = arith.constant 0 : i32
        %dma_start3A_672 = arith.constant 0 : i32
        %dma_start3A_673 = tpu.memref_slice %arg3[%dma_start3A_671, %dma_start3A_672] : memref<65536x32xf32, #tpu.memory_space<hbm>> -> memref<65536x32xf32, #tpu.memory_space<hbm>>
        %dma_start3A_674 = tpu.memref_slice %arg12[%dma_start3A_663] : memref<2x!tpu.dma_semaphore, #tpu.memory_space<semaphore_mem>> -> memref<1x!tpu.dma_semaphore, #tpu.memory_space<semaphore_mem>>
        %dma_start3A_675 = tpu.memref_squeeze %dma_start3A_674 : memref<1x!tpu.dma_semaphore, #tpu.memory_space<semaphore_mem>> -> memref<!tpu.dma_semaphore, #tpu.memory_space<semaphore_mem>>
        tpu.enqueue_indirect_dma source(%dma_start3A_673 : memref<65536x32xf32, #tpu.memory_space<hbm>>) target(%dma_start3A_667 : memref<128x32xf32, #tpu.memory_space<vmem>>) offsets(%dma_start3A_670 : memref<128xi32, #tpu.memory_space<vmem>>) semaphore(%dma_start3A_675 : memref<!tpu.dma_semaphore, #tpu.memory_space<semaphore_mem>>)
      } else {
      }
      %mul3A_450 = arith.constant 4 : i32
      %mul3A_451 = arith.muli %add3A_441, %mul3A_450 : i32
      %add3A_452 = arith.constant 0 : i32
      %add3A_453 = arith.addi %mul3A_451, %add3A_452 : i32
      %dma_wait3A_454 = arith.constant 1 : i32
      %dma_wait3A_455 = arith.constant 1 : i32
      %dma_wait3A_456 = arith.constant 0 : i32
      %dma_wait3A_457 = arith.constant 0 : i32
      %dma_wait3A_458 = tpu.memref_slice %arg8[%dma_wait3A_454, %dma_wait3A_456, %dma_wait3A_457] : memref<2x512x32xf32, #tpu.memory_space<vmem>> -> memref<1x128x32xf32, #tpu.memory_space<vmem>>
      %dma_wait3A_459 = tpu.memref_squeeze %dma_wait3A_458 : memref<1x128x32xf32, #tpu.memory_space<vmem>> -> memref<128x32xf32, #tpu.memory_space<vmem>>
      %dma_wait3A_460 = arith.constant 0 : i32
      %dma_wait3A_461 = tpu.memref_slice %arg7[%add3A_453, %dma_wait3A_460] : memref<128x128xi32, #tpu.memory_space<vmem>> -> memref<1x128xi32, #tpu.memory_space<vmem>>
      %dma_wait3A_462 = tpu.memref_squeeze %dma_wait3A_461 : memref<1x128xi32, #tpu.memory_space<vmem>> -> memref<128xi32, #tpu.memory_space<vmem>>
      %dma_wait3A_463 = arith.constant 0 : i32
      %dma_wait3A_464 = arith.constant 0 : i32
      %dma_wait3A_465 = tpu.memref_slice %arg3[%dma_wait3A_463, %dma_wait3A_464] : memref<65536x32xf32, #tpu.memory_space<hbm>> -> memref<65536x32xf32, #tpu.memory_space<hbm>>
      %dma_wait3A_466 = tpu.memref_slice %arg12[%dma_wait3A_455] : memref<2x!tpu.dma_semaphore, #tpu.memory_space<semaphore_mem>> -> memref<1x!tpu.dma_semaphore, #tpu.memory_space<semaphore_mem>>
      %dma_wait3A_467 = tpu.memref_squeeze %dma_wait3A_466 : memref<1x!tpu.dma_semaphore, #tpu.memory_space<semaphore_mem>> -> memref<!tpu.dma_semaphore, #tpu.memory_space<semaphore_mem>>
      tpu.wait_indirect_dma semaphore(%dma_wait3A_467 : memref<!tpu.dma_semaphore, #tpu.memory_space<semaphore_mem>>) src(%dma_wait3A_465 : memref<65536x32xf32, #tpu.memory_space<hbm>>) dst(%dma_wait3A_459 : memref<128x32xf32, #tpu.memory_space<vmem>>)
      %mul3A_468 = arith.constant 4 : i32
      %mul3A_469 = arith.muli %add3A_441, %mul3A_468 : i32
      %add3A_470 = arith.constant 1 : i32
      %add3A_471 = arith.addi %mul3A_469, %add3A_470 : i32
      %dma_wait3A_472 = arith.constant 1 : i32
      %dma_wait3A_473 = arith.constant 1 : i32
      %dma_wait3A_474 = arith.constant 128 : i32
      %dma_wait3A_475 = arith.constant 0 : i32
      %dma_wait3A_476 = tpu.memref_slice %arg8[%dma_wait3A_472, %dma_wait3A_474, %dma_wait3A_475] : memref<2x512x32xf32, #tpu.memory_space<vmem>> -> memref<1x128x32xf32, #tpu.memory_space<vmem>>
      %dma_wait3A_477 = tpu.memref_squeeze %dma_wait3A_476 : memref<1x128x32xf32, #tpu.memory_space<vmem>> -> memref<128x32xf32, #tpu.memory_space<vmem>>
      %dma_wait3A_478 = arith.constant 0 : i32
      %dma_wait3A_479 = tpu.memref_slice %arg7[%add3A_471, %dma_wait3A_478] : memref<128x128xi32, #tpu.memory_space<vmem>> -> memref<1x128xi32, #tpu.memory_space<vmem>>
      %dma_wait3A_480 = tpu.memref_squeeze %dma_wait3A_479 : memref<1x128xi32, #tpu.memory_space<vmem>> -> memref<128xi32, #tpu.memory_space<vmem>>
      %dma_wait3A_481 = arith.constant 0 : i32
      %dma_wait3A_482 = arith.constant 0 : i32
      %dma_wait3A_483 = tpu.memref_slice %arg3[%dma_wait3A_481, %dma_wait3A_482] : memref<65536x32xf32, #tpu.memory_space<hbm>> -> memref<65536x32xf32, #tpu.memory_space<hbm>>
      %dma_wait3A_484 = tpu.memref_slice %arg12[%dma_wait3A_473] : memref<2x!tpu.dma_semaphore, #tpu.memory_space<semaphore_mem>> -> memref<1x!tpu.dma_semaphore, #tpu.memory_space<semaphore_mem>>
      %dma_wait3A_485 = tpu.memref_squeeze %dma_wait3A_484 : memref<1x!tpu.dma_semaphore, #tpu.memory_space<semaphore_mem>> -> memref<!tpu.dma_semaphore, #tpu.memory_space<semaphore_mem>>
      tpu.wait_indirect_dma semaphore(%dma_wait3A_485 : memref<!tpu.dma_semaphore, #tpu.memory_space<semaphore_mem>>) src(%dma_wait3A_483 : memref<65536x32xf32, #tpu.memory_space<hbm>>) dst(%dma_wait3A_477 : memref<128x32xf32, #tpu.memory_space<vmem>>)
      %mul3A_486 = arith.constant 4 : i32
      %mul3A_487 = arith.muli %add3A_441, %mul3A_486 : i32
      %add3A_488 = arith.constant 2 : i32
      %add3A_489 = arith.addi %mul3A_487, %add3A_488 : i32
      %dma_wait3A_490 = arith.constant 1 : i32
      %dma_wait3A_491 = arith.constant 1 : i32
      %dma_wait3A_492 = arith.constant 256 : i32
      %dma_wait3A_493 = arith.constant 0 : i32
      %dma_wait3A_494 = tpu.memref_slice %arg8[%dma_wait3A_490, %dma_wait3A_492, %dma_wait3A_493] : memref<2x512x32xf32, #tpu.memory_space<vmem>> -> memref<1x128x32xf32, #tpu.memory_space<vmem>>
      %dma_wait3A_495 = tpu.memref_squeeze %dma_wait3A_494 : memref<1x128x32xf32, #tpu.memory_space<vmem>> -> memref<128x32xf32, #tpu.memory_space<vmem>>
      %dma_wait3A_496 = arith.constant 0 : i32
      %dma_wait3A_497 = tpu.memref_slice %arg7[%add3A_489, %dma_wait3A_496] : memref<128x128xi32, #tpu.memory_space<vmem>> -> memref<1x128xi32, #tpu.memory_space<vmem>>
      %dma_wait3A_498 = tpu.memref_squeeze %dma_wait3A_497 : memref<1x128xi32, #tpu.memory_space<vmem>> -> memref<128xi32, #tpu.memory_space<vmem>>
      %dma_wait3A_499 = arith.constant 0 : i32
      %dma_wait3A_500 = arith.constant 0 : i32
      %dma_wait3A_501 = tpu.memref_slice %arg3[%dma_wait3A_499, %dma_wait3A_500] : memref<65536x32xf32, #tpu.memory_space<hbm>> -> memref<65536x32xf32, #tpu.memory_space<hbm>>
      %dma_wait3A_502 = tpu.memref_slice %arg12[%dma_wait3A_491] : memref<2x!tpu.dma_semaphore, #tpu.memory_space<semaphore_mem>> -> memref<1x!tpu.dma_semaphore, #tpu.memory_space<semaphore_mem>>
      %dma_wait3A_503 = tpu.memref_squeeze %dma_wait3A_502 : memref<1x!tpu.dma_semaphore, #tpu.memory_space<semaphore_mem>> -> memref<!tpu.dma_semaphore, #tpu.memory_space<semaphore_mem>>
      tpu.wait_indirect_dma semaphore(%dma_wait3A_503 : memref<!tpu.dma_semaphore, #tpu.memory_space<semaphore_mem>>) src(%dma_wait3A_501 : memref<65536x32xf32, #tpu.memory_space<hbm>>) dst(%dma_wait3A_495 : memref<128x32xf32, #tpu.memory_space<vmem>>)
      %mul3A_504 = arith.constant 4 : i32
      %mul3A_505 = arith.muli %add3A_441, %mul3A_504 : i32
      %add3A_506 = arith.constant 3 : i32
      %add3A_507 = arith.addi %mul3A_505, %add3A_506 : i32
      %dma_wait3A_508 = arith.constant 1 : i32
      %dma_wait3A_509 = arith.constant 1 : i32
      %dma_wait3A_510 = arith.constant 384 : i32
      %dma_wait3A_511 = arith.constant 0 : i32
      %dma_wait3A_512 = tpu.memref_slice %arg8[%dma_wait3A_508, %dma_wait3A_510, %dma_wait3A_511] : memref<2x512x32xf32, #tpu.memory_space<vmem>> -> memref<1x128x32xf32, #tpu.memory_space<vmem>>
      %dma_wait3A_513 = tpu.memref_squeeze %dma_wait3A_512 : memref<1x128x32xf32, #tpu.memory_space<vmem>> -> memref<128x32xf32, #tpu.memory_space<vmem>>
      %dma_wait3A_514 = arith.constant 0 : i32
      %dma_wait3A_515 = tpu.memref_slice %arg7[%add3A_507, %dma_wait3A_514] : memref<128x128xi32, #tpu.memory_space<vmem>> -> memref<1x128xi32, #tpu.memory_space<vmem>>
      %dma_wait3A_516 = tpu.memref_squeeze %dma_wait3A_515 : memref<1x128xi32, #tpu.memory_space<vmem>> -> memref<128xi32, #tpu.memory_space<vmem>>
      %dma_wait3A_517 = arith.constant 0 : i32
      %dma_wait3A_518 = arith.constant 0 : i32
      %dma_wait3A_519 = tpu.memref_slice %arg3[%dma_wait3A_517, %dma_wait3A_518] : memref<65536x32xf32, #tpu.memory_space<hbm>> -> memref<65536x32xf32, #tpu.memory_space<hbm>>
      %dma_wait3A_520 = tpu.memref_slice %arg12[%dma_wait3A_509] : memref<2x!tpu.dma_semaphore, #tpu.memory_space<semaphore_mem>> -> memref<1x!tpu.dma_semaphore, #tpu.memory_space<semaphore_mem>>
      %dma_wait3A_521 = tpu.memref_squeeze %dma_wait3A_520 : memref<1x!tpu.dma_semaphore, #tpu.memory_space<semaphore_mem>> -> memref<!tpu.dma_semaphore, #tpu.memory_space<semaphore_mem>>
      tpu.wait_indirect_dma semaphore(%dma_wait3A_521 : memref<!tpu.dma_semaphore, #tpu.memory_space<semaphore_mem>>) src(%dma_wait3A_519 : memref<65536x32xf32, #tpu.memory_space<hbm>>) dst(%dma_wait3A_513 : memref<128x32xf32, #tpu.memory_space<vmem>>)
      %convert_element_type3A_522 = arith.extui %ge3A_446 : i1 to i32
      %cond3A_523 = arith.constant 0 : i32
      %cond3A_524 = arith.cmpi ne, %convert_element_type3A_522, %cond3A_523 : i32
      scf.if %cond3A_524 {
        %sub3A = arith.constant 2 : i32
        %sub3A_604 = arith.subi %add3A_441, %sub3A : i32
        %mul3A_605 = arith.constant 128 : i32
        %mul3A_606 = arith.muli %add3A, %mul3A_605 : i32
        %mul3A_607 = arith.constant 4 : i32
        %mul3A_608 = arith.muli %sub3A_604, %mul3A_607 : i32
        %add3A_609 = arith.addi %mul3A_606, %mul3A_608 : i32
        %add3A_610 = arith.constant 0 : i32
        %add3A_611 = arith.addi %add3A_610, %add3A_609 : i32
        %mul3A_612 = arith.constant 1024 : i32
        %mul3A_613 = arith.muli %add3A_611, %mul3A_612 : i32
        %multiple_of3A_614 = tpu.assume_multiple %mul3A_613, 8 : i32
        %add3A_615 = arith.constant 4096 : i32
        %add3A_616 = arith.addi %add3A_615, %add3A_609 : i32
        %mul3A_617 = arith.constant 1024 : i32
        %mul3A_618 = arith.muli %add3A_616, %mul3A_617 : i32
        %multiple_of3A_619 = tpu.assume_multiple %mul3A_618, 8 : i32
        %add3A_620 = arith.constant 8192 : i32
        %add3A_621 = arith.addi %add3A_620, %add3A_609 : i32
        %mul3A_622 = arith.constant 1024 : i32
        %mul3A_623 = arith.muli %add3A_621, %mul3A_622 : i32
        %multiple_of3A_624 = tpu.assume_multiple %mul3A_623, 8 : i32
        %add3A_625 = arith.constant 12288 : i32
        %add3A_626 = arith.addi %add3A_625, %add3A_609 : i32
        %mul3A_627 = arith.constant 1024 : i32
        %mul3A_628 = arith.muli %add3A_626, %mul3A_627 : i32
        %multiple_of3A_629 = tpu.assume_multiple %mul3A_628, 8 : i32
        %dma_wait3A_630 = arith.constant 1 : i32
        %dma_wait3A_631 = arith.constant 1 : i32
        %dma_wait3A_632 = arith.constant 0 : i32
        %dma_wait3A_633 = tpu.memref_slice %arg9[%dma_wait3A_630, %dma_wait3A_632] : memref<2x16384xf32, #tpu.memory_space<vmem>> -> memref<1x4096xf32, #tpu.memory_space<vmem>>
        %dma_wait3A_634 = tpu.memref_squeeze %dma_wait3A_633 : memref<1x4096xf32, #tpu.memory_space<vmem>> -> memref<4096xf32, #tpu.memory_space<vmem>>
        %dma_wait3A_635 = tpu.memref_slice %arg6[%multiple_of3A_614] : memref<16777216xf32, #tpu.memory_space<hbm>> -> memref<4096xf32, #tpu.memory_space<hbm>>
        %dma_wait3A_636 = tpu.memref_slice %arg13[%dma_wait3A_631] : memref<2x!tpu.dma_semaphore, #tpu.memory_space<semaphore_mem>> -> memref<1x!tpu.dma_semaphore, #tpu.memory_space<semaphore_mem>>
        %dma_wait3A_637 = tpu.memref_squeeze %dma_wait3A_636 : memref<1x!tpu.dma_semaphore, #tpu.memory_space<semaphore_mem>> -> memref<!tpu.dma_semaphore, #tpu.memory_space<semaphore_mem>>
        %dma_wait3A_638 = tpu.memref_slice %arg6[%multiple_of3A_614] : memref<16777216xf32, #tpu.memory_space<hbm>> -> memref<4096xf32, #tpu.memory_space<hbm>>
        %dma_wait3A_639 = arith.constant 0 : i32
        %dma_wait3A_640 = tpu.memref_slice %arg9[%dma_wait3A_630, %dma_wait3A_639] : memref<2x16384xf32, #tpu.memory_space<vmem>> -> memref<1x4096xf32, #tpu.memory_space<vmem>>
        %dma_wait3A_641 = tpu.memref_squeeze %dma_wait3A_640 : memref<1x4096xf32, #tpu.memory_space<vmem>> -> memref<4096xf32, #tpu.memory_space<vmem>>
        tpu.wait_dma2 semaphore(%dma_wait3A_637 : memref<!tpu.dma_semaphore, #tpu.memory_space<semaphore_mem>>) src(%dma_wait3A_641 : memref<4096xf32, #tpu.memory_space<vmem>>) dst(%dma_wait3A_638 : memref<4096xf32, #tpu.memory_space<hbm>>)
        %dma_wait3A_642 = arith.constant 1 : i32
        %dma_wait3A_643 = arith.constant 1 : i32
        %dma_wait3A_644 = arith.constant 4096 : i32
        %dma_wait3A_645 = tpu.memref_slice %arg9[%dma_wait3A_642, %dma_wait3A_644] : memref<2x16384xf32, #tpu.memory_space<vmem>> -> memref<1x4096xf32, #tpu.memory_space<vmem>>
        %dma_wait3A_646 = tpu.memref_squeeze %dma_wait3A_645 : memref<1x4096xf32, #tpu.memory_space<vmem>> -> memref<4096xf32, #tpu.memory_space<vmem>>
        %dma_wait3A_647 = tpu.memref_slice %arg6[%multiple_of3A_619] : memref<16777216xf32, #tpu.memory_space<hbm>> -> memref<4096xf32, #tpu.memory_space<hbm>>
        %dma_wait3A_648 = tpu.memref_slice %arg13[%dma_wait3A_643] : memref<2x!tpu.dma_semaphore, #tpu.memory_space<semaphore_mem>> -> memref<1x!tpu.dma_semaphore, #tpu.memory_space<semaphore_mem>>
        %dma_wait3A_649 = tpu.memref_squeeze %dma_wait3A_648 : memref<1x!tpu.dma_semaphore, #tpu.memory_space<semaphore_mem>> -> memref<!tpu.dma_semaphore, #tpu.memory_space<semaphore_mem>>
        %dma_wait3A_650 = tpu.memref_slice %arg6[%multiple_of3A_619] : memref<16777216xf32, #tpu.memory_space<hbm>> -> memref<4096xf32, #tpu.memory_space<hbm>>
        %dma_wait3A_651 = arith.constant 4096 : i32
        %dma_wait3A_652 = tpu.memref_slice %arg9[%dma_wait3A_642, %dma_wait3A_651] : memref<2x16384xf32, #tpu.memory_space<vmem>> -> memref<1x4096xf32, #tpu.memory_space<vmem>>
        %dma_wait3A_653 = tpu.memref_squeeze %dma_wait3A_652 : memref<1x4096xf32, #tpu.memory_space<vmem>> -> memref<4096xf32, #tpu.memory_space<vmem>>
        tpu.wait_dma2 semaphore(%dma_wait3A_649 : memref<!tpu.dma_semaphore, #tpu.memory_space<semaphore_mem>>) src(%dma_wait3A_653 : memref<4096xf32, #tpu.memory_space<vmem>>) dst(%dma_wait3A_650 : memref<4096xf32, #tpu.memory_space<hbm>>)
        %dma_wait3A_654 = arith.constant 1 : i32
        %dma_wait3A_655 = arith.constant 1 : i32
        %dma_wait3A_656 = arith.constant 8192 : i32
        %dma_wait3A_657 = tpu.memref_slice %arg9[%dma_wait3A_654, %dma_wait3A_656] : memref<2x16384xf32, #tpu.memory_space<vmem>> -> memref<1x4096xf32, #tpu.memory_space<vmem>>
        %dma_wait3A_658 = tpu.memref_squeeze %dma_wait3A_657 : memref<1x4096xf32, #tpu.memory_space<vmem>> -> memref<4096xf32, #tpu.memory_space<vmem>>
        %dma_wait3A_659 = tpu.memref_slice %arg6[%multiple_of3A_624] : memref<16777216xf32, #tpu.memory_space<hbm>> -> memref<4096xf32, #tpu.memory_space<hbm>>
        %dma_wait3A_660 = tpu.memref_slice %arg13[%dma_wait3A_655] : memref<2x!tpu.dma_semaphore, #tpu.memory_space<semaphore_mem>> -> memref<1x!tpu.dma_semaphore, #tpu.memory_space<semaphore_mem>>
        %dma_wait3A_661 = tpu.memref_squeeze %dma_wait3A_660 : memref<1x!tpu.dma_semaphore, #tpu.memory_space<semaphore_mem>> -> memref<!tpu.dma_semaphore, #tpu.memory_space<semaphore_mem>>
        %dma_wait3A_662 = tpu.memref_slice %arg6[%multiple_of3A_624] : memref<16777216xf32, #tpu.memory_space<hbm>> -> memref<4096xf32, #tpu.memory_space<hbm>>
        %dma_wait3A_663 = arith.constant 8192 : i32
        %dma_wait3A_664 = tpu.memref_slice %arg9[%dma_wait3A_654, %dma_wait3A_663] : memref<2x16384xf32, #tpu.memory_space<vmem>> -> memref<1x4096xf32, #tpu.memory_space<vmem>>
        %dma_wait3A_665 = tpu.memref_squeeze %dma_wait3A_664 : memref<1x4096xf32, #tpu.memory_space<vmem>> -> memref<4096xf32, #tpu.memory_space<vmem>>
        tpu.wait_dma2 semaphore(%dma_wait3A_661 : memref<!tpu.dma_semaphore, #tpu.memory_space<semaphore_mem>>) src(%dma_wait3A_665 : memref<4096xf32, #tpu.memory_space<vmem>>) dst(%dma_wait3A_662 : memref<4096xf32, #tpu.memory_space<hbm>>)
        %dma_wait3A_666 = arith.constant 1 : i32
        %dma_wait3A_667 = arith.constant 1 : i32
        %dma_wait3A_668 = arith.constant 12288 : i32
        %dma_wait3A_669 = tpu.memref_slice %arg9[%dma_wait3A_666, %dma_wait3A_668] : memref<2x16384xf32, #tpu.memory_space<vmem>> -> memref<1x4096xf32, #tpu.memory_space<vmem>>
        %dma_wait3A_670 = tpu.memref_squeeze %dma_wait3A_669 : memref<1x4096xf32, #tpu.memory_space<vmem>> -> memref<4096xf32, #tpu.memory_space<vmem>>
        %dma_wait3A_671 = tpu.memref_slice %arg6[%multiple_of3A_629] : memref<16777216xf32, #tpu.memory_space<hbm>> -> memref<4096xf32, #tpu.memory_space<hbm>>
        %dma_wait3A_672 = tpu.memref_slice %arg13[%dma_wait3A_667] : memref<2x!tpu.dma_semaphore, #tpu.memory_space<semaphore_mem>> -> memref<1x!tpu.dma_semaphore, #tpu.memory_space<semaphore_mem>>
        %dma_wait3A_673 = tpu.memref_squeeze %dma_wait3A_672 : memref<1x!tpu.dma_semaphore, #tpu.memory_space<semaphore_mem>> -> memref<!tpu.dma_semaphore, #tpu.memory_space<semaphore_mem>>
        %dma_wait3A_674 = tpu.memref_slice %arg6[%multiple_of3A_629] : memref<16777216xf32, #tpu.memory_space<hbm>> -> memref<4096xf32, #tpu.memory_space<hbm>>
        %dma_wait3A_675 = arith.constant 12288 : i32
        %dma_wait3A_676 = tpu.memref_slice %arg9[%dma_wait3A_666, %dma_wait3A_675] : memref<2x16384xf32, #tpu.memory_space<vmem>> -> memref<1x4096xf32, #tpu.memory_space<vmem>>
        %dma_wait3A_677 = tpu.memref_squeeze %dma_wait3A_676 : memref<1x4096xf32, #tpu.memory_space<vmem>> -> memref<4096xf32, #tpu.memory_space<vmem>>
        tpu.wait_dma2 semaphore(%dma_wait3A_673 : memref<!tpu.dma_semaphore, #tpu.memory_space<semaphore_mem>>) src(%dma_wait3A_677 : memref<4096xf32, #tpu.memory_space<vmem>>) dst(%dma_wait3A_674 : memref<4096xf32, #tpu.memory_space<hbm>>)
      } else {
      }
      %scan3A_525 = arith.constant 0 : i32
      %scan3A_526 = arith.constant 0 : i32
      %scan3A_527 = arith.constant 32 : i32
      %scan3A_528 = arith.addi %scan3A_526, %scan3A_527 : i32
      %scan3A_529 = arith.constant 1 : i32
      scf.for %scan3A_604 = %scan3A_526 to %scan3A_528 step %scan3A_529  : i32 {
        %mul3A_605 = arith.constant 16 : i32
        %mul3A_606 = arith.muli %scan3A_604, %mul3A_605 : i32
        %jit3A = arith.constant 4 : i32
        %eq3A = arith.constant 0 : i32
        %eq3A_607 = arith.cmpi eq, %jit3A, %eq3A : i32
        %jit3A_608 = arith.constant 1 : i32
        %select_n3A = arith.select %eq3A_607, %jit3A_608, %jit3A : i32
        %rem3A = arith.remsi %scan3A_604, %select_n3A : i32
        %ne3A = arith.constant 0 : i32
        %ne3A_609 = arith.cmpi ne, %rem3A, %ne3A : i32
        %lt3A_610 = arith.constant 0 : i32
        %lt3A_611 = arith.cmpi slt, %rem3A, %lt3A_610 : i32
        %lt3A_612 = arith.constant 0 : i32
        %lt3A_613 = arith.cmpi slt, %select_n3A, %lt3A_612 : i32
        %ne3A_614 = arith.xori %lt3A_611, %lt3A_613 : i1
        %and3A = arith.andi %ne3A_614, %ne3A_609 : i1
        %add3A_615 = arith.addi %rem3A, %select_n3A : i32
        %select_n3A_616 = arith.select %and3A, %add3A_615, %rem3A : i32
        %mul3A_617 = arith.constant 16 : i32
        %mul3A_618 = arith.muli %select_n3A_616, %mul3A_617 : i32
        %broadcast_in_dim3A = arith.constant 0.000000e+00 : f32
        %broadcast_in_dim3A_619 = vector.broadcast %broadcast_in_dim3A : f32 to vector<16xf32>
        %add3A_620 = arith.constant 0 : i32
        %add3A_621 = arith.addi %mul3A_606, %add3A_620 : i32
        %add3A_622 = arith.constant 0 : i32
        %add3A_623 = arith.addi %mul3A_618, %add3A_622 : i32
        %get3A = arith.constant 1 : i32
        %get3A_624 = arith.index_cast %get3A : i32 to index
        %get3A_625 = arith.index_cast %add3A_621 : i32 to index
        %get3A_626 = arith.constant 0 : index
        %get3A_627 = tpu.vector_load %arg8[%get3A_624, %get3A_625, %get3A_626] {strides = array<i32>} : memref<2x512x32xf32, #tpu.memory_space<vmem>>, vector<16xf32>,
        %get3A_628 = arith.constant 1 : i32
        %get3A_629 = arith.index_cast %get3A_628 : i32 to index
        %get3A_630 = arith.index_cast %add3A_621 : i32 to index
        %get3A_631 = arith.constant 16 : index
        %get3A_632 = tpu.vector_load %arg8[%get3A_629, %get3A_630, %get3A_631] {strides = array<i32>} : memref<2x512x32xf32, #tpu.memory_space<vmem>>, vector<16xf32>,
        %get3A_633 = arith.index_cast %add3A_623 : i32 to index
        %get3A_634 = arith.constant 0 : index
        %get3A_635 = tpu.vector_load %arg10[%get3A_633, %get3A_634] {strides = array<i32>} : memref<64x32xf32, #tpu.memory_space<vmem>>, vector<16xf32>,
        %mul3A_636 = arith.mulf %get3A_635, %get3A_627 : vector<16xf32>
        %get3A_637 = arith.index_cast %add3A_623 : i32 to index
        %get3A_638 = arith.constant 16 : index
        %get3A_639 = tpu.vector_load %arg10[%get3A_637, %get3A_638] {strides = array<i32>} : memref<64x32xf32, #tpu.memory_space<vmem>>, vector<16xf32>,
        %mul3A_640 = arith.mulf %get3A_639, %get3A_632 : vector<16xf32>
        %add3A_641 = arith.addf %mul3A_636, %mul3A_640 : vector<16xf32>
        %reduce_sum3A = arith.constant true
        %reduce_sum3A_642 = vector.broadcast %reduce_sum3A : i1 to vector<16xi1>
        %reduce_sum3A_643 = tpu.scan <sum>, %add3A_641 masked %reduce_sum3A_642 : vector<16xf32>, vector<16xi1> -> vector<16xf32>
        %reduce_sum3A_644 = vector.extract %reduce_sum3A_643[15] : f32 from vector<16xf32>
        %eq3A_645 = arith.constant 0 : i32
        %eq3A_646 = vector.broadcast %eq3A_645 : i32 to vector<16xi32>
        %eq3A_647 = arith.cmpi eq, %iota3A, %eq3A_646 : vector<16xi32>
        %broadcast_in_dim3A_648 = vector.broadcast %reduce_sum3A_644 : f32 to vector<16xf32>
        %select_n3A_649 = arith.select %eq3A_647, %broadcast_in_dim3A_648, %broadcast_in_dim3A_619 : vector<16xi1>, vector<16xf32>
        %add3A_650 = arith.constant 1 : i32
        %add3A_651 = arith.addi %mul3A_606, %add3A_650 : i32
        %add3A_652 = arith.constant 1 : i32
        %add3A_653 = arith.addi %mul3A_618, %add3A_652 : i32
        %get3A_654 = arith.constant 1 : i32
        %get3A_655 = arith.index_cast %get3A_654 : i32 to index
        %get3A_656 = arith.index_cast %add3A_651 : i32 to index
        %get3A_657 = arith.constant 0 : index
        %get3A_658 = tpu.vector_load %arg8[%get3A_655, %get3A_656, %get3A_657] {strides = array<i32>} : memref<2x512x32xf32, #tpu.memory_space<vmem>>, vector<16xf32>,
        %get3A_659 = arith.constant 1 : i32
        %get3A_660 = arith.index_cast %get3A_659 : i32 to index
        %get3A_661 = arith.index_cast %add3A_651 : i32 to index
        %get3A_662 = arith.constant 16 : index
        %get3A_663 = tpu.vector_load %arg8[%get3A_660, %get3A_661, %get3A_662] {strides = array<i32>} : memref<2x512x32xf32, #tpu.memory_space<vmem>>, vector<16xf32>,
        %get3A_664 = arith.index_cast %add3A_653 : i32 to index
        %get3A_665 = arith.constant 0 : index
        %get3A_666 = tpu.vector_load %arg10[%get3A_664, %get3A_665] {strides = array<i32>} : memref<64x32xf32, #tpu.memory_space<vmem>>, vector<16xf32>,
        %mul3A_667 = arith.mulf %get3A_666, %get3A_658 : vector<16xf32>
        %get3A_668 = arith.index_cast %add3A_653 : i32 to index
        %get3A_669 = arith.constant 16 : index
        %get3A_670 = tpu.vector_load %arg10[%get3A_668, %get3A_669] {strides = array<i32>} : memref<64x32xf32, #tpu.memory_space<vmem>>, vector<16xf32>,
        %mul3A_671 = arith.mulf %get3A_670, %get3A_663 : vector<16xf32>
        %add3A_672 = arith.addf %mul3A_667, %mul3A_671 : vector<16xf32>
        %reduce_sum3A_673 = arith.constant true
        %reduce_sum3A_674 = vector.broadcast %reduce_sum3A_673 : i1 to vector<16xi1>
        %reduce_sum3A_675 = tpu.scan <sum>, %add3A_672 masked %reduce_sum3A_674 : vector<16xf32>, vector<16xi1> -> vector<16xf32>
        %reduce_sum3A_676 = vector.extract %reduce_sum3A_675[15] : f32 from vector<16xf32>
        %eq3A_677 = arith.constant 1 : i32
        %eq3A_678 = vector.broadcast %eq3A_677 : i32 to vector<16xi32>
        %eq3A_679 = arith.cmpi eq, %iota3A, %eq3A_678 : vector<16xi32>
        %broadcast_in_dim3A_680 = vector.broadcast %reduce_sum3A_676 : f32 to vector<16xf32>
        %select_n3A_681 = arith.select %eq3A_679, %broadcast_in_dim3A_680, %select_n3A_649 : vector<16xi1>, vector<16xf32>
        %add3A_682 = arith.constant 2 : i32
        %add3A_683 = arith.addi %mul3A_606, %add3A_682 : i32
        %add3A_684 = arith.constant 2 : i32
        %add3A_685 = arith.addi %mul3A_618, %add3A_684 : i32
        %get3A_686 = arith.constant 1 : i32
        %get3A_687 = arith.index_cast %get3A_686 : i32 to index
        %get3A_688 = arith.index_cast %add3A_683 : i32 to index
        %get3A_689 = arith.constant 0 : index
        %get3A_690 = tpu.vector_load %arg8[%get3A_687, %get3A_688, %get3A_689] {strides = array<i32>} : memref<2x512x32xf32, #tpu.memory_space<vmem>>, vector<16xf32>,
        %get3A_691 = arith.constant 1 : i32
        %get3A_692 = arith.index_cast %get3A_691 : i32 to index
        %get3A_693 = arith.index_cast %add3A_683 : i32 to index
        %get3A_694 = arith.constant 16 : index
        %get3A_695 = tpu.vector_load %arg8[%get3A_692, %get3A_693, %get3A_694] {strides = array<i32>} : memref<2x512x32xf32, #tpu.memory_space<vmem>>, vector<16xf32>,
        %get3A_696 = arith.index_cast %add3A_685 : i32 to index
        %get3A_697 = arith.constant 0 : index
        %get3A_698 = tpu.vector_load %arg10[%get3A_696, %get3A_697] {strides = array<i32>} : memref<64x32xf32, #tpu.memory_space<vmem>>, vector<16xf32>,
        %mul3A_699 = arith.mulf %get3A_698, %get3A_690 : vector<16xf32>
        %get3A_700 = arith.index_cast %add3A_685 : i32 to index
        %get3A_701 = arith.constant 16 : index
        %get3A_702 = tpu.vector_load %arg10[%get3A_700, %get3A_701] {strides = array<i32>} : memref<64x32xf32, #tpu.memory_space<vmem>>, vector<16xf32>,
        %mul3A_703 = arith.mulf %get3A_702, %get3A_695 : vector<16xf32>
        %add3A_704 = arith.addf %mul3A_699, %mul3A_703 : vector<16xf32>
        %reduce_sum3A_705 = arith.constant true
        %reduce_sum3A_706 = vector.broadcast %reduce_sum3A_705 : i1 to vector<16xi1>
        %reduce_sum3A_707 = tpu.scan <sum>, %add3A_704 masked %reduce_sum3A_706 : vector<16xf32>, vector<16xi1> -> vector<16xf32>
        %reduce_sum3A_708 = vector.extract %reduce_sum3A_707[15] : f32 from vector<16xf32>
        %eq3A_709 = arith.constant 2 : i32
        %eq3A_710 = vector.broadcast %eq3A_709 : i32 to vector<16xi32>
        %eq3A_711 = arith.cmpi eq, %iota3A, %eq3A_710 : vector<16xi32>
        %broadcast_in_dim3A_712 = vector.broadcast %reduce_sum3A_708 : f32 to vector<16xf32>
        %select_n3A_713 = arith.select %eq3A_711, %broadcast_in_dim3A_712, %select_n3A_681 : vector<16xi1>, vector<16xf32>
        %add3A_714 = arith.constant 3 : i32
        %add3A_715 = arith.addi %mul3A_606, %add3A_714 : i32
        %add3A_716 = arith.constant 3 : i32
        %add3A_717 = arith.addi %mul3A_618, %add3A_716 : i32
        %get3A_718 = arith.constant 1 : i32
        %get3A_719 = arith.index_cast %get3A_718 : i32 to index
        %get3A_720 = arith.index_cast %add3A_715 : i32 to index
        %get3A_721 = arith.constant 0 : index
        %get3A_722 = tpu.vector_load %arg8[%get3A_719, %get3A_720, %get3A_721] {strides = array<i32>} : memref<2x512x32xf32, #tpu.memory_space<vmem>>, vector<16xf32>,
        %get3A_723 = arith.constant 1 : i32
        %get3A_724 = arith.index_cast %get3A_723 : i32 to index
        %get3A_725 = arith.index_cast %add3A_715 : i32 to index
        %get3A_726 = arith.constant 16 : index
        %get3A_727 = tpu.vector_load %arg8[%get3A_724, %get3A_725, %get3A_726] {strides = array<i32>} : memref<2x512x32xf32, #tpu.memory_space<vmem>>, vector<16xf32>,
        %get3A_728 = arith.index_cast %add3A_717 : i32 to index
        %get3A_729 = arith.constant 0 : index
        %get3A_730 = tpu.vector_load %arg10[%get3A_728, %get3A_729] {strides = array<i32>} : memref<64x32xf32, #tpu.memory_space<vmem>>, vector<16xf32>,
        %mul3A_731 = arith.mulf %get3A_730, %get3A_722 : vector<16xf32>
        %get3A_732 = arith.index_cast %add3A_717 : i32 to index
        %get3A_733 = arith.constant 16 : index
        %get3A_734 = tpu.vector_load %arg10[%get3A_732, %get3A_733] {strides = array<i32>} : memref<64x32xf32, #tpu.memory_space<vmem>>, vector<16xf32>,
        %mul3A_735 = arith.mulf %get3A_734, %get3A_727 : vector<16xf32>
        %add3A_736 = arith.addf %mul3A_731, %mul3A_735 : vector<16xf32>
        %reduce_sum3A_737 = arith.constant true
        %reduce_sum3A_738 = vector.broadcast %reduce_sum3A_737 : i1 to vector<16xi1>
        %reduce_sum3A_739 = tpu.scan <sum>, %add3A_736 masked %reduce_sum3A_738 : vector<16xf32>, vector<16xi1> -> vector<16xf32>
        %reduce_sum3A_740 = vector.extract %reduce_sum3A_739[15] : f32 from vector<16xf32>
        %eq3A_741 = arith.constant 3 : i32
        %eq3A_742 = vector.broadcast %eq3A_741 : i32 to vector<16xi32>
        %eq3A_743 = arith.cmpi eq, %iota3A, %eq3A_742 : vector<16xi32>
        %broadcast_in_dim3A_744 = vector.broadcast %reduce_sum3A_740 : f32 to vector<16xf32>
        %select_n3A_745 = arith.select %eq3A_743, %broadcast_in_dim3A_744, %select_n3A_713 : vector<16xi1>, vector<16xf32>
        %add3A_746 = arith.constant 4 : i32
        %add3A_747 = arith.addi %mul3A_606, %add3A_746 : i32
        %add3A_748 = arith.constant 4 : i32
        %add3A_749 = arith.addi %mul3A_618, %add3A_748 : i32
        %get3A_750 = arith.constant 1 : i32
        %get3A_751 = arith.index_cast %get3A_750 : i32 to index
        %get3A_752 = arith.index_cast %add3A_747 : i32 to index
        %get3A_753 = arith.constant 0 : index
        %get3A_754 = tpu.vector_load %arg8[%get3A_751, %get3A_752, %get3A_753] {strides = array<i32>} : memref<2x512x32xf32, #tpu.memory_space<vmem>>, vector<16xf32>,
        %get3A_755 = arith.constant 1 : i32
        %get3A_756 = arith.index_cast %get3A_755 : i32 to index
        %get3A_757 = arith.index_cast %add3A_747 : i32 to index
        %get3A_758 = arith.constant 16 : index
        %get3A_759 = tpu.vector_load %arg8[%get3A_756, %get3A_757, %get3A_758] {strides = array<i32>} : memref<2x512x32xf32, #tpu.memory_space<vmem>>, vector<16xf32>,
        %get3A_760 = arith.index_cast %add3A_749 : i32 to index
        %get3A_761 = arith.constant 0 : index
        %get3A_762 = tpu.vector_load %arg10[%get3A_760, %get3A_761] {strides = array<i32>} : memref<64x32xf32, #tpu.memory_space<vmem>>, vector<16xf32>,
        %mul3A_763 = arith.mulf %get3A_762, %get3A_754 : vector<16xf32>
        %get3A_764 = arith.index_cast %add3A_749 : i32 to index
        %get3A_765 = arith.constant 16 : index
        %get3A_766 = tpu.vector_load %arg10[%get3A_764, %get3A_765] {strides = array<i32>} : memref<64x32xf32, #tpu.memory_space<vmem>>, vector<16xf32>,
        %mul3A_767 = arith.mulf %get3A_766, %get3A_759 : vector<16xf32>
        %add3A_768 = arith.addf %mul3A_763, %mul3A_767 : vector<16xf32>
        %reduce_sum3A_769 = arith.constant true
        %reduce_sum3A_770 = vector.broadcast %reduce_sum3A_769 : i1 to vector<16xi1>
        %reduce_sum3A_771 = tpu.scan <sum>, %add3A_768 masked %reduce_sum3A_770 : vector<16xf32>, vector<16xi1> -> vector<16xf32>
        %reduce_sum3A_772 = vector.extract %reduce_sum3A_771[15] : f32 from vector<16xf32>
        %eq3A_773 = arith.constant 4 : i32
        %eq3A_774 = vector.broadcast %eq3A_773 : i32 to vector<16xi32>
        %eq3A_775 = arith.cmpi eq, %iota3A, %eq3A_774 : vector<16xi32>
        %broadcast_in_dim3A_776 = vector.broadcast %reduce_sum3A_772 : f32 to vector<16xf32>
        %select_n3A_777 = arith.select %eq3A_775, %broadcast_in_dim3A_776, %select_n3A_745 : vector<16xi1>, vector<16xf32>
        %add3A_778 = arith.constant 5 : i32
        %add3A_779 = arith.addi %mul3A_606, %add3A_778 : i32
        %add3A_780 = arith.constant 5 : i32
        %add3A_781 = arith.addi %mul3A_618, %add3A_780 : i32
        %get3A_782 = arith.constant 1 : i32
        %get3A_783 = arith.index_cast %get3A_782 : i32 to index
        %get3A_784 = arith.index_cast %add3A_779 : i32 to index
        %get3A_785 = arith.constant 0 : index
        %get3A_786 = tpu.vector_load %arg8[%get3A_783, %get3A_784, %get3A_785] {strides = array<i32>} : memref<2x512x32xf32, #tpu.memory_space<vmem>>, vector<16xf32>,
        %get3A_787 = arith.constant 1 : i32
        %get3A_788 = arith.index_cast %get3A_787 : i32 to index
        %get3A_789 = arith.index_cast %add3A_779 : i32 to index
        %get3A_790 = arith.constant 16 : index
        %get3A_791 = tpu.vector_load %arg8[%get3A_788, %get3A_789, %get3A_790] {strides = array<i32>} : memref<2x512x32xf32, #tpu.memory_space<vmem>>, vector<16xf32>,
        %get3A_792 = arith.index_cast %add3A_781 : i32 to index
        %get3A_793 = arith.constant 0 : index
        %get3A_794 = tpu.vector_load %arg10[%get3A_792, %get3A_793] {strides = array<i32>} : memref<64x32xf32, #tpu.memory_space<vmem>>, vector<16xf32>,
        %mul3A_795 = arith.mulf %get3A_794, %get3A_786 : vector<16xf32>
        %get3A_796 = arith.index_cast %add3A_781 : i32 to index
        %get3A_797 = arith.constant 16 : index
        %get3A_798 = tpu.vector_load %arg10[%get3A_796, %get3A_797] {strides = array<i32>} : memref<64x32xf32, #tpu.memory_space<vmem>>, vector<16xf32>,
        %mul3A_799 = arith.mulf %get3A_798, %get3A_791 : vector<16xf32>
        %add3A_800 = arith.addf %mul3A_795, %mul3A_799 : vector<16xf32>
        %reduce_sum3A_801 = arith.constant true
        %reduce_sum3A_802 = vector.broadcast %reduce_sum3A_801 : i1 to vector<16xi1>
        %reduce_sum3A_803 = tpu.scan <sum>, %add3A_800 masked %reduce_sum3A_802 : vector<16xf32>, vector<16xi1> -> vector<16xf32>
        %reduce_sum3A_804 = vector.extract %reduce_sum3A_803[15] : f32 from vector<16xf32>
        %eq3A_805 = arith.constant 5 : i32
        %eq3A_806 = vector.broadcast %eq3A_805 : i32 to vector<16xi32>
        %eq3A_807 = arith.cmpi eq, %iota3A, %eq3A_806 : vector<16xi32>
        %broadcast_in_dim3A_808 = vector.broadcast %reduce_sum3A_804 : f32 to vector<16xf32>
        %select_n3A_809 = arith.select %eq3A_807, %broadcast_in_dim3A_808, %select_n3A_777 : vector<16xi1>, vector<16xf32>
        %add3A_810 = arith.constant 6 : i32
        %add3A_811 = arith.addi %mul3A_606, %add3A_810 : i32
        %add3A_812 = arith.constant 6 : i32
        %add3A_813 = arith.addi %mul3A_618, %add3A_812 : i32
        %get3A_814 = arith.constant 1 : i32
        %get3A_815 = arith.index_cast %get3A_814 : i32 to index
        %get3A_816 = arith.index_cast %add3A_811 : i32 to index
        %get3A_817 = arith.constant 0 : index
        %get3A_818 = tpu.vector_load %arg8[%get3A_815, %get3A_816, %get3A_817] {strides = array<i32>} : memref<2x512x32xf32, #tpu.memory_space<vmem>>, vector<16xf32>,
        %get3A_819 = arith.constant 1 : i32
        %get3A_820 = arith.index_cast %get3A_819 : i32 to index
        %get3A_821 = arith.index_cast %add3A_811 : i32 to index
        %get3A_822 = arith.constant 16 : index
        %get3A_823 = tpu.vector_load %arg8[%get3A_820, %get3A_821, %get3A_822] {strides = array<i32>} : memref<2x512x32xf32, #tpu.memory_space<vmem>>, vector<16xf32>,
        %get3A_824 = arith.index_cast %add3A_813 : i32 to index
        %get3A_825 = arith.constant 0 : index
        %get3A_826 = tpu.vector_load %arg10[%get3A_824, %get3A_825] {strides = array<i32>} : memref<64x32xf32, #tpu.memory_space<vmem>>, vector<16xf32>,
        %mul3A_827 = arith.mulf %get3A_826, %get3A_818 : vector<16xf32>
        %get3A_828 = arith.index_cast %add3A_813 : i32 to index
        %get3A_829 = arith.constant 16 : index
        %get3A_830 = tpu.vector_load %arg10[%get3A_828, %get3A_829] {strides = array<i32>} : memref<64x32xf32, #tpu.memory_space<vmem>>, vector<16xf32>,
        %mul3A_831 = arith.mulf %get3A_830, %get3A_823 : vector<16xf32>
        %add3A_832 = arith.addf %mul3A_827, %mul3A_831 : vector<16xf32>
        %reduce_sum3A_833 = arith.constant true
        %reduce_sum3A_834 = vector.broadcast %reduce_sum3A_833 : i1 to vector<16xi1>
        %reduce_sum3A_835 = tpu.scan <sum>, %add3A_832 masked %reduce_sum3A_834 : vector<16xf32>, vector<16xi1> -> vector<16xf32>
        %reduce_sum3A_836 = vector.extract %reduce_sum3A_835[15] : f32 from vector<16xf32>
        %eq3A_837 = arith.constant 6 : i32
        %eq3A_838 = vector.broadcast %eq3A_837 : i32 to vector<16xi32>
        %eq3A_839 = arith.cmpi eq, %iota3A, %eq3A_838 : vector<16xi32>
        %broadcast_in_dim3A_840 = vector.broadcast %reduce_sum3A_836 : f32 to vector<16xf32>
        %select_n3A_841 = arith.select %eq3A_839, %broadcast_in_dim3A_840, %select_n3A_809 : vector<16xi1>, vector<16xf32>
        %add3A_842 = arith.constant 7 : i32
        %add3A_843 = arith.addi %mul3A_606, %add3A_842 : i32
        %add3A_844 = arith.constant 7 : i32
        %add3A_845 = arith.addi %mul3A_618, %add3A_844 : i32
        %get3A_846 = arith.constant 1 : i32
        %get3A_847 = arith.index_cast %get3A_846 : i32 to index
        %get3A_848 = arith.index_cast %add3A_843 : i32 to index
        %get3A_849 = arith.constant 0 : index
        %get3A_850 = tpu.vector_load %arg8[%get3A_847, %get3A_848, %get3A_849] {strides = array<i32>} : memref<2x512x32xf32, #tpu.memory_space<vmem>>, vector<16xf32>,
        %get3A_851 = arith.constant 1 : i32
        %get3A_852 = arith.index_cast %get3A_851 : i32 to index
        %get3A_853 = arith.index_cast %add3A_843 : i32 to index
        %get3A_854 = arith.constant 16 : index
        %get3A_855 = tpu.vector_load %arg8[%get3A_852, %get3A_853, %get3A_854] {strides = array<i32>} : memref<2x512x32xf32, #tpu.memory_space<vmem>>, vector<16xf32>,
        %get3A_856 = arith.index_cast %add3A_845 : i32 to index
        %get3A_857 = arith.constant 0 : index
        %get3A_858 = tpu.vector_load %arg10[%get3A_856, %get3A_857] {strides = array<i32>} : memref<64x32xf32, #tpu.memory_space<vmem>>, vector<16xf32>,
        %mul3A_859 = arith.mulf %get3A_858, %get3A_850 : vector<16xf32>
        %get3A_860 = arith.index_cast %add3A_845 : i32 to index
        %get3A_861 = arith.constant 16 : index
        %get3A_862 = tpu.vector_load %arg10[%get3A_860, %get3A_861] {strides = array<i32>} : memref<64x32xf32, #tpu.memory_space<vmem>>, vector<16xf32>,
        %mul3A_863 = arith.mulf %get3A_862, %get3A_855 : vector<16xf32>
        %add3A_864 = arith.addf %mul3A_859, %mul3A_863 : vector<16xf32>
        %reduce_sum3A_865 = arith.constant true
        %reduce_sum3A_866 = vector.broadcast %reduce_sum3A_865 : i1 to vector<16xi1>
        %reduce_sum3A_867 = tpu.scan <sum>, %add3A_864 masked %reduce_sum3A_866 : vector<16xf32>, vector<16xi1> -> vector<16xf32>
        %reduce_sum3A_868 = vector.extract %reduce_sum3A_867[15] : f32 from vector<16xf32>
        %eq3A_869 = arith.constant 7 : i32
        %eq3A_870 = vector.broadcast %eq3A_869 : i32 to vector<16xi32>
        %eq3A_871 = arith.cmpi eq, %iota3A, %eq3A_870 : vector<16xi32>
        %broadcast_in_dim3A_872 = vector.broadcast %reduce_sum3A_868 : f32 to vector<16xf32>
        %select_n3A_873 = arith.select %eq3A_871, %broadcast_in_dim3A_872, %select_n3A_841 : vector<16xi1>, vector<16xf32>
        %add3A_874 = arith.constant 8 : i32
        %add3A_875 = arith.addi %mul3A_606, %add3A_874 : i32
        %add3A_876 = arith.constant 8 : i32
        %add3A_877 = arith.addi %mul3A_618, %add3A_876 : i32
        %get3A_878 = arith.constant 1 : i32
        %get3A_879 = arith.index_cast %get3A_878 : i32 to index
        %get3A_880 = arith.index_cast %add3A_875 : i32 to index
        %get3A_881 = arith.constant 0 : index
        %get3A_882 = tpu.vector_load %arg8[%get3A_879, %get3A_880, %get3A_881] {strides = array<i32>} : memref<2x512x32xf32, #tpu.memory_space<vmem>>, vector<16xf32>,
        %get3A_883 = arith.constant 1 : i32
        %get3A_884 = arith.index_cast %get3A_883 : i32 to index
        %get3A_885 = arith.index_cast %add3A_875 : i32 to index
        %get3A_886 = arith.constant 16 : index
        %get3A_887 = tpu.vector_load %arg8[%get3A_884, %get3A_885, %get3A_886] {strides = array<i32>} : memref<2x512x32xf32, #tpu.memory_space<vmem>>, vector<16xf32>,
        %get3A_888 = arith.index_cast %add3A_877 : i32 to index
        %get3A_889 = arith.constant 0 : index
        %get3A_890 = tpu.vector_load %arg10[%get3A_888, %get3A_889] {strides = array<i32>} : memref<64x32xf32, #tpu.memory_space<vmem>>, vector<16xf32>,
        %mul3A_891 = arith.mulf %get3A_890, %get3A_882 : vector<16xf32>
        %get3A_892 = arith.index_cast %add3A_877 : i32 to index
        %get3A_893 = arith.constant 16 : index
        %get3A_894 = tpu.vector_load %arg10[%get3A_892, %get3A_893] {strides = array<i32>} : memref<64x32xf32, #tpu.memory_space<vmem>>, vector<16xf32>,
        %mul3A_895 = arith.mulf %get3A_894, %get3A_887 : vector<16xf32>
        %add3A_896 = arith.addf %mul3A_891, %mul3A_895 : vector<16xf32>
        %reduce_sum3A_897 = arith.constant true
        %reduce_sum3A_898 = vector.broadcast %reduce_sum3A_897 : i1 to vector<16xi1>
        %reduce_sum3A_899 = tpu.scan <sum>, %add3A_896 masked %reduce_sum3A_898 : vector<16xf32>, vector<16xi1> -> vector<16xf32>
        %reduce_sum3A_900 = vector.extract %reduce_sum3A_899[15] : f32 from vector<16xf32>
        %eq3A_901 = arith.constant 8 : i32
        %eq3A_902 = vector.broadcast %eq3A_901 : i32 to vector<16xi32>
        %eq3A_903 = arith.cmpi eq, %iota3A, %eq3A_902 : vector<16xi32>
        %broadcast_in_dim3A_904 = vector.broadcast %reduce_sum3A_900 : f32 to vector<16xf32>
        %select_n3A_905 = arith.select %eq3A_903, %broadcast_in_dim3A_904, %select_n3A_873 : vector<16xi1>, vector<16xf32>
        %add3A_906 = arith.constant 9 : i32
        %add3A_907 = arith.addi %mul3A_606, %add3A_906 : i32
        %add3A_908 = arith.constant 9 : i32
        %add3A_909 = arith.addi %mul3A_618, %add3A_908 : i32
        %get3A_910 = arith.constant 1 : i32
        %get3A_911 = arith.index_cast %get3A_910 : i32 to index
        %get3A_912 = arith.index_cast %add3A_907 : i32 to index
        %get3A_913 = arith.constant 0 : index
        %get3A_914 = tpu.vector_load %arg8[%get3A_911, %get3A_912, %get3A_913] {strides = array<i32>} : memref<2x512x32xf32, #tpu.memory_space<vmem>>, vector<16xf32>,
        %get3A_915 = arith.constant 1 : i32
        %get3A_916 = arith.index_cast %get3A_915 : i32 to index
        %get3A_917 = arith.index_cast %add3A_907 : i32 to index
        %get3A_918 = arith.constant 16 : index
        %get3A_919 = tpu.vector_load %arg8[%get3A_916, %get3A_917, %get3A_918] {strides = array<i32>} : memref<2x512x32xf32, #tpu.memory_space<vmem>>, vector<16xf32>,
        %get3A_920 = arith.index_cast %add3A_909 : i32 to index
        %get3A_921 = arith.constant 0 : index
        %get3A_922 = tpu.vector_load %arg10[%get3A_920, %get3A_921] {strides = array<i32>} : memref<64x32xf32, #tpu.memory_space<vmem>>, vector<16xf32>,
        %mul3A_923 = arith.mulf %get3A_922, %get3A_914 : vector<16xf32>
        %get3A_924 = arith.index_cast %add3A_909 : i32 to index
        %get3A_925 = arith.constant 16 : index
        %get3A_926 = tpu.vector_load %arg10[%get3A_924, %get3A_925] {strides = array<i32>} : memref<64x32xf32, #tpu.memory_space<vmem>>, vector<16xf32>,
        %mul3A_927 = arith.mulf %get3A_926, %get3A_919 : vector<16xf32>
        %add3A_928 = arith.addf %mul3A_923, %mul3A_927 : vector<16xf32>
        %reduce_sum3A_929 = arith.constant true
        %reduce_sum3A_930 = vector.broadcast %reduce_sum3A_929 : i1 to vector<16xi1>
        %reduce_sum3A_931 = tpu.scan <sum>, %add3A_928 masked %reduce_sum3A_930 : vector<16xf32>, vector<16xi1> -> vector<16xf32>
        %reduce_sum3A_932 = vector.extract %reduce_sum3A_931[15] : f32 from vector<16xf32>
        %eq3A_933 = arith.constant 9 : i32
        %eq3A_934 = vector.broadcast %eq3A_933 : i32 to vector<16xi32>
        %eq3A_935 = arith.cmpi eq, %iota3A, %eq3A_934 : vector<16xi32>
        %broadcast_in_dim3A_936 = vector.broadcast %reduce_sum3A_932 : f32 to vector<16xf32>
        %select_n3A_937 = arith.select %eq3A_935, %broadcast_in_dim3A_936, %select_n3A_905 : vector<16xi1>, vector<16xf32>
        %add3A_938 = arith.constant 10 : i32
        %add3A_939 = arith.addi %mul3A_606, %add3A_938 : i32
        %add3A_940 = arith.constant 10 : i32
        %add3A_941 = arith.addi %mul3A_618, %add3A_940 : i32
        %get3A_942 = arith.constant 1 : i32
        %get3A_943 = arith.index_cast %get3A_942 : i32 to index
        %get3A_944 = arith.index_cast %add3A_939 : i32 to index
        %get3A_945 = arith.constant 0 : index
        %get3A_946 = tpu.vector_load %arg8[%get3A_943, %get3A_944, %get3A_945] {strides = array<i32>} : memref<2x512x32xf32, #tpu.memory_space<vmem>>, vector<16xf32>,
        %get3A_947 = arith.constant 1 : i32
        %get3A_948 = arith.index_cast %get3A_947 : i32 to index
        %get3A_949 = arith.index_cast %add3A_939 : i32 to index
        %get3A_950 = arith.constant 16 : index
        %get3A_951 = tpu.vector_load %arg8[%get3A_948, %get3A_949, %get3A_950] {strides = array<i32>} : memref<2x512x32xf32, #tpu.memory_space<vmem>>, vector<16xf32>,
        %get3A_952 = arith.index_cast %add3A_941 : i32 to index
        %get3A_953 = arith.constant 0 : index
        %get3A_954 = tpu.vector_load %arg10[%get3A_952, %get3A_953] {strides = array<i32>} : memref<64x32xf32, #tpu.memory_space<vmem>>, vector<16xf32>,
        %mul3A_955 = arith.mulf %get3A_954, %get3A_946 : vector<16xf32>
        %get3A_956 = arith.index_cast %add3A_941 : i32 to index
        %get3A_957 = arith.constant 16 : index
        %get3A_958 = tpu.vector_load %arg10[%get3A_956, %get3A_957] {strides = array<i32>} : memref<64x32xf32, #tpu.memory_space<vmem>>, vector<16xf32>,
        %mul3A_959 = arith.mulf %get3A_958, %get3A_951 : vector<16xf32>
        %add3A_960 = arith.addf %mul3A_955, %mul3A_959 : vector<16xf32>
        %reduce_sum3A_961 = arith.constant true
        %reduce_sum3A_962 = vector.broadcast %reduce_sum3A_961 : i1 to vector<16xi1>
        %reduce_sum3A_963 = tpu.scan <sum>, %add3A_960 masked %reduce_sum3A_962 : vector<16xf32>, vector<16xi1> -> vector<16xf32>
        %reduce_sum3A_964 = vector.extract %reduce_sum3A_963[15] : f32 from vector<16xf32>
        %eq3A_965 = arith.constant 10 : i32
        %eq3A_966 = vector.broadcast %eq3A_965 : i32 to vector<16xi32>
        %eq3A_967 = arith.cmpi eq, %iota3A, %eq3A_966 : vector<16xi32>
        %broadcast_in_dim3A_968 = vector.broadcast %reduce_sum3A_964 : f32 to vector<16xf32>
        %select_n3A_969 = arith.select %eq3A_967, %broadcast_in_dim3A_968, %select_n3A_937 : vector<16xi1>, vector<16xf32>
        %add3A_970 = arith.constant 11 : i32
        %add3A_971 = arith.addi %mul3A_606, %add3A_970 : i32
        %add3A_972 = arith.constant 11 : i32
        %add3A_973 = arith.addi %mul3A_618, %add3A_972 : i32
        %get3A_974 = arith.constant 1 : i32
        %get3A_975 = arith.index_cast %get3A_974 : i32 to index
        %get3A_976 = arith.index_cast %add3A_971 : i32 to index
        %get3A_977 = arith.constant 0 : index
        %get3A_978 = tpu.vector_load %arg8[%get3A_975, %get3A_976, %get3A_977] {strides = array<i32>} : memref<2x512x32xf32, #tpu.memory_space<vmem>>, vector<16xf32>,
        %get3A_979 = arith.constant 1 : i32
        %get3A_980 = arith.index_cast %get3A_979 : i32 to index
        %get3A_981 = arith.index_cast %add3A_971 : i32 to index
        %get3A_982 = arith.constant 16 : index
        %get3A_983 = tpu.vector_load %arg8[%get3A_980, %get3A_981, %get3A_982] {strides = array<i32>} : memref<2x512x32xf32, #tpu.memory_space<vmem>>, vector<16xf32>,
        %get3A_984 = arith.index_cast %add3A_973 : i32 to index
        %get3A_985 = arith.constant 0 : index
        %get3A_986 = tpu.vector_load %arg10[%get3A_984, %get3A_985] {strides = array<i32>} : memref<64x32xf32, #tpu.memory_space<vmem>>, vector<16xf32>,
        %mul3A_987 = arith.mulf %get3A_986, %get3A_978 : vector<16xf32>
        %get3A_988 = arith.index_cast %add3A_973 : i32 to index
        %get3A_989 = arith.constant 16 : index
        %get3A_990 = tpu.vector_load %arg10[%get3A_988, %get3A_989] {strides = array<i32>} : memref<64x32xf32, #tpu.memory_space<vmem>>, vector<16xf32>,
        %mul3A_991 = arith.mulf %get3A_990, %get3A_983 : vector<16xf32>
        %add3A_992 = arith.addf %mul3A_987, %mul3A_991 : vector<16xf32>
        %reduce_sum3A_993 = arith.constant true
        %reduce_sum3A_994 = vector.broadcast %reduce_sum3A_993 : i1 to vector<16xi1>
        %reduce_sum3A_995 = tpu.scan <sum>, %add3A_992 masked %reduce_sum3A_994 : vector<16xf32>, vector<16xi1> -> vector<16xf32>
        %reduce_sum3A_996 = vector.extract %reduce_sum3A_995[15] : f32 from vector<16xf32>
        %eq3A_997 = arith.constant 11 : i32
        %eq3A_998 = vector.broadcast %eq3A_997 : i32 to vector<16xi32>
        %eq3A_999 = arith.cmpi eq, %iota3A, %eq3A_998 : vector<16xi32>
        %broadcast_in_dim3A_1000 = vector.broadcast %reduce_sum3A_996 : f32 to vector<16xf32>
        %select_n3A_1001 = arith.select %eq3A_999, %broadcast_in_dim3A_1000, %select_n3A_969 : vector<16xi1>, vector<16xf32>
        %add3A_1002 = arith.constant 12 : i32
        %add3A_1003 = arith.addi %mul3A_606, %add3A_1002 : i32
        %add3A_1004 = arith.constant 12 : i32
        %add3A_1005 = arith.addi %mul3A_618, %add3A_1004 : i32
        %get3A_1006 = arith.constant 1 : i32
        %get3A_1007 = arith.index_cast %get3A_1006 : i32 to index
        %get3A_1008 = arith.index_cast %add3A_1003 : i32 to index
        %get3A_1009 = arith.constant 0 : index
        %get3A_1010 = tpu.vector_load %arg8[%get3A_1007, %get3A_1008, %get3A_1009] {strides = array<i32>} : memref<2x512x32xf32, #tpu.memory_space<vmem>>, vector<16xf32>,
        %get3A_1011 = arith.constant 1 : i32
        %get3A_1012 = arith.index_cast %get3A_1011 : i32 to index
        %get3A_1013 = arith.index_cast %add3A_1003 : i32 to index
        %get3A_1014 = arith.constant 16 : index
        %get3A_1015 = tpu.vector_load %arg8[%get3A_1012, %get3A_1013, %get3A_1014] {strides = array<i32>} : memref<2x512x32xf32, #tpu.memory_space<vmem>>, vector<16xf32>,
        %get3A_1016 = arith.index_cast %add3A_1005 : i32 to index
        %get3A_1017 = arith.constant 0 : index
        %get3A_1018 = tpu.vector_load %arg10[%get3A_1016, %get3A_1017] {strides = array<i32>} : memref<64x32xf32, #tpu.memory_space<vmem>>, vector<16xf32>,
        %mul3A_1019 = arith.mulf %get3A_1018, %get3A_1010 : vector<16xf32>
        %get3A_1020 = arith.index_cast %add3A_1005 : i32 to index
        %get3A_1021 = arith.constant 16 : index
        %get3A_1022 = tpu.vector_load %arg10[%get3A_1020, %get3A_1021] {strides = array<i32>} : memref<64x32xf32, #tpu.memory_space<vmem>>, vector<16xf32>,
        %mul3A_1023 = arith.mulf %get3A_1022, %get3A_1015 : vector<16xf32>
        %add3A_1024 = arith.addf %mul3A_1019, %mul3A_1023 : vector<16xf32>
        %reduce_sum3A_1025 = arith.constant true
        %reduce_sum3A_1026 = vector.broadcast %reduce_sum3A_1025 : i1 to vector<16xi1>
        %reduce_sum3A_1027 = tpu.scan <sum>, %add3A_1024 masked %reduce_sum3A_1026 : vector<16xf32>, vector<16xi1> -> vector<16xf32>
        %reduce_sum3A_1028 = vector.extract %reduce_sum3A_1027[15] : f32 from vector<16xf32>
        %eq3A_1029 = arith.constant 12 : i32
        %eq3A_1030 = vector.broadcast %eq3A_1029 : i32 to vector<16xi32>
        %eq3A_1031 = arith.cmpi eq, %iota3A, %eq3A_1030 : vector<16xi32>
        %broadcast_in_dim3A_1032 = vector.broadcast %reduce_sum3A_1028 : f32 to vector<16xf32>
        %select_n3A_1033 = arith.select %eq3A_1031, %broadcast_in_dim3A_1032, %select_n3A_1001 : vector<16xi1>, vector<16xf32>
        %add3A_1034 = arith.constant 13 : i32
        %add3A_1035 = arith.addi %mul3A_606, %add3A_1034 : i32
        %add3A_1036 = arith.constant 13 : i32
        %add3A_1037 = arith.addi %mul3A_618, %add3A_1036 : i32
        %get3A_1038 = arith.constant 1 : i32
        %get3A_1039 = arith.index_cast %get3A_1038 : i32 to index
        %get3A_1040 = arith.index_cast %add3A_1035 : i32 to index
        %get3A_1041 = arith.constant 0 : index
        %get3A_1042 = tpu.vector_load %arg8[%get3A_1039, %get3A_1040, %get3A_1041] {strides = array<i32>} : memref<2x512x32xf32, #tpu.memory_space<vmem>>, vector<16xf32>,
        %get3A_1043 = arith.constant 1 : i32
        %get3A_1044 = arith.index_cast %get3A_1043 : i32 to index
        %get3A_1045 = arith.index_cast %add3A_1035 : i32 to index
        %get3A_1046 = arith.constant 16 : index
        %get3A_1047 = tpu.vector_load %arg8[%get3A_1044, %get3A_1045, %get3A_1046] {strides = array<i32>} : memref<2x512x32xf32, #tpu.memory_space<vmem>>, vector<16xf32>,
        %get3A_1048 = arith.index_cast %add3A_1037 : i32 to index
        %get3A_1049 = arith.constant 0 : index
        %get3A_1050 = tpu.vector_load %arg10[%get3A_1048, %get3A_1049] {strides = array<i32>} : memref<64x32xf32, #tpu.memory_space<vmem>>, vector<16xf32>,
        %mul3A_1051 = arith.mulf %get3A_1050, %get3A_1042 : vector<16xf32>
        %get3A_1052 = arith.index_cast %add3A_1037 : i32 to index
        %get3A_1053 = arith.constant 16 : index
        %get3A_1054 = tpu.vector_load %arg10[%get3A_1052, %get3A_1053] {strides = array<i32>} : memref<64x32xf32, #tpu.memory_space<vmem>>, vector<16xf32>,
        %mul3A_1055 = arith.mulf %get3A_1054, %get3A_1047 : vector<16xf32>
        %add3A_1056 = arith.addf %mul3A_1051, %mul3A_1055 : vector<16xf32>
        %reduce_sum3A_1057 = arith.constant true
        %reduce_sum3A_1058 = vector.broadcast %reduce_sum3A_1057 : i1 to vector<16xi1>
        %reduce_sum3A_1059 = tpu.scan <sum>, %add3A_1056 masked %reduce_sum3A_1058 : vector<16xf32>, vector<16xi1> -> vector<16xf32>
        %reduce_sum3A_1060 = vector.extract %reduce_sum3A_1059[15] : f32 from vector<16xf32>
        %eq3A_1061 = arith.constant 13 : i32
        %eq3A_1062 = vector.broadcast %eq3A_1061 : i32 to vector<16xi32>
        %eq3A_1063 = arith.cmpi eq, %iota3A, %eq3A_1062 : vector<16xi32>
        %broadcast_in_dim3A_1064 = vector.broadcast %reduce_sum3A_1060 : f32 to vector<16xf32>
        %select_n3A_1065 = arith.select %eq3A_1063, %broadcast_in_dim3A_1064, %select_n3A_1033 : vector<16xi1>, vector<16xf32>
        %add3A_1066 = arith.constant 14 : i32
        %add3A_1067 = arith.addi %mul3A_606, %add3A_1066 : i32
        %add3A_1068 = arith.constant 14 : i32
        %add3A_1069 = arith.addi %mul3A_618, %add3A_1068 : i32
        %get3A_1070 = arith.constant 1 : i32
        %get3A_1071 = arith.index_cast %get3A_1070 : i32 to index
        %get3A_1072 = arith.index_cast %add3A_1067 : i32 to index
        %get3A_1073 = arith.constant 0 : index
        %get3A_1074 = tpu.vector_load %arg8[%get3A_1071, %get3A_1072, %get3A_1073] {strides = array<i32>} : memref<2x512x32xf32, #tpu.memory_space<vmem>>, vector<16xf32>,
        %get3A_1075 = arith.constant 1 : i32
        %get3A_1076 = arith.index_cast %get3A_1075 : i32 to index
        %get3A_1077 = arith.index_cast %add3A_1067 : i32 to index
        %get3A_1078 = arith.constant 16 : index
        %get3A_1079 = tpu.vector_load %arg8[%get3A_1076, %get3A_1077, %get3A_1078] {strides = array<i32>} : memref<2x512x32xf32, #tpu.memory_space<vmem>>, vector<16xf32>,
        %get3A_1080 = arith.index_cast %add3A_1069 : i32 to index
        %get3A_1081 = arith.constant 0 : index
        %get3A_1082 = tpu.vector_load %arg10[%get3A_1080, %get3A_1081] {strides = array<i32>} : memref<64x32xf32, #tpu.memory_space<vmem>>, vector<16xf32>,
        %mul3A_1083 = arith.mulf %get3A_1082, %get3A_1074 : vector<16xf32>
        %get3A_1084 = arith.index_cast %add3A_1069 : i32 to index
        %get3A_1085 = arith.constant 16 : index
        %get3A_1086 = tpu.vector_load %arg10[%get3A_1084, %get3A_1085] {strides = array<i32>} : memref<64x32xf32, #tpu.memory_space<vmem>>, vector<16xf32>,
        %mul3A_1087 = arith.mulf %get3A_1086, %get3A_1079 : vector<16xf32>
        %add3A_1088 = arith.addf %mul3A_1083, %mul3A_1087 : vector<16xf32>
        %reduce_sum3A_1089 = arith.constant true
        %reduce_sum3A_1090 = vector.broadcast %reduce_sum3A_1089 : i1 to vector<16xi1>
        %reduce_sum3A_1091 = tpu.scan <sum>, %add3A_1088 masked %reduce_sum3A_1090 : vector<16xf32>, vector<16xi1> -> vector<16xf32>
        %reduce_sum3A_1092 = vector.extract %reduce_sum3A_1091[15] : f32 from vector<16xf32>
        %eq3A_1093 = arith.constant 14 : i32
        %eq3A_1094 = vector.broadcast %eq3A_1093 : i32 to vector<16xi32>
        %eq3A_1095 = arith.cmpi eq, %iota3A, %eq3A_1094 : vector<16xi32>
        %broadcast_in_dim3A_1096 = vector.broadcast %reduce_sum3A_1092 : f32 to vector<16xf32>
        %select_n3A_1097 = arith.select %eq3A_1095, %broadcast_in_dim3A_1096, %select_n3A_1065 : vector<16xi1>, vector<16xf32>
        %add3A_1098 = arith.constant 15 : i32
        %add3A_1099 = arith.addi %mul3A_606, %add3A_1098 : i32
        %add3A_1100 = arith.constant 15 : i32
        %add3A_1101 = arith.addi %mul3A_618, %add3A_1100 : i32
        %get3A_1102 = arith.constant 1 : i32
        %get3A_1103 = arith.index_cast %get3A_1102 : i32 to index
        %get3A_1104 = arith.index_cast %add3A_1099 : i32 to index
        %get3A_1105 = arith.constant 0 : index
        %get3A_1106 = tpu.vector_load %arg8[%get3A_1103, %get3A_1104, %get3A_1105] {strides = array<i32>} : memref<2x512x32xf32, #tpu.memory_space<vmem>>, vector<16xf32>,
        %get3A_1107 = arith.constant 1 : i32
        %get3A_1108 = arith.index_cast %get3A_1107 : i32 to index
        %get3A_1109 = arith.index_cast %add3A_1099 : i32 to index
        %get3A_1110 = arith.constant 16 : index
        %get3A_1111 = tpu.vector_load %arg8[%get3A_1108, %get3A_1109, %get3A_1110] {strides = array<i32>} : memref<2x512x32xf32, #tpu.memory_space<vmem>>, vector<16xf32>,
        %get3A_1112 = arith.index_cast %add3A_1101 : i32 to index
        %get3A_1113 = arith.constant 0 : index
        %get3A_1114 = tpu.vector_load %arg10[%get3A_1112, %get3A_1113] {strides = array<i32>} : memref<64x32xf32, #tpu.memory_space<vmem>>, vector<16xf32>,
        %mul3A_1115 = arith.mulf %get3A_1114, %get3A_1106 : vector<16xf32>
        %get3A_1116 = arith.index_cast %add3A_1101 : i32 to index
        %get3A_1117 = arith.constant 16 : index
        %get3A_1118 = tpu.vector_load %arg10[%get3A_1116, %get3A_1117] {strides = array<i32>} : memref<64x32xf32, #tpu.memory_space<vmem>>, vector<16xf32>,
        %mul3A_1119 = arith.mulf %get3A_1118, %get3A_1111 : vector<16xf32>
        %add3A_1120 = arith.addf %mul3A_1115, %mul3A_1119 : vector<16xf32>
        %reduce_sum3A_1121 = arith.constant true
        %reduce_sum3A_1122 = vector.broadcast %reduce_sum3A_1121 : i1 to vector<16xi1>
        %reduce_sum3A_1123 = tpu.scan <sum>, %add3A_1120 masked %reduce_sum3A_1122 : vector<16xf32>, vector<16xi1> -> vector<16xf32>
        %reduce_sum3A_1124 = vector.extract %reduce_sum3A_1123[15] : f32 from vector<16xf32>
        %eq3A_1125 = arith.constant 15 : i32
        %eq3A_1126 = vector.broadcast %eq3A_1125 : i32 to vector<16xi32>
        %eq3A_1127 = arith.cmpi eq, %iota3A, %eq3A_1126 : vector<16xi32>
        %broadcast_in_dim3A_1128 = vector.broadcast %reduce_sum3A_1124 : f32 to vector<16xf32>
        %select_n3A_1129 = arith.select %eq3A_1127, %broadcast_in_dim3A_1128, %select_n3A_1097 : vector<16xi1>, vector<16xf32>
        %jit3A_1130 = arith.constant 4 : i32
        %eq3A_1131 = arith.constant 0 : i32
        %eq3A_1132 = arith.cmpi eq, %jit3A_1130, %eq3A_1131 : i32
        %jit3A_1133 = arith.constant 1 : i32
        %select_n3A_1134 = arith.select %eq3A_1132, %jit3A_1133, %jit3A_1130 : i32
        %rem3A_1135 = arith.remsi %scan3A_604, %select_n3A_1134 : i32
        %ne3A_1136 = arith.constant 0 : i32
        %ne3A_1137 = arith.cmpi ne, %rem3A_1135, %ne3A_1136 : i32
        %lt3A_1138 = arith.constant 0 : i32
        %lt3A_1139 = arith.cmpi slt, %rem3A_1135, %lt3A_1138 : i32
        %lt3A_1140 = arith.constant 0 : i32
        %lt3A_1141 = arith.cmpi slt, %select_n3A_1134, %lt3A_1140 : i32
        %ne3A_1142 = arith.xori %lt3A_1139, %lt3A_1141 : i1
        %and3A_1143 = arith.andi %ne3A_1142, %ne3A_1137 : i1
        %add3A_1144 = arith.addi %rem3A_1135, %select_n3A_1134 : i32
        %select_n3A_1145 = arith.select %and3A_1143, %add3A_1144, %rem3A_1135 : i32
        %jit3A_1146 = arith.constant 128 : i32
        %div3A = arith.divsi %mul3A_606, %jit3A_1146 : i32
        %sign3A = arith.constant 0 : i32
        %sign3A_1147 = arith.cmpi sgt, %mul3A_606, %sign3A : i32
        %sign3A_1148 = arith.extui %sign3A_1147 : i1 to i32
        %sign3A_1149 = arith.constant 0 : i32
        %sign3A_1150 = arith.cmpi slt, %mul3A_606, %sign3A_1149 : i32
        %sign3A_1151 = arith.extui %sign3A_1150 : i1 to i32
        %sign3A_1152 = arith.subi %sign3A_1148, %sign3A_1151 : i32
        %sign3A_1153 = arith.constant 0 : i32
        %sign3A_1154 = arith.cmpi sgt, %jit3A_1146, %sign3A_1153 : i32
        %sign3A_1155 = arith.extui %sign3A_1154 : i1 to i32
        %sign3A_1156 = arith.constant 0 : i32
        %sign3A_1157 = arith.cmpi slt, %jit3A_1146, %sign3A_1156 : i32
        %sign3A_1158 = arith.extui %sign3A_1157 : i1 to i32
        %sign3A_1159 = arith.subi %sign3A_1155, %sign3A_1158 : i32
        %ne3A_1160 = arith.cmpi ne, %sign3A_1152, %sign3A_1159 : i32
        %rem3A_1161 = arith.remsi %mul3A_606, %jit3A_1146 : i32
        %ne3A_1162 = arith.constant 0 : i32
        %ne3A_1163 = arith.cmpi ne, %rem3A_1161, %ne3A_1162 : i32
        %and3A_1164 = arith.andi %ne3A_1160, %ne3A_1163 : i1
        %sub3A = arith.constant 1 : i32
        %sub3A_1165 = arith.subi %div3A, %sub3A : i32
        %select_n3A_1166 = arith.select %and3A_1164, %sub3A_1165, %div3A : i32
        %mul3A_1167 = arith.constant 1024 : i32
        %mul3A_1168 = arith.muli %select_n3A_1166, %mul3A_1167 : i32
        %jit3A_1169 = arith.constant 128 : i32
        %eq3A_1170 = arith.constant 0 : i32
        %eq3A_1171 = arith.cmpi eq, %jit3A_1169, %eq3A_1170 : i32
        %jit3A_1172 = arith.constant 1 : i32
        %select_n3A_1173 = arith.select %eq3A_1171, %jit3A_1172, %jit3A_1169 : i32
        %rem3A_1174 = arith.remsi %mul3A_606, %select_n3A_1173 : i32
        %ne3A_1175 = arith.constant 0 : i32
        %ne3A_1176 = arith.cmpi ne, %rem3A_1174, %ne3A_1175 : i32
        %lt3A_1177 = arith.constant 0 : i32
        %lt3A_1178 = arith.cmpi slt, %rem3A_1174, %lt3A_1177 : i32
        %lt3A_1179 = arith.constant 0 : i32
        %lt3A_1180 = arith.cmpi slt, %select_n3A_1173, %lt3A_1179 : i32
        %ne3A_1181 = arith.xori %lt3A_1178, %lt3A_1180 : i1
        %and3A_1182 = arith.andi %ne3A_1181, %ne3A_1176 : i1
        %add3A_1183 = arith.addi %rem3A_1174, %select_n3A_1173 : i32
        %select_n3A_1184 = arith.select %and3A_1182, %add3A_1183, %rem3A_1174 : i32
        %add3A_1185 = arith.addi %mul3A_1168, %select_n3A_1184 : i32
        %add3A_1186 = arith.constant 0 : i32
        %add3A_1187 = arith.addi %add3A_1185, %add3A_1186 : i32
        %add3A_1188 = arith.constant 0 : i32
        %add3A_1189 = arith.addi %add3A_1187, %add3A_1188 : i32
        %get3A_1190 = arith.constant 0 : i32
        %get3A_1191 = arith.index_cast %select_n3A_1145 : i32 to index
        %get3A_1192 = arith.index_cast %get3A_1190 : i32 to index
        %get3A_1193 = arith.constant 0 : index
        %get3A_1194 = tpu.vector_load %arg11[%get3A_1191, %get3A_1192, %get3A_1193] {strides = array<i32>} : memref<4x32x16xf32, #tpu.memory_space<vmem>>, vector<16xf32>,
        %mul3A_1195 = arith.mulf %get3A_1194, %select_n3A_1129 : vector<16xf32>
        %multiple_of3A_1196 = tpu.assume_multiple %add3A_1189, 8 : i32
        %swap3A = arith.constant 1 : i32
        %swap3A_1197 = arith.index_cast %swap3A : i32 to index
        %swap3A_1198 = arith.index_cast %multiple_of3A_1196 : i32 to index
        %swap3A_1199 = tpu.vector_load %arg9[%swap3A_1197, %swap3A_1198] {strides = array<i32>} : memref<2x16384xf32, #tpu.memory_space<vmem>>, vector<16xf32>,
        tpu.vector_store %arg9[%swap3A_1197, %swap3A_1198], %mul3A_1195 {strides = array<i32>} : memref<2x16384xf32, #tpu.memory_space<vmem>>, vector<16xf32>,
        %add3A_1200 = arith.constant 0 : i32
        %add3A_1201 = arith.addi %add3A_1185, %add3A_1200 : i32
        %add3A_1202 = arith.constant 128 : i32
        %add3A_1203 = arith.addi %add3A_1201, %add3A_1202 : i32
        %get3A_1204 = arith.constant 1 : i32
        %get3A_1205 = arith.index_cast %select_n3A_1145 : i32 to index
        %get3A_1206 = arith.index_cast %get3A_1204 : i32 to index
        %get3A_1207 = arith.constant 0 : index
        %get3A_1208 = tpu.vector_load %arg11[%get3A_1205, %get3A_1206, %get3A_1207] {strides = array<i32>} : memref<4x32x16xf32, #tpu.memory_space<vmem>>, vector<16xf32>,
        %mul3A_1209 = arith.mulf %get3A_1208, %select_n3A_1129 : vector<16xf32>
        %multiple_of3A_1210 = tpu.assume_multiple %add3A_1203, 8 : i32
        %swap3A_1211 = arith.constant 1 : i32
        %swap3A_1212 = arith.index_cast %swap3A_1211 : i32 to index
        %swap3A_1213 = arith.index_cast %multiple_of3A_1210 : i32 to index
        %swap3A_1214 = tpu.vector_load %arg9[%swap3A_1212, %swap3A_1213] {strides = array<i32>} : memref<2x16384xf32, #tpu.memory_space<vmem>>, vector<16xf32>,
        tpu.vector_store %arg9[%swap3A_1212, %swap3A_1213], %mul3A_1209 {strides = array<i32>} : memref<2x16384xf32, #tpu.memory_space<vmem>>, vector<16xf32>,
        %add3A_1215 = arith.constant 0 : i32
        %add3A_1216 = arith.addi %add3A_1185, %add3A_1215 : i32
        %add3A_1217 = arith.constant 256 : i32
        %add3A_1218 = arith.addi %add3A_1216, %add3A_1217 : i32
        %get3A_1219 = arith.constant 2 : i32
        %get3A_1220 = arith.index_cast %select_n3A_1145 : i32 to index
        %get3A_1221 = arith.index_cast %get3A_1219 : i32 to index
        %get3A_1222 = arith.constant 0 : index
        %get3A_1223 = tpu.vector_load %arg11[%get3A_1220, %get3A_1221, %get3A_1222] {strides = array<i32>} : memref<4x32x16xf32, #tpu.memory_space<vmem>>, vector<16xf32>,
        %mul3A_1224 = arith.mulf %get3A_1223, %select_n3A_1129 : vector<16xf32>
        %multiple_of3A_1225 = tpu.assume_multiple %add3A_1218, 8 : i32
        %swap3A_1226 = arith.constant 1 : i32
        %swap3A_1227 = arith.index_cast %swap3A_1226 : i32 to index
        %swap3A_1228 = arith.index_cast %multiple_of3A_1225 : i32 to index
        %swap3A_1229 = tpu.vector_load %arg9[%swap3A_1227, %swap3A_1228] {strides = array<i32>} : memref<2x16384xf32, #tpu.memory_space<vmem>>, vector<16xf32>,
        tpu.vector_store %arg9[%swap3A_1227, %swap3A_1228], %mul3A_1224 {strides = array<i32>} : memref<2x16384xf32, #tpu.memory_space<vmem>>, vector<16xf32>,
        %add3A_1230 = arith.constant 0 : i32
        %add3A_1231 = arith.addi %add3A_1185, %add3A_1230 : i32
        %add3A_1232 = arith.constant 384 : i32
        %add3A_1233 = arith.addi %add3A_1231, %add3A_1232 : i32
        %get3A_1234 = arith.constant 3 : i32
        %get3A_1235 = arith.index_cast %select_n3A_1145 : i32 to index
        %get3A_1236 = arith.index_cast %get3A_1234 : i32 to index
        %get3A_1237 = arith.constant 0 : index
        %get3A_1238 = tpu.vector_load %arg11[%get3A_1235, %get3A_1236, %get3A_1237] {strides = array<i32>} : memref<4x32x16xf32, #tpu.memory_space<vmem>>, vector<16xf32>,
        %mul3A_1239 = arith.mulf %get3A_1238, %select_n3A_1129 : vector<16xf32>
        %multiple_of3A_1240 = tpu.assume_multiple %add3A_1233, 8 : i32
        %swap3A_1241 = arith.constant 1 : i32
        %swap3A_1242 = arith.index_cast %swap3A_1241 : i32 to index
        %swap3A_1243 = arith.index_cast %multiple_of3A_1240 : i32 to index
        %swap3A_1244 = tpu.vector_load %arg9[%swap3A_1242, %swap3A_1243] {strides = array<i32>} : memref<2x16384xf32, #tpu.memory_space<vmem>>, vector<16xf32>,
        tpu.vector_store %arg9[%swap3A_1242, %swap3A_1243], %mul3A_1239 {strides = array<i32>} : memref<2x16384xf32, #tpu.memory_space<vmem>>, vector<16xf32>,
        %add3A_1245 = arith.constant 0 : i32
        %add3A_1246 = arith.addi %add3A_1185, %add3A_1245 : i32
        %add3A_1247 = arith.constant 512 : i32
        %add3A_1248 = arith.addi %add3A_1246, %add3A_1247 : i32
        %get3A_1249 = arith.constant 4 : i32
        %get3A_1250 = arith.index_cast %select_n3A_1145 : i32 to index
        %get3A_1251 = arith.index_cast %get3A_1249 : i32 to index
        %get3A_1252 = arith.constant 0 : index
        %get3A_1253 = tpu.vector_load %arg11[%get3A_1250, %get3A_1251, %get3A_1252] {strides = array<i32>} : memref<4x32x16xf32, #tpu.memory_space<vmem>>, vector<16xf32>,
        %mul3A_1254 = arith.mulf %get3A_1253, %select_n3A_1129 : vector<16xf32>
        %multiple_of3A_1255 = tpu.assume_multiple %add3A_1248, 8 : i32
        %swap3A_1256 = arith.constant 1 : i32
        %swap3A_1257 = arith.index_cast %swap3A_1256 : i32 to index
        %swap3A_1258 = arith.index_cast %multiple_of3A_1255 : i32 to index
        %swap3A_1259 = tpu.vector_load %arg9[%swap3A_1257, %swap3A_1258] {strides = array<i32>} : memref<2x16384xf32, #tpu.memory_space<vmem>>, vector<16xf32>,
        tpu.vector_store %arg9[%swap3A_1257, %swap3A_1258], %mul3A_1254 {strides = array<i32>} : memref<2x16384xf32, #tpu.memory_space<vmem>>, vector<16xf32>,
        %add3A_1260 = arith.constant 0 : i32
        %add3A_1261 = arith.addi %add3A_1185, %add3A_1260 : i32
        %add3A_1262 = arith.constant 640 : i32
        %add3A_1263 = arith.addi %add3A_1261, %add3A_1262 : i32
        %get3A_1264 = arith.constant 5 : i32
        %get3A_1265 = arith.index_cast %select_n3A_1145 : i32 to index
        %get3A_1266 = arith.index_cast %get3A_1264 : i32 to index
        %get3A_1267 = arith.constant 0 : index
        %get3A_1268 = tpu.vector_load %arg11[%get3A_1265, %get3A_1266, %get3A_1267] {strides = array<i32>} : memref<4x32x16xf32, #tpu.memory_space<vmem>>, vector<16xf32>,
        %mul3A_1269 = arith.mulf %get3A_1268, %select_n3A_1129 : vector<16xf32>
        %multiple_of3A_1270 = tpu.assume_multiple %add3A_1263, 8 : i32
        %swap3A_1271 = arith.constant 1 : i32
        %swap3A_1272 = arith.index_cast %swap3A_1271 : i32 to index
        %swap3A_1273 = arith.index_cast %multiple_of3A_1270 : i32 to index
        %swap3A_1274 = tpu.vector_load %arg9[%swap3A_1272, %swap3A_1273] {strides = array<i32>} : memref<2x16384xf32, #tpu.memory_space<vmem>>, vector<16xf32>,
        tpu.vector_store %arg9[%swap3A_1272, %swap3A_1273], %mul3A_1269 {strides = array<i32>} : memref<2x16384xf32, #tpu.memory_space<vmem>>, vector<16xf32>,
        %add3A_1275 = arith.constant 0 : i32
        %add3A_1276 = arith.addi %add3A_1185, %add3A_1275 : i32
        %add3A_1277 = arith.constant 768 : i32
        %add3A_1278 = arith.addi %add3A_1276, %add3A_1277 : i32
        %get3A_1279 = arith.constant 6 : i32
        %get3A_1280 = arith.index_cast %select_n3A_1145 : i32 to index
        %get3A_1281 = arith.index_cast %get3A_1279 : i32 to index
        %get3A_1282 = arith.constant 0 : index
        %get3A_1283 = tpu.vector_load %arg11[%get3A_1280, %get3A_1281, %get3A_1282] {strides = array<i32>} : memref<4x32x16xf32, #tpu.memory_space<vmem>>, vector<16xf32>,
        %mul3A_1284 = arith.mulf %get3A_1283, %select_n3A_1129 : vector<16xf32>
        %multiple_of3A_1285 = tpu.assume_multiple %add3A_1278, 8 : i32
        %swap3A_1286 = arith.constant 1 : i32
        %swap3A_1287 = arith.index_cast %swap3A_1286 : i32 to index
        %swap3A_1288 = arith.index_cast %multiple_of3A_1285 : i32 to index
        %swap3A_1289 = tpu.vector_load %arg9[%swap3A_1287, %swap3A_1288] {strides = array<i32>} : memref<2x16384xf32, #tpu.memory_space<vmem>>, vector<16xf32>,
        tpu.vector_store %arg9[%swap3A_1287, %swap3A_1288], %mul3A_1284 {strides = array<i32>} : memref<2x16384xf32, #tpu.memory_space<vmem>>, vector<16xf32>,
        %add3A_1290 = arith.constant 0 : i32
        %add3A_1291 = arith.addi %add3A_1185, %add3A_1290 : i32
        %add3A_1292 = arith.constant 896 : i32
        %add3A_1293 = arith.addi %add3A_1291, %add3A_1292 : i32
        %get3A_1294 = arith.constant 7 : i32
        %get3A_1295 = arith.index_cast %select_n3A_1145 : i32 to index
        %get3A_1296 = arith.index_cast %get3A_1294 : i32 to index
        %get3A_1297 = arith.constant 0 : index
        %get3A_1298 = tpu.vector_load %arg11[%get3A_1295, %get3A_1296, %get3A_1297] {strides = array<i32>} : memref<4x32x16xf32, #tpu.memory_space<vmem>>, vector<16xf32>,
        %mul3A_1299 = arith.mulf %get3A_1298, %select_n3A_1129 : vector<16xf32>
        %multiple_of3A_1300 = tpu.assume_multiple %add3A_1293, 8 : i32
        %swap3A_1301 = arith.constant 1 : i32
        %swap3A_1302 = arith.index_cast %swap3A_1301 : i32 to index
        %swap3A_1303 = arith.index_cast %multiple_of3A_1300 : i32 to index
        %swap3A_1304 = tpu.vector_load %arg9[%swap3A_1302, %swap3A_1303] {strides = array<i32>} : memref<2x16384xf32, #tpu.memory_space<vmem>>, vector<16xf32>,
        tpu.vector_store %arg9[%swap3A_1302, %swap3A_1303], %mul3A_1299 {strides = array<i32>} : memref<2x16384xf32, #tpu.memory_space<vmem>>, vector<16xf32>,
        %add3A_1305 = arith.constant 4096 : i32
        %add3A_1306 = arith.addi %add3A_1185, %add3A_1305 : i32
        %add3A_1307 = arith.constant 0 : i32
        %add3A_1308 = arith.addi %add3A_1306, %add3A_1307 : i32
        %get3A_1309 = arith.constant 8 : i32
        %get3A_1310 = arith.index_cast %select_n3A_1145 : i32 to index
        %get3A_1311 = arith.index_cast %get3A_1309 : i32 to index
        %get3A_1312 = arith.constant 0 : index
        %get3A_1313 = tpu.vector_load %arg11[%get3A_1310, %get3A_1311, %get3A_1312] {strides = array<i32>} : memref<4x32x16xf32, #tpu.memory_space<vmem>>, vector<16xf32>,
        %mul3A_1314 = arith.mulf %get3A_1313, %select_n3A_1129 : vector<16xf32>
        %multiple_of3A_1315 = tpu.assume_multiple %add3A_1308, 8 : i32
        %swap3A_1316 = arith.constant 1 : i32
        %swap3A_1317 = arith.index_cast %swap3A_1316 : i32 to index
        %swap3A_1318 = arith.index_cast %multiple_of3A_1315 : i32 to index
        %swap3A_1319 = tpu.vector_load %arg9[%swap3A_1317, %swap3A_1318] {strides = array<i32>} : memref<2x16384xf32, #tpu.memory_space<vmem>>, vector<16xf32>,
        tpu.vector_store %arg9[%swap3A_1317, %swap3A_1318], %mul3A_1314 {strides = array<i32>} : memref<2x16384xf32, #tpu.memory_space<vmem>>, vector<16xf32>,
        %add3A_1320 = arith.constant 4096 : i32
        %add3A_1321 = arith.addi %add3A_1185, %add3A_1320 : i32
        %add3A_1322 = arith.constant 128 : i32
        %add3A_1323 = arith.addi %add3A_1321, %add3A_1322 : i32
        %get3A_1324 = arith.constant 9 : i32
        %get3A_1325 = arith.index_cast %select_n3A_1145 : i32 to index
        %get3A_1326 = arith.index_cast %get3A_1324 : i32 to index
        %get3A_1327 = arith.constant 0 : index
        %get3A_1328 = tpu.vector_load %arg11[%get3A_1325, %get3A_1326, %get3A_1327] {strides = array<i32>} : memref<4x32x16xf32, #tpu.memory_space<vmem>>, vector<16xf32>,
        %mul3A_1329 = arith.mulf %get3A_1328, %select_n3A_1129 : vector<16xf32>
        %multiple_of3A_1330 = tpu.assume_multiple %add3A_1323, 8 : i32
        %swap3A_1331 = arith.constant 1 : i32
        %swap3A_1332 = arith.index_cast %swap3A_1331 : i32 to index
        %swap3A_1333 = arith.index_cast %multiple_of3A_1330 : i32 to index
        %swap3A_1334 = tpu.vector_load %arg9[%swap3A_1332, %swap3A_1333] {strides = array<i32>} : memref<2x16384xf32, #tpu.memory_space<vmem>>, vector<16xf32>,
        tpu.vector_store %arg9[%swap3A_1332, %swap3A_1333], %mul3A_1329 {strides = array<i32>} : memref<2x16384xf32, #tpu.memory_space<vmem>>, vector<16xf32>,
        %add3A_1335 = arith.constant 4096 : i32
        %add3A_1336 = arith.addi %add3A_1185, %add3A_1335 : i32
        %add3A_1337 = arith.constant 256 : i32
        %add3A_1338 = arith.addi %add3A_1336, %add3A_1337 : i32
        %get3A_1339 = arith.constant 10 : i32
        %get3A_1340 = arith.index_cast %select_n3A_1145 : i32 to index
        %get3A_1341 = arith.index_cast %get3A_1339 : i32 to index
        %get3A_1342 = arith.constant 0 : index
        %get3A_1343 = tpu.vector_load %arg11[%get3A_1340, %get3A_1341, %get3A_1342] {strides = array<i32>} : memref<4x32x16xf32, #tpu.memory_space<vmem>>, vector<16xf32>,
        %mul3A_1344 = arith.mulf %get3A_1343, %select_n3A_1129 : vector<16xf32>
        %multiple_of3A_1345 = tpu.assume_multiple %add3A_1338, 8 : i32
        %swap3A_1346 = arith.constant 1 : i32
        %swap3A_1347 = arith.index_cast %swap3A_1346 : i32 to index
        %swap3A_1348 = arith.index_cast %multiple_of3A_1345 : i32 to index
        %swap3A_1349 = tpu.vector_load %arg9[%swap3A_1347, %swap3A_1348] {strides = array<i32>} : memref<2x16384xf32, #tpu.memory_space<vmem>>, vector<16xf32>,
        tpu.vector_store %arg9[%swap3A_1347, %swap3A_1348], %mul3A_1344 {strides = array<i32>} : memref<2x16384xf32, #tpu.memory_space<vmem>>, vector<16xf32>,
        %add3A_1350 = arith.constant 4096 : i32
        %add3A_1351 = arith.addi %add3A_1185, %add3A_1350 : i32
        %add3A_1352 = arith.constant 384 : i32
        %add3A_1353 = arith.addi %add3A_1351, %add3A_1352 : i32
        %get3A_1354 = arith.constant 11 : i32
        %get3A_1355 = arith.index_cast %select_n3A_1145 : i32 to index
        %get3A_1356 = arith.index_cast %get3A_1354 : i32 to index
        %get3A_1357 = arith.constant 0 : index
        %get3A_1358 = tpu.vector_load %arg11[%get3A_1355, %get3A_1356, %get3A_1357] {strides = array<i32>} : memref<4x32x16xf32, #tpu.memory_space<vmem>>, vector<16xf32>,
        %mul3A_1359 = arith.mulf %get3A_1358, %select_n3A_1129 : vector<16xf32>
        %multiple_of3A_1360 = tpu.assume_multiple %add3A_1353, 8 : i32
        %swap3A_1361 = arith.constant 1 : i32
        %swap3A_1362 = arith.index_cast %swap3A_1361 : i32 to index
        %swap3A_1363 = arith.index_cast %multiple_of3A_1360 : i32 to index
        %swap3A_1364 = tpu.vector_load %arg9[%swap3A_1362, %swap3A_1363] {strides = array<i32>} : memref<2x16384xf32, #tpu.memory_space<vmem>>, vector<16xf32>,
        tpu.vector_store %arg9[%swap3A_1362, %swap3A_1363], %mul3A_1359 {strides = array<i32>} : memref<2x16384xf32, #tpu.memory_space<vmem>>, vector<16xf32>,
        %add3A_1365 = arith.constant 4096 : i32
        %add3A_1366 = arith.addi %add3A_1185, %add3A_1365 : i32
        %add3A_1367 = arith.constant 512 : i32
        %add3A_1368 = arith.addi %add3A_1366, %add3A_1367 : i32
        %get3A_1369 = arith.constant 12 : i32
        %get3A_1370 = arith.index_cast %select_n3A_1145 : i32 to index
        %get3A_1371 = arith.index_cast %get3A_1369 : i32 to index
        %get3A_1372 = arith.constant 0 : index
        %get3A_1373 = tpu.vector_load %arg11[%get3A_1370, %get3A_1371, %get3A_1372] {strides = array<i32>} : memref<4x32x16xf32, #tpu.memory_space<vmem>>, vector<16xf32>,
        %mul3A_1374 = arith.mulf %get3A_1373, %select_n3A_1129 : vector<16xf32>
        %multiple_of3A_1375 = tpu.assume_multiple %add3A_1368, 8 : i32
        %swap3A_1376 = arith.constant 1 : i32
        %swap3A_1377 = arith.index_cast %swap3A_1376 : i32 to index
        %swap3A_1378 = arith.index_cast %multiple_of3A_1375 : i32 to index
        %swap3A_1379 = tpu.vector_load %arg9[%swap3A_1377, %swap3A_1378] {strides = array<i32>} : memref<2x16384xf32, #tpu.memory_space<vmem>>, vector<16xf32>,
        tpu.vector_store %arg9[%swap3A_1377, %swap3A_1378], %mul3A_1374 {strides = array<i32>} : memref<2x16384xf32, #tpu.memory_space<vmem>>, vector<16xf32>,
        %add3A_1380 = arith.constant 4096 : i32
        %add3A_1381 = arith.addi %add3A_1185, %add3A_1380 : i32
        %add3A_1382 = arith.constant 640 : i32
        %add3A_1383 = arith.addi %add3A_1381, %add3A_1382 : i32
        %get3A_1384 = arith.constant 13 : i32
        %get3A_1385 = arith.index_cast %select_n3A_1145 : i32 to index
        %get3A_1386 = arith.index_cast %get3A_1384 : i32 to index
        %get3A_1387 = arith.constant 0 : index
        %get3A_1388 = tpu.vector_load %arg11[%get3A_1385, %get3A_1386, %get3A_1387] {strides = array<i32>} : memref<4x32x16xf32, #tpu.memory_space<vmem>>, vector<16xf32>,
        %mul3A_1389 = arith.mulf %get3A_1388, %select_n3A_1129 : vector<16xf32>
        %multiple_of3A_1390 = tpu.assume_multiple %add3A_1383, 8 : i32
        %swap3A_1391 = arith.constant 1 : i32
        %swap3A_1392 = arith.index_cast %swap3A_1391 : i32 to index
        %swap3A_1393 = arith.index_cast %multiple_of3A_1390 : i32 to index
        %swap3A_1394 = tpu.vector_load %arg9[%swap3A_1392, %swap3A_1393] {strides = array<i32>} : memref<2x16384xf32, #tpu.memory_space<vmem>>, vector<16xf32>,
        tpu.vector_store %arg9[%swap3A_1392, %swap3A_1393], %mul3A_1389 {strides = array<i32>} : memref<2x16384xf32, #tpu.memory_space<vmem>>, vector<16xf32>,
        %add3A_1395 = arith.constant 4096 : i32
        %add3A_1396 = arith.addi %add3A_1185, %add3A_1395 : i32
        %add3A_1397 = arith.constant 768 : i32
        %add3A_1398 = arith.addi %add3A_1396, %add3A_1397 : i32
        %get3A_1399 = arith.constant 14 : i32
        %get3A_1400 = arith.index_cast %select_n3A_1145 : i32 to index
        %get3A_1401 = arith.index_cast %get3A_1399 : i32 to index
        %get3A_1402 = arith.constant 0 : index
        %get3A_1403 = tpu.vector_load %arg11[%get3A_1400, %get3A_1401, %get3A_1402] {strides = array<i32>} : memref<4x32x16xf32, #tpu.memory_space<vmem>>, vector<16xf32>,
        %mul3A_1404 = arith.mulf %get3A_1403, %select_n3A_1129 : vector<16xf32>
        %multiple_of3A_1405 = tpu.assume_multiple %add3A_1398, 8 : i32
        %swap3A_1406 = arith.constant 1 : i32
        %swap3A_1407 = arith.index_cast %swap3A_1406 : i32 to index
        %swap3A_1408 = arith.index_cast %multiple_of3A_1405 : i32 to index
        %swap3A_1409 = tpu.vector_load %arg9[%swap3A_1407, %swap3A_1408] {strides = array<i32>} : memref<2x16384xf32, #tpu.memory_space<vmem>>, vector<16xf32>,
        tpu.vector_store %arg9[%swap3A_1407, %swap3A_1408], %mul3A_1404 {strides = array<i32>} : memref<2x16384xf32, #tpu.memory_space<vmem>>, vector<16xf32>,
        %add3A_1410 = arith.constant 4096 : i32
        %add3A_1411 = arith.addi %add3A_1185, %add3A_1410 : i32
        %add3A_1412 = arith.constant 896 : i32
        %add3A_1413 = arith.addi %add3A_1411, %add3A_1412 : i32
        %get3A_1414 = arith.constant 15 : i32
        %get3A_1415 = arith.index_cast %select_n3A_1145 : i32 to index
        %get3A_1416 = arith.index_cast %get3A_1414 : i32 to index
        %get3A_1417 = arith.constant 0 : index
        %get3A_1418 = tpu.vector_load %arg11[%get3A_1415, %get3A_1416, %get3A_1417] {strides = array<i32>} : memref<4x32x16xf32, #tpu.memory_space<vmem>>, vector<16xf32>,
        %mul3A_1419 = arith.mulf %get3A_1418, %select_n3A_1129 : vector<16xf32>
        %multiple_of3A_1420 = tpu.assume_multiple %add3A_1413, 8 : i32
        %swap3A_1421 = arith.constant 1 : i32
        %swap3A_1422 = arith.index_cast %swap3A_1421 : i32 to index
        %swap3A_1423 = arith.index_cast %multiple_of3A_1420 : i32 to index
        %swap3A_1424 = tpu.vector_load %arg9[%swap3A_1422, %swap3A_1423] {strides = array<i32>} : memref<2x16384xf32, #tpu.memory_space<vmem>>, vector<16xf32>,
        tpu.vector_store %arg9[%swap3A_1422, %swap3A_1423], %mul3A_1419 {strides = array<i32>} : memref<2x16384xf32, #tpu.memory_space<vmem>>, vector<16xf32>,
        %add3A_1425 = arith.constant 8192 : i32
        %add3A_1426 = arith.addi %add3A_1185, %add3A_1425 : i32
        %add3A_1427 = arith.constant 0 : i32
        %add3A_1428 = arith.addi %add3A_1426, %add3A_1427 : i32
        %get3A_1429 = arith.constant 16 : i32
        %get3A_1430 = arith.index_cast %select_n3A_1145 : i32 to index
        %get3A_1431 = arith.index_cast %get3A_1429 : i32 to index
        %get3A_1432 = arith.constant 0 : index
        %get3A_1433 = tpu.vector_load %arg11[%get3A_1430, %get3A_1431, %get3A_1432] {strides = array<i32>} : memref<4x32x16xf32, #tpu.memory_space<vmem>>, vector<16xf32>,
        %mul3A_1434 = arith.mulf %get3A_1433, %select_n3A_1129 : vector<16xf32>
        %multiple_of3A_1435 = tpu.assume_multiple %add3A_1428, 8 : i32
        %swap3A_1436 = arith.constant 1 : i32
        %swap3A_1437 = arith.index_cast %swap3A_1436 : i32 to index
        %swap3A_1438 = arith.index_cast %multiple_of3A_1435 : i32 to index
        %swap3A_1439 = tpu.vector_load %arg9[%swap3A_1437, %swap3A_1438] {strides = array<i32>} : memref<2x16384xf32, #tpu.memory_space<vmem>>, vector<16xf32>,
        tpu.vector_store %arg9[%swap3A_1437, %swap3A_1438], %mul3A_1434 {strides = array<i32>} : memref<2x16384xf32, #tpu.memory_space<vmem>>, vector<16xf32>,
        %add3A_1440 = arith.constant 8192 : i32
        %add3A_1441 = arith.addi %add3A_1185, %add3A_1440 : i32
        %add3A_1442 = arith.constant 128 : i32
        %add3A_1443 = arith.addi %add3A_1441, %add3A_1442 : i32
        %get3A_1444 = arith.constant 17 : i32
        %get3A_1445 = arith.index_cast %select_n3A_1145 : i32 to index
        %get3A_1446 = arith.index_cast %get3A_1444 : i32 to index
        %get3A_1447 = arith.constant 0 : index
        %get3A_1448 = tpu.vector_load %arg11[%get3A_1445, %get3A_1446, %get3A_1447] {strides = array<i32>} : memref<4x32x16xf32, #tpu.memory_space<vmem>>, vector<16xf32>,
        %mul3A_1449 = arith.mulf %get3A_1448, %select_n3A_1129 : vector<16xf32>
        %multiple_of3A_1450 = tpu.assume_multiple %add3A_1443, 8 : i32
        %swap3A_1451 = arith.constant 1 : i32
        %swap3A_1452 = arith.index_cast %swap3A_1451 : i32 to index
        %swap3A_1453 = arith.index_cast %multiple_of3A_1450 : i32 to index
        %swap3A_1454 = tpu.vector_load %arg9[%swap3A_1452, %swap3A_1453] {strides = array<i32>} : memref<2x16384xf32, #tpu.memory_space<vmem>>, vector<16xf32>,
        tpu.vector_store %arg9[%swap3A_1452, %swap3A_1453], %mul3A_1449 {strides = array<i32>} : memref<2x16384xf32, #tpu.memory_space<vmem>>, vector<16xf32>,
        %add3A_1455 = arith.constant 8192 : i32
        %add3A_1456 = arith.addi %add3A_1185, %add3A_1455 : i32
        %add3A_1457 = arith.constant 256 : i32
        %add3A_1458 = arith.addi %add3A_1456, %add3A_1457 : i32
        %get3A_1459 = arith.constant 18 : i32
        %get3A_1460 = arith.index_cast %select_n3A_1145 : i32 to index
        %get3A_1461 = arith.index_cast %get3A_1459 : i32 to index
        %get3A_1462 = arith.constant 0 : index
        %get3A_1463 = tpu.vector_load %arg11[%get3A_1460, %get3A_1461, %get3A_1462] {strides = array<i32>} : memref<4x32x16xf32, #tpu.memory_space<vmem>>, vector<16xf32>,
        %mul3A_1464 = arith.mulf %get3A_1463, %select_n3A_1129 : vector<16xf32>
        %multiple_of3A_1465 = tpu.assume_multiple %add3A_1458, 8 : i32
        %swap3A_1466 = arith.constant 1 : i32
        %swap3A_1467 = arith.index_cast %swap3A_1466 : i32 to index
        %swap3A_1468 = arith.index_cast %multiple_of3A_1465 : i32 to index
        %swap3A_1469 = tpu.vector_load %arg9[%swap3A_1467, %swap3A_1468] {strides = array<i32>} : memref<2x16384xf32, #tpu.memory_space<vmem>>, vector<16xf32>,
        tpu.vector_store %arg9[%swap3A_1467, %swap3A_1468], %mul3A_1464 {strides = array<i32>} : memref<2x16384xf32, #tpu.memory_space<vmem>>, vector<16xf32>,
        %add3A_1470 = arith.constant 8192 : i32
        %add3A_1471 = arith.addi %add3A_1185, %add3A_1470 : i32
        %add3A_1472 = arith.constant 384 : i32
        %add3A_1473 = arith.addi %add3A_1471, %add3A_1472 : i32
        %get3A_1474 = arith.constant 19 : i32
        %get3A_1475 = arith.index_cast %select_n3A_1145 : i32 to index
        %get3A_1476 = arith.index_cast %get3A_1474 : i32 to index
        %get3A_1477 = arith.constant 0 : index
        %get3A_1478 = tpu.vector_load %arg11[%get3A_1475, %get3A_1476, %get3A_1477] {strides = array<i32>} : memref<4x32x16xf32, #tpu.memory_space<vmem>>, vector<16xf32>,
        %mul3A_1479 = arith.mulf %get3A_1478, %select_n3A_1129 : vector<16xf32>
        %multiple_of3A_1480 = tpu.assume_multiple %add3A_1473, 8 : i32
        %swap3A_1481 = arith.constant 1 : i32
        %swap3A_1482 = arith.index_cast %swap3A_1481 : i32 to index
        %swap3A_1483 = arith.index_cast %multiple_of3A_1480 : i32 to index
        %swap3A_1484 = tpu.vector_load %arg9[%swap3A_1482, %swap3A_1483] {strides = array<i32>} : memref<2x16384xf32, #tpu.memory_space<vmem>>, vector<16xf32>,
        tpu.vector_store %arg9[%swap3A_1482, %swap3A_1483], %mul3A_1479 {strides = array<i32>} : memref<2x16384xf32, #tpu.memory_space<vmem>>, vector<16xf32>,
        %add3A_1485 = arith.constant 8192 : i32
        %add3A_1486 = arith.addi %add3A_1185, %add3A_1485 : i32
        %add3A_1487 = arith.constant 512 : i32
        %add3A_1488 = arith.addi %add3A_1486, %add3A_1487 : i32
        %get3A_1489 = arith.constant 20 : i32
        %get3A_1490 = arith.index_cast %select_n3A_1145 : i32 to index
        %get3A_1491 = arith.index_cast %get3A_1489 : i32 to index
        %get3A_1492 = arith.constant 0 : index
        %get3A_1493 = tpu.vector_load %arg11[%get3A_1490, %get3A_1491, %get3A_1492] {strides = array<i32>} : memref<4x32x16xf32, #tpu.memory_space<vmem>>, vector<16xf32>,
        %mul3A_1494 = arith.mulf %get3A_1493, %select_n3A_1129 : vector<16xf32>
        %multiple_of3A_1495 = tpu.assume_multiple %add3A_1488, 8 : i32
        %swap3A_1496 = arith.constant 1 : i32
        %swap3A_1497 = arith.index_cast %swap3A_1496 : i32 to index
        %swap3A_1498 = arith.index_cast %multiple_of3A_1495 : i32 to index
        %swap3A_1499 = tpu.vector_load %arg9[%swap3A_1497, %swap3A_1498] {strides = array<i32>} : memref<2x16384xf32, #tpu.memory_space<vmem>>, vector<16xf32>,
        tpu.vector_store %arg9[%swap3A_1497, %swap3A_1498], %mul3A_1494 {strides = array<i32>} : memref<2x16384xf32, #tpu.memory_space<vmem>>, vector<16xf32>,
        %add3A_1500 = arith.constant 8192 : i32
        %add3A_1501 = arith.addi %add3A_1185, %add3A_1500 : i32
        %add3A_1502 = arith.constant 640 : i32
        %add3A_1503 = arith.addi %add3A_1501, %add3A_1502 : i32
        %get3A_1504 = arith.constant 21 : i32
        %get3A_1505 = arith.index_cast %select_n3A_1145 : i32 to index
        %get3A_1506 = arith.index_cast %get3A_1504 : i32 to index
        %get3A_1507 = arith.constant 0 : index
        %get3A_1508 = tpu.vector_load %arg11[%get3A_1505, %get3A_1506, %get3A_1507] {strides = array<i32>} : memref<4x32x16xf32, #tpu.memory_space<vmem>>, vector<16xf32>,
        %mul3A_1509 = arith.mulf %get3A_1508, %select_n3A_1129 : vector<16xf32>
        %multiple_of3A_1510 = tpu.assume_multiple %add3A_1503, 8 : i32
        %swap3A_1511 = arith.constant 1 : i32
        %swap3A_1512 = arith.index_cast %swap3A_1511 : i32 to index
        %swap3A_1513 = arith.index_cast %multiple_of3A_1510 : i32 to index
        %swap3A_1514 = tpu.vector_load %arg9[%swap3A_1512, %swap3A_1513] {strides = array<i32>} : memref<2x16384xf32, #tpu.memory_space<vmem>>, vector<16xf32>,
        tpu.vector_store %arg9[%swap3A_1512, %swap3A_1513], %mul3A_1509 {strides = array<i32>} : memref<2x16384xf32, #tpu.memory_space<vmem>>, vector<16xf32>,
        %add3A_1515 = arith.constant 8192 : i32
        %add3A_1516 = arith.addi %add3A_1185, %add3A_1515 : i32
        %add3A_1517 = arith.constant 768 : i32
        %add3A_1518 = arith.addi %add3A_1516, %add3A_1517 : i32
        %get3A_1519 = arith.constant 22 : i32
        %get3A_1520 = arith.index_cast %select_n3A_1145 : i32 to index
        %get3A_1521 = arith.index_cast %get3A_1519 : i32 to index
        %get3A_1522 = arith.constant 0 : index
        %get3A_1523 = tpu.vector_load %arg11[%get3A_1520, %get3A_1521, %get3A_1522] {strides = array<i32>} : memref<4x32x16xf32, #tpu.memory_space<vmem>>, vector<16xf32>,
        %mul3A_1524 = arith.mulf %get3A_1523, %select_n3A_1129 : vector<16xf32>
        %multiple_of3A_1525 = tpu.assume_multiple %add3A_1518, 8 : i32
        %swap3A_1526 = arith.constant 1 : i32
        %swap3A_1527 = arith.index_cast %swap3A_1526 : i32 to index
        %swap3A_1528 = arith.index_cast %multiple_of3A_1525 : i32 to index
        %swap3A_1529 = tpu.vector_load %arg9[%swap3A_1527, %swap3A_1528] {strides = array<i32>} : memref<2x16384xf32, #tpu.memory_space<vmem>>, vector<16xf32>,
        tpu.vector_store %arg9[%swap3A_1527, %swap3A_1528], %mul3A_1524 {strides = array<i32>} : memref<2x16384xf32, #tpu.memory_space<vmem>>, vector<16xf32>,
        %add3A_1530 = arith.constant 8192 : i32
        %add3A_1531 = arith.addi %add3A_1185, %add3A_1530 : i32
        %add3A_1532 = arith.constant 896 : i32
        %add3A_1533 = arith.addi %add3A_1531, %add3A_1532 : i32
        %get3A_1534 = arith.constant 23 : i32
        %get3A_1535 = arith.index_cast %select_n3A_1145 : i32 to index
        %get3A_1536 = arith.index_cast %get3A_1534 : i32 to index
        %get3A_1537 = arith.constant 0 : index
        %get3A_1538 = tpu.vector_load %arg11[%get3A_1535, %get3A_1536, %get3A_1537] {strides = array<i32>} : memref<4x32x16xf32, #tpu.memory_space<vmem>>, vector<16xf32>,
        %mul3A_1539 = arith.mulf %get3A_1538, %select_n3A_1129 : vector<16xf32>
        %multiple_of3A_1540 = tpu.assume_multiple %add3A_1533, 8 : i32
        %swap3A_1541 = arith.constant 1 : i32
        %swap3A_1542 = arith.index_cast %swap3A_1541 : i32 to index
        %swap3A_1543 = arith.index_cast %multiple_of3A_1540 : i32 to index
        %swap3A_1544 = tpu.vector_load %arg9[%swap3A_1542, %swap3A_1543] {strides = array<i32>} : memref<2x16384xf32, #tpu.memory_space<vmem>>, vector<16xf32>,
        tpu.vector_store %arg9[%swap3A_1542, %swap3A_1543], %mul3A_1539 {strides = array<i32>} : memref<2x16384xf32, #tpu.memory_space<vmem>>, vector<16xf32>,
        %add3A_1545 = arith.constant 12288 : i32
        %add3A_1546 = arith.addi %add3A_1185, %add3A_1545 : i32
        %add3A_1547 = arith.constant 0 : i32
        %add3A_1548 = arith.addi %add3A_1546, %add3A_1547 : i32
        %get3A_1549 = arith.constant 24 : i32
        %get3A_1550 = arith.index_cast %select_n3A_1145 : i32 to index
        %get3A_1551 = arith.index_cast %get3A_1549 : i32 to index
        %get3A_1552 = arith.constant 0 : index
        %get3A_1553 = tpu.vector_load %arg11[%get3A_1550, %get3A_1551, %get3A_1552] {strides = array<i32>} : memref<4x32x16xf32, #tpu.memory_space<vmem>>, vector<16xf32>,
        %mul3A_1554 = arith.mulf %get3A_1553, %select_n3A_1129 : vector<16xf32>
        %multiple_of3A_1555 = tpu.assume_multiple %add3A_1548, 8 : i32
        %swap3A_1556 = arith.constant 1 : i32
        %swap3A_1557 = arith.index_cast %swap3A_1556 : i32 to index
        %swap3A_1558 = arith.index_cast %multiple_of3A_1555 : i32 to index
        %swap3A_1559 = tpu.vector_load %arg9[%swap3A_1557, %swap3A_1558] {strides = array<i32>} : memref<2x16384xf32, #tpu.memory_space<vmem>>, vector<16xf32>,
        tpu.vector_store %arg9[%swap3A_1557, %swap3A_1558], %mul3A_1554 {strides = array<i32>} : memref<2x16384xf32, #tpu.memory_space<vmem>>, vector<16xf32>,
        %add3A_1560 = arith.constant 12288 : i32
        %add3A_1561 = arith.addi %add3A_1185, %add3A_1560 : i32
        %add3A_1562 = arith.constant 128 : i32
        %add3A_1563 = arith.addi %add3A_1561, %add3A_1562 : i32
        %get3A_1564 = arith.constant 25 : i32
        %get3A_1565 = arith.index_cast %select_n3A_1145 : i32 to index
        %get3A_1566 = arith.index_cast %get3A_1564 : i32 to index
        %get3A_1567 = arith.constant 0 : index
        %get3A_1568 = tpu.vector_load %arg11[%get3A_1565, %get3A_1566, %get3A_1567] {strides = array<i32>} : memref<4x32x16xf32, #tpu.memory_space<vmem>>, vector<16xf32>,
        %mul3A_1569 = arith.mulf %get3A_1568, %select_n3A_1129 : vector<16xf32>
        %multiple_of3A_1570 = tpu.assume_multiple %add3A_1563, 8 : i32
        %swap3A_1571 = arith.constant 1 : i32
        %swap3A_1572 = arith.index_cast %swap3A_1571 : i32 to index
        %swap3A_1573 = arith.index_cast %multiple_of3A_1570 : i32 to index
        %swap3A_1574 = tpu.vector_load %arg9[%swap3A_1572, %swap3A_1573] {strides = array<i32>} : memref<2x16384xf32, #tpu.memory_space<vmem>>, vector<16xf32>,
        tpu.vector_store %arg9[%swap3A_1572, %swap3A_1573], %mul3A_1569 {strides = array<i32>} : memref<2x16384xf32, #tpu.memory_space<vmem>>, vector<16xf32>,
        %add3A_1575 = arith.constant 12288 : i32
        %add3A_1576 = arith.addi %add3A_1185, %add3A_1575 : i32
        %add3A_1577 = arith.constant 256 : i32
        %add3A_1578 = arith.addi %add3A_1576, %add3A_1577 : i32
        %get3A_1579 = arith.constant 26 : i32
        %get3A_1580 = arith.index_cast %select_n3A_1145 : i32 to index
        %get3A_1581 = arith.index_cast %get3A_1579 : i32 to index
        %get3A_1582 = arith.constant 0 : index
        %get3A_1583 = tpu.vector_load %arg11[%get3A_1580, %get3A_1581, %get3A_1582] {strides = array<i32>} : memref<4x32x16xf32, #tpu.memory_space<vmem>>, vector<16xf32>,
        %mul3A_1584 = arith.mulf %get3A_1583, %select_n3A_1129 : vector<16xf32>
        %multiple_of3A_1585 = tpu.assume_multiple %add3A_1578, 8 : i32
        %swap3A_1586 = arith.constant 1 : i32
        %swap3A_1587 = arith.index_cast %swap3A_1586 : i32 to index
        %swap3A_1588 = arith.index_cast %multiple_of3A_1585 : i32 to index
        %swap3A_1589 = tpu.vector_load %arg9[%swap3A_1587, %swap3A_1588] {strides = array<i32>} : memref<2x16384xf32, #tpu.memory_space<vmem>>, vector<16xf32>,
        tpu.vector_store %arg9[%swap3A_1587, %swap3A_1588], %mul3A_1584 {strides = array<i32>} : memref<2x16384xf32, #tpu.memory_space<vmem>>, vector<16xf32>,
        %add3A_1590 = arith.constant 12288 : i32
        %add3A_1591 = arith.addi %add3A_1185, %add3A_1590 : i32
        %add3A_1592 = arith.constant 384 : i32
        %add3A_1593 = arith.addi %add3A_1591, %add3A_1592 : i32
        %get3A_1594 = arith.constant 27 : i32
        %get3A_1595 = arith.index_cast %select_n3A_1145 : i32 to index
        %get3A_1596 = arith.index_cast %get3A_1594 : i32 to index
        %get3A_1597 = arith.constant 0 : index
        %get3A_1598 = tpu.vector_load %arg11[%get3A_1595, %get3A_1596, %get3A_1597] {strides = array<i32>} : memref<4x32x16xf32, #tpu.memory_space<vmem>>, vector<16xf32>,
        %mul3A_1599 = arith.mulf %get3A_1598, %select_n3A_1129 : vector<16xf32>
        %multiple_of3A_1600 = tpu.assume_multiple %add3A_1593, 8 : i32
        %swap3A_1601 = arith.constant 1 : i32
        %swap3A_1602 = arith.index_cast %swap3A_1601 : i32 to index
        %swap3A_1603 = arith.index_cast %multiple_of3A_1600 : i32 to index
        %swap3A_1604 = tpu.vector_load %arg9[%swap3A_1602, %swap3A_1603] {strides = array<i32>} : memref<2x16384xf32, #tpu.memory_space<vmem>>, vector<16xf32>,
        tpu.vector_store %arg9[%swap3A_1602, %swap3A_1603], %mul3A_1599 {strides = array<i32>} : memref<2x16384xf32, #tpu.memory_space<vmem>>, vector<16xf32>,
        %add3A_1605 = arith.constant 12288 : i32
        %add3A_1606 = arith.addi %add3A_1185, %add3A_1605 : i32
        %add3A_1607 = arith.constant 512 : i32
        %add3A_1608 = arith.addi %add3A_1606, %add3A_1607 : i32
        %get3A_1609 = arith.constant 28 : i32
        %get3A_1610 = arith.index_cast %select_n3A_1145 : i32 to index
        %get3A_1611 = arith.index_cast %get3A_1609 : i32 to index
        %get3A_1612 = arith.constant 0 : index
        %get3A_1613 = tpu.vector_load %arg11[%get3A_1610, %get3A_1611, %get3A_1612] {strides = array<i32>} : memref<4x32x16xf32, #tpu.memory_space<vmem>>, vector<16xf32>,
        %mul3A_1614 = arith.mulf %get3A_1613, %select_n3A_1129 : vector<16xf32>
        %multiple_of3A_1615 = tpu.assume_multiple %add3A_1608, 8 : i32
        %swap3A_1616 = arith.constant 1 : i32
        %swap3A_1617 = arith.index_cast %swap3A_1616 : i32 to index
        %swap3A_1618 = arith.index_cast %multiple_of3A_1615 : i32 to index
        %swap3A_1619 = tpu.vector_load %arg9[%swap3A_1617, %swap3A_1618] {strides = array<i32>} : memref<2x16384xf32, #tpu.memory_space<vmem>>, vector<16xf32>,
        tpu.vector_store %arg9[%swap3A_1617, %swap3A_1618], %mul3A_1614 {strides = array<i32>} : memref<2x16384xf32, #tpu.memory_space<vmem>>, vector<16xf32>,
        %add3A_1620 = arith.constant 12288 : i32
        %add3A_1621 = arith.addi %add3A_1185, %add3A_1620 : i32
        %add3A_1622 = arith.constant 640 : i32
        %add3A_1623 = arith.addi %add3A_1621, %add3A_1622 : i32
        %get3A_1624 = arith.constant 29 : i32
        %get3A_1625 = arith.index_cast %select_n3A_1145 : i32 to index
        %get3A_1626 = arith.index_cast %get3A_1624 : i32 to index
        %get3A_1627 = arith.constant 0 : index
        %get3A_1628 = tpu.vector_load %arg11[%get3A_1625, %get3A_1626, %get3A_1627] {strides = array<i32>} : memref<4x32x16xf32, #tpu.memory_space<vmem>>, vector<16xf32>,
        %mul3A_1629 = arith.mulf %get3A_1628, %select_n3A_1129 : vector<16xf32>
        %multiple_of3A_1630 = tpu.assume_multiple %add3A_1623, 8 : i32
        %swap3A_1631 = arith.constant 1 : i32
        %swap3A_1632 = arith.index_cast %swap3A_1631 : i32 to index
        %swap3A_1633 = arith.index_cast %multiple_of3A_1630 : i32 to index
        %swap3A_1634 = tpu.vector_load %arg9[%swap3A_1632, %swap3A_1633] {strides = array<i32>} : memref<2x16384xf32, #tpu.memory_space<vmem>>, vector<16xf32>,
        tpu.vector_store %arg9[%swap3A_1632, %swap3A_1633], %mul3A_1629 {strides = array<i32>} : memref<2x16384xf32, #tpu.memory_space<vmem>>, vector<16xf32>,
        %add3A_1635 = arith.constant 12288 : i32
        %add3A_1636 = arith.addi %add3A_1185, %add3A_1635 : i32
        %add3A_1637 = arith.constant 768 : i32
        %add3A_1638 = arith.addi %add3A_1636, %add3A_1637 : i32
        %get3A_1639 = arith.constant 30 : i32
        %get3A_1640 = arith.index_cast %select_n3A_1145 : i32 to index
        %get3A_1641 = arith.index_cast %get3A_1639 : i32 to index
        %get3A_1642 = arith.constant 0 : index
        %get3A_1643 = tpu.vector_load %arg11[%get3A_1640, %get3A_1641, %get3A_1642] {strides = array<i32>} : memref<4x32x16xf32, #tpu.memory_space<vmem>>, vector<16xf32>,
        %mul3A_1644 = arith.mulf %get3A_1643, %select_n3A_1129 : vector<16xf32>
        %multiple_of3A_1645 = tpu.assume_multiple %add3A_1638, 8 : i32
        %swap3A_1646 = arith.constant 1 : i32
        %swap3A_1647 = arith.index_cast %swap3A_1646 : i32 to index
        %swap3A_1648 = arith.index_cast %multiple_of3A_1645 : i32 to index
        %swap3A_1649 = tpu.vector_load %arg9[%swap3A_1647, %swap3A_1648] {strides = array<i32>} : memref<2x16384xf32, #tpu.memory_space<vmem>>, vector<16xf32>,
        tpu.vector_store %arg9[%swap3A_1647, %swap3A_1648], %mul3A_1644 {strides = array<i32>} : memref<2x16384xf32, #tpu.memory_space<vmem>>, vector<16xf32>,
        %add3A_1650 = arith.constant 12288 : i32
        %add3A_1651 = arith.addi %add3A_1185, %add3A_1650 : i32
        %add3A_1652 = arith.constant 896 : i32
        %add3A_1653 = arith.addi %add3A_1651, %add3A_1652 : i32
        %get3A_1654 = arith.constant 31 : i32
        %get3A_1655 = arith.index_cast %select_n3A_1145 : i32 to index
        %get3A_1656 = arith.index_cast %get3A_1654 : i32 to index
        %get3A_1657 = arith.constant 0 : index
        %get3A_1658 = tpu.vector_load %arg11[%get3A_1655, %get3A_1656, %get3A_1657] {strides = array<i32>} : memref<4x32x16xf32, #tpu.memory_space<vmem>>, vector<16xf32>,
        %mul3A_1659 = arith.mulf %get3A_1658, %select_n3A_1129 : vector<16xf32>
        %multiple_of3A_1660 = tpu.assume_multiple %add3A_1653, 8 : i32
        %swap3A_1661 = arith.constant 1 : i32
        %swap3A_1662 = arith.index_cast %swap3A_1661 : i32 to index
        %swap3A_1663 = arith.index_cast %multiple_of3A_1660 : i32 to index
        %swap3A_1664 = tpu.vector_load %arg9[%swap3A_1662, %swap3A_1663] {strides = array<i32>} : memref<2x16384xf32, #tpu.memory_space<vmem>>, vector<16xf32>,
        tpu.vector_store %arg9[%swap3A_1662, %swap3A_1663], %mul3A_1659 {strides = array<i32>} : memref<2x16384xf32, #tpu.memory_space<vmem>>, vector<16xf32>,
      }
      %scan3A_530 = arith.constant 32 : i32
      %mul3A_531 = arith.constant 128 : i32
      %mul3A_532 = arith.muli %add3A, %mul3A_531 : i32
      %mul3A_533 = arith.constant 4 : i32
      %mul3A_534 = arith.muli %add3A_441, %mul3A_533 : i32
      %add3A_535 = arith.addi %mul3A_532, %mul3A_534 : i32
      %add3A_536 = arith.constant 0 : i32
      %add3A_537 = arith.addi %add3A_536, %add3A_535 : i32
      %mul3A_538 = arith.constant 1024 : i32
      %mul3A_539 = arith.muli %add3A_537, %mul3A_538 : i32
      %multiple_of3A_540 = tpu.assume_multiple %mul3A_539, 8 : i32
      %add3A_541 = arith.constant 4096 : i32
      %add3A_542 = arith.addi %add3A_541, %add3A_535 : i32
      %mul3A_543 = arith.constant 1024 : i32
      %mul3A_544 = arith.muli %add3A_542, %mul3A_543 : i32
      %multiple_of3A_545 = tpu.assume_multiple %mul3A_544, 8 : i32
      %add3A_546 = arith.constant 8192 : i32
      %add3A_547 = arith.addi %add3A_546, %add3A_535 : i32
      %mul3A_548 = arith.constant 1024 : i32
      %mul3A_549 = arith.muli %add3A_547, %mul3A_548 : i32
      %multiple_of3A_550 = tpu.assume_multiple %mul3A_549, 8 : i32
      %add3A_551 = arith.constant 12288 : i32
      %add3A_552 = arith.addi %add3A_551, %add3A_535 : i32
      %mul3A_553 = arith.constant 1024 : i32
      %mul3A_554 = arith.muli %add3A_552, %mul3A_553 : i32
      %multiple_of3A_555 = tpu.assume_multiple %mul3A_554, 8 : i32
      %dma_start3A_556 = arith.constant 1 : i32
      %dma_start3A_557 = arith.constant 1 : i32
      %dma_start3A_558 = arith.constant 0 : i32
      %dma_start3A_559 = tpu.memref_slice %arg9[%dma_start3A_556, %dma_start3A_558] : memref<2x16384xf32, #tpu.memory_space<vmem>> -> memref<1x4096xf32, #tpu.memory_space<vmem>>
      %dma_start3A_560 = tpu.memref_squeeze %dma_start3A_559 : memref<1x4096xf32, #tpu.memory_space<vmem>> -> memref<4096xf32, #tpu.memory_space<vmem>>
      %dma_start3A_561 = tpu.memref_slice %arg6[%multiple_of3A_540] : memref<16777216xf32, #tpu.memory_space<hbm>> -> memref<4096xf32, #tpu.memory_space<hbm>>
      %dma_start3A_562 = tpu.memref_slice %arg13[%dma_start3A_557] : memref<2x!tpu.dma_semaphore, #tpu.memory_space<semaphore_mem>> -> memref<1x!tpu.dma_semaphore, #tpu.memory_space<semaphore_mem>>
      %dma_start3A_563 = tpu.memref_squeeze %dma_start3A_562 : memref<1x!tpu.dma_semaphore, #tpu.memory_space<semaphore_mem>> -> memref<!tpu.dma_semaphore, #tpu.memory_space<semaphore_mem>>
      %dma_start3A_564 = tpu.memref_slice %arg6[%multiple_of3A_540] : memref<16777216xf32, #tpu.memory_space<hbm>> -> memref<4096xf32, #tpu.memory_space<hbm>>
      %dma_start3A_565 = arith.constant 0 : i32
      %dma_start3A_566 = tpu.memref_slice %arg9[%dma_start3A_556, %dma_start3A_565] : memref<2x16384xf32, #tpu.memory_space<vmem>> -> memref<1x4096xf32, #tpu.memory_space<vmem>>
      %dma_start3A_567 = tpu.memref_squeeze %dma_start3A_566 : memref<1x4096xf32, #tpu.memory_space<vmem>> -> memref<4096xf32, #tpu.memory_space<vmem>>
      tpu.enqueue_dma source(%dma_start3A_567 : memref<4096xf32, #tpu.memory_space<vmem>>) target(%dma_start3A_564 : memref<4096xf32, #tpu.memory_space<hbm>>) target_semaphore(%dma_start3A_563 : memref<!tpu.dma_semaphore, #tpu.memory_space<semaphore_mem>>)
      %dma_start3A_568 = arith.constant 1 : i32
      %dma_start3A_569 = arith.constant 1 : i32
      %dma_start3A_570 = arith.constant 4096 : i32
      %dma_start3A_571 = tpu.memref_slice %arg9[%dma_start3A_568, %dma_start3A_570] : memref<2x16384xf32, #tpu.memory_space<vmem>> -> memref<1x4096xf32, #tpu.memory_space<vmem>>
      %dma_start3A_572 = tpu.memref_squeeze %dma_start3A_571 : memref<1x4096xf32, #tpu.memory_space<vmem>> -> memref<4096xf32, #tpu.memory_space<vmem>>
      %dma_start3A_573 = tpu.memref_slice %arg6[%multiple_of3A_545] : memref<16777216xf32, #tpu.memory_space<hbm>> -> memref<4096xf32, #tpu.memory_space<hbm>>
      %dma_start3A_574 = tpu.memref_slice %arg13[%dma_start3A_569] : memref<2x!tpu.dma_semaphore, #tpu.memory_space<semaphore_mem>> -> memref<1x!tpu.dma_semaphore, #tpu.memory_space<semaphore_mem>>
      %dma_start3A_575 = tpu.memref_squeeze %dma_start3A_574 : memref<1x!tpu.dma_semaphore, #tpu.memory_space<semaphore_mem>> -> memref<!tpu.dma_semaphore, #tpu.memory_space<semaphore_mem>>
      %dma_start3A_576 = tpu.memref_slice %arg6[%multiple_of3A_545] : memref<16777216xf32, #tpu.memory_space<hbm>> -> memref<4096xf32, #tpu.memory_space<hbm>>
      %dma_start3A_577 = arith.constant 4096 : i32
      %dma_start3A_578 = tpu.memref_slice %arg9[%dma_start3A_568, %dma_start3A_577] : memref<2x16384xf32, #tpu.memory_space<vmem>> -> memref<1x4096xf32, #tpu.memory_space<vmem>>
      %dma_start3A_579 = tpu.memref_squeeze %dma_start3A_578 : memref<1x4096xf32, #tpu.memory_space<vmem>> -> memref<4096xf32, #tpu.memory_space<vmem>>
      tpu.enqueue_dma source(%dma_start3A_579 : memref<4096xf32, #tpu.memory_space<vmem>>) target(%dma_start3A_576 : memref<4096xf32, #tpu.memory_space<hbm>>) target_semaphore(%dma_start3A_575 : memref<!tpu.dma_semaphore, #tpu.memory_space<semaphore_mem>>)
      %dma_start3A_580 = arith.constant 1 : i32
      %dma_start3A_581 = arith.constant 1 : i32
      %dma_start3A_582 = arith.constant 8192 : i32
      %dma_start3A_583 = tpu.memref_slice %arg9[%dma_start3A_580, %dma_start3A_582] : memref<2x16384xf32, #tpu.memory_space<vmem>> -> memref<1x4096xf32, #tpu.memory_space<vmem>>
      %dma_start3A_584 = tpu.memref_squeeze %dma_start3A_583 : memref<1x4096xf32, #tpu.memory_space<vmem>> -> memref<4096xf32, #tpu.memory_space<vmem>>
      %dma_start3A_585 = tpu.memref_slice %arg6[%multiple_of3A_550] : memref<16777216xf32, #tpu.memory_space<hbm>> -> memref<4096xf32, #tpu.memory_space<hbm>>
      %dma_start3A_586 = tpu.memref_slice %arg13[%dma_start3A_581] : memref<2x!tpu.dma_semaphore, #tpu.memory_space<semaphore_mem>> -> memref<1x!tpu.dma_semaphore, #tpu.memory_space<semaphore_mem>>
      %dma_start3A_587 = tpu.memref_squeeze %dma_start3A_586 : memref<1x!tpu.dma_semaphore, #tpu.memory_space<semaphore_mem>> -> memref<!tpu.dma_semaphore, #tpu.memory_space<semaphore_mem>>
      %dma_start3A_588 = tpu.memref_slice %arg6[%multiple_of3A_550] : memref<16777216xf32, #tpu.memory_space<hbm>> -> memref<4096xf32, #tpu.memory_space<hbm>>
      %dma_start3A_589 = arith.constant 8192 : i32
      %dma_start3A_590 = tpu.memref_slice %arg9[%dma_start3A_580, %dma_start3A_589] : memref<2x16384xf32, #tpu.memory_space<vmem>> -> memref<1x4096xf32, #tpu.memory_space<vmem>>
      %dma_start3A_591 = tpu.memref_squeeze %dma_start3A_590 : memref<1x4096xf32, #tpu.memory_space<vmem>> -> memref<4096xf32, #tpu.memory_space<vmem>>
      tpu.enqueue_dma source(%dma_start3A_591 : memref<4096xf32, #tpu.memory_space<vmem>>) target(%dma_start3A_588 : memref<4096xf32, #tpu.memory_space<hbm>>) target_semaphore(%dma_start3A_587 : memref<!tpu.dma_semaphore, #tpu.memory_space<semaphore_mem>>)
      %dma_start3A_592 = arith.constant 1 : i32
      %dma_start3A_593 = arith.constant 1 : i32
      %dma_start3A_594 = arith.constant 12288 : i32
      %dma_start3A_595 = tpu.memref_slice %arg9[%dma_start3A_592, %dma_start3A_594] : memref<2x16384xf32, #tpu.memory_space<vmem>> -> memref<1x4096xf32, #tpu.memory_space<vmem>>
      %dma_start3A_596 = tpu.memref_squeeze %dma_start3A_595 : memref<1x4096xf32, #tpu.memory_space<vmem>> -> memref<4096xf32, #tpu.memory_space<vmem>>
      %dma_start3A_597 = tpu.memref_slice %arg6[%multiple_of3A_555] : memref<16777216xf32, #tpu.memory_space<hbm>> -> memref<4096xf32, #tpu.memory_space<hbm>>
      %dma_start3A_598 = tpu.memref_slice %arg13[%dma_start3A_593] : memref<2x!tpu.dma_semaphore, #tpu.memory_space<semaphore_mem>> -> memref<1x!tpu.dma_semaphore, #tpu.memory_space<semaphore_mem>>
      %dma_start3A_599 = tpu.memref_squeeze %dma_start3A_598 : memref<1x!tpu.dma_semaphore, #tpu.memory_space<semaphore_mem>> -> memref<!tpu.dma_semaphore, #tpu.memory_space<semaphore_mem>>
      %dma_start3A_600 = tpu.memref_slice %arg6[%multiple_of3A_555] : memref<16777216xf32, #tpu.memory_space<hbm>> -> memref<4096xf32, #tpu.memory_space<hbm>>
      %dma_start3A_601 = arith.constant 12288 : i32
      %dma_start3A_602 = tpu.memref_slice %arg9[%dma_start3A_592, %dma_start3A_601] : memref<2x16384xf32, #tpu.memory_space<vmem>> -> memref<1x4096xf32, #tpu.memory_space<vmem>>
      %dma_start3A_603 = tpu.memref_squeeze %dma_start3A_602 : memref<1x4096xf32, #tpu.memory_space<vmem>> -> memref<4096xf32, #tpu.memory_space<vmem>>
      tpu.enqueue_dma source(%dma_start3A_603 : memref<4096xf32, #tpu.memory_space<vmem>>) target(%dma_start3A_600 : memref<4096xf32, #tpu.memory_space<hbm>>) target_semaphore(%dma_start3A_599 : memref<!tpu.dma_semaphore, #tpu.memory_space<semaphore_mem>>)
    }
    %scan3A_66 = arith.constant 16 : i32
    %mul3A_67 = arith.constant 128 : i32
    %mul3A_68 = arith.muli %add3A, %mul3A_67 : i32
    %add3A_69 = arith.constant 120 : i32
    %add3A_70 = arith.addi %mul3A_68, %add3A_69 : i32
    %add3A_71 = arith.constant 0 : i32
    %add3A_72 = arith.addi %add3A_71, %add3A_70 : i32
    %mul3A_73 = arith.constant 1024 : i32
    %mul3A_74 = arith.muli %add3A_72, %mul3A_73 : i32
    %multiple_of3A_75 = tpu.assume_multiple %mul3A_74, 8 : i32
    %add3A_76 = arith.constant 4096 : i32
    %add3A_77 = arith.addi %add3A_76, %add3A_70 : i32
    %mul3A_78 = arith.constant 1024 : i32
    %mul3A_79 = arith.muli %add3A_77, %mul3A_78 : i32
    %multiple_of3A_80 = tpu.assume_multiple %mul3A_79, 8 : i32
    %add3A_81 = arith.constant 8192 : i32
    %add3A_82 = arith.addi %add3A_81, %add3A_70 : i32
    %mul3A_83 = arith.constant 1024 : i32
    %mul3A_84 = arith.muli %add3A_82, %mul3A_83 : i32
    %multiple_of3A_85 = tpu.assume_multiple %mul3A_84, 8 : i32
    %add3A_86 = arith.constant 12288 : i32
    %add3A_87 = arith.addi %add3A_86, %add3A_70 : i32
    %mul3A_88 = arith.constant 1024 : i32
    %mul3A_89 = arith.muli %add3A_87, %mul3A_88 : i32
    %multiple_of3A_90 = tpu.assume_multiple %mul3A_89, 8 : i32
    %dma_wait3A = arith.constant 0 : i32
    %dma_wait3A_91 = arith.constant 0 : i32
    %dma_wait3A_92 = arith.constant 0 : i32
    %dma_wait3A_93 = tpu.memref_slice %arg9[%dma_wait3A, %dma_wait3A_92] : memref<2x16384xf32, #tpu.memory_space<vmem>> -> memref<1x4096xf32, #tpu.memory_space<vmem>>
    %dma_wait3A_94 = tpu.memref_squeeze %dma_wait3A_93 : memref<1x4096xf32, #tpu.memory_space<vmem>> -> memref<4096xf32, #tpu.memory_space<vmem>>
    %dma_wait3A_95 = tpu.memref_slice %arg6[%multiple_of3A_75] : memref<16777216xf32, #tpu.memory_space<hbm>> -> memref<4096xf32, #tpu.memory_space<hbm>>
    %dma_wait3A_96 = tpu.memref_slice %arg13[%dma_wait3A_91] : memref<2x!tpu.dma_semaphore, #tpu.memory_space<semaphore_mem>> -> memref<1x!tpu.dma_semaphore, #tpu.memory_space<semaphore_mem>>
    %dma_wait3A_97 = tpu.memref_squeeze %dma_wait3A_96 : memref<1x!tpu.dma_semaphore, #tpu.memory_space<semaphore_mem>> -> memref<!tpu.dma_semaphore, #tpu.memory_space<semaphore_mem>>
    %dma_wait3A_98 = tpu.memref_slice %arg6[%multiple_of3A_75] : memref<16777216xf32, #tpu.memory_space<hbm>> -> memref<4096xf32, #tpu.memory_space<hbm>>
    %dma_wait3A_99 = arith.constant 0 : i32
    %dma_wait3A_100 = tpu.memref_slice %arg9[%dma_wait3A, %dma_wait3A_99] : memref<2x16384xf32, #tpu.memory_space<vmem>> -> memref<1x4096xf32, #tpu.memory_space<vmem>>
    %dma_wait3A_101 = tpu.memref_squeeze %dma_wait3A_100 : memref<1x4096xf32, #tpu.memory_space<vmem>> -> memref<4096xf32, #tpu.memory_space<vmem>>
    tpu.wait_dma2 semaphore(%dma_wait3A_97 : memref<!tpu.dma_semaphore, #tpu.memory_space<semaphore_mem>>) src(%dma_wait3A_101 : memref<4096xf32, #tpu.memory_space<vmem>>) dst(%dma_wait3A_98 : memref<4096xf32, #tpu.memory_space<hbm>>)
    %dma_wait3A_102 = arith.constant 0 : i32
    %dma_wait3A_103 = arith.constant 0 : i32
    %dma_wait3A_104 = arith.constant 4096 : i32
    %dma_wait3A_105 = tpu.memref_slice %arg9[%dma_wait3A_102, %dma_wait3A_104] : memref<2x16384xf32, #tpu.memory_space<vmem>> -> memref<1x4096xf32, #tpu.memory_space<vmem>>
    %dma_wait3A_106 = tpu.memref_squeeze %dma_wait3A_105 : memref<1x4096xf32, #tpu.memory_space<vmem>> -> memref<4096xf32, #tpu.memory_space<vmem>>
    %dma_wait3A_107 = tpu.memref_slice %arg6[%multiple_of3A_80] : memref<16777216xf32, #tpu.memory_space<hbm>> -> memref<4096xf32, #tpu.memory_space<hbm>>
    %dma_wait3A_108 = tpu.memref_slice %arg13[%dma_wait3A_103] : memref<2x!tpu.dma_semaphore, #tpu.memory_space<semaphore_mem>> -> memref<1x!tpu.dma_semaphore, #tpu.memory_space<semaphore_mem>>
    %dma_wait3A_109 = tpu.memref_squeeze %dma_wait3A_108 : memref<1x!tpu.dma_semaphore, #tpu.memory_space<semaphore_mem>> -> memref<!tpu.dma_semaphore, #tpu.memory_space<semaphore_mem>>
    %dma_wait3A_110 = tpu.memref_slice %arg6[%multiple_of3A_80] : memref<16777216xf32, #tpu.memory_space<hbm>> -> memref<4096xf32, #tpu.memory_space<hbm>>
    %dma_wait3A_111 = arith.constant 4096 : i32
    %dma_wait3A_112 = tpu.memref_slice %arg9[%dma_wait3A_102, %dma_wait3A_111] : memref<2x16384xf32, #tpu.memory_space<vmem>> -> memref<1x4096xf32, #tpu.memory_space<vmem>>
    %dma_wait3A_113 = tpu.memref_squeeze %dma_wait3A_112 : memref<1x4096xf32, #tpu.memory_space<vmem>> -> memref<4096xf32, #tpu.memory_space<vmem>>
    tpu.wait_dma2 semaphore(%dma_wait3A_109 : memref<!tpu.dma_semaphore, #tpu.memory_space<semaphore_mem>>) src(%dma_wait3A_113 : memref<4096xf32, #tpu.memory_space<vmem>>) dst(%dma_wait3A_110 : memref<4096xf32, #tpu.memory_space<hbm>>)
    %dma_wait3A_114 = arith.constant 0 : i32
    %dma_wait3A_115 = arith.constant 0 : i32
    %dma_wait3A_116 = arith.constant 8192 : i32
    %dma_wait3A_117 = tpu.memref_slice %arg9[%dma_wait3A_114, %dma_wait3A_116] : memref<2x16384xf32, #tpu.memory_space<vmem>> -> memref<1x4096xf32, #tpu.memory_space<vmem>>
    %dma_wait3A_118 = tpu.memref_squeeze %dma_wait3A_117 : memref<1x4096xf32, #tpu.memory_space<vmem>> -> memref<4096xf32, #tpu.memory_space<vmem>>
    %dma_wait3A_119 = tpu.memref_slice %arg6[%multiple_of3A_85] : memref<16777216xf32, #tpu.memory_space<hbm>> -> memref<4096xf32, #tpu.memory_space<hbm>>
    %dma_wait3A_120 = tpu.memref_slice %arg13[%dma_wait3A_115] : memref<2x!tpu.dma_semaphore, #tpu.memory_space<semaphore_mem>> -> memref<1x!tpu.dma_semaphore, #tpu.memory_space<semaphore_mem>>
    %dma_wait3A_121 = tpu.memref_squeeze %dma_wait3A_120 : memref<1x!tpu.dma_semaphore, #tpu.memory_space<semaphore_mem>> -> memref<!tpu.dma_semaphore, #tpu.memory_space<semaphore_mem>>
    %dma_wait3A_122 = tpu.memref_slice %arg6[%multiple_of3A_85] : memref<16777216xf32, #tpu.memory_space<hbm>> -> memref<4096xf32, #tpu.memory_space<hbm>>
    %dma_wait3A_123 = arith.constant 8192 : i32
    %dma_wait3A_124 = tpu.memref_slice %arg9[%dma_wait3A_114, %dma_wait3A_123] : memref<2x16384xf32, #tpu.memory_space<vmem>> -> memref<1x4096xf32, #tpu.memory_space<vmem>>
    %dma_wait3A_125 = tpu.memref_squeeze %dma_wait3A_124 : memref<1x4096xf32, #tpu.memory_space<vmem>> -> memref<4096xf32, #tpu.memory_space<vmem>>
    tpu.wait_dma2 semaphore(%dma_wait3A_121 : memref<!tpu.dma_semaphore, #tpu.memory_space<semaphore_mem>>) src(%dma_wait3A_125 : memref<4096xf32, #tpu.memory_space<vmem>>) dst(%dma_wait3A_122 : memref<4096xf32, #tpu.memory_space<hbm>>)
    %dma_wait3A_126 = arith.constant 0 : i32
    %dma_wait3A_127 = arith.constant 0 : i32
    %dma_wait3A_128 = arith.constant 12288 : i32
    %dma_wait3A_129 = tpu.memref_slice %arg9[%dma_wait3A_126, %dma_wait3A_128] : memref<2x16384xf32, #tpu.memory_space<vmem>> -> memref<1x4096xf32, #tpu.memory_space<vmem>>
    %dma_wait3A_130 = tpu.memref_squeeze %dma_wait3A_129 : memref<1x4096xf32, #tpu.memory_space<vmem>> -> memref<4096xf32, #tpu.memory_space<vmem>>
    %dma_wait3A_131 = tpu.memref_slice %arg6[%multiple_of3A_90] : memref<16777216xf32, #tpu.memory_space<hbm>> -> memref<4096xf32, #tpu.memory_space<hbm>>
    %dma_wait3A_132 = tpu.memref_slice %arg13[%dma_wait3A_127] : memref<2x!tpu.dma_semaphore, #tpu.memory_space<semaphore_mem>> -> memref<1x!tpu.dma_semaphore, #tpu.memory_space<semaphore_mem>>
    %dma_wait3A_133 = tpu.memref_squeeze %dma_wait3A_132 : memref<1x!tpu.dma_semaphore, #tpu.memory_space<semaphore_mem>> -> memref<!tpu.dma_semaphore, #tpu.memory_space<semaphore_mem>>
    %dma_wait3A_134 = tpu.memref_slice %arg6[%multiple_of3A_90] : memref<16777216xf32, #tpu.memory_space<hbm>> -> memref<4096xf32, #tpu.memory_space<hbm>>
    %dma_wait3A_135 = arith.constant 12288 : i32
    %dma_wait3A_136 = tpu.memref_slice %arg9[%dma_wait3A_126, %dma_wait3A_135] : memref<2x16384xf32, #tpu.memory_space<vmem>> -> memref<1x4096xf32, #tpu.memory_space<vmem>>
    %dma_wait3A_137 = tpu.memref_squeeze %dma_wait3A_136 : memref<1x4096xf32, #tpu.memory_space<vmem>> -> memref<4096xf32, #tpu.memory_space<vmem>>
    tpu.wait_dma2 semaphore(%dma_wait3A_133 : memref<!tpu.dma_semaphore, #tpu.memory_space<semaphore_mem>>) src(%dma_wait3A_137 : memref<4096xf32, #tpu.memory_space<vmem>>) dst(%dma_wait3A_134 : memref<4096xf32, #tpu.memory_space<hbm>>)
    %mul3A_138 = arith.constant 128 : i32
    %mul3A_139 = arith.muli %add3A, %mul3A_138 : i32
    %add3A_140 = arith.constant 124 : i32
    %add3A_141 = arith.addi %mul3A_139, %add3A_140 : i32
    %add3A_142 = arith.constant 0 : i32
    %add3A_143 = arith.addi %add3A_142, %add3A_141 : i32
    %mul3A_144 = arith.constant 1024 : i32
    %mul3A_145 = arith.muli %add3A_143, %mul3A_144 : i32
    %multiple_of3A_146 = tpu.assume_multiple %mul3A_145, 8 : i32
    %add3A_147 = arith.constant 4096 : i32
    %add3A_148 = arith.addi %add3A_147, %add3A_141 : i32
    %mul3A_149 = arith.constant 1024 : i32
    %mul3A_150 = arith.muli %add3A_148, %mul3A_149 : i32
    %multiple_of3A_151 = tpu.assume_multiple %mul3A_150, 8 : i32
    %add3A_152 = arith.constant 8192 : i32
    %add3A_153 = arith.addi %add3A_152, %add3A_141 : i32
    %mul3A_154 = arith.constant 1024 : i32
    %mul3A_155 = arith.muli %add3A_153, %mul3A_154 : i32
    %multiple_of3A_156 = tpu.assume_multiple %mul3A_155, 8 : i32
    %add3A_157 = arith.constant 12288 : i32
    %add3A_158 = arith.addi %add3A_157, %add3A_141 : i32
    %mul3A_159 = arith.constant 1024 : i32
    %mul3A_160 = arith.muli %add3A_158, %mul3A_159 : i32
    %multiple_of3A_161 = tpu.assume_multiple %mul3A_160, 8 : i32
    %dma_wait3A_162 = arith.constant 1 : i32
    %dma_wait3A_163 = arith.constant 1 : i32
    %dma_wait3A_164 = arith.constant 0 : i32
    %dma_wait3A_165 = tpu.memref_slice %arg9[%dma_wait3A_162, %dma_wait3A_164] : memref<2x16384xf32, #tpu.memory_space<vmem>> -> memref<1x4096xf32, #tpu.memory_space<vmem>>
    %dma_wait3A_166 = tpu.memref_squeeze %dma_wait3A_165 : memref<1x4096xf32, #tpu.memory_space<vmem>> -> memref<4096xf32, #tpu.memory_space<vmem>>
    %dma_wait3A_167 = tpu.memref_slice %arg6[%multiple_of3A_146] : memref<16777216xf32, #tpu.memory_space<hbm>> -> memref<4096xf32, #tpu.memory_space<hbm>>
    %dma_wait3A_168 = tpu.memref_slice %arg13[%dma_wait3A_163] : memref<2x!tpu.dma_semaphore, #tpu.memory_space<semaphore_mem>> -> memref<1x!tpu.dma_semaphore, #tpu.memory_space<semaphore_mem>>
    %dma_wait3A_169 = tpu.memref_squeeze %dma_wait3A_168 : memref<1x!tpu.dma_semaphore, #tpu.memory_space<semaphore_mem>> -> memref<!tpu.dma_semaphore, #tpu.memory_space<semaphore_mem>>
    %dma_wait3A_170 = tpu.memref_slice %arg6[%multiple_of3A_146] : memref<16777216xf32, #tpu.memory_space<hbm>> -> memref<4096xf32, #tpu.memory_space<hbm>>
    %dma_wait3A_171 = arith.constant 0 : i32
    %dma_wait3A_172 = tpu.memref_slice %arg9[%dma_wait3A_162, %dma_wait3A_171] : memref<2x16384xf32, #tpu.memory_space<vmem>> -> memref<1x4096xf32, #tpu.memory_space<vmem>>
    %dma_wait3A_173 = tpu.memref_squeeze %dma_wait3A_172 : memref<1x4096xf32, #tpu.memory_space<vmem>> -> memref<4096xf32, #tpu.memory_space<vmem>>
    tpu.wait_dma2 semaphore(%dma_wait3A_169 : memref<!tpu.dma_semaphore, #tpu.memory_space<semaphore_mem>>) src(%dma_wait3A_173 : memref<4096xf32, #tpu.memory_space<vmem>>) dst(%dma_wait3A_170 : memref<4096xf32, #tpu.memory_space<hbm>>)
    %dma_wait3A_174 = arith.constant 1 : i32
    %dma_wait3A_175 = arith.constant 1 : i32
    %dma_wait3A_176 = arith.constant 4096 : i32
    %dma_wait3A_177 = tpu.memref_slice %arg9[%dma_wait3A_174, %dma_wait3A_176] : memref<2x16384xf32, #tpu.memory_space<vmem>> -> memref<1x4096xf32, #tpu.memory_space<vmem>>
    %dma_wait3A_178 = tpu.memref_squeeze %dma_wait3A_177 : memref<1x4096xf32, #tpu.memory_space<vmem>> -> memref<4096xf32, #tpu.memory_space<vmem>>
    %dma_wait3A_179 = tpu.memref_slice %arg6[%multiple_of3A_151] : memref<16777216xf32, #tpu.memory_space<hbm>> -> memref<4096xf32, #tpu.memory_space<hbm>>
    %dma_wait3A_180 = tpu.memref_slice %arg13[%dma_wait3A_175] : memref<2x!tpu.dma_semaphore, #tpu.memory_space<semaphore_mem>> -> memref<1x!tpu.dma_semaphore, #tpu.memory_space<semaphore_mem>>
    %dma_wait3A_181 = tpu.memref_squeeze %dma_wait3A_180 : memref<1x!tpu.dma_semaphore, #tpu.memory_space<semaphore_mem>> -> memref<!tpu.dma_semaphore, #tpu.memory_space<semaphore_mem>>
    %dma_wait3A_182 = tpu.memref_slice %arg6[%multiple_of3A_151] : memref<16777216xf32, #tpu.memory_space<hbm>> -> memref<4096xf32, #tpu.memory_space<hbm>>
    %dma_wait3A_183 = arith.constant 4096 : i32
    %dma_wait3A_184 = tpu.memref_slice %arg9[%dma_wait3A_174, %dma_wait3A_183] : memref<2x16384xf32, #tpu.memory_space<vmem>> -> memref<1x4096xf32, #tpu.memory_space<vmem>>
    %dma_wait3A_185 = tpu.memref_squeeze %dma_wait3A_184 : memref<1x4096xf32, #tpu.memory_space<vmem>> -> memref<4096xf32, #tpu.memory_space<vmem>>
    tpu.wait_dma2 semaphore(%dma_wait3A_181 : memref<!tpu.dma_semaphore, #tpu.memory_space<semaphore_mem>>) src(%dma_wait3A_185 : memref<4096xf32, #tpu.memory_space<vmem>>) dst(%dma_wait3A_182 : memref<4096xf32, #tpu.memory_space<hbm>>)
    %dma_wait3A_186 = arith.constant 1 : i32
    %dma_wait3A_187 = arith.constant 1 : i32
    %dma_wait3A_188 = arith.constant 8192 : i32
    %dma_wait3A_189 = tpu.memref_slice %arg9[%dma_wait3A_186, %dma_wait3A_188] : memref<2x16384xf32, #tpu.memory_space<vmem>> -> memref<1x4096xf32, #tpu.memory_space<vmem>>
    %dma_wait3A_190 = tpu.memref_squeeze %dma_wait3A_189 : memref<1x4096xf32, #tpu.memory_space<vmem>> -> memref<4096xf32, #tpu.memory_space<vmem>>
    %dma_wait3A_191 = tpu.memref_slice %arg6[%multiple_of3A_156] : memref<16777216xf32, #tpu.memory_space<hbm>> -> memref<4096xf32, #tpu.memory_space<hbm>>
    %dma_wait3A_192 = tpu.memref_slice %arg13[%dma_wait3A_187] : memref<2x!tpu.dma_semaphore, #tpu.memory_space<semaphore_mem>> -> memref<1x!tpu.dma_semaphore, #tpu.memory_space<semaphore_mem>>
    %dma_wait3A_193 = tpu.memref_squeeze %dma_wait3A_192 : memref<1x!tpu.dma_semaphore, #tpu.memory_space<semaphore_mem>> -> memref<!tpu.dma_semaphore, #tpu.memory_space<semaphore_mem>>
    %dma_wait3A_194 = tpu.memref_slice %arg6[%multiple_of3A_156] : memref<16777216xf32, #tpu.memory_space<hbm>> -> memref<4096xf32, #tpu.memory_space<hbm>>
    %dma_wait3A_195 = arith.constant 8192 : i32
    %dma_wait3A_196 = tpu.memref_slice %arg9[%dma_wait3A_186, %dma_wait3A_195] : memref<2x16384xf32, #tpu.memory_space<vmem>> -> memref<1x4096xf32, #tpu.memory_space<vmem>>
    %dma_wait3A_197 = tpu.memref_squeeze %dma_wait3A_196 : memref<1x4096xf32, #tpu.memory_space<vmem>> -> memref<4096xf32, #tpu.memory_space<vmem>>
    tpu.wait_dma2 semaphore(%dma_wait3A_193 : memref<!tpu.dma_semaphore, #tpu.memory_space<semaphore_mem>>) src(%dma_wait3A_197 : memref<4096xf32, #tpu.memory_space<vmem>>) dst(%dma_wait3A_194 : memref<4096xf32, #tpu.memory_space<hbm>>)
    %dma_wait3A_198 = arith.constant 1 : i32
    %dma_wait3A_199 = arith.constant 1 : i32
    %dma_wait3A_200 = arith.constant 12288 : i32
    %dma_wait3A_201 = tpu.memref_slice %arg9[%dma_wait3A_198, %dma_wait3A_200] : memref<2x16384xf32, #tpu.memory_space<vmem>> -> memref<1x4096xf32, #tpu.memory_space<vmem>>
    %dma_wait3A_202 = tpu.memref_squeeze %dma_wait3A_201 : memref<1x4096xf32, #tpu.memory_space<vmem>> -> memref<4096xf32, #tpu.memory_space<vmem>>
    %dma_wait3A_203 = tpu.memref_slice %arg6[%multiple_of3A_161] : memref<16777216xf32, #tpu.memory_space<hbm>> -> memref<4096xf32, #tpu.memory_space<hbm>>
    %dma_wait3A_204 = tpu.memref_slice %arg13[%dma_wait3A_199] : memref<2x!tpu.dma_semaphore, #tpu.memory_space<semaphore_mem>> -> memref<1x!tpu.dma_semaphore, #tpu.memory_space<semaphore_mem>>
    %dma_wait3A_205 = tpu.memref_squeeze %dma_wait3A_204 : memref<1x!tpu.dma_semaphore, #tpu.memory_space<semaphore_mem>> -> memref<!tpu.dma_semaphore, #tpu.memory_space<semaphore_mem>>
    %dma_wait3A_206 = tpu.memref_slice %arg6[%multiple_of3A_161] : memref<16777216xf32, #tpu.memory_space<hbm>> -> memref<4096xf32, #tpu.memory_space<hbm>>
    %dma_wait3A_207 = arith.constant 12288 : i32
    %dma_wait3A_208 = tpu.memref_slice %arg9[%dma_wait3A_198, %dma_wait3A_207] : memref<2x16384xf32, #tpu.memory_space<vmem>> -> memref<1x4096xf32, #tpu.memory_space<vmem>>
    %dma_wait3A_209 = tpu.memref_squeeze %dma_wait3A_208 : memref<1x4096xf32, #tpu.memory_space<vmem>> -> memref<4096xf32, #tpu.memory_space<vmem>>
    tpu.wait_dma2 semaphore(%dma_wait3A_205 : memref<!tpu.dma_semaphore, #tpu.memory_space<semaphore_mem>>) src(%dma_wait3A_209 : memref<4096xf32, #tpu.memory_space<vmem>>) dst(%dma_wait3A_206 : memref<4096xf32, #tpu.memory_space<hbm>>)
    return
  }
}

</mosaic_0001>

<sc_bundles>
// kernel: kernel.3.cloned.1.call-start
scs
__scs_entry_jumppad:
0x0: {  	(pc) =	sbr.rel $0x88, $3  }
0x1: {  	(tag) =	ssettag $0x0;
	lr =	simm.s32 $0x1  }
0x2: {  	[smem:$0x3F9D] =	sst lr;
	_ =	strace $0xD0000000  }
0x3: {  	_ = 	snop  }
0x4: {  	_ = 	snop  }
0x5: {  	_ = 	snop  }
0x6: {  	_ = 	snop  }
0x7: {  	_ = 	snop  }
__scs_overlays_trampoline_lowered:
0x8: {  	[smem:$0x3FAC] =	sst s0  }
0x9: {  	[smem:$0x3FAD] =	sst s1  }
0xa: {  	[smem:$0x3FAE] =	sst s2  }
0xb: {  	[smem:$0x3FAF] =	sst s3  }
0xc: {  	[smem:$0x3FB0] =	sst s4  }
0xd: {  	[smem:$0x3FB1] =	sst s5  }
0xe: {  	[smem:$0x3FB2] =	sst s6  }
0xf: {  	[smem:$0x3FB3] =	sst s7  }
0x10: {  	[smem:$0x3FB4] =	sst s8  }
0x11: {  	[smem:$0x3FB5] =	sst s9;
	s0 =	simm.s32 @!p0 $0x0  }
0x12: {  	s1 =	sld [smem:$0x3F9B];
	s0 =	simm.s32 @p0 $0x1  }
0x13: {  	[smem:$0x3FB6] =	sst s0;
	s0 =	simm.s32 @!p1 $0x0  }
0x14: {  	s2 =	sld [smem:$0x3F9A];
	s0 =	simm.s32 @p1 $0x1  }
0x15: {  	[smem:$0x3FB7] =	sst s0;
	s0 =	simm.s32 @!p2 $0x0  }
0x16: {  	s3 =	sld [smem:$0x3FDB];
	s0 =	simm.s32 @p2 $0x1  }
0x17: {  	s4 =	simm.s32 $0x1BF5;
	[smem:$0x3FB9] =	sst s0  }
0x18: {  	s0 =	sld [smem:$0x3F9C];
	_ =	swait.ge [sflag:s4], $0x0  }
0x19: {  	s7 =	sld [smem:$0x3F9D]  }
0x1a: {  	s8 =	sadd.s32 $0xFFFFE003, lr  }
0x1b: {  	s9 =	sadd.s32 $0xFFFFFEF7, lr;
	s5 =	simm.s32 $0xFFFFFFFF;
	p2 =	slt.u32 s8, $0xFFFFF086  }
0x1c: {  	p1 =	slt.u32 s9, $0xF7A;
	s5 =	simm.s32 @!p2 $0x0  }
0x1d: {  	s5 =	simm.s32 @p1 $0x1;
	p0 =	seq.s32 s7, s2  }
0x1e: {  	s7 =	smul.u32 @!p0 $0xF7A, s2;
	p2 =	seq.s32 @!p0 s5, $0x0  }
0x1f: {  	s9 =	smul.u32 $0xF7A, s1;
	s8 =	simm.s32 @!p0 $0x1BF5;
	p2 =	por !p2, p0  }
0x20: {  	[sflag:s8] =	ssyncset.s32 @!p0 $0xFFFFF086;
	s6 =	sadd.s32 @!p0 s3, s7;
	s7 =	simm.s32 @!p0 $0x108  }
0x21: {  	s3 =	sadd.s32 s3, s9;
	s6 =	sadd.s32 @!p0 $0x88, s6;
	s7 =	simm.s32 @p2 $0x1082  }
0x22: {  	[simem:s7], [sflag:s8] =	dma.local @!p0 [hbm:s6], $0xF7A  }
0x23: {  	s9 =	sor.u32 $0xD0000000, s2;
	s6 =	simm.s32 $0x108;
	_ =	swait.ge @!p0 [sflag:s8], $0x0  }
0x24: {  	s3 =	sadd.s32 $0x88, s3;
	s6 =	simm.s32 @!p1 $0x1082;
	[sflag:s4] =	ssyncset.s32 $0xFFFFF086  }
0x25: {  	[simem:s6], [sflag:s4] =	dma.local [hbm:s3], $0xF7A  }
0x26: {  	[smem:$0x3F9D] =	sst s1;
	(tag) =	ssettag s2;
	_ =	strace s9  }
0x27: {  	s1 =	sld [smem:$0x3FAD]  }
0x28: {  	s2 =	sld [smem:$0x3FAE]  }
0x29: {  	s4 =	sld [smem:$0x3FB0]  }
0x2a: {  	p0 =	seq.s32 s5, $0x0;
	s5 =	sld [smem:$0x3FB1]  }
0x2b: {  	s6 =	sld [smem:$0x3FB2]  }
0x2c: {  	s7 =	sld [smem:$0x3FB3]  }
0x2d: {  	s3 =	simm.s32 $0x108;
	s8 =	sld [smem:$0x3FB4]  }
0x2e: {  	s3 =	simm.s32 @!p0 $0x1082;
	s9 =	sld [smem:$0x3FB5]  }
0x2f: {  	lr =	sadd.s32 s0, s3;
	s0 =	sld [smem:$0x3FAC]  }
0x30: {  	s3 =	sld [smem:$0x3FAF]  }
0x31: {  	[smem:$0x3FB8] =	sst s10  }
0x32: {  	s10 =	sld [smem:$0x3FB6];
	_ =	sdelay $0x3  }
0x33: {  	p0 =	seq.s32 s10, $0x1;
	s10 =	sld [smem:$0x3FB8];
	_ =	sdelay $0x3  }
0x34: {  	[smem:$0x3FB8] =	sst s10  }
0x35: {  	s10 =	sld [smem:$0x3FB7];
	_ =	sdelay $0x3  }
0x36: {  	p1 =	seq.s32 s10, $0x1;
	s10 =	sld [smem:$0x3FB8];
	_ =	sdelay $0x3  }
0x37: {  	[smem:$0x3FB8] =	sst s10  }
0x38: {  	s10 =	sld [smem:$0x3FB9]  }
0x39: {  	_ = 	snop;
	(pc) =	sbr.ind lr, $3  }
0x3a: {  	_ = 	snop  }
0x3b: {  	_ = 	snop  }
0x3c: {  	p2 =	seq.s32 s10, $0x1;
	s10 =	sld [smem:$0x3FB8]  }
0x3d: {  	_ =	shalt  }
0x3e: {  	_ =	shalt  }
0x3f: {  	_ =	shalt  }
0x40: {  	_ =	shalt  }
0x41: {  	_ =	shalt  }
0x42: {  	_ =	shalt  }
0x43: {  	_ =	shalt  }
0x44: {  	_ =	shalt  }
0x45: {  	_ =	shalt  }
0x46: {  	_ =	shalt  }
0x47: {  	_ =	shalt  }
0x48: {  	_ =	shalt  }
0x49: {  	_ =	shalt  }
0x4a: {  	_ =	shalt  }
0x4b: {  	_ =	shalt  }
0x4c: {  	_ =	shalt  }
0x4d: {  	_ =	shalt  }
0x4e: {  	_ =	shalt  }
0x4f: {  	_ =	shalt  }
0x50: {  	_ =	shalt  }
0x51: {  	_ =	shalt  }
0x52: {  	_ =	shalt  }
0x53: {  	_ =	shalt  }
0x54: {  	_ =	shalt  }
0x55: {  	_ =	shalt  }
0x56: {  	_ =	shalt  }
0x57: {  	_ =	shalt  }
0x58: {  	_ =	shalt  }
0x59: {  	_ =	shalt  }
0x5a: {  	_ =	shalt  }
0x5b: {  	_ =	shalt  }
0x5c: {  	_ =	shalt  }
0x5d: {  	_ =	shalt  }
0x5e: {  	_ =	shalt  }
0x5f: {  	_ =	shalt  }
0x60: {  	_ =	shalt  }
0x61: {  	_ =	shalt  }
0x62: {  	_ =	shalt  }
0x63: {  	_ =	shalt  }
0x64: {  	_ =	shalt  }
0x65: {  	_ =	shalt  }
0x66: {  	_ =	shalt  }
0x67: {  	_ =	shalt  }
0x68: {  	_ =	shalt  }
0x69: {  	_ =	shalt  }
0x6a: {  	_ =	shalt  }
0x6b: {  	_ =	shalt  }
0x6c: {  	_ =	shalt  }
0x6d: {  	_ =	shalt  }
0x6e: {  	_ =	shalt  }
0x6f: {  	_ =	shalt  }
0x70: {  	_ =	shalt  }
0x71: {  	_ =	shalt  }
0x72: {  	_ =	shalt  }
0x73: {  	_ =	shalt  }
0x74: {  	_ =	shalt  }
0x75: {  	_ =	shalt  }
0x76: {  	_ =	shalt  }
0x77: {  	_ =	shalt  }
0x78: {  	_ =	shalt  }
0x79: {  	_ =	shalt  }
0x7a: {  	_ =	shalt  }
0x7b: {  	_ =	shalt  }
0x7c: {  	_ =	shalt  }
0x7d: {  	_ =	shalt  }
0x7e: {  	_ =	shalt  }
0x7f: {  	_ =	shalt  }
0x80: {  	_ =	shalt  }
0x81: {  	_ =	shalt  }
0x82: {  	_ =	shalt  }
0x83: {  	_ =	shalt  }
0x84: {  	_ =	shalt  }
0x85: {  	_ =	shalt  }
0x86: {  	_ =	shalt  }
0x87: {  	_ =	shalt  }
.Lfunc_end0:
.L_simem_size_0:
called_computation_lowered:
.L_overlay_start_0:
0x88: {  	s2 =	sld [smem:$0x3FD9]  }
0x89: {  	s3 =	sld [smem:$0x3FFE];
	_ =	sdelay $0x1  }
0x8a: {  	s1 =	srdreg.scid  }
0x8b: {  	s0 =	sand.u32 $0x1, s1  }
0x8c: {  	s17 =	sshll.u32 s0, $0xA;
	s2 =	sadd.s32 s3, s2  }
0x8d: {  	s2 =	sadd.s32 s2, s17  }
0x8e: {  	[smem:$0x3FC4] =	sst s2  }
0x8f: {  	_ = 	snop  }
0x90: {  	s2 =	sld [smem:$0x3FC9]  }
0x91: {  	s18 =	sld [smem:$0x3FD0];
	(tm) =	ssettm $0x1  }
0x92: {  	s4 =	sld [smem:$0x3FFB];
	_ =	sdelay $0x3  }
0x93: {  	_ =	strace s4  }
0x94: {  	s4 =	sld [smem:$0x3FFC];
	_ =	sdelay $0x3  }
0x95: {  	_ =	strace s4  }
0x96: {  	s4 =	sld [smem:$0x3FFD];
	_ =	sdelay $0x3  }
0x97: {  	_ =	strace s4  }
0x98: {  	_ =	strace $0x8FFFFFFF  }
0x99: {  	s19 =	sld [smem:$0x3FDB];
	_ =	sdelay $0x1  }
0x9a: {  	s5 =	simm.s32 $_scs_section_size  }
0x9b: {  	s6 =	simm.s32 $_size__tile_overlayer_lowered;
	s7 =	simm.s32 $_tile_overlayer_lowered  }
0x9c: {  	s22 =	simm.s32 $0x1BFF;
	s21 =	sshll.u32 s7, $0x1;
	s4 =	sadd.s32 s5, s19  }
0x9d: {  	s8 =	simm.s32 $0x0;
	s20 =	sshll.u32 s6, $0x1;
	s6 =	sadd.s32 s21, s4  }
0x9e: {  	[timem:s8], [sflag:s22] =	dma.local [hbm:s6], s20  }
0x9f: {  	_ =	swait.ge [sflag:s22], s20  }
0xa0: {  	s5 =	ssub.s32 $0x0, s20;
	[sflag:s22] =	ssyncset.done $0x0  }
0xa1: {  	[sflag:s22] =	ssyncadd.s32 s5;
	_ =	sdelay $0x1  }
0xa2: {  	s23 =	simm.s32 $0x1B8B  }
0xa3: {  	_ =	swait.ge [sflag:s23], $0x1  }
0xa4: {  	[sflag:s23] =	ssyncset.done $0x0  }
0xa5: {  	s25 =	simm.s32 $0x1B8E;
	s24 =	sld [smem:$0x3FFE];
	[sflag:s23] =	ssyncadd.s32 $0xFFFFFFFF  }
0xa6: {  	s26 =	simm.s32 $execute0_lowered;
	[smem:$0x3FD2] =	sst s25  }
0xa7: {  	s6 =	sshll.u32 s26, $0x1;
	_ =	strace $0x80000046;
	[dreg:$0x1] =	wrdreg $0xFFFFFFFF  }
0xa8: {  	s28 =	simm.s32 $_size_execute0_lowered;
	s4 =	sadd.s32 s4, s6;
	[dreg:$0x0] =	wrdreg $0x0  }
0xa9: {  	s6 =	sshll.u32 s28, $0x1;
	[dreg:$0x2] =	wrdreg s4  }
0xaa: {  	[dreg:$0x3] =	wrdreg s6  }
0xab: {  	[dreg:$0x4] =	wrdreg $0xC0  }
0xac: {  	_ =	task [dreg:s8], $0x5FFFF  }
0xad: {  	[dreg:$0x1] =	wrdreg $0xFFFFFFFF  }
0xae: {  	[dreg:$0x0] =	wrdreg $0x60  }
0xaf: {  	[dreg:$0x2] =	wrdreg s2  }
0xb0: {  	[dreg:$0x3] =	wrdreg s24  }
0xb1: {  	[dreg:$0x4] =	wrdreg s18  }
0xb2: {  	[dreg:$0x5] =	wrdreg $0x9  }
0xb3: {  	_ =	task.clear_ibuf [dreg:s8], $0x6FFFF;
	_ =	strace $0x90000046  }
0xb4: {  	s29 =	simm.s32 $0x9;
	_ =	strace $0x80000048  }
0xb5: {  	_ =	swait.ge [sflag:s29], $0x1  }
0xb6: {  	[sflag:s29] =	ssyncadd.s32 $0xFFFFFFFF  }
0xb7: {  	_ =	strace $0x90000048  }
0xb8: {  	_ =	sfence  }
0xb9: {  	s30 =	sld [smem:$0x0];
	_ =	sdelay $0x2  }
0xba: {  	s31 =	sshll.u32 s1, $0xD;
	s1 =	sshrl.u32 s1, $0x2  }
0xbb: {  	s3 =	sand.u32 $0x4000, s31;
	s1 =	sadd.s32 s1, s30  }
0xbc: {  	s0 =	sor.u32 s3, s0;
	s1 =	sshll.u32 s1, $0x11  }
0xbd: {  	s0 =	sor.u32 s1, s0  }
0xbe: {  	s0 =	sadd.s32 $0x8F2B, s0  }
0xbf: {  	[sflag:s0] =	ssyncadd.remote.s32 $0x1  }
0xc0: {  	_ =	sfence.sel $0xFFFF  }
0xc1: {  	[dreg:$0x0] =	wrdreg $0xFFFFFFFF;
	(pc) =	sbr.abs _section_cstart, $3  }
0xc2: {  	[dreg:$0x1] =	wrdreg $0xFFFFFFFF  }
0xc3: {  	_ =	task.clear_ibuf [dreg:s8], $0x2FFFF;
	_ =	strace $0x9FFFFFFF  }
0xc4: {  	(tm) =	ssettm $0x7FFFFFFF  }
0xc5: {  	_ =	shalt  }
tec
execute0_lowered:
.L_overlay_start_1:
0x0: {  	(tag) =	ssettag $0x1  }
0x1: {  	s0 =	rddreg [dreg:$0x0]  }
0x2: {  	s2 =	rddreg [dreg:$0x1]  }
0x3: {  	s1 =	rddreg [dreg:$0x2]  }
0x4: {  	s3 =	simm.s32 $0x0;
	s4 =	srdreg.scid;
	s6 =	stileid.u32  }
0x5: {  	s16 =	simm.s32 $0x80;
	s28 =	simm.s32 $0x1;
	s29 =	simm.s32 $0xC000  }
0x6: {  	s30 =	simm.s32 $0xD000;
	s31 =	simm.s32 $0xE000;
	s13 =	simm.s32 $0x10000  }
0x7: {  	s15 =	simm.s32 $0x11000;
	s17 =	simm.s32 $0x12000;
	s18 =	simm.s32 $0x13000  }
0x8: {  	[smem:$0x7FF] =	sst s3;
	s5 =	sand.u32 $0x1, s4;
	s4 =	sadd.s32 $0x800, s2  }
0x9: {  	s6 =	sshll.u32 s6, $0x8;
	s8 =	sadd.s32 $0x600, s2;
	s2 =	sadd.s32 $0x400, s2  }
0xa: {  	s9 =	sadd.s32 $0x80000, s1;
	s10 =	sadd.s32 $0x100000, s1;
	s11 =	sadd.s32 $0x180000, s1  }
0xb: {  	_ =	strace $0x80000047;
	s7 =	sshll.u32 s5, $0x7;
	[dreg:$0x4] =	wrdreg s8  }
0xc: {  	vm0 =	vmmov $0x1;
	vm1 =	vmmov $0x3;
	vm2 =	vmmov $0x7;
	s5 =	ssub.s32 $0x2, s5;
	[dreg:$0x5] =	wrdreg s2;
	s6 =	sor.u32 s7, s6  }
0xd: {  	vm3 =	vmmov $0xf;
	vm4 =	vmmov $0x1f;
	vm5 =	vmmov $0x3f;
	s8 =	simm.s32 $0x0;
	s25 =	sshrl.u32 s5, $0x1;
	s7 =	sshll.u32 s6, $0x4  }
0xe: {  	vm6 =	vmmov $0x7f;
	vm7 =	vmmov $0xff;
	vm8 =	vmmov $0x1ff;
	s2 =	ssub.s32 s5, s25;
	s25 =	simm.s32 $0xA000;
	s0 =	sadd.s32 s0, s7  }
0xf: {  	vm9 =	vmmov $0x3ff;
	vm10 =	vmmov $0x7ff;
	vm11 =	vmmov $0xfff;
	s26 =	smax.u32 s2, $0x1;
	s2 =	simm.s32 $0x2;
	[dreg:$0x6] =	wrdreg s0  }
0x10: {  	vm12 =	vmmov $0x1fff;
	vm13 =	vmmov $0x3fff;
	vm14 =	vmmov $0x7fff;
	[dreg:$0x7] =	wrdreg s26;
	s26 =	simm.s32 $0xB000;
	s0 =	simm.s32 $0xF000  }
.LBB2_1:
0x11: {  	[dreg:$0x8] =	wrdreg s8  }
0x12: {  	s5 =	rddreg [dreg:$0x4];
	s7 =	simm.s32 $0x14000;
	s24 =	simm.s32 $0x5  }
0x13: {  	[tilespmem:s7], [sflag:$0x5] =	stream.linear.gather [hbm4b:s5+s3], $0x800, $0x38;
	[tilespmem:$0x15000] =	vst v63  }
0x14: {  	_ =	swait.ge [sflag:s24], $0x800  }
0x15: {  	[sflag:s24] =	ssyncset.done $0x0  }
0x16: {  	s12 =	simm.s32 $0x14800;
	s8 =	rddreg [dreg:$0x5];
	[sflag:s24] =	ssyncadd.s32 $0xFFFFF800  }
0x17: {  	[tilespmem:s12], [sflag:$0x5] =	stream.linear.gather [hbm4b:s8+s3], $0x800, $0x38;
	[tilespmem:$0x15000] =	vst v63  }
0x18: {  	_ =	swait.ge [sflag:s24], $0x800  }
0x19: {  	[sflag:s24] =	ssyncset.done $0x0  }
0x1a: {  	s14 =	rddreg [dreg:$0x6];
	[sflag:s24] =	ssyncadd.s32 $0xFFFFF800  }
0x1b: {  	[tilespmem:s3], [sflag:$0x5] =	stream.linear.gather [hbm4b:s14+s3], $0x4000, $0x38;
	[tilespmem:$0x15000] =	vst v63  }
0x1c: {  	_ =	swait.ge [sflag:s24], $0x4000  }
0x1d: {  	[sflag:s24] =	ssyncset.done $0x0  }
0x1e: {  	s19 =	simm.s32 $0x4000;
	[sflag:s24] =	ssyncadd.s32 $0xFFFFC000  }
0x1f: {  	[tilespmem:s19], [sflag:$0x1] =	stream.indirect.gather [hbm4b:s4+s16], $0x20, s3, s16, $0xb8;
	[tilespmem:$0x15000] =	vst v63  }
0x20: {  	s20 =	simm.s32 $0x5000  }
0x21: {  	[tilespmem:s20], [sflag:$0x1] =	stream.indirect.gather [hbm4b:s4+s16], $0x20, s16, s16, $0xb8;
	[tilespmem:$0x15000] =	vst v63  }
0x22: {  	s21 =	simm.s32 $0x100;
	s22 =	simm.s32 $0x6000  }
0x23: {  	[tilespmem:s22], [sflag:$0x1] =	stream.indirect.gather [hbm4b:s4+s16], $0x20, s21, s16, $0xb8;
	[tilespmem:$0x15000] =	vst v63  }
0x24: {  	s23 =	simm.s32 $0x180;
	s24 =	simm.s32 $0x7000;
	s22 =	simm.s32 $0x0  }
0x25: {  	[tilespmem:s24], [sflag:$0x1] =	stream.indirect.gather [hbm4b:s4+s16], $0x20, s23, s16, $0xb8;
	[tilespmem:$0x15000] =	vst v63  }
.LBB2_2:
0x26: {  	s8 =	sshll.u32 s22, $0x3  }
0x27: {  	s5 =	sor.u32 $0x4, s8  }
0x28: {  	s7 =	sshll.u32 s5, $0x7  }
0x29: {  	s12 =	simm.s32 $0x8000;
	s23 =	sshll.u32 s22, $0xA;
	s7 =	sand.u32 $0x3FFFFE00, s7  }
0x2a: {  	[tilespmem:s12], [sflag:$0x2] =	stream.indirect.gather [hbm4b:s4+s16], $0x20, s7, s16, $0xb8;
	[tilespmem:$0x15000] =	vst v63  }
0x2b: {  	s7 =	sand.u32 $0x3FFFFC00, s23  }
0x2c: {  	s14 =	simm.s32 $0x9000;
	s24 =	sor.u32 $0x280, s7  }
0x2d: {  	[tilespmem:s14], [sflag:$0x2] =	stream.indirect.gather [hbm4b:s4+s16], $0x20, s24, s16, $0xb8;
	[tilespmem:$0x15000] =	vst v63  }
0x2e: {  	s19 =	sor.u32 $0x300, s7  }
0x2f: {  	[tilespmem:s25], [sflag:$0x2] =	stream.indirect.gather [hbm4b:s4+s16], $0x20, s19, s16, $0xb8;
	[tilespmem:$0x15000] =	vst v63  }
0x30: {  	s20 =	sor.u32 $0x380, s7  }
0x31: {  	[tilespmem:s26], [sflag:$0x2] =	stream.indirect.gather [hbm4b:s4+s16], $0x20, s20, s16, $0xb8;
	[tilespmem:$0x15000] =	vst v63  }
0x32: {  	_ =	swait.ge [sflag:s28], $0x1000  }
0x33: {  	[sflag:s28] =	ssyncset.done $0x0  }
0x34: {  	[sflag:s28] =	ssyncadd.s32 $0xFFFFF000  }
0x35: {  	_ =	swait.ge [sflag:s28], $0x1000  }
0x36: {  	[sflag:s28] =	ssyncset.done $0x0  }
0x37: {  	[sflag:s28] =	ssyncadd.s32 $0xFFFFF000  }
0x38: {  	_ =	swait.ge [sflag:s28], $0x1000  }
0x39: {  	[sflag:s28] =	ssyncset.done $0x0  }
0x3a: {  	[sflag:s28] =	ssyncadd.s32 $0xFFFFF000  }
0x3b: {  	_ =	swait.ge [sflag:s28], $0x1000  }
0x3c: {  	p0 =	seq.s32 s22, $0x0;
	[sflag:s28] =	ssyncset.done $0x0  }
0x3d: {  	s12 =	simm.s32 @!p0 $0x3;
	[sflag:s28] =	ssyncadd.s32 $0xFFFFF000  }
0x3e: {  	_ =	swait.ge @!p0 [sflag:s12], $0x1000  }
0x3f: {  	[sflag:s12] =	ssyncset.done @!p0 $0x0  }
0x40: {  	[sflag:s12] =	ssyncadd.s32 @!p0 $0xFFFFF000  }
0x41: {  	_ =	swait.ge @!p0 [sflag:s12], $0x1000  }
0x42: {  	[sflag:s12] =	ssyncset.done @!p0 $0x0  }
0x43: {  	[sflag:s12] =	ssyncadd.s32 @!p0 $0xFFFFF000  }
0x44: {  	_ =	swait.ge @!p0 [sflag:s12], $0x1000  }
0x45: {  	[sflag:s12] =	ssyncset.done @!p0 $0x0  }
0x46: {  	[sflag:s12] =	ssyncadd.s32 @!p0 $0xFFFFF000  }
0x47: {  	_ =	swait.ge @!p0 [sflag:s12], $0x1000  }
0x48: {  	[sflag:s12] =	ssyncset.done @!p0 $0x0  }
0x49: {  	s19 =	simm.s32 $0x4100;
	[sflag:s12] =	ssyncadd.s32 @!p0 $0xFFFFF000  }
0x4a: {  	v0 =	vld [tilespmem:s19+$0xC0]  }
0x4b: {  	v1 =	vld [tilespmem:s19+$0xD0]  }
0x4c: {  	v3 =	vld [tilespmem:s19+$0x80]  }
0x4d: {  	v4 =	vld [tilespmem:s19+$0x90]  }
0x4e: {  	v5 =	vld [tilespmem:s19+$0x60]  }
0x4f: {  	v6 =	vld [tilespmem:s19+$0x70]  }
0x50: {  	v7 =	vld [tilespmem:s19+$0x40]  }
0x51: {  	v8 =	vld [tilespmem:s19+$0x20]  }
0x52: {  	v9 =	vld [tilespmem:s19+$0x30]  }
0x53: {  	v10 =	vld [tilespmem:s19+$0x0]  }
0x54: {  	v11 =	vld [tilespmem:s19+$0x10]  }
0x55: {  	v12 =	vld [tilespmem:s19+$0xFFFFFFE0]  }
0x56: {  	v13 =	vld [tilespmem:s19+$0xFFFFFFC0]  }
0x57: {  	v14 =	vld [tilespmem:s19+$0xFFFFFFD0]  }
0x58: {  	v15 =	vld [tilespmem:s19+$0xFFFFFFA0]  }
0x59: {  	v18 =	vld [tilespmem:s19+$0xFFFFFFB0]  }
0x5a: {  	v21 =	vld [tilespmem:s19+$0xFFFFFF80]  }
0x5b: {  	v24 =	vld [tilespmem:s19+$0xFFFFFF60]  }
0x5c: {  	v27 =	vld [tilespmem:s19+$0xFFFFFF70]  }
0x5d: {  	v30 =	vld [tilespmem:s19+$0xFFFFFF40]  }
0x5e: {  	v33 =	vld [tilespmem:s19+$0xFFFFFF50]  }
0x5f: {  	s12 =	simm.s32 $0x0;
	v36 =	vld [tilespmem:s19+$0xFFFFFF00]  }
0x60: {  	s21 =	sand.u32 $0x600, s12;
	v39 =	vld [tilespmem:s19+$0xFFFFFF20]  }
0x61: {  	v16 =	vld [tilespmem:s21+$0x141C0]  }
0x62: {  	v17 =	vld [tilespmem:s21+$0x141D0]  }
0x63: {  	v19 =	vld [tilespmem:s21+$0x14180]  }
0x64: {  	v20 =	vld [tilespmem:s21+$0x14190]  }
0x65: {  	v22 =	vld [tilespmem:s21+$0x14160]  }
0x66: {  	v23 =	vld [tilespmem:s21+$0x14170]  }
0x67: {  	v25 =	vld [tilespmem:s21+$0x14120]  }
0x68: {  	v26 =	vld [tilespmem:s21+$0x14130]  }
0x69: {  	v28 =	vld [tilespmem:s21+$0x14100]  }
0x6a: {  	v29 =	vld [tilespmem:s21+$0x14110]  }
0x6b: {  	v31 =	vld [tilespmem:s21+$0x140C0]  }
0x6c: {  	v32 =	vld [tilespmem:s21+$0x140D0]  }
0x6d: {  	v34 =	vld [tilespmem:s21+$0x140A0]  }
0x6e: {  	v35 =	vld [tilespmem:s21+$0x140B0]  }
0x6f: {  	v37 =	vld [tilespmem:s21+$0x14060]  }
0x70: {  	v38 =	vld [tilespmem:s21+$0x14070]  }
0x71: {  	v40 =	vld [tilespmem:s21+$0x14040]  }
0x72: {  	v41 =	vld [tilespmem:s21+$0x14050]  }
0x73: {  	v0 =	vmul.f32 v16, v0;
	v1 =	vmul.f32 v17, v1;
	v16 =	vld [tilespmem:s19+$0xFFFFFF30]  }
0x74: {  	v3 =	vmul.f32 v19, v3;
	v4 =	vmul.f32 v20, v4;
	v17 =	vld [tilespmem:s21+$0x14020]  }
0x75: {  	v0 =	vadd.f32 v1, v0;
	v1 =	vmul.f32 v22, v5;
	v5 =	vmul.f32 v23, v6;
	v6 =	vld [tilespmem:s21+$0x14030]  }
0x76: {  	v3 =	vadd.f32 v4, v3;
	v4 =	vmul.f32 v25, v8;
	v8 =	vmul.f32 v26, v9;
	v9 =	vld [tilespmem:s19+$0xFFFFFF10]  }
0x77: {  	(xrf2) =	vadd.scan.msk.f32 $0xffff, v0;
	v0 =	vadd.f32 v5, v1;
	v1 =	vmul.f32 v28, v10;
	v5 =	vmul.f32 v29, v11;
	v10 =	vld [tilespmem:s21+$0x14010]  }
0x78: {  	v11 =	vld [tilespmem:s21+$0x14000];
	(xrf2) =	vadd.scan.msk.f32 $0xffff, v3;
	v3 =	vadd.f32 v8, v4;
	v4 =	vmul.f32 v31, v13;
	v8 =	vmul.f32 v32, v14  }
0x79: {  	v13 =	vld [tilespmem:s19+$0xFFFFFF90];
	(xrf2) =	vadd.scan.msk.f32 $0xffff, v0;
	v0 =	vadd.f32 v5, v1;
	v1 =	vmul.f32 v34, v15;
	v5 =	vmul.f32 v35, v18  }
0x7a: {  	v14 =	vld [tilespmem:s21+$0x14080];
	(xrf2) =	vadd.scan.msk.f32 $0xffff, v3;
	v3 =	vadd.f32 v8, v4;
	v4 =	vmul.f32 v37, v24;
	v8 =	vmul.f32 v38, v27  }
0x7b: {  	v15 =	vld [tilespmem:s21+$0x14090];
	(xrf2) =	vadd.scan.msk.f32 $0xffff, v0;
	v0 =	vadd.f32 v5, v1;
	v1 =	vmul.f32 v40, v30;
	v5 =	vmul.f32 v41, v33  }
0x7c: {  	v6 =	vmul.f32 v6, v16;
	(xrf2) =	vadd.scan.msk.f32 $0xffff, v3;
	v3 =	vadd.f32 v8, v4;
	v4 =	vmul.f32 v17, v39;
	v8 =	vld [tilespmem:s19+$0xFFFFFFF0]  }
0x7d: {  	(xrf2) =	vadd.scan.msk.f32 $0xffff, v0;
	v0 =	vadd.f32 v5, v1;
	v1 =	vmul.f32 v11, v36;
	v5 =	vmul.f32 v10, v9;
	v9 =	vld [tilespmem:s21+$0x140E0]  }
0x7e: {  	(xrf2) =	vadd.scan.msk.f32 $0xffff, v3;
	v3 =	vadd.f32 v6, v4;
	v4 =	vld [tilespmem:s21+$0x140F0]  }
0x7f: {  	v11 =	vld [tilespmem:s21+$0x14150];
	(xrf2) =	vadd.scan.msk.f32 $0xffff, v0;
	v0 =	vadd.f32 v5, v1  }
0x80: {  	v6 =	vld [tilespmem:s21+$0x14140];
	v5 =	vmul.f32 v15, v13;
	(xrf2) =	vadd.scan.msk.f32 $0xffff, v3;
	v3 =	vmul.f32 v14, v21  }
0x81: {  	v1 =	vld [tilespmem:s19+$0x50]  }
0x82: {  	v14 =	vld [tilespmem:s21+$0x141B0];
	v10, _, _ =	vpop (xrf2);
	(xrf2) =	vadd.scan.msk.f32 $0xffff, v0;
	v3 =	vadd.f32 v5, v3  }
0x83: {  	v5 =	vld [tilespmem:s19+$0xB0];
	v9 =	vmul.f32 v9, v12;
	v0, _, _ =	vpop (xrf2);
	v4 =	vmul.f32 v4, v8  }
0x84: {  	v2 =	vld [tilespmem:s19+$0xA0];
	v13, _, _ =	vpop (xrf2)  }
0x85: {  	v8 =	vld [tilespmem:s21+$0x141A0];
	v12, _, _ =	vpop (xrf2);
	v4 =	vadd.f32 v4, v9  }
0x86: {  	(xrf2) =	vadd.scan.msk.f32 $0xffff, v3;
	v3, _, _ =	vpop (xrf2)  }
0x87: {  	v6 =	vmul.f32 v6, v7;
	v15, _, _ =	vpop (xrf2)  }
0x88: {  	v16 =	vld [tilespmem:s19+$0xF0];
	v1 =	vmul.f32 v11, v1;
	v5 =	vmul.f32 v14, v5;
	v11, _, _ =	vpop (xrf2)  }
0x89: {  	v7 =	vld [tilespmem:s21+$0x141E0];
	(xrf2) =	vadd.scan.msk.f32 $0xffff, v4;
	v4, _, _ =	vpop (xrf2)  }
0x8a: {  	v9 =	vld [tilespmem:s19+$0xE0];
	v1 =	vadd.f32 v1, v6;
	v2 =	vmul.f32 v8, v2;
	v17, _, _ =	vpop (xrf2)  }
0x8b: {  	v6 =	vld [tilespmem:s21+$0x141F0];
	v8, _, _ =	vpop (xrf2)  }
0x8c: {  	(xrf2) =	vadd.scan.msk.f32 $0xffff, v1;
	v1 =	vadd.f32 v5, v2;
	v5, _, _ =	vpop (xrf2)  }
0x8d: {  	v5 =	vbroadcast v5, $0xF;
	_ =	sdelay $0x1  }
0x8e: {  	v2 =	vmul.f32 v7, v9;
	v7 =	vbroadcast v8, $0xF  }
0x8f: {  	v6 =	vmul.f32 v6, v16;
	v8 =	vbroadcast v17, $0xF  }
0x90: {  	v4 =	vbroadcast v4, $0xF;
	(xrf2) =	vadd.scan.msk.f32 $0xffff, v1;
	v1 =	vsel vm0, v5, v7;
	v5, _, _ =	vpop (xrf2)  }
0x91: {  	v1 =	vsel vm1, v1, v8;
	v5 =	vbroadcast v5, $0xF  }
0x92: {  	v2 =	vadd.f32 v6, v2;
	v1 =	vsel vm2, v1, v4;
	v4 =	vbroadcast v11, $0xF  }
0x93: {  	v6, _, _ =	vpop (xrf2);
	v1 =	vsel vm3, v1, v5;
	v5 =	vbroadcast v15, $0xF  }
0x94: {  	(xrf2) =	vadd.scan.msk.f32 $0xffff, v2;
	v2 =	vbroadcast v6, $0xF;
	v1 =	vsel vm4, v1, v4  }
0x95: {  	v3 =	vbroadcast v3, $0xF;
	v1 =	vsel vm5, v1, v5  }
0x96: {  	v4, _, _ =	vpop (xrf2);
	v1 =	vsel vm6, v1, v2;
	v2 =	vbroadcast v12, $0xF  }
0x97: {  	v1 =	vsel vm7, v1, v3;
	v3 =	vbroadcast v4, $0xF  }
0x98: {  	v1 =	vsel vm8, v1, v2;
	v2 =	vbroadcast v13, $0xF  }
0x99: {  	v0 =	vbroadcast v0, $0xF;
	v1 =	vsel vm9, v1, v3  }
0x9a: {  	v1 =	vsel vm10, v1, v2  }
0x9b: {  	v3, _, _ =	vpop (xrf2);
	v0 =	vsel vm11, v1, v0;
	v1 =	vbroadcast v10, $0xF  }
0x9c: {  	v2 =	vbroadcast v3, $0xF;
	v3 =	vld [tilespmem:s21+$0x14800];
	_ =	sdelay $0x1  }
0x9d: {  	v0 =	vsel vm12, v0, v2  }
0x9e: {  	v0 =	vsel vm13, v0, v1;
	v1, _, _ =	vpop (xrf2)  }
0x9f: {  	v0 =	vsel vm14, v0, v1  }
0xa0: {  	s23 =	sand.u32 $0x70, s12;
	s20 =	sand.u32 $0xC00, s12;
	v1 =	vmul.f32 v0, v3  }
0xa1: {  	s19 =	sor.u32 s23, s20  }
0xa2: {  	[tilespmem:s19+$0xC000] =	vst v1  }
0xa3: {  	v1 =	vld [tilespmem:s21+$0x14810];
	_ =	sdelay $0x4  }
0xa4: {  	v1 =	vmul.f32 v0, v1;
	_ =	sdelay $0x1  }
0xa5: {  	[tilespmem:s19+$0xC080] =	vst v1  }
0xa6: {  	v1 =	vld [tilespmem:s21+$0x14820];
	_ =	sdelay $0x4  }
0xa7: {  	v1 =	vmul.f32 v0, v1;
	_ =	sdelay $0x1  }
0xa8: {  	[tilespmem:s19+$0xC100] =	vst v1  }
0xa9: {  	v1 =	vld [tilespmem:s21+$0x14830];
	_ =	sdelay $0x4  }
0xaa: {  	v1 =	vmul.f32 v1, v0;
	_ =	sdelay $0x1  }
0xab: {  	[tilespmem:s19+$0xC180] =	vst v1  }
0xac: {  	v1 =	vld [tilespmem:s21+$0x14840];
	_ =	sdelay $0x4  }
0xad: {  	v1 =	vmul.f32 v1, v0;
	_ =	sdelay $0x1  }
0xae: {  	[tilespmem:s19+$0xC200] =	vst v1  }
0xaf: {  	v1 =	vld [tilespmem:s21+$0x14850];
	_ =	sdelay $0x4  }
0xb0: {  	v1 =	vmul.f32 v1, v0;
	_ =	sdelay $0x1  }
0xb1: {  	[tilespmem:s19+$0xC280] =	vst v1  }
0xb2: {  	v1 =	vld [tilespmem:s21+$0x14860];
	_ =	sdelay $0x4  }
0xb3: {  	v1 =	vmul.f32 v1, v0;
	_ =	sdelay $0x1  }
0xb4: {  	[tilespmem:s19+$0xC300] =	vst v1  }
0xb5: {  	v1 =	vld [tilespmem:s21+$0x14870];
	_ =	sdelay $0x4  }
0xb6: {  	v1 =	vmul.f32 v1, v0;
	_ =	sdelay $0x1  }
0xb7: {  	[tilespmem:s19+$0xC380] =	vst v1  }
0xb8: {  	v1 =	vld [tilespmem:s21+$0x14880];
	_ =	sdelay $0x4  }
0xb9: {  	v1 =	vmul.f32 v1, v0;
	_ =	sdelay $0x1  }
0xba: {  	[tilespmem:s19+$0xD000] =	vst v1  }
0xbb: {  	v1 =	vld [tilespmem:s21+$0x14890];
	_ =	sdelay $0x4  }
0xbc: {  	v1 =	vmul.f32 v1, v0;
	_ =	sdelay $0x1  }
0xbd: {  	[tilespmem:s19+$0xD080] =	vst v1  }
0xbe: {  	v1 =	vld [tilespmem:s21+$0x148A0];
	_ =	sdelay $0x4  }
0xbf: {  	v1 =	vmul.f32 v1, v0;
	_ =	sdelay $0x1  }
0xc0: {  	[tilespmem:s19+$0xD100] =	vst v1  }
0xc1: {  	v1 =	vld [tilespmem:s21+$0x148B0];
	_ =	sdelay $0x4  }
0xc2: {  	v1 =	vmul.f32 v1, v0;
	_ =	sdelay $0x1  }
0xc3: {  	[tilespmem:s19+$0xD180] =	vst v1  }
0xc4: {  	v1 =	vld [tilespmem:s21+$0x148C0];
	_ =	sdelay $0x4  }
0xc5: {  	v1 =	vmul.f32 v1, v0;
	_ =	sdelay $0x1  }
0xc6: {  	[tilespmem:s19+$0xD200] =	vst v1  }
0xc7: {  	v1 =	vld [tilespmem:s21+$0x148D0];
	_ =	sdelay $0x4  }
0xc8: {  	v1 =	vmul.f32 v1, v0;
	_ =	sdelay $0x1  }
0xc9: {  	[tilespmem:s19+$0xD280] =	vst v1  }
0xca: {  	v1 =	vld [tilespmem:s21+$0x148E0];
	_ =	sdelay $0x4  }
0xcb: {  	v1 =	vmul.f32 v1, v0;
	_ =	sdelay $0x1  }
0xcc: {  	[tilespmem:s19+$0xD300] =	vst v1  }
0xcd: {  	v1 =	vld [tilespmem:s21+$0x148F0];
	_ =	sdelay $0x4  }
0xce: {  	v1 =	vmul.f32 v1, v0;
	_ =	sdelay $0x1  }
0xcf: {  	[tilespmem:s19+$0xD380] =	vst v1  }
0xd0: {  	v1 =	vld [tilespmem:s21+$0x14900];
	_ =	sdelay $0x4  }
0xd1: {  	v1 =	vmul.f32 v1, v0;
	_ =	sdelay $0x1  }
0xd2: {  	[tilespmem:s19+$0xE000] =	vst v1  }
0xd3: {  	v1 =	vld [tilespmem:s21+$0x14910];
	_ =	sdelay $0x4  }
0xd4: {  	v1 =	vmul.f32 v1, v0;
	_ =	sdelay $0x1  }
0xd5: {  	[tilespmem:s19+$0xE080] =	vst v1  }
0xd6: {  	v1 =	vld [tilespmem:s21+$0x14920];
	_ =	sdelay $0x4  }
0xd7: {  	v1 =	vmul.f32 v1, v0;
	_ =	sdelay $0x1  }
0xd8: {  	[tilespmem:s19+$0xE100] =	vst v1  }
0xd9: {  	v1 =	vld [tilespmem:s21+$0x14930];
	_ =	sdelay $0x4  }
0xda: {  	v1 =	vmul.f32 v1, v0;
	_ =	sdelay $0x1  }
0xdb: {  	[tilespmem:s19+$0xE180] =	vst v1  }
0xdc: {  	v1 =	vld [tilespmem:s21+$0x14940];
	_ =	sdelay $0x4  }
0xdd: {  	v1 =	vmul.f32 v1, v0;
	_ =	sdelay $0x1  }
0xde: {  	[tilespmem:s19+$0xE200] =	vst v1  }
0xdf: {  	v1 =	vld [tilespmem:s21+$0x14950];
	_ =	sdelay $0x4  }
0xe0: {  	v1 =	vmul.f32 v1, v0;
	_ =	sdelay $0x1  }
0xe1: {  	[tilespmem:s19+$0xE280] =	vst v1  }
0xe2: {  	v1 =	vld [tilespmem:s21+$0x14960];
	_ =	sdelay $0x4  }
0xe3: {  	v1 =	vmul.f32 v1, v0;
	_ =	sdelay $0x1  }
0xe4: {  	[tilespmem:s19+$0xE300] =	vst v1  }
0xe5: {  	v1 =	vld [tilespmem:s21+$0x14970];
	_ =	sdelay $0x4  }
0xe6: {  	v1 =	vmul.f32 v1, v0;
	_ =	sdelay $0x1  }
0xe7: {  	[tilespmem:s19+$0xE380] =	vst v1  }
0xe8: {  	v1 =	vld [tilespmem:s21+$0x14980];
	_ =	sdelay $0x4  }
0xe9: {  	v1 =	vmul.f32 v1, v0;
	_ =	sdelay $0x1  }
0xea: {  	[tilespmem:s19+$0xF000] =	vst v1  }
0xeb: {  	v1 =	vld [tilespmem:s21+$0x14990];
	_ =	sdelay $0x4  }
0xec: {  	v1 =	vmul.f32 v1, v0;
	_ =	sdelay $0x1  }
0xed: {  	[tilespmem:s19+$0xF080] =	vst v1  }
0xee: {  	v1 =	vld [tilespmem:s21+$0x149A0];
	_ =	sdelay $0x4  }
0xef: {  	v1 =	vmul.f32 v1, v0;
	_ =	sdelay $0x1  }
0xf0: {  	[tilespmem:s19+$0xF100] =	vst v1  }
0xf1: {  	v1 =	vld [tilespmem:s21+$0x149B0];
	_ =	sdelay $0x4  }
0xf2: {  	v1 =	vmul.f32 v1, v0;
	_ =	sdelay $0x1  }
0xf3: {  	[tilespmem:s19+$0xF180] =	vst v1  }
0xf4: {  	v1 =	vld [tilespmem:s21+$0x149C0];
	_ =	sdelay $0x4  }
0xf5: {  	v1 =	vmul.f32 v1, v0;
	_ =	sdelay $0x1  }
0xf6: {  	[tilespmem:s19+$0xF200] =	vst v1  }
0xf7: {  	v1 =	vld [tilespmem:s21+$0x149D0];
	_ =	sdelay $0x4  }
0xf8: {  	v1 =	vmul.f32 v1, v0;
	_ =	sdelay $0x1  }
0xf9: {  	[tilespmem:s19+$0xF280] =	vst v1  }
0xfa: {  	v1 =	vld [tilespmem:s21+$0x149E0];
	_ =	sdelay $0x4  }
0xfb: {  	v1 =	vmul.f32 v1, v0;
	_ =	sdelay $0x1  }
0xfc: {  	[tilespmem:s19+$0xF300] =	vst v1  }
0xfd: {  	v1 =	vld [tilespmem:s21+$0x149F0];
	_ =	sdelay $0x4  }
0xfe: {  	v0 =	vmul.f32 v1, v0;
	_ =	sdelay $0x1  }
0xff: {  	[tilespmem:s19+$0xF380] =	vst v0;
	s19 =	simm.s32 $0x4300  }
0x100: {  	v2 =	vld [tilespmem:s19+$0xC0]  }
0x101: {  	v4 =	vld [tilespmem:s19+$0xD0]  }
0x102: {  	v0 =	vld [tilespmem:s19+$0xA0]  }
0x103: {  	v5 =	vld [tilespmem:s19+$0x80]  }
0x104: {  	v7 =	vld [tilespmem:s19+$0x90]  }
0x105: {  	v8 =	vld [tilespmem:s19+$0x60]  }
0x106: {  	v9 =	vld [tilespmem:s19+$0x70]  }
0x107: {  	v1 =	vld [tilespmem:s19+$0x40]  }
0x108: {  	v10 =	vld [tilespmem:s19+$0x20]  }
0x109: {  	v11 =	vld [tilespmem:s19+$0x30]  }
0x10a: {  	v12 =	vld [tilespmem:s19+$0x0]  }
0x10b: {  	v13 =	vld [tilespmem:s19+$0x10]  }
0x10c: {  	v3 =	vld [tilespmem:s19+$0xFFFFFFE0]  }
0x10d: {  	v14 =	vld [tilespmem:s19+$0xFFFFFFC0]  }
0x10e: {  	s24 =	simm.s32 $0x200;
	v15 =	vld [tilespmem:s19+$0xFFFFFFD0]  }
0x10f: {  	s14 =	sand.u32 $0x600, s24;
	v16 =	vld [tilespmem:s19+$0xFFFFFFA0]  }
0x110: {  	v17 =	vld [tilespmem:s14+$0x141C0]  }
0x111: {  	v18 =	vld [tilespmem:s14+$0x141D0]  }
0x112: {  	v19 =	vld [tilespmem:s19+$0xFFFFFFB0]  }
0x113: {  	v52 =	vld [tilespmem:s14+$0x14180]  }
0x114: {  	v53 =	vld [tilespmem:s14+$0x14190]  }
0x115: {  	v6 =	vld [tilespmem:s19+$0xFFFFFF80]  }
0x116: {  	v54 =	vld [tilespmem:s14+$0x14160]  }
0x117: {  	v55 =	vld [tilespmem:s14+$0x14170]  }
0x118: {  	v57 =	vld [tilespmem:s14+$0x14120]  }
0x119: {  	v58 =	vld [tilespmem:s14+$0x14130]  }
0x11a: {  	v56 =	vld [tilespmem:s19+$0xFFFFFF60];
	v2 =	vmul.f32 v17, v2;
	v4 =	vmul.f32 v18, v4  }
0x11b: {  	v59 =	vld [tilespmem:s19+$0xFFFFFF70];
	v5 =	vmul.f32 v52, v5;
	v7 =	vmul.f32 v53, v7  }
0x11c: {  	v60 =	vld [tilespmem:s14+$0x14100];
	v2 =	vadd.f32 v4, v2  }
0x11d: {  	v17 =	vld [tilespmem:s14+$0x14110];
	v4 =	vmul.f32 v54, v8;
	v8 =	vmul.f32 v55, v9;
	v5 =	vadd.f32 v7, v5  }
0x11e: {  	v61 =	vld [tilespmem:s14+$0x140C0];
	v7 =	vmul.f32 v57, v10;
	v9 =	vmul.f32 v58, v11;
	(xrf2) =	vadd.scan.msk.f32 $0xffff, v2  }
0x11f: {  	v62 =	vld [tilespmem:s19+$0xFFFFFF50];
	v2 =	vadd.f32 v8, v4;
	(xrf2) =	vadd.scan.msk.f32 $0xffff, v5  }
0x120: {  	v10 =	vld [tilespmem:s14+$0x140D0];
	v4 =	vadd.f32 v9, v7  }
0x121: {  	v63 =	vld [tilespmem:s14+$0x14050];
	(xrf2) =	vadd.scan.msk.f32 $0xffff, v2  }
0x122: {  	v5 =	vld [tilespmem:s14+$0x140A0];
	(xrf2) =	vadd.scan.msk.f32 $0xffff, v4;
	v4 =	vmul.f32 v60, v12;
	v12 =	vmul.f32 v17, v13  }
0x123: {  	v2 =	vld [tilespmem:s14+$0x140B0]  }
0x124: {  	v18 =	vld [tilespmem:s19+$0xFFFFFF40];
	v4 =	vadd.f32 v12, v4  }
0x125: {  	v7 =	vld [tilespmem:s14+$0x14060];
	v13 =	vmul.f32 v61, v14;
	v14 =	vmul.f32 v10, v15  }
0x126: {  	v11 =	vld [tilespmem:s14+$0x14070];
	(xrf2) =	vadd.scan.msk.f32 $0xffff, v4  }
0x127: {  	v8 =	vld [tilespmem:s19+$0xFFFFFF00];
	v13 =	vadd.f32 v14, v13  }
0x128: {  	v9 =	vld [tilespmem:s19+$0xFFFFFF20];
	v5 =	vmul.f32 v5, v16;
	v15 =	vmul.f32 v2, v19;
	v2, _, _ =	vpop (xrf2)  }
0x129: {  	v17 =	vld [tilespmem:s14+$0x14040];
	v4, _, _ =	vpop (xrf2);
	(xrf2) =	vadd.scan.msk.f32 $0xffff, v13  }
0x12a: {  	v10 =	vld [tilespmem:s19+$0xFFFFFF30];
	v7 =	vmul.f32 v7, v56;
	v15 =	vadd.f32 v15, v5  }
0x12b: {  	v12 =	vld [tilespmem:s14+$0x14020];
	v16 =	vmul.f32 v11, v59  }
0x12c: {  	v14 =	vld [tilespmem:s14+$0x14030];
	(xrf2) =	vadd.scan.msk.f32 $0xffff, v15  }
0x12d: {  	v11 =	vld [tilespmem:s19+$0xFFFFFF10];
	v5, _, _ =	vpop (xrf2);
	v15 =	vadd.f32 v16, v7  }
0x12e: {  	s20 =	simm.s32 $0x0;
	s21 =	simm.s32 $0x400;
	v13 =	vld [tilespmem:s14+$0x14010];
	v16 =	vmul.f32 v17, v18;
	v17 =	vmul.f32 v63, v62;
	v7, _, _ =	vpop (xrf2)  }
.LBB2_3:
0x12f: {  	p1 =	sne.s32 s21, $0x3E00;
	v18 =	vld [tilespmem:s14+$0x14000];
	(xrf2) =	vadd.scan.msk.f32 $0xffff, v15  }
0x130: {  	v19 =	vadd.f32 v17, v16;
	v16 =	vld [tilespmem:s19+$0xFFFFFF90];
	v17, _, _ =	vpop (xrf2)  }
0x131: {  	v9 =	vmul.f32 v12, v9;
	v10 =	vmul.f32 v14, v10;
	v12 =	vld [tilespmem:s14+$0x14080]  }
0x132: {  	v14 =	vld [tilespmem:s14+$0x14090];
	(xrf2) =	vadd.scan.msk.f32 $0xffff, v19  }
0x133: {  	v9 =	vadd.f32 v10, v9;
	v10 =	vld [tilespmem:s19+$0xFFFFFFF0];
	v15, _, _ =	vpop (xrf2)  }
0x134: {  	v19 =	vmul.f32 v13, v11;
	v8 =	vmul.f32 v18, v8;
	v13 =	vld [tilespmem:s14+$0x140E0]  }
0x135: {  	v18 =	vld [tilespmem:s14+$0x140F0];
	(xrf2) =	vadd.scan.msk.f32 $0xffff, v9  }
0x136: {  	v8 =	vadd.f32 v19, v8;
	v9 =	vld [tilespmem:s19+$0x50];
	v11, _, _ =	vpop (xrf2)  }
0x137: {  	v6 =	vmul.f32 v12, v6;
	v19 =	vmul.f32 v14, v16;
	v14 =	vld [tilespmem:s14+$0x14140]  }
0x138: {  	v16 =	vld [tilespmem:s14+$0x14150];
	(xrf2) =	vadd.scan.msk.f32 $0xffff, v8  }
0x139: {  	v6 =	vadd.f32 v19, v6;
	v8 =	vld [tilespmem:s19+$0xB0];
	v12, _, _ =	vpop (xrf2)  }
0x13a: {  	v3 =	vmul.f32 v13, v3;
	v19 =	vmul.f32 v18, v10;
	v13 =	vld [tilespmem:s14+$0x141A0]  }
0x13b: {  	v18 =	vld [tilespmem:s14+$0x141B0];
	(xrf2) =	vadd.scan.msk.f32 $0xffff, v6  }
0x13c: {  	v3 =	vadd.f32 v19, v3;
	v6 =	vld [tilespmem:s19+$0xE0];
	v10, _, _ =	vpop (xrf2)  }
0x13d: {  	v1 =	vmul.f32 v14, v1;
	v19 =	vmul.f32 v16, v9;
	v14 =	vld [tilespmem:s14+$0x141E0]  }
0x13e: {  	v16 =	vld [tilespmem:s19+$0xF0];
	(xrf2) =	vadd.scan.msk.f32 $0xffff, v3  }
0x13f: {  	v1 =	vadd.f32 v19, v1;
	v3 =	vld [tilespmem:s14+$0x141F0];
	v9, _, _ =	vpop (xrf2)  }
0x140: {  	v0 =	vmul.f32 v13, v0;
	v8 =	vmul.f32 v18, v8  }
0x141: {  	(xrf2) =	vadd.scan.msk.f32 $0xffff, v1  }
0x142: {  	v0 =	vadd.f32 v8, v0;
	v1 =	vmul.f32 v14, v6;
	v6, _, _ =	vpop (xrf2)  }
0x143: {  	v13 =	vbroadcast v9, $0xF;
	v6 =	vbroadcast v6, $0xF  }
0x144: {  	v9 =	vbroadcast v10, $0xF;
	v3 =	vmul.f32 v3, v16;
	(xrf2) =	vadd.scan.msk.f32 $0xffff, v0  }
0x145: {  	v0 =	vsel vm0, v6, v13;
	v6 =	vbroadcast v12, $0xF;
	v8, _, _ =	vpop (xrf2)  }
0x146: {  	v0 =	vsel vm1, v0, v9;
	v9 =	vbroadcast v8, $0xF;
	v1 =	vadd.f32 v3, v1  }
0x147: {  	v3 =	vbroadcast v11, $0xF;
	v0 =	vsel vm2, v0, v6  }
0x148: {  	v0 =	vsel vm3, v0, v9;
	v9 =	vbroadcast v15, $0xF;
	v8, _, _ =	vpop (xrf2);
	(xrf2) =	vadd.scan.msk.f32 $0xffff, v1  }
0x149: {  	v0 =	vsel vm4, v0, v3;
	v1 =	vbroadcast v8, $0xF  }
0x14a: {  	v3 =	vbroadcast v17, $0xF;
	v0 =	vsel vm5, v0, v9  }
0x14b: {  	v0 =	vsel vm6, v0, v1;
	v1 =	vbroadcast v7, $0xF;
	v6, _, _ =	vpop (xrf2)  }
0x14c: {  	v0 =	vsel vm7, v0, v3;
	v3 =	vbroadcast v6, $0xF  }
0x14d: {  	v0 =	vsel vm8, v0, v1;
	v1 =	vbroadcast v5, $0xF  }
0x14e: {  	v0 =	vsel vm9, v0, v3;
	v3 =	vbroadcast v4, $0xF;
	v4, _, _ =	vpop (xrf2)  }
0x14f: {  	v0 =	vsel vm10, v0, v1;
	v5 =	vbroadcast v4, $0xF;
	v4 =	vld [tilespmem:s14+$0x14800]  }
0x150: {  	v2 =	vbroadcast v2, $0xF;
	v0 =	vsel vm11, v0, v3  }
0x151: {  	v0 =	vsel vm12, v0, v5  }
0x152: {  	v0 =	vsel vm13, v0, v2;
	v1, _, _ =	vpop (xrf2)  }
0x153: {  	s12 =	sadd.s32 $0x10, s12;
	s20 =	sadd.s32 $0x80, s20;
	v0 =	vsel vm14, v0, v1  }
0x154: {  	s23 =	sand.u32 $0x70, s12;
	s24 =	sand.u32 $0xC00, s20;
	v1 =	vmul.f32 v0, v4  }
0x155: {  	s23 =	sor.u32 s23, s24  }
0x156: {  	[tilespmem:s23+$0xC000] =	vst v1  }
0x157: {  	v1 =	vld [tilespmem:s14+$0x14810];
	_ =	sdelay $0x4  }
0x158: {  	v1 =	vmul.f32 v0, v1;
	_ =	sdelay $0x1  }
0x159: {  	[tilespmem:s23+$0xC080] =	vst v1  }
0x15a: {  	v1 =	vld [tilespmem:s14+$0x14820];
	_ =	sdelay $0x4  }
0x15b: {  	v1 =	vmul.f32 v0, v1;
	_ =	sdelay $0x1  }
0x15c: {  	[tilespmem:s23+$0xC100] =	vst v1  }
0x15d: {  	v1 =	vld [tilespmem:s14+$0x14830];
	_ =	sdelay $0x4  }
0x15e: {  	v1 =	vmul.f32 v1, v0;
	_ =	sdelay $0x1  }
0x15f: {  	[tilespmem:s23+$0xC180] =	vst v1  }
0x160: {  	v1 =	vld [tilespmem:s14+$0x14840];
	_ =	sdelay $0x4  }
0x161: {  	v1 =	vmul.f32 v1, v0;
	_ =	sdelay $0x1  }
0x162: {  	[tilespmem:s23+$0xC200] =	vst v1  }
0x163: {  	v1 =	vld [tilespmem:s14+$0x14850];
	_ =	sdelay $0x4  }
0x164: {  	v1 =	vmul.f32 v1, v0;
	_ =	sdelay $0x1  }
0x165: {  	[tilespmem:s23+$0xC280] =	vst v1  }
0x166: {  	v1 =	vld [tilespmem:s14+$0x14860];
	_ =	sdelay $0x4  }
0x167: {  	v1 =	vmul.f32 v1, v0;
	_ =	sdelay $0x1  }
0x168: {  	[tilespmem:s23+$0xC300] =	vst v1  }
0x169: {  	v1 =	vld [tilespmem:s14+$0x14870];
	_ =	sdelay $0x4  }
0x16a: {  	v1 =	vmul.f32 v1, v0;
	_ =	sdelay $0x1  }
0x16b: {  	[tilespmem:s23+$0xC380] =	vst v1  }
0x16c: {  	v1 =	vld [tilespmem:s14+$0x14880];
	_ =	sdelay $0x4  }
0x16d: {  	v1 =	vmul.f32 v1, v0;
	_ =	sdelay $0x1  }
0x16e: {  	[tilespmem:s23+$0xD000] =	vst v1  }
0x16f: {  	v1 =	vld [tilespmem:s14+$0x14890];
	_ =	sdelay $0x4  }
0x170: {  	v1 =	vmul.f32 v1, v0;
	_ =	sdelay $0x1  }
0x171: {  	[tilespmem:s23+$0xD080] =	vst v1  }
0x172: {  	v1 =	vld [tilespmem:s14+$0x148A0];
	_ =	sdelay $0x4  }
0x173: {  	v1 =	vmul.f32 v1, v0;
	_ =	sdelay $0x1  }
0x174: {  	[tilespmem:s23+$0xD100] =	vst v1  }
0x175: {  	v1 =	vld [tilespmem:s14+$0x148B0];
	_ =	sdelay $0x4  }
0x176: {  	v1 =	vmul.f32 v1, v0;
	_ =	sdelay $0x1  }
0x177: {  	[tilespmem:s23+$0xD180] =	vst v1  }
0x178: {  	v1 =	vld [tilespmem:s14+$0x148C0];
	_ =	sdelay $0x4  }
0x179: {  	v1 =	vmul.f32 v1, v0;
	_ =	sdelay $0x1  }
0x17a: {  	[tilespmem:s23+$0xD200] =	vst v1  }
0x17b: {  	v1 =	vld [tilespmem:s14+$0x148D0];
	_ =	sdelay $0x4  }
0x17c: {  	v1 =	vmul.f32 v1, v0;
	_ =	sdelay $0x1  }
0x17d: {  	[tilespmem:s23+$0xD280] =	vst v1  }
0x17e: {  	v1 =	vld [tilespmem:s14+$0x148E0];
	_ =	sdelay $0x4  }
0x17f: {  	v1 =	vmul.f32 v1, v0;
	_ =	sdelay $0x1  }
0x180: {  	[tilespmem:s23+$0xD300] =	vst v1  }
0x181: {  	v1 =	vld [tilespmem:s14+$0x148F0];
	_ =	sdelay $0x4  }
0x182: {  	v1 =	vmul.f32 v1, v0;
	_ =	sdelay $0x1  }
0x183: {  	[tilespmem:s23+$0xD380] =	vst v1  }
0x184: {  	v1 =	vld [tilespmem:s14+$0x14900];
	_ =	sdelay $0x4  }
0x185: {  	v1 =	vmul.f32 v1, v0;
	_ =	sdelay $0x1  }
0x186: {  	[tilespmem:s23+$0xE000] =	vst v1  }
0x187: {  	v1 =	vld [tilespmem:s14+$0x14910];
	_ =	sdelay $0x4  }
0x188: {  	v1 =	vmul.f32 v1, v0;
	_ =	sdelay $0x1  }
0x189: {  	[tilespmem:s23+$0xE080] =	vst v1  }
0x18a: {  	v1 =	vld [tilespmem:s14+$0x14920];
	_ =	sdelay $0x4  }
0x18b: {  	v1 =	vmul.f32 v1, v0;
	_ =	sdelay $0x1  }
0x18c: {  	[tilespmem:s23+$0xE100] =	vst v1  }
0x18d: {  	v1 =	vld [tilespmem:s14+$0x14930];
	_ =	sdelay $0x4  }
0x18e: {  	v1 =	vmul.f32 v1, v0;
	_ =	sdelay $0x1  }
0x18f: {  	[tilespmem:s23+$0xE180] =	vst v1  }
0x190: {  	v1 =	vld [tilespmem:s14+$0x14940];
	_ =	sdelay $0x4  }
0x191: {  	v1 =	vmul.f32 v1, v0;
	_ =	sdelay $0x1  }
0x192: {  	[tilespmem:s23+$0xE200] =	vst v1  }
0x193: {  	v1 =	vld [tilespmem:s14+$0x14950];
	_ =	sdelay $0x4  }
0x194: {  	v1 =	vmul.f32 v1, v0;
	_ =	sdelay $0x1  }
0x195: {  	[tilespmem:s23+$0xE280] =	vst v1  }
0x196: {  	v1 =	vld [tilespmem:s14+$0x14960];
	_ =	sdelay $0x4  }
0x197: {  	v1 =	vmul.f32 v1, v0;
	_ =	sdelay $0x1  }
0x198: {  	[tilespmem:s23+$0xE300] =	vst v1  }
0x199: {  	v1 =	vld [tilespmem:s14+$0x14970];
	_ =	sdelay $0x4  }
0x19a: {  	v1 =	vmul.f32 v1, v0;
	_ =	sdelay $0x1  }
0x19b: {  	[tilespmem:s23+$0xE380] =	vst v1  }
0x19c: {  	v1 =	vld [tilespmem:s14+$0x14980];
	_ =	sdelay $0x4  }
0x19d: {  	v1 =	vmul.f32 v1, v0;
	_ =	sdelay $0x1  }
0x19e: {  	[tilespmem:s23+$0xF000] =	vst v1  }
0x19f: {  	v1 =	vld [tilespmem:s14+$0x14990];
	_ =	sdelay $0x4  }
0x1a0: {  	v1 =	vmul.f32 v1, v0;
	_ =	sdelay $0x1  }
0x1a1: {  	[tilespmem:s23+$0xF080] =	vst v1  }
0x1a2: {  	v1 =	vld [tilespmem:s14+$0x149A0];
	_ =	sdelay $0x4  }
0x1a3: {  	v1 =	vmul.f32 v1, v0;
	_ =	sdelay $0x1  }
0x1a4: {  	[tilespmem:s23+$0xF100] =	vst v1  }
0x1a5: {  	v1 =	vld [tilespmem:s14+$0x149B0];
	_ =	sdelay $0x4  }
0x1a6: {  	v1 =	vmul.f32 v1, v0;
	_ =	sdelay $0x1  }
0x1a7: {  	[tilespmem:s23+$0xF180] =	vst v1  }
0x1a8: {  	v1 =	vld [tilespmem:s14+$0x149C0];
	_ =	sdelay $0x4  }
0x1a9: {  	v1 =	vmul.f32 v1, v0;
	_ =	sdelay $0x1  }
0x1aa: {  	[tilespmem:s23+$0xF200] =	vst v1  }
0x1ab: {  	v1 =	vld [tilespmem:s14+$0x149D0];
	_ =	sdelay $0x4  }
0x1ac: {  	v1 =	vmul.f32 v1, v0;
	_ =	sdelay $0x1  }
0x1ad: {  	[tilespmem:s23+$0xF280] =	vst v1  }
0x1ae: {  	v1 =	vld [tilespmem:s14+$0x149E0];
	_ =	sdelay $0x4  }
0x1af: {  	v1 =	vmul.f32 v1, v0;
	_ =	sdelay $0x1  }
0x1b0: {  	[tilespmem:s23+$0xF300] =	vst v1  }
0x1b1: {  	v1 =	vld [tilespmem:s14+$0x149F0];
	_ =	sdelay $0x4  }
0x1b2: {  	v0 =	vmul.f32 v1, v0;
	_ =	sdelay $0x1  }
0x1b3: {  	s19 =	sadd.s32 $0x200, s19;
	[tilespmem:s23+$0xF380] =	vst v0  }
0x1b4: {  	v2 =	vld [tilespmem:s19+$0xC0]  }
0x1b5: {  	v4 =	vld [tilespmem:s19+$0xD0]  }
0x1b6: {  	v0 =	vld [tilespmem:s19+$0xA0]  }
0x1b7: {  	v5 =	vld [tilespmem:s19+$0x80]  }
0x1b8: {  	v7 =	vld [tilespmem:s19+$0x90]  }
0x1b9: {  	v8 =	vld [tilespmem:s19+$0x60]  }
0x1ba: {  	v9 =	vld [tilespmem:s19+$0x70]  }
0x1bb: {  	v1 =	vld [tilespmem:s19+$0x40]  }
0x1bc: {  	v10 =	vld [tilespmem:s19+$0x20]  }
0x1bd: {  	v11 =	vld [tilespmem:s19+$0x30]  }
0x1be: {  	v12 =	vld [tilespmem:s19+$0x0]  }
0x1bf: {  	v13 =	vld [tilespmem:s19+$0x10]  }
0x1c0: {  	v3 =	vld [tilespmem:s19+$0xFFFFFFE0]  }
0x1c1: {  	v14 =	vld [tilespmem:s19+$0xFFFFFFC0]  }
0x1c2: {  	v15 =	vld [tilespmem:s19+$0xFFFFFFD0]  }
0x1c3: {  	s14 =	sand.u32 $0x600, s21;
	v16 =	vld [tilespmem:s19+$0xFFFFFFA0]  }
0x1c4: {  	v17 =	vld [tilespmem:s14+$0x141C0]  }
0x1c5: {  	v18 =	vld [tilespmem:s14+$0x141D0]  }
0x1c6: {  	v19 =	vld [tilespmem:s19+$0xFFFFFFB0]  }
0x1c7: {  	v20 =	vld [tilespmem:s14+$0x14180]  }
0x1c8: {  	v21 =	vld [tilespmem:s14+$0x14190]  }
0x1c9: {  	v6 =	vld [tilespmem:s19+$0xFFFFFF80]  }
0x1ca: {  	v2 =	vmul.f32 v17, v2;
	v22 =	vld [tilespmem:s14+$0x14160];
	v4 =	vmul.f32 v18, v4  }
0x1cb: {  	v17 =	vld [tilespmem:s14+$0x14170]  }
0x1cc: {  	v18 =	vld [tilespmem:s19+$0xFFFFFF60];
	v2 =	vadd.f32 v4, v2  }
0x1cd: {  	v5 =	vmul.f32 v20, v5;
	v4 =	vld [tilespmem:s14+$0x14120];
	v7 =	vmul.f32 v21, v7  }
0x1ce: {  	v20 =	vld [tilespmem:s14+$0x14130];
	(xrf2) =	vadd.scan.msk.f32 $0xffff, v2  }
0x1cf: {  	v21 =	vld [tilespmem:s19+$0xFFFFFF70];
	v2 =	vadd.f32 v7, v5  }
0x1d0: {  	v7 =	vmul.f32 v22, v8;
	v5 =	vld [tilespmem:s14+$0x14100];
	v8 =	vmul.f32 v17, v9  }
0x1d1: {  	v9 =	vld [tilespmem:s14+$0x14110];
	(xrf2) =	vadd.scan.msk.f32 $0xffff, v2  }
0x1d2: {  	v17 =	vld [tilespmem:s19+$0xFFFFFF40];
	v2 =	vadd.f32 v8, v7  }
0x1d3: {  	v4 =	vmul.f32 v4, v10;
	v7 =	vld [tilespmem:s14+$0x140C0];
	v8 =	vmul.f32 v20, v11  }
0x1d4: {  	v10 =	vld [tilespmem:s14+$0x140D0];
	(xrf2) =	vadd.scan.msk.f32 $0xffff, v2  }
0x1d5: {  	v20 =	vld [tilespmem:s19+$0xFFFFFF50];
	v22 =	vadd.f32 v8, v4  }
0x1d6: {  	v4 =	vmul.f32 v5, v12;
	v11 =	vld [tilespmem:s14+$0x140A0];
	v5 =	vmul.f32 v9, v13  }
0x1d7: {  	v12 =	vld [tilespmem:s14+$0x140B0];
	(xrf2) =	vadd.scan.msk.f32 $0xffff, v22  }
0x1d8: {  	v8 =	vld [tilespmem:s19+$0xFFFFFF00];
	v22 =	vadd.f32 v5, v4;
	v2, _, _ =	vpop (xrf2)  }
0x1d9: {  	v5 =	vmul.f32 v7, v14;
	v13 =	vld [tilespmem:s14+$0x14060];
	v7 =	vmul.f32 v10, v15  }
0x1da: {  	v14 =	vld [tilespmem:s14+$0x14070];
	(xrf2) =	vadd.scan.msk.f32 $0xffff, v22  }
0x1db: {  	v9 =	vld [tilespmem:s19+$0xFFFFFF20];
	v15 =	vadd.f32 v7, v5;
	v4, _, _ =	vpop (xrf2)  }
0x1dc: {  	v7 =	vmul.f32 v11, v16;
	v22 =	vld [tilespmem:s14+$0x14040];
	v11 =	vmul.f32 v12, v19  }
0x1dd: {  	v19 =	vld [tilespmem:s14+$0x14050];
	(xrf2) =	vadd.scan.msk.f32 $0xffff, v15  }
.Ltmp0:
0x1de: {  	v10 =	vld [tilespmem:s19+$0xFFFFFF30];
	v16 =	vadd.f32 v11, v7;
	v5, _, _ =	vpop (xrf2);
	(pc) =	sbr.rel @p1 .LBB2_3-.Ltmp0, $4  }
0x1df: {  	v13 =	vmul.f32 v13, v18;
	v12 =	vld [tilespmem:s14+$0x14020];
	v15 =	vmul.f32 v14, v21  }
0x1e0: {  	v14 =	vld [tilespmem:s14+$0x14030];
	(xrf2) =	vadd.scan.msk.f32 $0xffff, v16  }
0x1e1: {  	v11 =	vld [tilespmem:s19+$0xFFFFFF10];
	v15 =	vadd.f32 v15, v13;
	v7, _, _ =	vpop (xrf2)  }
0x1e2: {  	s21 =	sadd.s32 $0x200, s21;
	v16 =	vmul.f32 v22, v17;
	v13 =	vld [tilespmem:s14+$0x14010];
	v17 =	vmul.f32 v19, v20  }
0x1e3: {  	v18 =	vld [tilespmem:s14+$0x14000]  }
0x1e4: {  	v19 =	vld [tilespmem:s19+$0xFFFFFF90]  }
0x1e5: {  	v20 =	vld [tilespmem:s14+$0x14080]  }
0x1e6: {  	v21 =	vld [tilespmem:s14+$0x14090]  }
0x1e7: {  	v9 =	vmul.f32 v12, v9;
	v12 =	vld [tilespmem:s19+$0xFFFFFFF0];
	v10 =	vmul.f32 v14, v10  }
0x1e8: {  	v14 =	vadd.f32 v17, v16;
	v11 =	vmul.f32 v13, v11;
	v13 =	vld [tilespmem:s14+$0x140E0]  }
0x1e9: {  	(xrf2) =	vadd.scan.msk.f32 $0xffff, v15;
	v9 =	vadd.f32 v10, v9;
	v10 =	vld [tilespmem:s14+$0x140F0];
	v8 =	vmul.f32 v18, v8  }
0x1ea: {  	(xrf2) =	vadd.scan.msk.f32 $0xffff, v14  }
0x1eb: {  	v15 =	vld [tilespmem:s14+$0x14150];
	v6 =	vmul.f32 v20, v6;
	(xrf2) =	vadd.scan.msk.f32 $0xffff, v9;
	v9 =	vmul.f32 v21, v19;
	v8 =	vadd.f32 v11, v8  }
0x1ec: {  	v11 =	vld [tilespmem:s19+$0x50]  }
0x1ed: {  	v6 =	vadd.f32 v9, v6;
	(xrf2) =	vadd.scan.msk.f32 $0xffff, v8;
	v8 =	vld [tilespmem:s19+$0xB0]  }
0x1ee: {  	v3 =	vmul.f32 v13, v3;
	v9 =	vmul.f32 v10, v12;
	v12 =	vld [tilespmem:s14+$0x141B0]  }
0x1ef: {  	v14 =	vld [tilespmem:s14+$0x14140]  }
0x1f0: {  	v10 =	vld [tilespmem:s14+$0x141A0];
	v3 =	vadd.f32 v9, v3  }
0x1f1: {  	(xrf2) =	vadd.scan.msk.f32 $0xffff, v6;
	v6, _, _ =	vpop (xrf2)  }
0x1f2: {  	v13, _, _ =	vpop (xrf2)  }
0x1f3: {  	v11 =	vmul.f32 v15, v11;
	v15, _, _ =	vpop (xrf2);
	v8 =	vmul.f32 v12, v8  }
0x1f4: {  	v1 =	vmul.f32 v14, v1;
	v14 =	vld [tilespmem:s14+$0x141E0];
	(xrf2) =	vadd.scan.msk.f32 $0xffff, v3;
	v3, _, _ =	vpop (xrf2)  }
0x1f5: {  	v9 =	vld [tilespmem:s19+$0xE0];
	v0 =	vmul.f32 v10, v0;
	v17, _, _ =	vpop (xrf2)  }
0x1f6: {  	v16 =	vld [tilespmem:s19+$0xF0];
	v1 =	vadd.f32 v11, v1;
	v10, _, _ =	vpop (xrf2)  }
0x1f7: {  	v11 =	vld [tilespmem:s14+$0x141F0];
	v0 =	vadd.f32 v8, v0;
	v8, _, _ =	vpop (xrf2)  }
0x1f8: {  	(xrf2) =	vadd.scan.msk.f32 $0xffff, v1;
	v8 =	vbroadcast v8, $0xF;
	_ =	sdelay $0x1  }
0x1f9: {  	v1 =	vmul.f32 v14, v9;
	v9 =	vbroadcast v10, $0xF  }
0x1fa: {  	v10 =	vbroadcast v17, $0xF;
	(xrf2) =	vadd.scan.msk.f32 $0xffff, v0  }
0x1fb: {  	v3 =	vbroadcast v3, $0xF;
	v11 =	vmul.f32 v11, v16;
	v0 =	vsel vm0, v8, v9;
	v8, _, _ =	vpop (xrf2)  }
0x1fc: {  	v0 =	vsel vm1, v0, v10;
	v8 =	vbroadcast v8, $0xF  }
0x1fd: {  	v1 =	vadd.f32 v11, v1;
	v0 =	vsel vm2, v0, v3;
	v3 =	vbroadcast v15, $0xF  }
0x1fe: {  	v9, _, _ =	vpop (xrf2);
	v0 =	vsel vm3, v0, v8;
	v8 =	vbroadcast v13, $0xF  }
0x1ff: {  	(xrf2) =	vadd.scan.msk.f32 $0xffff, v1;
	v1 =	vbroadcast v9, $0xF;
	v0 =	vsel vm4, v0, v3  }
0x200: {  	v3 =	vbroadcast v6, $0xF;
	v0 =	vsel vm5, v0, v8  }
0x201: {  	v6, _, _ =	vpop (xrf2);
	v0 =	vsel vm6, v0, v1;
	v1 =	vbroadcast v7, $0xF  }
0x202: {  	v0 =	vsel vm7, v0, v3;
	v3 =	vbroadcast v6, $0xF  }
0x203: {  	v0 =	vsel vm8, v0, v1;
	v1 =	vbroadcast v5, $0xF  }
0x204: {  	v0 =	vsel vm9, v0, v3;
	v3 =	vbroadcast v4, $0xF;
	v4, _, _ =	vpop (xrf2)  }
0x205: {  	v0 =	vsel vm10, v0, v1;
	v1 =	vbroadcast v4, $0xF  }
0x206: {  	v4 =	vld [tilespmem:s14+$0x14800]  }
0x207: {  	v2 =	vbroadcast v2, $0xF;
	v0 =	vsel vm11, v0, v3  }
0x208: {  	v0 =	vsel vm12, v0, v1  }
0x209: {  	v0 =	vsel vm13, v0, v2;
	v1, _, _ =	vpop (xrf2)  }
0x20a: {  	s12 =	sadd.s32 $0x10, s12;
	s23 =	sadd.s32 $0x80, s20;
	v0 =	vsel vm14, v0, v1  }
0x20b: {  	s12 =	sand.u32 $0x70, s12;
	s19 =	sand.u32 $0xC00, s23;
	v1 =	vmul.f32 v0, v4  }
0x20c: {  	s12 =	sor.u32 s12, s19  }
0x20d: {  	[tilespmem:s12+$0xC000] =	vst v1  }
0x20e: {  	v1 =	vld [tilespmem:s14+$0x14810];
	_ =	sdelay $0x4  }
0x20f: {  	v1 =	vmul.f32 v0, v1;
	_ =	sdelay $0x1  }
0x210: {  	[tilespmem:s12+$0xC080] =	vst v1  }
0x211: {  	v1 =	vld [tilespmem:s14+$0x14820];
	_ =	sdelay $0x4  }
0x212: {  	v1 =	vmul.f32 v0, v1;
	_ =	sdelay $0x1  }
0x213: {  	[tilespmem:s12+$0xC100] =	vst v1  }
0x214: {  	v1 =	vld [tilespmem:s14+$0x14830];
	_ =	sdelay $0x4  }
0x215: {  	v1 =	vmul.f32 v1, v0;
	_ =	sdelay $0x1  }
0x216: {  	[tilespmem:s12+$0xC180] =	vst v1  }
0x217: {  	v1 =	vld [tilespmem:s14+$0x14840];
	_ =	sdelay $0x4  }
0x218: {  	v1 =	vmul.f32 v1, v0;
	_ =	sdelay $0x1  }
0x219: {  	[tilespmem:s12+$0xC200] =	vst v1  }
0x21a: {  	v1 =	vld [tilespmem:s14+$0x14850];
	_ =	sdelay $0x4  }
0x21b: {  	v1 =	vmul.f32 v1, v0;
	_ =	sdelay $0x1  }
0x21c: {  	[tilespmem:s12+$0xC280] =	vst v1  }
0x21d: {  	v1 =	vld [tilespmem:s14+$0x14860];
	_ =	sdelay $0x4  }
0x21e: {  	v1 =	vmul.f32 v1, v0;
	_ =	sdelay $0x1  }
0x21f: {  	[tilespmem:s12+$0xC300] =	vst v1  }
0x220: {  	v1 =	vld [tilespmem:s14+$0x14870];
	_ =	sdelay $0x4  }
0x221: {  	v1 =	vmul.f32 v1, v0;
	_ =	sdelay $0x1  }
0x222: {  	[tilespmem:s12+$0xC380] =	vst v1  }
0x223: {  	v1 =	vld [tilespmem:s14+$0x14880];
	_ =	sdelay $0x4  }
0x224: {  	v1 =	vmul.f32 v1, v0;
	_ =	sdelay $0x1  }
0x225: {  	[tilespmem:s12+$0xD000] =	vst v1  }
0x226: {  	v1 =	vld [tilespmem:s14+$0x14890];
	_ =	sdelay $0x4  }
0x227: {  	v1 =	vmul.f32 v1, v0;
	_ =	sdelay $0x1  }
0x228: {  	[tilespmem:s12+$0xD080] =	vst v1  }
0x229: {  	v1 =	vld [tilespmem:s14+$0x148A0];
	_ =	sdelay $0x4  }
0x22a: {  	v1 =	vmul.f32 v1, v0;
	_ =	sdelay $0x1  }
0x22b: {  	[tilespmem:s12+$0xD100] =	vst v1  }
0x22c: {  	v1 =	vld [tilespmem:s14+$0x148B0];
	_ =	sdelay $0x4  }
0x22d: {  	v1 =	vmul.f32 v1, v0;
	_ =	sdelay $0x1  }
0x22e: {  	[tilespmem:s12+$0xD180] =	vst v1  }
0x22f: {  	v1 =	vld [tilespmem:s14+$0x148C0];
	_ =	sdelay $0x4  }
0x230: {  	v1 =	vmul.f32 v1, v0;
	_ =	sdelay $0x1  }
0x231: {  	[tilespmem:s12+$0xD200] =	vst v1  }
0x232: {  	v1 =	vld [tilespmem:s14+$0x148D0];
	_ =	sdelay $0x4  }
0x233: {  	v1 =	vmul.f32 v1, v0;
	_ =	sdelay $0x1  }
0x234: {  	[tilespmem:s12+$0xD280] =	vst v1  }
0x235: {  	v1 =	vld [tilespmem:s14+$0x148E0];
	_ =	sdelay $0x4  }
0x236: {  	v1 =	vmul.f32 v1, v0;
	_ =	sdelay $0x1  }
0x237: {  	[tilespmem:s12+$0xD300] =	vst v1  }
0x238: {  	v1 =	vld [tilespmem:s14+$0x148F0];
	_ =	sdelay $0x4  }
0x239: {  	v1 =	vmul.f32 v1, v0;
	_ =	sdelay $0x1  }
0x23a: {  	[tilespmem:s12+$0xD380] =	vst v1  }
0x23b: {  	v1 =	vld [tilespmem:s14+$0x14900];
	_ =	sdelay $0x4  }
0x23c: {  	v1 =	vmul.f32 v1, v0;
	_ =	sdelay $0x1  }
0x23d: {  	[tilespmem:s12+$0xE000] =	vst v1  }
0x23e: {  	v1 =	vld [tilespmem:s14+$0x14910];
	_ =	sdelay $0x4  }
0x23f: {  	v1 =	vmul.f32 v1, v0;
	_ =	sdelay $0x1  }
0x240: {  	[tilespmem:s12+$0xE080] =	vst v1  }
0x241: {  	v1 =	vld [tilespmem:s14+$0x14920];
	_ =	sdelay $0x4  }
0x242: {  	v1 =	vmul.f32 v1, v0;
	_ =	sdelay $0x1  }
0x243: {  	[tilespmem:s12+$0xE100] =	vst v1  }
0x244: {  	v1 =	vld [tilespmem:s14+$0x14930];
	_ =	sdelay $0x4  }
0x245: {  	v1 =	vmul.f32 v1, v0;
	_ =	sdelay $0x1  }
0x246: {  	[tilespmem:s12+$0xE180] =	vst v1  }
0x247: {  	v1 =	vld [tilespmem:s14+$0x14940];
	_ =	sdelay $0x4  }
0x248: {  	v1 =	vmul.f32 v1, v0;
	_ =	sdelay $0x1  }
0x249: {  	[tilespmem:s12+$0xE200] =	vst v1  }
0x24a: {  	v1 =	vld [tilespmem:s14+$0x14950];
	_ =	sdelay $0x4  }
0x24b: {  	v1 =	vmul.f32 v1, v0;
	_ =	sdelay $0x1  }
0x24c: {  	[tilespmem:s12+$0xE280] =	vst v1  }
0x24d: {  	v1 =	vld [tilespmem:s14+$0x14960];
	_ =	sdelay $0x4  }
0x24e: {  	v1 =	vmul.f32 v1, v0;
	_ =	sdelay $0x1  }
0x24f: {  	[tilespmem:s12+$0xE300] =	vst v1  }
0x250: {  	v1 =	vld [tilespmem:s14+$0x14970];
	_ =	sdelay $0x4  }
0x251: {  	v1 =	vmul.f32 v1, v0;
	_ =	sdelay $0x1  }
0x252: {  	[tilespmem:s12+$0xE380] =	vst v1  }
0x253: {  	v1 =	vld [tilespmem:s14+$0x14980];
	_ =	sdelay $0x4  }
0x254: {  	v1 =	vmul.f32 v1, v0;
	_ =	sdelay $0x1  }
0x255: {  	[tilespmem:s12+$0xF000] =	vst v1  }
0x256: {  	v1 =	vld [tilespmem:s14+$0x14990];
	_ =	sdelay $0x4  }
0x257: {  	v1 =	vmul.f32 v1, v0;
	_ =	sdelay $0x1  }
0x258: {  	[tilespmem:s12+$0xF080] =	vst v1  }
0x259: {  	v1 =	vld [tilespmem:s14+$0x149A0];
	_ =	sdelay $0x4  }
0x25a: {  	v1 =	vmul.f32 v1, v0;
	_ =	sdelay $0x1  }
0x25b: {  	[tilespmem:s12+$0xF100] =	vst v1  }
0x25c: {  	v1 =	vld [tilespmem:s14+$0x149B0];
	_ =	sdelay $0x4  }
0x25d: {  	v1 =	vmul.f32 v1, v0;
	_ =	sdelay $0x1  }
0x25e: {  	[tilespmem:s12+$0xF180] =	vst v1  }
0x25f: {  	v1 =	vld [tilespmem:s14+$0x149C0];
	_ =	sdelay $0x4  }
0x260: {  	v1 =	vmul.f32 v1, v0;
	_ =	sdelay $0x1  }
0x261: {  	[tilespmem:s12+$0xF200] =	vst v1  }
0x262: {  	v1 =	vld [tilespmem:s14+$0x149D0];
	_ =	sdelay $0x4  }
0x263: {  	v1 =	vmul.f32 v1, v0;
	_ =	sdelay $0x1  }
0x264: {  	[tilespmem:s12+$0xF280] =	vst v1  }
0x265: {  	v1 =	vld [tilespmem:s14+$0x149E0];
	_ =	sdelay $0x4  }
0x266: {  	v1 =	vmul.f32 v1, v0;
	_ =	sdelay $0x1  }
0x267: {  	[tilespmem:s12+$0xF300] =	vst v1  }
0x268: {  	v1 =	vld [tilespmem:s14+$0x149F0];
	_ =	sdelay $0x4  }
0x269: {  	s8 =	sor.u32 s6, s8;
	v0 =	vmul.f32 v1, v0  }
0x26a: {  	s8 =	sshll.u32 s8, $0x7  }
0x26b: {  	s24 =	sadd.s32 s1, s8;
	[tilespmem:s12+$0xF380] =	vst v0  }
0x26c: {  	[hbm4b:s24+s3] =	stream.linear.scatter [tilespmem:s29], [sflag:$0x3], $0x1000, $0x38;
	[tilespmem:$0x15000] =	vst v63  }
0x26d: {  	s14 =	sadd.s32 s8, s9  }
0x26e: {  	[hbm4b:s14+s3] =	stream.linear.scatter [tilespmem:s30], [sflag:$0x3], $0x1000, $0x38;
	[tilespmem:$0x15000] =	vst v63  }
0x26f: {  	s19 =	sadd.s32 s8, s10  }
0x270: {  	[hbm4b:s19+s3] =	stream.linear.scatter [tilespmem:s31], [sflag:$0x3], $0x1000, $0x38;
	[tilespmem:$0x15000] =	vst v63  }
0x271: {  	p1 =	seq.s32 s22, $0xF;
	s8 =	sadd.s32 s8, s11  }
0x272: {  	[hbm4b:s8+s3] =	stream.linear.scatter [tilespmem:s0], [sflag:$0x3], $0x1000, $0x38;
	[tilespmem:$0x15000] =	vst v63  }
0x273: {  	s12 =	simm.s32 @!p1 $0x80;
	s14 =	simm.s32 @!p1 $0x4000;
	s8 =	sadd.s32 @!p1 $0x400, s7  }
0x274: {  	[tilespmem:s14], [sflag:$0x1] =	stream.indirect.gather @!p1 [hbm4b:s4+s12], $0x20, s8, s12, $0xb8;
	[tilespmem:$0x15000] =	vst v63  }
0x275: {  	s8 =	sadd.s32 @!p1 $0x480, s7;
	s14 =	simm.s32 @!p1 $0x5000  }
0x276: {  	[tilespmem:s14], [sflag:$0x1] =	stream.indirect.gather @!p1 [hbm4b:s4+s12], $0x20, s8, s12, $0xb8;
	[tilespmem:$0x15000] =	vst v63  }
0x277: {  	s8 =	sadd.s32 @!p1 $0x500, s7;
	s14 =	simm.s32 @!p1 $0x6000  }
0x278: {  	[tilespmem:s14], [sflag:$0x1] =	stream.indirect.gather @!p1 [hbm4b:s4+s12], $0x20, s8, s12, $0xb8;
	[tilespmem:$0x15000] =	vst v63  }
0x279: {  	s7 =	sadd.s32 @!p1 $0x580, s7;
	s8 =	simm.s32 @!p1 $0x7000  }
0x27a: {  	[tilespmem:s8], [sflag:$0x1] =	stream.indirect.gather @!p1 [hbm4b:s4+s12], $0x20, s7, s12, $0xb8;
	[tilespmem:$0x15000] =	vst v63  }
0x27b: {  	_ =	swait.ge [sflag:s2], $0x1000  }
0x27c: {  	[sflag:s2] =	ssyncset.done $0x0  }
0x27d: {  	[sflag:s2] =	ssyncadd.s32 $0xFFFFF000  }
0x27e: {  	_ =	swait.ge [sflag:s2], $0x1000  }
0x27f: {  	[sflag:s2] =	ssyncset.done $0x0  }
0x280: {  	[sflag:s2] =	ssyncadd.s32 $0xFFFFF000  }
0x281: {  	_ =	swait.ge [sflag:s2], $0x1000  }
0x282: {  	[sflag:s2] =	ssyncset.done $0x0  }
0x283: {  	[sflag:s2] =	ssyncadd.s32 $0xFFFFF000  }
0x284: {  	_ =	swait.ge [sflag:s2], $0x1000  }
0x285: {  	[sflag:s2] =	ssyncset.done $0x0  }
0x286: {  	s7 =	simm.s32 @!p0 $0x4;
	[sflag:s2] =	ssyncadd.s32 $0xFFFFF000  }
0x287: {  	_ =	swait.ge @!p0 [sflag:s7], $0x1000  }
0x288: {  	[sflag:s7] =	ssyncset.done @!p0 $0x0  }
0x289: {  	[sflag:s7] =	ssyncadd.s32 @!p0 $0xFFFFF000  }
0x28a: {  	_ =	swait.ge @!p0 [sflag:s7], $0x1000  }
0x28b: {  	[sflag:s7] =	ssyncset.done @!p0 $0x0  }
0x28c: {  	[sflag:s7] =	ssyncadd.s32 @!p0 $0xFFFFF000  }
0x28d: {  	_ =	swait.ge @!p0 [sflag:s7], $0x1000  }
0x28e: {  	[sflag:s7] =	ssyncset.done @!p0 $0x0  }
0x28f: {  	[sflag:s7] =	ssyncadd.s32 @!p0 $0xFFFFF000  }
0x290: {  	_ =	swait.ge @!p0 [sflag:s7], $0x1000  }
0x291: {  	[sflag:s7] =	ssyncset.done @!p0 $0x0  }
0x292: {  	s20 =	simm.s32 $0x0;
	[sflag:s7] =	ssyncadd.s32 @!p0 $0xFFFFF000  }
0x293: {  	v0 =	vld [tilespmem:s20+$0x81C0]  }
0x294: {  	v1 =	vld [tilespmem:s20+$0x81D0]  }
0x295: {  	v5 =	vld [tilespmem:s20+$0x8180]  }
0x296: {  	v6 =	vld [tilespmem:s20+$0x8190]  }
0x297: {  	v9 =	vld [tilespmem:s20+$0x8160]  }
0x298: {  	v10 =	vld [tilespmem:s20+$0x8170]  }
0x299: {  	v13 =	vld [tilespmem:s20+$0x8140]  }
0x29a: {  	v14 =	vld [tilespmem:s20+$0x8120]  }
0x29b: {  	v15 =	vld [tilespmem:s20+$0x8130]  }
0x29c: {  	v18 =	vld [tilespmem:s20+$0x8100]  }
0x29d: {  	v19 =	vld [tilespmem:s20+$0x8110]  }
0x29e: {  	v22 =	vld [tilespmem:s20+$0x80E0]  }
0x29f: {  	v23 =	vld [tilespmem:s20+$0x80C0]  }
0x2a0: {  	v24 =	vld [tilespmem:s20+$0x80D0]  }
0x2a1: {  	v27 =	vld [tilespmem:s20+$0x80A0]  }
0x2a2: {  	v28 =	vld [tilespmem:s20+$0x80B0]  }
0x2a3: {  	v31 =	vld [tilespmem:s20+$0x8080]  }
0x2a4: {  	v32 =	vld [tilespmem:s20+$0x8060]  }
0x2a5: {  	v33 =	vld [tilespmem:s20+$0x8070]  }
0x2a6: {  	v36 =	vld [tilespmem:s20+$0x8040]  }
0x2a7: {  	v37 =	vld [tilespmem:s20+$0x8050]  }
0x2a8: {  	s7 =	simm.s32 $0x0;
	v40 =	vld [tilespmem:s20+$0x8000]  }
0x2a9: {  	s21 =	sand.u32 $0x600, s7;
	v41 =	vld [tilespmem:s20+$0x8020]  }
0x2aa: {  	v2 =	vld [tilespmem:s21+$0x141C0]  }
0x2ab: {  	v3 =	vld [tilespmem:s21+$0x141D0]  }
0x2ac: {  	v7 =	vld [tilespmem:s21+$0x14180]  }
0x2ad: {  	v8 =	vld [tilespmem:s21+$0x14190]  }
0x2ae: {  	v11 =	vld [tilespmem:s21+$0x14160]  }
0x2af: {  	v12 =	vld [tilespmem:s21+$0x14170]  }
0x2b0: {  	v16 =	vld [tilespmem:s21+$0x14120]  }
0x2b1: {  	v17 =	vld [tilespmem:s21+$0x14130]  }
0x2b2: {  	v52 =	vld [tilespmem:s21+$0x14100]  }
0x2b3: {  	v53 =	vld [tilespmem:s21+$0x14110]  }
0x2b4: {  	v25 =	vld [tilespmem:s21+$0x140C0]  }
0x2b5: {  	v26 =	vld [tilespmem:s21+$0x140D0]  }
0x2b6: {  	v29 =	vld [tilespmem:s21+$0x140A0]  }
0x2b7: {  	v30 =	vld [tilespmem:s21+$0x140B0]  }
0x2b8: {  	v34 =	vld [tilespmem:s21+$0x14060]  }
0x2b9: {  	v35 =	vld [tilespmem:s21+$0x14070]  }
0x2ba: {  	v38 =	vld [tilespmem:s21+$0x14040]  }
0x2bb: {  	v39 =	vld [tilespmem:s21+$0x14050]  }
0x2bc: {  	v0 =	vmul.f32 v2, v0;
	v1 =	vmul.f32 v3, v1;
	v2 =	vld [tilespmem:s20+$0x8030]  }
0x2bd: {  	v3 =	vmul.f32 v7, v5;
	v5 =	vmul.f32 v8, v6;
	v6 =	vld [tilespmem:s21+$0x14020]  }
0x2be: {  	v7 =	vmul.f32 v12, v10;
	v8 =	vld [tilespmem:s21+$0x14030];
	v0 =	vadd.f32 v1, v0;
	v1 =	vmul.f32 v11, v9  }
0x2bf: {  	v10 =	vld [tilespmem:s20+$0x8010];
	v3 =	vadd.f32 v5, v3;
	v5 =	vmul.f32 v16, v14;
	v9 =	vmul.f32 v17, v15  }
0x2c0: {  	v12 =	vld [tilespmem:s21+$0x14000];
	(xrf2) =	vadd.scan.msk.f32 $0xffff, v0;
	v0 =	vadd.f32 v7, v1;
	v1 =	vmul.f32 v52, v18;
	v7 =	vmul.f32 v53, v19  }
0x2c1: {  	v11 =	vld [tilespmem:s21+$0x14010];
	(xrf2) =	vadd.scan.msk.f32 $0xffff, v3;
	v3 =	vadd.f32 v9, v5;
	v5 =	vmul.f32 v25, v23;
	v9 =	vmul.f32 v26, v24  }
0x2c2: {  	v14 =	vld [tilespmem:s20+$0x8090];
	(xrf2) =	vadd.scan.msk.f32 $0xffff, v0;
	v0 =	vadd.f32 v7, v1;
	v1 =	vmul.f32 v29, v27;
	v7 =	vmul.f32 v30, v28  }
0x2c3: {  	v15 =	vld [tilespmem:s21+$0x14080];
	(xrf2) =	vadd.scan.msk.f32 $0xffff, v3;
	v3 =	vadd.f32 v9, v5;
	v5 =	vmul.f32 v34, v32;
	v9 =	vmul.f32 v35, v33  }
0x2c4: {  	v16 =	vld [tilespmem:s21+$0x14090];
	(xrf2) =	vadd.scan.msk.f32 $0xffff, v0;
	v0 =	vadd.f32 v7, v1;
	v1 =	vmul.f32 v38, v36;
	v7 =	vmul.f32 v39, v37  }
0x2c5: {  	v2 =	vmul.f32 v8, v2;
	v8 =	vld [tilespmem:s21+$0x140E0];
	(xrf2) =	vadd.scan.msk.f32 $0xffff, v3;
	v3 =	vadd.f32 v9, v5;
	v5 =	vmul.f32 v6, v41  }
0x2c6: {  	v6 =	vld [tilespmem:s20+$0x80F0];
	(xrf2) =	vadd.scan.msk.f32 $0xffff, v0;
	v0 =	vadd.f32 v7, v1;
	v1 =	vmul.f32 v12, v40;
	v7 =	vmul.f32 v11, v10  }
0x2c7: {  	(xrf2) =	vadd.scan.msk.f32 $0xffff, v3;
	v2 =	vadd.f32 v2, v5;
	v3 =	vld [tilespmem:s21+$0x140F0]  }
0x2c8: {  	v10 =	vld [tilespmem:s21+$0x14150];
	(xrf2) =	vadd.scan.msk.f32 $0xffff, v0;
	v0 =	vadd.f32 v7, v1  }
0x2c9: {  	v5 =	vmul.f32 v16, v14;
	v14 =	vld [tilespmem:s21+$0x141B0];
	(xrf2) =	vadd.scan.msk.f32 $0xffff, v2;
	v2 =	vmul.f32 v15, v31  }
0x2ca: {  	v1 =	vld [tilespmem:s20+$0x8150]  }
0x2cb: {  	v7 =	vld [tilespmem:s21+$0x14140];
	v9, _, _ =	vpop (xrf2);
	(xrf2) =	vadd.scan.msk.f32 $0xffff, v0;
	v2 =	vadd.f32 v5, v2  }
0x2cc: {  	v8 =	vmul.f32 v8, v22;
	v5 =	vld [tilespmem:s20+$0x81B0];
	v0, _, _ =	vpop (xrf2);
	v3 =	vmul.f32 v3, v6  }
0x2cd: {  	v4 =	vld [tilespmem:s20+$0x81A0];
	v11, _, _ =	vpop (xrf2)  }
0x2ce: {  	v6 =	vld [tilespmem:s21+$0x141A0];
	v12, _, _ =	vpop (xrf2);
	v3 =	vadd.f32 v3, v8  }
0x2cf: {  	(xrf2) =	vadd.scan.msk.f32 $0xffff, v2;
	v2, _, _ =	vpop (xrf2)  }
0x2d0: {  	v7 =	vmul.f32 v7, v13;
	v15, _, _ =	vpop (xrf2)  }
0x2d1: {  	v1 =	vmul.f32 v10, v1;
	v5 =	vmul.f32 v14, v5;
	v13, _, _ =	vpop (xrf2)  }
0x2d2: {  	v16 =	vld [tilespmem:s20+$0x81F0];
	(xrf2) =	vadd.scan.msk.f32 $0xffff, v3;
	v3, _, _ =	vpop (xrf2)  }
0x2d3: {  	v10 =	vld [tilespmem:s21+$0x141E0];
	v1 =	vadd.f32 v1, v7;
	v4 =	vmul.f32 v6, v4;
	v17, _, _ =	vpop (xrf2)  }
0x2d4: {  	v8 =	vld [tilespmem:s20+$0x81E0];
	v6, _, _ =	vpop (xrf2)  }
0x2d5: {  	v7 =	vld [tilespmem:s21+$0x141F0];
	(xrf2) =	vadd.scan.msk.f32 $0xffff, v1;
	v1 =	vadd.f32 v5, v4;
	v5, _, _ =	vpop (xrf2)  }
0x2d6: {  	v5 =	vbroadcast v5, $0xF;
	_ =	sdelay $0x1  }
0x2d7: {  	v6 =	vbroadcast v6, $0xF  }
0x2d8: {  	v4 =	vmul.f32 v10, v8;
	v8 =	vbroadcast v17, $0xF  }
0x2d9: {  	v3 =	vbroadcast v3, $0xF;
	v7 =	vmul.f32 v7, v16;
	(xrf2) =	vadd.scan.msk.f32 $0xffff, v1;
	v1 =	vsel vm0, v5, v6;
	v5, _, _ =	vpop (xrf2)  }
0x2da: {  	v1 =	vsel vm1, v1, v8;
	v5 =	vbroadcast v5, $0xF  }
0x2db: {  	v4 =	vadd.f32 v7, v4;
	v1 =	vsel vm2, v1, v3;
	v3 =	vbroadcast v13, $0xF  }
0x2dc: {  	v6, _, _ =	vpop (xrf2);
	v1 =	vsel vm3, v1, v5;
	v5 =	vbroadcast v15, $0xF  }
0x2dd: {  	v1 =	vsel vm4, v1, v3;
	v3 =	vbroadcast v6, $0xF  }
0x2de: {  	v2 =	vbroadcast v2, $0xF;
	(xrf2) =	vadd.scan.msk.f32 $0xffff, v4;
	v1 =	vsel vm5, v1, v5  }
0x2df: {  	v4, _, _ =	vpop (xrf2);
	v1 =	vsel vm6, v1, v3;
	v3 =	vbroadcast v12, $0xF  }
0x2e0: {  	v1 =	vsel vm7, v1, v2;
	v2 =	vbroadcast v4, $0xF  }
0x2e1: {  	v1 =	vsel vm8, v1, v3;
	v3 =	vbroadcast v11, $0xF  }
0x2e2: {  	v0 =	vbroadcast v0, $0xF;
	v1 =	vsel vm9, v1, v2  }
0x2e3: {  	v1 =	vsel vm10, v1, v3  }
0x2e4: {  	v2, _, _ =	vpop (xrf2);
	v0 =	vsel vm11, v1, v0;
	v1 =	vbroadcast v9, $0xF  }
0x2e5: {  	v3 =	vld [tilespmem:s21+$0x14800];
	v2 =	vbroadcast v2, $0xF;
	_ =	sdelay $0x1  }
0x2e6: {  	v0 =	vsel vm12, v0, v2  }
0x2e7: {  	v0 =	vsel vm13, v0, v1;
	v1, _, _ =	vpop (xrf2)  }
0x2e8: {  	v0 =	vsel vm14, v0, v1  }
0x2e9: {  	s23 =	sand.u32 $0x70, s7;
	s24 =	sand.u32 $0xC00, s7;
	v1 =	vmul.f32 v0, v3  }
0x2ea: {  	s12 =	sor.u32 s23, s24  }
0x2eb: {  	[tilespmem:s12+$0x10000] =	vst v1  }
0x2ec: {  	v1 =	vld [tilespmem:s21+$0x14810];
	_ =	sdelay $0x4  }
0x2ed: {  	v1 =	vmul.f32 v0, v1;
	_ =	sdelay $0x1  }
0x2ee: {  	[tilespmem:s12+$0x10080] =	vst v1  }
0x2ef: {  	v1 =	vld [tilespmem:s21+$0x14820];
	_ =	sdelay $0x4  }
0x2f0: {  	v1 =	vmul.f32 v0, v1;
	_ =	sdelay $0x1  }
0x2f1: {  	[tilespmem:s12+$0x10100] =	vst v1  }
0x2f2: {  	v1 =	vld [tilespmem:s21+$0x14830];
	_ =	sdelay $0x4  }
0x2f3: {  	v1 =	vmul.f32 v1, v0;
	_ =	sdelay $0x1  }
0x2f4: {  	[tilespmem:s12+$0x10180] =	vst v1  }
0x2f5: {  	v1 =	vld [tilespmem:s21+$0x14840];
	_ =	sdelay $0x4  }
0x2f6: {  	v1 =	vmul.f32 v1, v0;
	_ =	sdelay $0x1  }
0x2f7: {  	[tilespmem:s12+$0x10200] =	vst v1  }
0x2f8: {  	v1 =	vld [tilespmem:s21+$0x14850];
	_ =	sdelay $0x4  }
0x2f9: {  	v1 =	vmul.f32 v1, v0;
	_ =	sdelay $0x1  }
0x2fa: {  	[tilespmem:s12+$0x10280] =	vst v1  }
0x2fb: {  	v1 =	vld [tilespmem:s21+$0x14860];
	_ =	sdelay $0x4  }
0x2fc: {  	v1 =	vmul.f32 v1, v0;
	_ =	sdelay $0x1  }
0x2fd: {  	[tilespmem:s12+$0x10300] =	vst v1  }
0x2fe: {  	v1 =	vld [tilespmem:s21+$0x14870];
	_ =	sdelay $0x4  }
0x2ff: {  	v1 =	vmul.f32 v1, v0;
	_ =	sdelay $0x1  }
0x300: {  	[tilespmem:s12+$0x10380] =	vst v1  }
0x301: {  	v1 =	vld [tilespmem:s21+$0x14880];
	_ =	sdelay $0x4  }
0x302: {  	v1 =	vmul.f32 v1, v0;
	_ =	sdelay $0x1  }
0x303: {  	[tilespmem:s12+$0x11000] =	vst v1  }
0x304: {  	v1 =	vld [tilespmem:s21+$0x14890];
	_ =	sdelay $0x4  }
0x305: {  	v1 =	vmul.f32 v1, v0;
	_ =	sdelay $0x1  }
0x306: {  	[tilespmem:s12+$0x11080] =	vst v1  }
0x307: {  	v1 =	vld [tilespmem:s21+$0x148A0];
	_ =	sdelay $0x4  }
0x308: {  	v1 =	vmul.f32 v1, v0;
	_ =	sdelay $0x1  }
0x309: {  	[tilespmem:s12+$0x11100] =	vst v1  }
0x30a: {  	v1 =	vld [tilespmem:s21+$0x148B0];
	_ =	sdelay $0x4  }
0x30b: {  	v1 =	vmul.f32 v1, v0;
	_ =	sdelay $0x1  }
0x30c: {  	[tilespmem:s12+$0x11180] =	vst v1  }
0x30d: {  	v1 =	vld [tilespmem:s21+$0x148C0];
	_ =	sdelay $0x4  }
0x30e: {  	v1 =	vmul.f32 v1, v0;
	_ =	sdelay $0x1  }
0x30f: {  	[tilespmem:s12+$0x11200] =	vst v1  }
0x310: {  	v1 =	vld [tilespmem:s21+$0x148D0];
	_ =	sdelay $0x4  }
0x311: {  	v1 =	vmul.f32 v1, v0;
	_ =	sdelay $0x1  }
0x312: {  	[tilespmem:s12+$0x11280] =	vst v1  }
0x313: {  	v1 =	vld [tilespmem:s21+$0x148E0];
	_ =	sdelay $0x4  }
0x314: {  	v1 =	vmul.f32 v1, v0;
	_ =	sdelay $0x1  }
0x315: {  	[tilespmem:s12+$0x11300] =	vst v1  }
0x316: {  	v1 =	vld [tilespmem:s21+$0x148F0];
	_ =	sdelay $0x4  }
0x317: {  	v1 =	vmul.f32 v1, v0;
	_ =	sdelay $0x1  }
0x318: {  	[tilespmem:s12+$0x11380] =	vst v1  }
0x319: {  	v1 =	vld [tilespmem:s21+$0x14900];
	_ =	sdelay $0x4  }
0x31a: {  	v1 =	vmul.f32 v1, v0;
	_ =	sdelay $0x1  }
0x31b: {  	[tilespmem:s12+$0x12000] =	vst v1  }
0x31c: {  	v1 =	vld [tilespmem:s21+$0x14910];
	_ =	sdelay $0x4  }
0x31d: {  	v1 =	vmul.f32 v1, v0;
	_ =	sdelay $0x1  }
0x31e: {  	[tilespmem:s12+$0x12080] =	vst v1  }
0x31f: {  	v1 =	vld [tilespmem:s21+$0x14920];
	_ =	sdelay $0x4  }
0x320: {  	v1 =	vmul.f32 v1, v0;
	_ =	sdelay $0x1  }
0x321: {  	[tilespmem:s12+$0x12100] =	vst v1  }
0x322: {  	v1 =	vld [tilespmem:s21+$0x14930];
	_ =	sdelay $0x4  }
0x323: {  	v1 =	vmul.f32 v1, v0;
	_ =	sdelay $0x1  }
0x324: {  	[tilespmem:s12+$0x12180] =	vst v1  }
0x325: {  	v1 =	vld [tilespmem:s21+$0x14940];
	_ =	sdelay $0x4  }
0x326: {  	v1 =	vmul.f32 v1, v0;
	_ =	sdelay $0x1  }
0x327: {  	[tilespmem:s12+$0x12200] =	vst v1  }
0x328: {  	v1 =	vld [tilespmem:s21+$0x14950];
	_ =	sdelay $0x4  }
0x329: {  	v1 =	vmul.f32 v1, v0;
	_ =	sdelay $0x1  }
0x32a: {  	[tilespmem:s12+$0x12280] =	vst v1  }
0x32b: {  	v1 =	vld [tilespmem:s21+$0x14960];
	_ =	sdelay $0x4  }
0x32c: {  	v1 =	vmul.f32 v1, v0;
	_ =	sdelay $0x1  }
0x32d: {  	[tilespmem:s12+$0x12300] =	vst v1  }
0x32e: {  	v1 =	vld [tilespmem:s21+$0x14970];
	_ =	sdelay $0x4  }
0x32f: {  	v1 =	vmul.f32 v1, v0;
	_ =	sdelay $0x1  }
0x330: {  	[tilespmem:s12+$0x12380] =	vst v1  }
0x331: {  	v1 =	vld [tilespmem:s21+$0x14980];
	_ =	sdelay $0x4  }
0x332: {  	v1 =	vmul.f32 v1, v0;
	_ =	sdelay $0x1  }
0x333: {  	[tilespmem:s12+$0x13000] =	vst v1  }
0x334: {  	v1 =	vld [tilespmem:s21+$0x14990];
	_ =	sdelay $0x4  }
0x335: {  	v1 =	vmul.f32 v1, v0;
	_ =	sdelay $0x1  }
0x336: {  	[tilespmem:s12+$0x13080] =	vst v1  }
0x337: {  	v1 =	vld [tilespmem:s21+$0x149A0];
	_ =	sdelay $0x4  }
0x338: {  	v1 =	vmul.f32 v1, v0;
	_ =	sdelay $0x1  }
0x339: {  	[tilespmem:s12+$0x13100] =	vst v1  }
0x33a: {  	v1 =	vld [tilespmem:s21+$0x149B0];
	_ =	sdelay $0x4  }
0x33b: {  	v1 =	vmul.f32 v1, v0;
	_ =	sdelay $0x1  }
0x33c: {  	[tilespmem:s12+$0x13180] =	vst v1  }
0x33d: {  	v1 =	vld [tilespmem:s21+$0x149C0];
	_ =	sdelay $0x4  }
0x33e: {  	v1 =	vmul.f32 v1, v0;
	_ =	sdelay $0x1  }
0x33f: {  	[tilespmem:s12+$0x13200] =	vst v1  }
0x340: {  	v1 =	vld [tilespmem:s21+$0x149D0];
	_ =	sdelay $0x4  }
0x341: {  	v1 =	vmul.f32 v1, v0;
	_ =	sdelay $0x1  }
0x342: {  	[tilespmem:s12+$0x13280] =	vst v1  }
0x343: {  	v1 =	vld [tilespmem:s21+$0x149E0];
	_ =	sdelay $0x4  }
0x344: {  	v1 =	vmul.f32 v1, v0;
	_ =	sdelay $0x1  }
0x345: {  	[tilespmem:s12+$0x13300] =	vst v1  }
0x346: {  	v1 =	vld [tilespmem:s21+$0x149F0];
	_ =	sdelay $0x4  }
0x347: {  	v0 =	vmul.f32 v1, v0;
	_ =	sdelay $0x1  }
0x348: {  	s21 =	simm.s32 $0x200;
	[tilespmem:s12+$0x13380] =	vst v0  }
0x349: {  	s14 =	simm.s32 $0x200;
	v1 =	vld [tilespmem:s21+$0x81C0]  }
0x34a: {  	s8 =	sand.u32 $0x600, s14;
	v3 =	vld [tilespmem:s21+$0x81D0]  }
0x34b: {  	v5 =	vld [tilespmem:s8+$0x141C0]  }
0x34c: {  	v6 =	vld [tilespmem:s8+$0x141D0]  }
0x34d: {  	v0 =	vld [tilespmem:s21+$0x81A0]  }
0x34e: {  	v7 =	vld [tilespmem:s21+$0x8180]  }
0x34f: {  	v8 =	vld [tilespmem:s21+$0x8190]  }
0x350: {  	v9 =	vld [tilespmem:s8+$0x14180]  }
0x351: {  	v10 =	vld [tilespmem:s8+$0x14190]  }
0x352: {  	v11 =	vld [tilespmem:s21+$0x8160]  }
0x353: {  	v12 =	vld [tilespmem:s21+$0x8170]  }
0x354: {  	v13 =	vld [tilespmem:s8+$0x14160]  }
0x355: {  	v14 =	vld [tilespmem:s8+$0x14170]  }
0x356: {  	v2 =	vld [tilespmem:s21+$0x8140]  }
0x357: {  	v15 =	vld [tilespmem:s21+$0x8120]  }
0x358: {  	v16 =	vld [tilespmem:s21+$0x8130]  }
0x359: {  	v17 =	vld [tilespmem:s8+$0x14120]  }
0x35a: {  	v18 =	vld [tilespmem:s8+$0x14130]  }
0x35b: {  	v19 =	vld [tilespmem:s21+$0x8100]  }
0x35c: {  	v54 =	vld [tilespmem:s21+$0x8110]  }
0x35d: {  	v55 =	vld [tilespmem:s8+$0x14100]  }
0x35e: {  	v56 =	vld [tilespmem:s8+$0x14110]  }
0x35f: {  	v4 =	vld [tilespmem:s21+$0x80E0]  }
0x360: {  	v57 =	vld [tilespmem:s21+$0x80C0]  }
0x361: {  	v58 =	vld [tilespmem:s21+$0x80D0]  }
0x362: {  	v59 =	vld [tilespmem:s8+$0x140C0]  }
0x363: {  	v60 =	vld [tilespmem:s8+$0x140D0];
	v1 =	vmul.f32 v5, v1;
	v3 =	vmul.f32 v6, v3  }
0x364: {  	v61 =	vld [tilespmem:s21+$0x80A0];
	v6 =	vmul.f32 v9, v7;
	v8 =	vmul.f32 v10, v8  }
0x365: {  	v62 =	vld [tilespmem:s21+$0x80B0];
	v1 =	vadd.f32 v3, v1  }
0x366: {  	v63 =	vld [tilespmem:s8+$0x14050];
	v9 =	vmul.f32 v14, v12;
	v3 =	vmul.f32 v13, v11;
	v6 =	vadd.f32 v8, v6  }
0x367: {  	v5 =	vld [tilespmem:s8+$0x140A0];
	v8 =	vmul.f32 v17, v15;
	v11 =	vmul.f32 v18, v16;
	(xrf2) =	vadd.scan.msk.f32 $0xffff, v1  }
0x368: {  	v10 =	vld [tilespmem:s8+$0x140B0];
	v1 =	vadd.f32 v9, v3;
	(xrf2) =	vadd.scan.msk.f32 $0xffff, v6  }
0x369: {  	v7 =	vld [tilespmem:s21+$0x8080];
	v3 =	vadd.f32 v11, v8  }
0x36a: {  	v14 =	vld [tilespmem:s21+$0x8070];
	(xrf2) =	vadd.scan.msk.f32 $0xffff, v1  }
0x36b: {  	v13 =	vld [tilespmem:s21+$0x8060];
	v1 =	vmul.f32 v55, v19;
	(xrf2) =	vadd.scan.msk.f32 $0xffff, v3;
	v3 =	vmul.f32 v56, v54  }
0x36c: {  	v16 =	vld [tilespmem:s21+$0x8040]  }
0x36d: {  	v17 =	vld [tilespmem:s21+$0x8050];
	v3 =	vadd.f32 v3, v1  }
0x36e: {  	v12 =	vmul.f32 v59, v57;
	v15 =	vmul.f32 v60, v58;
	v6 =	vld [tilespmem:s8+$0x14060]  }
0x36f: {  	v11 =	vld [tilespmem:s8+$0x14070];
	(xrf2) =	vadd.scan.msk.f32 $0xffff, v3  }
0x370: {  	v18 =	vld [tilespmem:s8+$0x14040];
	v15 =	vadd.f32 v15, v12  }
0x371: {  	v8 =	vld [tilespmem:s21+$0x8000];
	v5 =	vmul.f32 v5, v61;
	v19 =	vmul.f32 v10, v62;
	v1, _, _ =	vpop (xrf2)  }
0x372: {  	v9 =	vld [tilespmem:s21+$0x8020];
	v3, _, _ =	vpop (xrf2);
	(xrf2) =	vadd.scan.msk.f32 $0xffff, v15  }
0x373: {  	v12 =	vld [tilespmem:s8+$0x14020];
	v19 =	vadd.f32 v19, v5;
	v6 =	vmul.f32 v6, v13  }
0x374: {  	v10 =	vld [tilespmem:s21+$0x8030];
	v13 =	vmul.f32 v11, v14  }
0x375: {  	v14 =	vld [tilespmem:s8+$0x14030];
	(xrf2) =	vadd.scan.msk.f32 $0xffff, v19  }
0x376: {  	v11 =	vld [tilespmem:s21+$0x8010];
	v15 =	vadd.f32 v13, v6;
	v5, _, _ =	vpop (xrf2)  }
0x377: {  	s19 =	simm.s32 $0x1000;
	s12 =	simm.s32 $0x0;
	v16 =	vmul.f32 v18, v16;
	v17 =	vmul.f32 v63, v17;
	v13 =	vld [tilespmem:s8+$0x14010];
	v6, _, _ =	vpop (xrf2)  }
.LBB2_5:
0x378: {  	p0 =	sne.s32 s19, $0xF800;
	v18 =	vld [tilespmem:s8+$0x14000];
	(xrf2) =	vadd.scan.msk.f32 $0xffff, v15  }
0x379: {  	v19 =	vadd.f32 v17, v16;
	v16 =	vld [tilespmem:s21+$0x8090];
	v17, _, _ =	vpop (xrf2)  }
0x37a: {  	v9 =	vmul.f32 v12, v9;
	v10 =	vmul.f32 v14, v10;
	v12 =	vld [tilespmem:s8+$0x14080]  }
0x37b: {  	v14 =	vld [tilespmem:s8+$0x14090];
	(xrf2) =	vadd.scan.msk.f32 $0xffff, v19  }
0x37c: {  	v9 =	vadd.f32 v10, v9;
	v10 =	vld [tilespmem:s21+$0x80F0];
	v15, _, _ =	vpop (xrf2)  }
0x37d: {  	v19 =	vmul.f32 v13, v11;
	v8 =	vmul.f32 v18, v8;
	v13 =	vld [tilespmem:s8+$0x140E0]  }
0x37e: {  	v18 =	vld [tilespmem:s8+$0x140F0];
	(xrf2) =	vadd.scan.msk.f32 $0xffff, v9  }
0x37f: {  	v8 =	vadd.f32 v19, v8;
	v9 =	vld [tilespmem:s21+$0x8150];
	v11, _, _ =	vpop (xrf2)  }
0x380: {  	v7 =	vmul.f32 v12, v7;
	v19 =	vmul.f32 v14, v16;
	v14 =	vld [tilespmem:s8+$0x14140]  }
0x381: {  	v16 =	vld [tilespmem:s8+$0x14150];
	(xrf2) =	vadd.scan.msk.f32 $0xffff, v8  }
0x382: {  	v7 =	vadd.f32 v19, v7;
	v8 =	vld [tilespmem:s21+$0x81B0];
	v12, _, _ =	vpop (xrf2)  }
0x383: {  	v4 =	vmul.f32 v13, v4;
	v19 =	vmul.f32 v18, v10;
	v13 =	vld [tilespmem:s8+$0x141A0]  }
0x384: {  	v18 =	vld [tilespmem:s8+$0x141B0];
	(xrf2) =	vadd.scan.msk.f32 $0xffff, v7  }
0x385: {  	v4 =	vadd.f32 v19, v4;
	v7 =	vld [tilespmem:s21+$0x81E0];
	v10, _, _ =	vpop (xrf2)  }
0x386: {  	v2 =	vmul.f32 v14, v2;
	v19 =	vmul.f32 v16, v9;
	v14 =	vld [tilespmem:s8+$0x141E0]  }
0x387: {  	v16 =	vld [tilespmem:s21+$0x81F0];
	(xrf2) =	vadd.scan.msk.f32 $0xffff, v4  }
0x388: {  	v2 =	vadd.f32 v19, v2;
	v4 =	vld [tilespmem:s8+$0x141F0];
	v9, _, _ =	vpop (xrf2)  }
0x389: {  	v0 =	vmul.f32 v13, v0;
	v8 =	vmul.f32 v18, v8  }
0x38a: {  	(xrf2) =	vadd.scan.msk.f32 $0xffff, v2  }
0x38b: {  	v0 =	vadd.f32 v8, v0;
	v2 =	vmul.f32 v14, v7;
	v7, _, _ =	vpop (xrf2)  }
0x38c: {  	v13 =	vbroadcast v9, $0xF;
	v7 =	vbroadcast v7, $0xF  }
0x38d: {  	v9 =	vbroadcast v10, $0xF;
	v4 =	vmul.f32 v4, v16;
	(xrf2) =	vadd.scan.msk.f32 $0xffff, v0  }
0x38e: {  	v0 =	vsel vm0, v7, v13;
	v7 =	vbroadcast v12, $0xF;
	v8, _, _ =	vpop (xrf2)  }
0x38f: {  	v0 =	vsel vm1, v0, v9;
	v9 =	vbroadcast v8, $0xF;
	v2 =	vadd.f32 v4, v2  }
0x390: {  	v4 =	vbroadcast v11, $0xF;
	v0 =	vsel vm2, v0, v7  }
0x391: {  	v7 =	vbroadcast v15, $0xF;
	v0 =	vsel vm3, v0, v9;
	v8, _, _ =	vpop (xrf2);
	(xrf2) =	vadd.scan.msk.f32 $0xffff, v2  }
0x392: {  	v0 =	vsel vm4, v0, v4;
	v2 =	vbroadcast v8, $0xF  }
0x393: {  	v4 =	vbroadcast v17, $0xF;
	v0 =	vsel vm5, v0, v7  }
0x394: {  	v0 =	vsel vm6, v0, v2;
	v2 =	vbroadcast v6, $0xF;
	v6, _, _ =	vpop (xrf2)  }
0x395: {  	v0 =	vsel vm7, v0, v4;
	v6 =	vbroadcast v6, $0xF  }
0x396: {  	v0 =	vsel vm8, v0, v2;
	v2 =	vbroadcast v5, $0xF  }
0x397: {  	v3 =	vbroadcast v3, $0xF;
	v0 =	vsel vm9, v0, v6;
	v4, _, _ =	vpop (xrf2)  }
0x398: {  	v0 =	vsel vm10, v0, v2;
	v2 =	vbroadcast v4, $0xF;
	v4 =	vld [tilespmem:s8+$0x14800]  }
0x399: {  	v0 =	vsel vm11, v0, v3;
	v3 =	vbroadcast v1, $0xF  }
0x39a: {  	v0 =	vsel vm12, v0, v2  }
0x39b: {  	v0 =	vsel vm13, v0, v3;
	v1, _, _ =	vpop (xrf2)  }
0x39c: {  	s7 =	sadd.s32 $0x10, s7;
	s12 =	sadd.s32 $0x80, s12;
	v0 =	vsel vm14, v0, v1  }
0x39d: {  	s20 =	sand.u32 $0x70, s7;
	s21 =	sand.u32 $0xC00, s12;
	v1 =	vmul.f32 v0, v4  }
0x39e: {  	s20 =	sor.u32 s20, s21  }
0x39f: {  	[tilespmem:s20+$0x10000] =	vst v1  }
0x3a0: {  	v1 =	vld [tilespmem:s8+$0x14810];
	_ =	sdelay $0x4  }
0x3a1: {  	v1 =	vmul.f32 v0, v1;
	_ =	sdelay $0x1  }
0x3a2: {  	[tilespmem:s20+$0x10080] =	vst v1  }
0x3a3: {  	v1 =	vld [tilespmem:s8+$0x14820];
	_ =	sdelay $0x4  }
0x3a4: {  	v1 =	vmul.f32 v0, v1;
	_ =	sdelay $0x1  }
0x3a5: {  	[tilespmem:s20+$0x10100] =	vst v1  }
0x3a6: {  	v1 =	vld [tilespmem:s8+$0x14830];
	_ =	sdelay $0x4  }
0x3a7: {  	v1 =	vmul.f32 v1, v0;
	_ =	sdelay $0x1  }
0x3a8: {  	[tilespmem:s20+$0x10180] =	vst v1  }
0x3a9: {  	v1 =	vld [tilespmem:s8+$0x14840];
	_ =	sdelay $0x4  }
0x3aa: {  	v1 =	vmul.f32 v1, v0;
	_ =	sdelay $0x1  }
0x3ab: {  	[tilespmem:s20+$0x10200] =	vst v1  }
0x3ac: {  	v1 =	vld [tilespmem:s8+$0x14850];
	_ =	sdelay $0x4  }
0x3ad: {  	v1 =	vmul.f32 v1, v0;
	_ =	sdelay $0x1  }
0x3ae: {  	[tilespmem:s20+$0x10280] =	vst v1  }
0x3af: {  	v1 =	vld [tilespmem:s8+$0x14860];
	_ =	sdelay $0x4  }
0x3b0: {  	v1 =	vmul.f32 v1, v0;
	_ =	sdelay $0x1  }
0x3b1: {  	[tilespmem:s20+$0x10300] =	vst v1  }
0x3b2: {  	v1 =	vld [tilespmem:s8+$0x14870];
	_ =	sdelay $0x4  }
0x3b3: {  	v1 =	vmul.f32 v1, v0;
	_ =	sdelay $0x1  }
0x3b4: {  	[tilespmem:s20+$0x10380] =	vst v1  }
0x3b5: {  	v1 =	vld [tilespmem:s8+$0x14880];
	_ =	sdelay $0x4  }
0x3b6: {  	v1 =	vmul.f32 v1, v0;
	_ =	sdelay $0x1  }
0x3b7: {  	[tilespmem:s20+$0x11000] =	vst v1  }
0x3b8: {  	v1 =	vld [tilespmem:s8+$0x14890];
	_ =	sdelay $0x4  }
0x3b9: {  	v1 =	vmul.f32 v1, v0;
	_ =	sdelay $0x1  }
0x3ba: {  	[tilespmem:s20+$0x11080] =	vst v1  }
0x3bb: {  	v1 =	vld [tilespmem:s8+$0x148A0];
	_ =	sdelay $0x4  }
0x3bc: {  	v1 =	vmul.f32 v1, v0;
	_ =	sdelay $0x1  }
0x3bd: {  	[tilespmem:s20+$0x11100] =	vst v1  }
0x3be: {  	v1 =	vld [tilespmem:s8+$0x148B0];
	_ =	sdelay $0x4  }
0x3bf: {  	v1 =	vmul.f32 v1, v0;
	_ =	sdelay $0x1  }
0x3c0: {  	[tilespmem:s20+$0x11180] =	vst v1  }
0x3c1: {  	v1 =	vld [tilespmem:s8+$0x148C0];
	_ =	sdelay $0x4  }
0x3c2: {  	v1 =	vmul.f32 v1, v0;
	_ =	sdelay $0x1  }
0x3c3: {  	[tilespmem:s20+$0x11200] =	vst v1  }
0x3c4: {  	v1 =	vld [tilespmem:s8+$0x148D0];
	_ =	sdelay $0x4  }
0x3c5: {  	v1 =	vmul.f32 v1, v0;
	_ =	sdelay $0x1  }
0x3c6: {  	[tilespmem:s20+$0x11280] =	vst v1  }
0x3c7: {  	v1 =	vld [tilespmem:s8+$0x148E0];
	_ =	sdelay $0x4  }
0x3c8: {  	v1 =	vmul.f32 v1, v0;
	_ =	sdelay $0x1  }
0x3c9: {  	[tilespmem:s20+$0x11300] =	vst v1  }
0x3ca: {  	v1 =	vld [tilespmem:s8+$0x148F0];
	_ =	sdelay $0x4  }
0x3cb: {  	v1 =	vmul.f32 v1, v0;
	_ =	sdelay $0x1  }
0x3cc: {  	[tilespmem:s20+$0x11380] =	vst v1  }
0x3cd: {  	v1 =	vld [tilespmem:s8+$0x14900];
	_ =	sdelay $0x4  }
0x3ce: {  	v1 =	vmul.f32 v1, v0;
	_ =	sdelay $0x1  }
0x3cf: {  	[tilespmem:s20+$0x12000] =	vst v1  }
0x3d0: {  	v1 =	vld [tilespmem:s8+$0x14910];
	_ =	sdelay $0x4  }
0x3d1: {  	v1 =	vmul.f32 v1, v0;
	_ =	sdelay $0x1  }
0x3d2: {  	[tilespmem:s20+$0x12080] =	vst v1  }
0x3d3: {  	v1 =	vld [tilespmem:s8+$0x14920];
	_ =	sdelay $0x4  }
0x3d4: {  	v1 =	vmul.f32 v1, v0;
	_ =	sdelay $0x1  }
0x3d5: {  	[tilespmem:s20+$0x12100] =	vst v1  }
0x3d6: {  	v1 =	vld [tilespmem:s8+$0x14930];
	_ =	sdelay $0x4  }
0x3d7: {  	v1 =	vmul.f32 v1, v0;
	_ =	sdelay $0x1  }
0x3d8: {  	[tilespmem:s20+$0x12180] =	vst v1  }
0x3d9: {  	v1 =	vld [tilespmem:s8+$0x14940];
	_ =	sdelay $0x4  }
0x3da: {  	v1 =	vmul.f32 v1, v0;
	_ =	sdelay $0x1  }
0x3db: {  	[tilespmem:s20+$0x12200] =	vst v1  }
0x3dc: {  	v1 =	vld [tilespmem:s8+$0x14950];
	_ =	sdelay $0x4  }
0x3dd: {  	v1 =	vmul.f32 v1, v0;
	_ =	sdelay $0x1  }
0x3de: {  	[tilespmem:s20+$0x12280] =	vst v1  }
0x3df: {  	v1 =	vld [tilespmem:s8+$0x14960];
	_ =	sdelay $0x4  }
0x3e0: {  	v1 =	vmul.f32 v1, v0;
	_ =	sdelay $0x1  }
0x3e1: {  	[tilespmem:s20+$0x12300] =	vst v1  }
0x3e2: {  	v1 =	vld [tilespmem:s8+$0x14970];
	_ =	sdelay $0x4  }
0x3e3: {  	v1 =	vmul.f32 v1, v0;
	_ =	sdelay $0x1  }
0x3e4: {  	[tilespmem:s20+$0x12380] =	vst v1  }
0x3e5: {  	v1 =	vld [tilespmem:s8+$0x14980];
	_ =	sdelay $0x4  }
0x3e6: {  	v1 =	vmul.f32 v1, v0;
	_ =	sdelay $0x1  }
0x3e7: {  	[tilespmem:s20+$0x13000] =	vst v1  }
0x3e8: {  	v1 =	vld [tilespmem:s8+$0x14990];
	_ =	sdelay $0x4  }
0x3e9: {  	v1 =	vmul.f32 v1, v0;
	_ =	sdelay $0x1  }
0x3ea: {  	[tilespmem:s20+$0x13080] =	vst v1  }
0x3eb: {  	v1 =	vld [tilespmem:s8+$0x149A0];
	_ =	sdelay $0x4  }
0x3ec: {  	v1 =	vmul.f32 v1, v0;
	_ =	sdelay $0x1  }
0x3ed: {  	[tilespmem:s20+$0x13100] =	vst v1  }
0x3ee: {  	v1 =	vld [tilespmem:s8+$0x149B0];
	_ =	sdelay $0x4  }
0x3ef: {  	v1 =	vmul.f32 v1, v0;
	_ =	sdelay $0x1  }
0x3f0: {  	[tilespmem:s20+$0x13180] =	vst v1  }
0x3f1: {  	v1 =	vld [tilespmem:s8+$0x149C0];
	_ =	sdelay $0x4  }
0x3f2: {  	v1 =	vmul.f32 v1, v0;
	_ =	sdelay $0x1  }
0x3f3: {  	[tilespmem:s20+$0x13200] =	vst v1  }
0x3f4: {  	v1 =	vld [tilespmem:s8+$0x149D0];
	_ =	sdelay $0x4  }
0x3f5: {  	v1 =	vmul.f32 v1, v0;
	_ =	sdelay $0x1  }
0x3f6: {  	[tilespmem:s20+$0x13280] =	vst v1  }
0x3f7: {  	v1 =	vld [tilespmem:s8+$0x149E0];
	_ =	sdelay $0x4  }
0x3f8: {  	v1 =	vmul.f32 v1, v0;
	_ =	sdelay $0x1  }
0x3f9: {  	[tilespmem:s20+$0x13300] =	vst v1  }
0x3fa: {  	v1 =	vld [tilespmem:s8+$0x149F0];
	_ =	sdelay $0x4  }
0x3fb: {  	v0 =	vmul.f32 v1, v0;
	_ =	sdelay $0x1  }
0x3fc: {  	s21 =	sshra.s32 s19, $0x2;
	[tilespmem:s20+$0x13380] =	vst v0  }
0x3fd: {  	s14 =	sadd.s32 $0x200, s14;
	v1 =	vld [tilespmem:s21+$0x81C0]  }
0x3fe: {  	s8 =	sand.u32 $0x600, s14;
	v3 =	vld [tilespmem:s21+$0x81D0]  }
0x3ff: {  	v5 =	vld [tilespmem:s8+$0x141C0]  }
0x400: {  	v6 =	vld [tilespmem:s8+$0x141D0]  }
0x401: {  	v0 =	vld [tilespmem:s21+$0x81A0]  }
0x402: {  	v7 =	vld [tilespmem:s21+$0x8180]  }
0x403: {  	v8 =	vld [tilespmem:s21+$0x8190]  }
0x404: {  	v9 =	vld [tilespmem:s8+$0x14180]  }
0x405: {  	v10 =	vld [tilespmem:s8+$0x14190]  }
0x406: {  	v11 =	vld [tilespmem:s21+$0x8160]  }
0x407: {  	v12 =	vld [tilespmem:s21+$0x8170]  }
0x408: {  	v13 =	vld [tilespmem:s8+$0x14160]  }
0x409: {  	v14 =	vld [tilespmem:s8+$0x14170]  }
0x40a: {  	v2 =	vld [tilespmem:s21+$0x8140]  }
0x40b: {  	v15 =	vld [tilespmem:s21+$0x8120]  }
0x40c: {  	v16 =	vld [tilespmem:s21+$0x8130]  }
0x40d: {  	v17 =	vld [tilespmem:s8+$0x14120]  }
0x40e: {  	v18 =	vld [tilespmem:s8+$0x14130]  }
0x40f: {  	v19 =	vld [tilespmem:s21+$0x8100]  }
0x410: {  	v20 =	vld [tilespmem:s21+$0x8110]  }
0x411: {  	v21 =	vld [tilespmem:s8+$0x14100]  }
0x412: {  	v22 =	vld [tilespmem:s8+$0x14110]  }
0x413: {  	v1 =	vmul.f32 v5, v1;
	v3 =	vmul.f32 v6, v3;
	v4 =	vld [tilespmem:s21+$0x80E0]  }
0x414: {  	v5 =	vld [tilespmem:s21+$0x80C0]  }
0x415: {  	v1 =	vadd.f32 v3, v1;
	v6 =	vld [tilespmem:s21+$0x80D0]  }
0x416: {  	v7 =	vmul.f32 v9, v7;
	v8 =	vmul.f32 v10, v8;
	v3 =	vld [tilespmem:s8+$0x140C0]  }
0x417: {  	v9 =	vld [tilespmem:s8+$0x140D0];
	(xrf2) =	vadd.scan.msk.f32 $0xffff, v1  }
0x418: {  	v1 =	vadd.f32 v8, v7;
	v10 =	vld [tilespmem:s21+$0x80A0]  }
0x419: {  	v7 =	vmul.f32 v13, v11;
	v8 =	vmul.f32 v14, v12;
	v23 =	vld [tilespmem:s21+$0x80B0]  }
0x41a: {  	v11 =	vld [tilespmem:s8+$0x140A0];
	(xrf2) =	vadd.scan.msk.f32 $0xffff, v1  }
0x41b: {  	v1 =	vadd.f32 v8, v7;
	v12 =	vld [tilespmem:s8+$0x140B0]  }
0x41c: {  	v13 =	vmul.f32 v18, v16;
	v8 =	vmul.f32 v17, v15;
	v7 =	vld [tilespmem:s21+$0x8080]  }
0x41d: {  	v14 =	vld [tilespmem:s21+$0x8060];
	(xrf2) =	vadd.scan.msk.f32 $0xffff, v1  }
0x41e: {  	v24 =	vadd.f32 v13, v8;
	v15 =	vld [tilespmem:s21+$0x8070]  }
0x41f: {  	v16 =	vmul.f32 v22, v20;
	v8 =	vmul.f32 v21, v19;
	v13 =	vld [tilespmem:s8+$0x14060]  }
0x420: {  	v17 =	vld [tilespmem:s8+$0x14070];
	(xrf2) =	vadd.scan.msk.f32 $0xffff, v24  }
0x421: {  	v8 =	vadd.f32 v16, v8;
	v18 =	vld [tilespmem:s21+$0x8040];
	v1, _, _ =	vpop (xrf2)  }
0x422: {  	v21 =	vmul.f32 v3, v5;
	v5 =	vmul.f32 v9, v6;
	v19 =	vld [tilespmem:s21+$0x8050]  }
0x423: {  	v16 =	vld [tilespmem:s8+$0x14040];
	(xrf2) =	vadd.scan.msk.f32 $0xffff, v8  }
0x424: {  	v21 =	vadd.f32 v5, v21;
	v20 =	vld [tilespmem:s8+$0x14050];
	v3, _, _ =	vpop (xrf2)  }
0x425: {  	v6 =	vmul.f32 v11, v10;
	v11 =	vmul.f32 v12, v23;
	v8 =	vld [tilespmem:s21+$0x8000]  }
0x426: {  	v9 =	vld [tilespmem:s21+$0x8020];
	(xrf2) =	vadd.scan.msk.f32 $0xffff, v21  }
.Ltmp1:
0x427: {  	v21 =	vadd.f32 v11, v6;
	v10 =	vld [tilespmem:s21+$0x8030];
	v5, _, _ =	vpop (xrf2);
	(pc) =	sbr.rel @p0 .LBB2_5-.Ltmp1, $4  }
0x428: {  	v13 =	vmul.f32 v13, v14;
	v15 =	vmul.f32 v17, v15;
	v12 =	vld [tilespmem:s8+$0x14020]  }
0x429: {  	v14 =	vld [tilespmem:s8+$0x14030];
	(xrf2) =	vadd.scan.msk.f32 $0xffff, v21  }
0x42a: {  	v15 =	vadd.f32 v15, v13;
	v11 =	vld [tilespmem:s21+$0x8010];
	v6, _, _ =	vpop (xrf2)  }
0x42b: {  	s19 =	sadd.s32 $0x800, s19;
	v16 =	vmul.f32 v16, v18;
	v17 =	vmul.f32 v20, v19;
	v13 =	vld [tilespmem:s8+$0x14010]  }
0x42c: {  	v18 =	vld [tilespmem:s8+$0x14000]  }
0x42d: {  	v19 =	vld [tilespmem:s21+$0x8090]  }
0x42e: {  	v20 =	vld [tilespmem:s8+$0x14080]  }
0x42f: {  	v21 =	vld [tilespmem:s8+$0x14090]  }
0x430: {  	v23 =	vld [tilespmem:s21+$0x80F0];
	v9 =	vmul.f32 v12, v9;
	v10 =	vmul.f32 v14, v10  }
0x431: {  	v25 =	vld [tilespmem:s8+$0x140E0];
	v24 =	vadd.f32 v17, v16;
	v11 =	vmul.f32 v13, v11;
	v8 =	vmul.f32 v18, v8  }
0x432: {  	(xrf2) =	vadd.scan.msk.f32 $0xffff, v15;
	v26 =	vld [tilespmem:s8+$0x140F0];
	v9 =	vadd.f32 v10, v9  }
0x433: {  	v27 =	vld [tilespmem:s21+$0x8150];
	(xrf2) =	vadd.scan.msk.f32 $0xffff, v24;
	v8 =	vadd.f32 v11, v8  }
0x434: {  	v29 =	vld [tilespmem:s8+$0x14140];
	v7 =	vmul.f32 v20, v7;
	v28 =	vmul.f32 v21, v19;
	(xrf2) =	vadd.scan.msk.f32 $0xffff, v9  }
0x435: {  	v30 =	vld [tilespmem:s8+$0x14150];
	(xrf2) =	vadd.scan.msk.f32 $0xffff, v8  }
0x436: {  	v31 =	vld [tilespmem:s21+$0x81B0];
	v7 =	vadd.f32 v28, v7  }
0x437: {  	v33 =	vld [tilespmem:s8+$0x141A0];
	v4 =	vmul.f32 v25, v4;
	v32 =	vmul.f32 v26, v23  }
0x438: {  	v34 =	vld [tilespmem:s8+$0x141B0];
	(xrf2) =	vadd.scan.msk.f32 $0xffff, v7  }
0x439: {  	v36 =	vld [tilespmem:s21+$0x81E0];
	v35, _, _ =	vpop (xrf2);
	v4 =	vadd.f32 v32, v4  }
0x43a: {  	v38 =	vld [tilespmem:s8+$0x141E0];
	v37, _, _ =	vpop (xrf2);
	v2 =	vmul.f32 v29, v2;
	v11 =	vmul.f32 v30, v27  }
0x43b: {  	v40 =	vld [tilespmem:s21+$0x81F0];
	v39, _, _ =	vpop (xrf2);
	(xrf2) =	vadd.scan.msk.f32 $0xffff, v4  }
0x43c: {  	v42 =	vld [tilespmem:s8+$0x141F0];
	v2 =	vadd.f32 v11, v2;
	v41, _, _ =	vpop (xrf2)  }
0x43d: {  	v0 =	vmul.f32 v33, v0;
	v8 =	vmul.f32 v34, v31;
	v43, _, _ =	vpop (xrf2)  }
0x43e: {  	(xrf2) =	vadd.scan.msk.f32 $0xffff, v2;
	v44, _, _ =	vpop (xrf2)  }
0x43f: {  	v45 =	vmul.f32 v38, v36;
	v0 =	vadd.f32 v8, v0;
	v46, _, _ =	vpop (xrf2)  }
0x440: {  	v47 =	vbroadcast v44, $0xF;
	v8 =	vbroadcast v46, $0xF  }
0x441: {  	v11 =	vmul.f32 v42, v40;
	(xrf2) =	vadd.scan.msk.f32 $0xffff, v0;
	v48 =	vbroadcast v43, $0xF  }
0x442: {  	v4 =	vbroadcast v41, $0xF;
	v50, _, _ =	vpop (xrf2);
	v49 =	vsel vm0, v8, v47  }
0x443: {  	v2 =	vadd.f32 v11, v45;
	v8 =	vbroadcast v50, $0xF;
	v0 =	vsel vm1, v49, v48  }
0x444: {  	v51 =	vbroadcast v39, $0xF;
	v0 =	vsel vm2, v0, v4  }
0x445: {  	v52 =	vbroadcast v37, $0xF;
	v53, _, _ =	vpop (xrf2);
	(xrf2) =	vadd.scan.msk.f32 $0xffff, v2;
	v0 =	vsel vm3, v0, v8  }
0x446: {  	v54 =	vbroadcast v53, $0xF;
	v0 =	vsel vm4, v0, v51  }
0x447: {  	v55 =	vbroadcast v35, $0xF;
	v0 =	vsel vm5, v0, v52  }
0x448: {  	v56 =	vbroadcast v6, $0xF;
	v57, _, _ =	vpop (xrf2);
	v0 =	vsel vm6, v0, v54  }
0x449: {  	v58 =	vbroadcast v57, $0xF;
	v0 =	vsel vm7, v0, v55  }
0x44a: {  	v59 =	vbroadcast v5, $0xF;
	v0 =	vsel vm8, v0, v56  }
0x44b: {  	v3 =	vbroadcast v3, $0xF;
	v60, _, _ =	vpop (xrf2);
	v0 =	vsel vm9, v0, v58  }
0x44c: {  	v62 =	vld [tilespmem:s8+$0x14800];
	v61 =	vbroadcast v60, $0xF;
	v0 =	vsel vm10, v0, v59  }
0x44d: {  	v1 =	vbroadcast v1, $0xF;
	v0 =	vsel vm11, v0, v3  }
0x44e: {  	v0 =	vsel vm12, v0, v61  }
0x44f: {  	v63, _, _ =	vpop (xrf2);
	v0 =	vsel vm13, v0, v1  }
0x450: {  	s7 =	sadd.s32 $0x10, s7;
	s12 =	sadd.s32 $0x80, s12;
	v0 =	vsel vm14, v0, v63  }
0x451: {  	s7 =	sand.u32 $0x70, s7;
	s12 =	sand.u32 $0xC00, s12;
	v1 =	vmul.f32 v0, v62  }
0x452: {  	s7 =	sor.u32 s7, s12  }
0x453: {  	[tilespmem:s7+$0x10000] =	vst v1  }
0x454: {  	v1 =	vld [tilespmem:s8+$0x14810];
	_ =	sdelay $0x4  }
0x455: {  	v1 =	vmul.f32 v0, v1;
	_ =	sdelay $0x1  }
0x456: {  	[tilespmem:s7+$0x10080] =	vst v1  }
0x457: {  	v1 =	vld [tilespmem:s8+$0x14820];
	_ =	sdelay $0x4  }
0x458: {  	v1 =	vmul.f32 v0, v1;
	_ =	sdelay $0x1  }
0x459: {  	[tilespmem:s7+$0x10100] =	vst v1  }
0x45a: {  	v1 =	vld [tilespmem:s8+$0x14830];
	_ =	sdelay $0x4  }
0x45b: {  	v1 =	vmul.f32 v1, v0;
	_ =	sdelay $0x1  }
0x45c: {  	[tilespmem:s7+$0x10180] =	vst v1  }
0x45d: {  	v1 =	vld [tilespmem:s8+$0x14840];
	_ =	sdelay $0x4  }
0x45e: {  	v1 =	vmul.f32 v1, v0;
	_ =	sdelay $0x1  }
0x45f: {  	[tilespmem:s7+$0x10200] =	vst v1  }
0x460: {  	v1 =	vld [tilespmem:s8+$0x14850];
	_ =	sdelay $0x4  }
0x461: {  	v1 =	vmul.f32 v1, v0;
	_ =	sdelay $0x1  }
0x462: {  	[tilespmem:s7+$0x10280] =	vst v1  }
0x463: {  	v1 =	vld [tilespmem:s8+$0x14860];
	_ =	sdelay $0x4  }
0x464: {  	v1 =	vmul.f32 v1, v0;
	_ =	sdelay $0x1  }
0x465: {  	[tilespmem:s7+$0x10300] =	vst v1  }
0x466: {  	v1 =	vld [tilespmem:s8+$0x14870];
	_ =	sdelay $0x4  }
0x467: {  	v1 =	vmul.f32 v1, v0;
	_ =	sdelay $0x1  }
0x468: {  	[tilespmem:s7+$0x10380] =	vst v1  }
0x469: {  	v1 =	vld [tilespmem:s8+$0x14880];
	_ =	sdelay $0x4  }
0x46a: {  	v1 =	vmul.f32 v1, v0;
	_ =	sdelay $0x1  }
0x46b: {  	[tilespmem:s7+$0x11000] =	vst v1  }
0x46c: {  	v1 =	vld [tilespmem:s8+$0x14890];
	_ =	sdelay $0x4  }
0x46d: {  	v1 =	vmul.f32 v1, v0;
	_ =	sdelay $0x1  }
0x46e: {  	[tilespmem:s7+$0x11080] =	vst v1  }
0x46f: {  	v1 =	vld [tilespmem:s8+$0x148A0];
	_ =	sdelay $0x4  }
0x470: {  	v1 =	vmul.f32 v1, v0;
	_ =	sdelay $0x1  }
0x471: {  	[tilespmem:s7+$0x11100] =	vst v1  }
0x472: {  	v1 =	vld [tilespmem:s8+$0x148B0];
	_ =	sdelay $0x4  }
0x473: {  	v1 =	vmul.f32 v1, v0;
	_ =	sdelay $0x1  }
0x474: {  	[tilespmem:s7+$0x11180] =	vst v1  }
0x475: {  	v1 =	vld [tilespmem:s8+$0x148C0];
	_ =	sdelay $0x4  }
0x476: {  	v1 =	vmul.f32 v1, v0;
	_ =	sdelay $0x1  }
0x477: {  	[tilespmem:s7+$0x11200] =	vst v1  }
0x478: {  	v1 =	vld [tilespmem:s8+$0x148D0];
	_ =	sdelay $0x4  }
0x479: {  	v1 =	vmul.f32 v1, v0;
	_ =	sdelay $0x1  }
0x47a: {  	[tilespmem:s7+$0x11280] =	vst v1  }
0x47b: {  	v1 =	vld [tilespmem:s8+$0x148E0];
	_ =	sdelay $0x4  }
0x47c: {  	v1 =	vmul.f32 v1, v0;
	_ =	sdelay $0x1  }
0x47d: {  	[tilespmem:s7+$0x11300] =	vst v1  }
0x47e: {  	v1 =	vld [tilespmem:s8+$0x148F0];
	_ =	sdelay $0x4  }
0x47f: {  	v1 =	vmul.f32 v1, v0;
	_ =	sdelay $0x1  }
0x480: {  	[tilespmem:s7+$0x11380] =	vst v1  }
0x481: {  	v1 =	vld [tilespmem:s8+$0x14900];
	_ =	sdelay $0x4  }
0x482: {  	v1 =	vmul.f32 v1, v0;
	_ =	sdelay $0x1  }
0x483: {  	[tilespmem:s7+$0x12000] =	vst v1  }
0x484: {  	v1 =	vld [tilespmem:s8+$0x14910];
	_ =	sdelay $0x4  }
0x485: {  	v1 =	vmul.f32 v1, v0;
	_ =	sdelay $0x1  }
0x486: {  	[tilespmem:s7+$0x12080] =	vst v1  }
0x487: {  	v1 =	vld [tilespmem:s8+$0x14920];
	_ =	sdelay $0x4  }
0x488: {  	v1 =	vmul.f32 v1, v0;
	_ =	sdelay $0x1  }
0x489: {  	[tilespmem:s7+$0x12100] =	vst v1  }
0x48a: {  	v1 =	vld [tilespmem:s8+$0x14930];
	_ =	sdelay $0x4  }
0x48b: {  	v1 =	vmul.f32 v1, v0;
	_ =	sdelay $0x1  }
0x48c: {  	[tilespmem:s7+$0x12180] =	vst v1  }
0x48d: {  	v1 =	vld [tilespmem:s8+$0x14940];
	_ =	sdelay $0x4  }
0x48e: {  	v1 =	vmul.f32 v1, v0;
	_ =	sdelay $0x1  }
0x48f: {  	[tilespmem:s7+$0x12200] =	vst v1  }
0x490: {  	v1 =	vld [tilespmem:s8+$0x14950];
	_ =	sdelay $0x4  }
0x491: {  	v1 =	vmul.f32 v1, v0;
	_ =	sdelay $0x1  }
0x492: {  	[tilespmem:s7+$0x12280] =	vst v1  }
0x493: {  	v1 =	vld [tilespmem:s8+$0x14960];
	_ =	sdelay $0x4  }
0x494: {  	v1 =	vmul.f32 v1, v0;
	_ =	sdelay $0x1  }
0x495: {  	[tilespmem:s7+$0x12300] =	vst v1  }
0x496: {  	v1 =	vld [tilespmem:s8+$0x14970];
	_ =	sdelay $0x4  }
0x497: {  	v1 =	vmul.f32 v1, v0;
	_ =	sdelay $0x1  }
0x498: {  	[tilespmem:s7+$0x12380] =	vst v1  }
0x499: {  	v1 =	vld [tilespmem:s8+$0x14980];
	_ =	sdelay $0x4  }
0x49a: {  	v1 =	vmul.f32 v1, v0;
	_ =	sdelay $0x1  }
0x49b: {  	[tilespmem:s7+$0x13000] =	vst v1  }
0x49c: {  	v1 =	vld [tilespmem:s8+$0x14990];
	_ =	sdelay $0x4  }
0x49d: {  	v1 =	vmul.f32 v1, v0;
	_ =	sdelay $0x1  }
0x49e: {  	[tilespmem:s7+$0x13080] =	vst v1  }
0x49f: {  	v1 =	vld [tilespmem:s8+$0x149A0];
	_ =	sdelay $0x4  }
0x4a0: {  	v1 =	vmul.f32 v1, v0;
	_ =	sdelay $0x1  }
0x4a1: {  	[tilespmem:s7+$0x13100] =	vst v1  }
0x4a2: {  	v1 =	vld [tilespmem:s8+$0x149B0];
	_ =	sdelay $0x4  }
0x4a3: {  	v1 =	vmul.f32 v1, v0;
	_ =	sdelay $0x1  }
0x4a4: {  	[tilespmem:s7+$0x13180] =	vst v1  }
0x4a5: {  	v1 =	vld [tilespmem:s8+$0x149C0];
	_ =	sdelay $0x4  }
0x4a6: {  	v1 =	vmul.f32 v1, v0;
	_ =	sdelay $0x1  }
0x4a7: {  	[tilespmem:s7+$0x13200] =	vst v1  }
0x4a8: {  	v1 =	vld [tilespmem:s8+$0x149D0];
	_ =	sdelay $0x4  }
0x4a9: {  	v1 =	vmul.f32 v1, v0;
	_ =	sdelay $0x1  }
0x4aa: {  	[tilespmem:s7+$0x13280] =	vst v1  }
0x4ab: {  	v1 =	vld [tilespmem:s8+$0x149E0];
	_ =	sdelay $0x4  }
0x4ac: {  	v1 =	vmul.f32 v1, v0;
	_ =	sdelay $0x1  }
0x4ad: {  	[tilespmem:s7+$0x13300] =	vst v1  }
0x4ae: {  	v1 =	vld [tilespmem:s8+$0x149F0];
	_ =	sdelay $0x4  }
0x4af: {  	s5 =	sor.u32 s6, s5;
	v0 =	vmul.f32 v1, v0  }
0x4b0: {  	s5 =	sshll.u32 s5, $0x7  }
0x4b1: {  	s22 =	sadd.s32 $0x1, s22;
	s21 =	sadd.s32 s1, s5;
	[tilespmem:s7+$0x13380] =	vst v0  }
0x4b2: {  	[hbm4b:s21+s3] =	stream.linear.scatter [tilespmem:s13], [sflag:$0x4], $0x1000, $0x38;
	[tilespmem:$0x15000] =	vst v63  }
0x4b3: {  	p0 =	sne.s32 s22, $0x10;
	s23 =	sadd.s32 s5, s9  }
0x4b4: {  	[hbm4b:s23+s3] =	stream.linear.scatter [tilespmem:s15], [sflag:$0x4], $0x1000, $0x38;
	[tilespmem:$0x15000] =	vst v63  }
.Ltmp2:
0x4b5: {  	_ = 	snop;
	(pc) =	sbr.rel @p0 .LBB2_2-.Ltmp2, $4  }
0x4b6: {  	s24 =	sadd.s32 s5, s10  }
0x4b7: {  	[hbm4b:s24+s3] =	stream.linear.scatter [tilespmem:s17], [sflag:$0x4], $0x1000, $0x38;
	[tilespmem:$0x15000] =	vst v63  }
0x4b8: {  	s5 =	sadd.s32 s5, s11  }
0x4b9: {  	[hbm4b:s5+s3] =	stream.linear.scatter [tilespmem:s18], [sflag:$0x4], $0x1000, $0x38;
	[tilespmem:$0x15000] =	vst v63  }
0x4ba: {  	s5 =	simm.s32 $0x3  }
0x4bb: {  	_ =	swait.ge [sflag:s5], $0x1000  }
0x4bc: {  	[sflag:s5] =	ssyncset.done $0x0  }
0x4bd: {  	[sflag:s5] =	ssyncadd.s32 $0xFFFFF000  }
0x4be: {  	_ =	swait.ge [sflag:s5], $0x1000  }
0x4bf: {  	[sflag:s5] =	ssyncset.done $0x0  }
0x4c0: {  	[sflag:s5] =	ssyncadd.s32 $0xFFFFF000  }
0x4c1: {  	_ =	swait.ge [sflag:s5], $0x1000  }
0x4c2: {  	[sflag:s5] =	ssyncset.done $0x0  }
0x4c3: {  	[sflag:s5] =	ssyncadd.s32 $0xFFFFF000  }
0x4c4: {  	_ =	swait.ge [sflag:s5], $0x1000  }
0x4c5: {  	[sflag:s5] =	ssyncset.done $0x0  }
0x4c6: {  	s7 =	simm.s32 $0x4;
	[sflag:s5] =	ssyncadd.s32 $0xFFFFF000  }
0x4c7: {  	_ =	swait.ge [sflag:s7], $0x1000  }
0x4c8: {  	[sflag:s7] =	ssyncset.done $0x0  }
0x4c9: {  	[sflag:s7] =	ssyncadd.s32 $0xFFFFF000  }
0x4ca: {  	_ =	swait.ge [sflag:s7], $0x1000  }
0x4cb: {  	[sflag:s7] =	ssyncset.done $0x0  }
0x4cc: {  	[sflag:s7] =	ssyncadd.s32 $0xFFFFF000  }
0x4cd: {  	_ =	swait.ge [sflag:s7], $0x1000  }
0x4ce: {  	[sflag:s7] =	ssyncset.done $0x0  }
0x4cf: {  	[sflag:s7] =	ssyncadd.s32 $0xFFFFF000  }
0x4d0: {  	_ =	swait.ge [sflag:s7], $0x1000  }
0x4d1: {  	s8 =	rddreg [dreg:$0x8]  }
0x4d2: {  	s24 =	rddreg [dreg:$0x7];
	s8 =	sadd.s32 $0x1, s8  }
0x4d3: {  	p0 =	sne.s32 s8, s24  }
.Ltmp3:
0x4d4: {  	_ = 	snop;
	(pc) =	sbr.rel @p0 .LBB2_1-.Ltmp3, $3  }
0x4d5: {  	_ =	sdelay $0x1  }
0x4d6: {  	[sflag:s7] =	ssyncset.done $0x0  }
0x4d7: {  	[sflag:s7] =	ssyncadd.s32 $0xFFFFF000  }
0x4d8: {  	_ =	sfence.sel $0x180000  }
0x4d9: {  	[bflag:$0x0] =	sbarrier.arrive $0xFFFF  }
0x4da: {  	_ =	strace $0x90000047  }
0x4db: {  	s0 =	stileid.u32;
	[bflag:$0x2] =	sbarrier.arrive $0xFFFF  }
0x4dc: {  	p0 =	sne.s32 s0, $0x0;
	s0 =	rddreg [dreg:$0x3]  }
0x4dd: {  	s0 =	sadd.s32 @!p0 $0x100000, s0  }
0x4de: {  	[sflag:s0] =	ssyncadd.tile.s32 @!p0 $0x1;
	_ =	shalt  }
.Lfunc_end2:
_tile_overlayer_lowered:
.L_overlay_start_2:
0x4df: {  	(tag) =	ssettag $0x2  }
0x4e0: {  	s0 =	rddreg [dreg:$0x0];
	s2 =	stileid.u32  }
0x4e1: {  	s1 =	rddreg [dreg:$0x1];
	p0 =	sne.s32 s2, $0x0  }
0x4e2: {  	s3 =	rddreg [dreg:$0x2];
	[bflag:$0x3] =	sbarrier.arrive $0xFFFF;
	s2 =	simm.s32 @!p0 $0x1C05  }
0x4e3: {  	[timem:s3], [sflag:s2] =	dma.local @!p0 [hbm:s0], s1  }
0x4e4: {  	s0 =	simm.s32 @!p0 $0x5  }
0x4e5: {  	_ =	swait.ge @!p0 [sflag:s0], s1  }
0x4e6: {  	s1 =	ssub.s32 @!p0 $0x0, s1;
	[sflag:s0] =	ssyncset.done @!p0 $0x0  }
0x4e7: {  	[sflag:s0] =	ssyncadd.s32 @!p0 s1  }
0x4e8: {  	[bflag:$0x3] =	sbarrier.arrive $0xFFFF  }
0x4e9: {  	_ =	shalt  }

</sc_bundles>
